<compile_context>
chip_gen: v7x
topology: tpu7x:2x2x1
jax: 0.10.2.dev20260603
libtpu: 0.0.44.dev20260713+nightly
codegen_flags: <defaults>
</compile_context>

<pallas_src>
import functools

import jax
import jax.numpy as jnp
from jax import lax
from jax.experimental import pallas as pl
from jax.experimental.pallas import tpu as pltpu
from jax.experimental.pallas import tpu_sc as plsc

N = 100000
E = 1600000
FEATS = 4
HID = 32
HALF = 16

N_P = 100352
N_TRASH = 128
N_ACC = N_P + N_TRASH

CHUNK = 256
CHUNK_DEG = 128
NSC = 2
NTILE = 16
NBUF = 4
NBUF_DEG = 4
E_PAD = 1605632

EPT = E_PAD // NTILE
NCHUNK = EPT // CHUNK
EPT_DEG = E_PAD // (NSC * NTILE)
NCHUNK_DEG = EPT_DEG // CHUNK_DEG

RPT = N_P // NTILE

R = 1024
NB = N_P // R

_MESH = plsc.VectorSubcoreMesh(core_axis_name="c", subcore_axis_name="s")
_SC_PARAMS = pltpu.CompilerParams(use_tc_tiling_on_sc=False)



@functools.partial(
    pl.kernel,
    out_type=jax.ShapeDtypeStruct((NSC, N_P), jnp.float32),
    mesh=_MESH,
    scratch_types=(
        [pltpu.VMEM((CHUNK_DEG,), jnp.int32) for _ in range(NBUF_DEG)]
        + [pltpu.VMEM((CHUNK_DEG,), jnp.float32)]
        + [pltpu.VMEM_SHARED((N_ACC,), jnp.float32)]
        + [pltpu.SemaphoreType.DMA] * (2 * NBUF_DEG)
    ),
    compiler_params=_SC_PARAMS,
)
def _deg_kernel(dst_hbm, init_hbm, ones_hbm, out_hbm, *sc):
    idxb = sc[0:NBUF_DEG]
    onesbuf = sc[NBUF_DEG]
    acc = sc[NBUF_DEG + 1]
    sem_i = sc[NBUF_DEG + 2:2 * NBUF_DEG + 2]
    sem_s = sc[2 * NBUF_DEG + 2:3 * NBUF_DEG + 2]
    c = lax.axis_index("c")
    s = lax.axis_index("s")
    r0 = s * RPT
    pltpu.sync_copy(init_hbm.at[c, pl.ds(r0, RPT)], acc.at[pl.ds(r0, RPT)])
    pltpu.sync_copy(ones_hbm, onesbuf)
    plsc.subcore_barrier()
    base = c * (E_PAD // NSC) + s * EPT_DEG

    def _load(b, j):
        pltpu.async_copy(dst_hbm.at[pl.ds(base + j * CHUNK_DEG, CHUNK_DEG)], idxb[b], sem_i[b])

    def _scat(b):
        pltpu.make_async_copy(dst_hbm.at[pl.ds(base, CHUNK_DEG)], idxb[b], sem_i[b]).wait()
        pltpu.async_copy(onesbuf, acc.at[idxb[b]], sem_s[b], add=True)

    def _drain(b):
        pltpu.make_async_copy(onesbuf, acc.at[idxb[b]], sem_s[b]).wait()

    for b in range(NBUF_DEG):
        _load(b, b)

    @pl.loop(0, NCHUNK_DEG - NBUF_DEG, step=NBUF_DEG)
    def _round(j0):
        for b in range(NBUF_DEG):
            _scat(b)
        for b in range(NBUF_DEG):
            _drain(b)
            _load(b, j0 + NBUF_DEG + b)

    for b in range(NBUF_DEG):
        _scat(b)
    for b in range(NBUF_DEG):
        _drain(b)
    plsc.subcore_barrier()
    pltpu.sync_copy(acc.at[pl.ds(r0, RPT)], out_hbm.at[c, pl.ds(r0, RPT)])


@functools.partial(
    pl.kernel,
    out_type=jax.ShapeDtypeStruct((NSC, N_P, HALF), jnp.float32),
    mesh=_MESH,
    scratch_types=(
        [pltpu.VMEM((2, CHUNK), jnp.int32) for _ in range(NBUF)]
        + [pltpu.VMEM((CHUNK, HALF), jnp.float32) for _ in range(NBUF)]
        + [pltpu.VMEM_SHARED((N_ACC, HALF), jnp.float32)]
        + [pltpu.SemaphoreType.DMA] * (3 * NBUF)
    ),
    compiler_params=_SC_PARAMS,
)
def _agg_kernel(g_hbm, esd_hbm, out_hbm, *sc):
    idxb = sc[0:NBUF]
    rows = sc[NBUF:2 * NBUF]
    acc = sc[2 * NBUF]
    sem_i = sc[2 * NBUF + 1:3 * NBUF + 1]
    sem_g = sc[3 * NBUF + 1:4 * NBUF + 1]
    sem_s = sc[4 * NBUF + 1:5 * NBUF + 1]
    c = lax.axis_index("c")
    s = lax.axis_index("s")
    gc = g_hbm.at[c]
    r0 = s * RPT
    pltpu.sync_copy(gc.at[pl.ds(r0, RPT)], acc.at[pl.ds(r0, RPT)])
    plsc.subcore_barrier()
    base = s * EPT

    def _load(b, j):
        pltpu.async_copy(
            esd_hbm.at[:, pl.ds(base + j * CHUNK, CHUNK)], idxb[b], sem_i[b])

    def _gather(b):
        pltpu.make_async_copy(
            esd_hbm.at[:, pl.ds(base, CHUNK)], idxb[b], sem_i[b]).wait()
        pltpu.async_copy(gc.at[idxb[b].at[0]], rows[b], sem_g[b])

    def _scat(b):
        pltpu.make_async_copy(gc.at[idxb[b].at[0]], rows[b], sem_g[b]).wait()
        pltpu.async_copy(rows[b], acc.at[idxb[b].at[1]], sem_s[b], add=True)

    def _drain(b):
        pltpu.make_async_copy(rows[b], acc.at[idxb[b].at[1]], sem_s[b]).wait()

    for b in range(NBUF):
        _load(b, b)

    @pl.loop(0, NCHUNK - NBUF, step=NBUF)
    def _round(j0):
        for b in range(NBUF):
            _gather(b)
        for b in range(NBUF):
            _scat(b)
        for b in range(NBUF):
            _drain(b)
            _load(b, j0 + NBUF + b)

    for b in range(NBUF):
        _gather(b)
    for b in range(NBUF):
        _scat(b)
    for b in range(NBUF):
        _drain(b)
    plsc.subcore_barrier()
    pltpu.sync_copy(acc.at[pl.ds(r0, RPT)], out_hbm.at[c, pl.ds(r0, RPT)])



NROW = N_P * HALF // 128
NROW4 = N_P * FEATS // 128
NROWD = N_P // 128
BRM = 256
NBM = NROW // BRM
BR0 = 448
NB0 = NROW4 // BR0
BRD = 112
NBD = NROWD // BRD


def _tc_d_body(deg_ref, d_ref):
    d_ref[...] = lax.rsqrt(deg_ref[0] + deg_ref[1])


def _tc0_body(x_ref, w_ref, dp_ref, g_ref):
    h = jnp.dot(x_ref[...], w_ref[0], preferred_element_type=jnp.float32)
    g_ref[0] = dp_ref[...] * h


def _tc_mid_body(acc_ref, dp_ref, bp_ref, w_ref, g_ref):
    dp = dp_ref[...]
    x0 = jnp.maximum(dp * acc_ref[0] + bp_ref[0], 0.0)
    x1 = jnp.maximum(dp * acc_ref[1] + bp_ref[1], 0.0)
    h = (jnp.dot(x0, w_ref[0, 0], preferred_element_type=jnp.float32)
         + jnp.dot(x1, w_ref[1, 0], preferred_element_type=jnp.float32))
    g_ref[0] = dp * h


def _tc4_body(acc_ref, dp_ref, bp_ref, g_ref):
    dp = dp_ref[...]
    g_ref[0] = dp * jnp.maximum(dp * acc_ref[0] + bp_ref[0, 0], 0.0)


def _tc_fin_body(acc_ref, dp_ref, w3t_ref, sum_ref, b3_ref, o_ref):
    z = acc_ref[0] * w3t_ref[0] + acc_ref[1] * w3t_ref[1]
    y = jnp.dot(z, sum_ref[...], preferred_element_type=jnp.float32)
    o_ref[...] = dp_ref[...] * y + b3_ref[...]


_tc_d = pl.pallas_call(
    _tc_d_body,
    grid=(NBD,),
    in_specs=[pl.BlockSpec((NSC, BRD, 128), lambda i: (0, i, 0))],
    out_specs=pl.BlockSpec((BRD, 128), lambda i: (i, 0)),
    out_shape=jax.ShapeDtypeStruct((NROWD, 128), jnp.float32),
)

_tc0 = pl.pallas_call(
    _tc0_body,
    grid=(NSC, NB0),
    in_specs=[
        pl.BlockSpec((BR0, 128), lambda c, i: (i, 0)),
        pl.BlockSpec((1, 128, 512), lambda c, i: (c, 0, 0)),
        pl.BlockSpec((BR0, 512), lambda c, i: (i, 0)),
    ],
    out_specs=pl.BlockSpec((1, BR0, 512), lambda c, i: (c, i, 0)),
    out_shape=jax.ShapeDtypeStruct((NSC, NROW4, 512), jnp.float32),
)

_tc_mid = pl.pallas_call(
    _tc_mid_body,
    grid=(NSC, NBM),
    in_specs=[
        pl.BlockSpec((NSC, BRM, 128), lambda c, i: (0, i, 0)),
        pl.BlockSpec((BRM, 128), lambda c, i: (i, 0)),
        pl.BlockSpec((NSC, 128), lambda c, i: (0, 0)),
        pl.BlockSpec((NSC, 1, 128, 128), lambda c, i: (0, c, 0, 0)),
    ],
    out_specs=pl.BlockSpec((1, BRM, 128), lambda c, i: (c, i, 0)),
    out_shape=jax.ShapeDtypeStruct((NSC, NROW, 128), jnp.float32),
)

_tc4 = pl.pallas_call(
    _tc4_body,
    grid=(NSC, NBM),
    in_specs=[
        pl.BlockSpec((1, BRM, 128), lambda c, i: (c, i, 0)),
        pl.BlockSpec((BRM, 128), lambda c, i: (i, 0)),
        pl.BlockSpec((1, 1, 128), lambda c, i: (c, 0, 0)),
    ],
    out_specs=pl.BlockSpec((1, BRM, 128), lambda c, i: (c, i, 0)),
    out_shape=jax.ShapeDtypeStruct((NSC, NROW, 128), jnp.float32),
)

_tc_fin = pl.pallas_call(
    _tc_fin_body,
    grid=(NBM,),
    in_specs=[
        pl.BlockSpec((NSC, BRM, 128), lambda i: (0, i, 0)),
        pl.BlockSpec((BRM, 128), lambda i: (i, 0)),
        pl.BlockSpec((NSC, 128), lambda i: (0, 0)),
        pl.BlockSpec((128, 128), lambda i: (0, 0)),
        pl.BlockSpec((1, 1), lambda i: (0, 0)),
    ],
    out_specs=pl.BlockSpec((BRM, 128), lambda i: (i, 0)),
    out_shape=jax.ShapeDtypeStruct((NROW, 128), jnp.float32),
)



def _bd(w):
    e8 = jnp.eye(8, dtype=jnp.float32)
    return jnp.stack([
        jnp.stack([jnp.kron(e8, w[16 * kh:16 * kh + 16, 16 * c:16 * c + 16])
                   for c in range(NSC)])
        for kh in range(NSC)])


def kernel(x, edge_index, W1, b1, W2, b2, W21, b21, W3, b3):
    f32 = jnp.float32
    src = edge_index[0]
    dst = edge_index[1]
    pad = E_PAD - E
    src_p = jnp.concatenate([src, jnp.zeros((pad,), jnp.int32)])
    trash = N_P + (jnp.arange(pad, dtype=jnp.int32) % N_TRASH)
    dst_p = jnp.concatenate([dst, trash])
    esd = jnp.stack([src_p, dst_p])

    x_pk = jnp.zeros((N_P, FEATS), f32).at[:N].set(x).reshape(NROW4, 128)
    deg_init = jnp.stack([jnp.ones((N_P,), f32), jnp.zeros((N_P,), f32)])
    ones_c = jnp.ones((CHUNK_DEG,), f32)

    e32 = jnp.eye(32, dtype=f32)
    W1big = jnp.stack([jnp.kron(e32, W1[:, 16 * c:16 * c + 16])
                       for c in range(NSC)])
    W2bd = _bd(W2)
    W21bd = _bd(W21)
    b1p = jnp.tile(b1.reshape(2, 16), (1, 8))
    b2p = jnp.tile(b2.reshape(2, 16), (1, 8))
    b21p = jnp.tile(b21.reshape(2, 16), (1, 8))
    w3t = jnp.tile(W3.reshape(2, 16), (1, 8))
    sumbd = jnp.kron(jnp.eye(8, dtype=f32), jnp.ones((16, 16), f32))

    deg = _deg_kernel(dst_p, deg_init, ones_c)
    d_flat = _tc_d(deg.reshape(NSC, NROWD, 128)).reshape(N_P)
    dp16 = jnp.repeat(d_flat, HALF).reshape(NROW, 128)

    g1 = _tc0(x_pk, W1big, dp16.reshape(NROW4, 512))
    acc1 = _agg_kernel(g1.reshape(NSC, N_P, HALF), esd)
    g2 = _tc_mid(acc1.reshape(NSC, NROW, 128), dp16, b1p, W2bd)
    acc2 = _agg_kernel(g2.reshape(NSC, N_P, HALF), esd)
    g3 = _tc_mid(acc2.reshape(NSC, NROW, 128), dp16, b2p, W21bd)
    acc3 = _agg_kernel(g3.reshape(NSC, N_P, HALF), esd)
    g4 = _tc4(acc3.reshape(NSC, NROW, 128), dp16, b21p.reshape(NSC, 1, 128))
    acc4 = _agg_kernel(g4.reshape(NSC, N_P, HALF), esd)
    out = _tc_fin(acc4.reshape(NSC, NROW, 128), dp16, w3t, sumbd,
                  b3.reshape(1, 1))
    return out.reshape(N_P, HALF)[:N, 0:1]

# --- scband reference (transcript-rebuilt; emitter-appended) ---
"""Pipeline reference for scband-net-46849503265415 (READ-ONLY COPY).

The authoritative reference and input builder live on the scoring server;
editing this copy changes nothing except your own understanding.
"""

import jax, jax.numpy as jnp
import numpy as np

N = 100000
E = 1600000
FEATURES = 4


def _init_w(key, fan_in, fan_out):
    return jax.random.normal(key, (fan_in, fan_out), dtype=jnp.float32) * (1.0 / np.sqrt(fan_in))


def setup_inputs(seed: int = 0):
    key = jax.random.key(seed)
    ks = jax.random.split(key, 10)
    x = jax.random.normal(ks[0], (N, FEATURES), dtype=jnp.float32)
    edge_index = jax.random.randint(ks[1], (2, E), 0, N, dtype=jnp.int32)
    W1 = _init_w(ks[2], FEATURES, 32)
    b1 = jnp.zeros((32,), dtype=jnp.float32)
    W2 = _init_w(ks[3], 32, 32)
    b2 = jnp.zeros((32,), dtype=jnp.float32)
    W21 = _init_w(ks[4], 32, 32)
    b21 = jnp.zeros((32,), dtype=jnp.float32)
    W3 = _init_w(ks[5], 32, 1)
    b3 = jnp.zeros((1,), dtype=jnp.float32)
    return {"x": x, "edge_index": edge_index, "W1": W1, "b1": b1, "W2": W2, "b2": b2, "W21": W21, "b21": b21, "W3": W3, "b3": b3}


def gcn_conv(x, edge_index, W, b):
    n = x.shape[0]
    src = edge_index[0]
    dst = edge_index[1]
    loop = jnp.arange(n, dtype=src.dtype)
    src = jnp.concatenate([src, loop])
    dst = jnp.concatenate([dst, loop])
    deg = jnp.zeros((n,), dtype=x.dtype).at[dst].add(1.0)
    dinv = jnp.where(deg > 0, jax.lax.rsqrt(jnp.maximum(deg, 1e-12)), 0.0)
    norm = dinv[src] * dinv[dst]
    h = x @ W
    msg = h[src] * norm[:, None]
    out = jnp.zeros((n, h.shape[1]), dtype=x.dtype).at[dst].add(msg)
    return out + b


def reference(x, edge_index, W1, b1, W2, b2, W21, b21, W3, b3):
    h = jax.nn.relu(gcn_conv(x, edge_index, W1, b1))
    h = jax.nn.relu(gcn_conv(h, edge_index, W2, b2))
    h = jax.nn.relu(gcn_conv(h, edge_index, W21, b21))
    out = gcn_conv(h, edge_index, W3, b3)
    return out

if __name__ == "__main__":
    import jax
    _d = setup_inputs()
    print(jax.jit(kernel)(*tuple(_d.values())))

</pallas_src>

<mosaic_0001>
#map = affine_map<(d0, d1) -> (0, 0, 0)>
#map1 = affine_map<(d0, d1) -> (0, 0)>
module attributes {stable_mosaic.version = 14 : i64} {
  func.func @_agg_kernel(%arg0: i32, %arg1: i32, %arg2: memref<2x100352x16xf32, #tpu.memory_space<hbm>>, %arg3: memref<2x1605632xi32, #tpu.memory_space<hbm>>, %arg4: memref<2x100352x16xf32, #tpu.memory_space<hbm>>, %arg5: memref<2x256xi32, #tpu.memory_space<vmem>>, %arg6: memref<2x256xi32, #tpu.memory_space<vmem>>, %arg7: memref<2x256xi32, #tpu.memory_space<vmem>>, %arg8: memref<2x256xi32, #tpu.memory_space<vmem>>, %arg9: memref<256x16xf32, #tpu.memory_space<vmem>>, %arg10: memref<256x16xf32, #tpu.memory_space<vmem>>, %arg11: memref<256x16xf32, #tpu.memory_space<vmem>>, %arg12: memref<256x16xf32, #tpu.memory_space<vmem>>, %arg13: memref<100480x16xf32, #tpu.memory_space<vmem_shared>>, %arg14: memref<!tpu.dma_semaphore, #tpu.memory_space<semaphore_mem>>, %arg15: memref<!tpu.dma_semaphore, #tpu.memory_space<semaphore_mem>>, %arg16: memref<!tpu.dma_semaphore, #tpu.memory_space<semaphore_mem>>, %arg17: memref<!tpu.dma_semaphore, #tpu.memory_space<semaphore_mem>>, %arg18: memref<!tpu.dma_semaphore, #tpu.memory_space<semaphore_mem>>, %arg19: memref<!tpu.dma_semaphore, #tpu.memory_space<semaphore_mem>>, %arg20: memref<!tpu.dma_semaphore, #tpu.memory_space<semaphore_mem>>, %arg21: memref<!tpu.dma_semaphore, #tpu.memory_space<semaphore_mem>>, %arg22: memref<!tpu.dma_semaphore, #tpu.memory_space<semaphore_mem>>, %arg23: memref<!tpu.dma_semaphore, #tpu.memory_space<semaphore_mem>>, %arg24: memref<!tpu.dma_semaphore, #tpu.memory_space<semaphore_mem>>, %arg25: memref<!tpu.dma_semaphore, #tpu.memory_space<semaphore_mem>>) attributes {dimension_semantics = [#tpu.dimension_semantics<core_parallel>, #tpu.dimension_semantics<subcore_parallel>], iteration_bounds = array<i64: 2, 16>, scalar_prefetch = 0 : i64, scratch_operands = 21 : i64, tpu.core_type = #tpu.core_type<sc_vector_subcore>, window_params = [{transform_indices = #map}, {transform_indices = #map1}, {transform_indices = #map}]} {
    %mul3A = arith.constant 6272 : i32
    %mul3A_0 = arith.muli %arg1, %mul3A : i32
    "tpu.region"() ({
      %run_scoped3A = tpu.sem_alloc : memref<!tpu.dma_semaphore, #tpu.memory_space<semaphore_mem>>
      %dma_start3A_189 = arith.constant 0 : i32
      %dma_start3A_190 = tpu.memref_slice %arg13[%mul3A_0, %dma_start3A_189] : memref<100480x16xf32, #tpu.memory_space<vmem_shared>> -> memref<6272x16xf32, #tpu.memory_space<vmem_shared>>
      %dma_start3A_191 = arith.constant 0 : i32
      %dma_start3A_192 = arith.constant 0 : i32
      %dma_start3A_193 = tpu.memref_slice %arg2[%arg0, %dma_start3A_191, %dma_start3A_192] : memref<2x100352x16xf32, #tpu.memory_space<hbm>> -> memref<1x100352x16xf32, #tpu.memory_space<hbm>>
      %dma_start3A_194 = tpu.memref_squeeze %dma_start3A_193 : memref<1x100352x16xf32, #tpu.memory_space<hbm>> -> memref<100352x16xf32, #tpu.memory_space<hbm>>
      %dma_start3A_195 = arith.constant 0 : i32
      %dma_start3A_196 = tpu.memref_slice %dma_start3A_194[%mul3A_0, %dma_start3A_195] : memref<100352x16xf32, #tpu.memory_space<hbm>> -> memref<6272x16xf32, #tpu.memory_space<hbm>>
      tpu.enqueue_dma source(%dma_start3A_196 : memref<6272x16xf32, #tpu.memory_space<hbm>>) target(%dma_start3A_190 : memref<6272x16xf32, #tpu.memory_space<vmem_shared>>) target_semaphore(%run_scoped3A : memref<!tpu.dma_semaphore, #tpu.memory_space<semaphore_mem>>)
      %dma_wait3A_197 = arith.constant 0 : i32
      %dma_wait3A_198 = tpu.memref_slice %arg13[%mul3A_0, %dma_wait3A_197] : memref<100480x16xf32, #tpu.memory_space<vmem_shared>> -> memref<6272x16xf32, #tpu.memory_space<vmem_shared>>
      %dma_wait3A_199 = arith.constant 0 : i32
      %dma_wait3A_200 = arith.constant 0 : i32
      %dma_wait3A_201 = tpu.memref_slice %arg2[%arg0, %dma_wait3A_199, %dma_wait3A_200] : memref<2x100352x16xf32, #tpu.memory_space<hbm>> -> memref<1x100352x16xf32, #tpu.memory_space<hbm>>
      %dma_wait3A_202 = tpu.memref_squeeze %dma_wait3A_201 : memref<1x100352x16xf32, #tpu.memory_space<hbm>> -> memref<100352x16xf32, #tpu.memory_space<hbm>>
      %dma_wait3A_203 = arith.constant 0 : i32
      %dma_wait3A_204 = tpu.memref_slice %dma_wait3A_202[%mul3A_0, %dma_wait3A_203] : memref<100352x16xf32, #tpu.memory_space<hbm>> -> memref<6272x16xf32, #tpu.memory_space<hbm>>
      tpu.wait_dma2 semaphore(%run_scoped3A : memref<!tpu.dma_semaphore, #tpu.memory_space<semaphore_mem>>) src(%dma_wait3A_204 : memref<6272x16xf32, #tpu.memory_space<hbm>>) dst(%dma_wait3A_198 : memref<6272x16xf32, #tpu.memory_space<vmem_shared>>)
      tpu.yield
    }) : () -> ()
    %barrier3A = arith.constant 0 : index
    tpu.barrier barrier_id(%barrier3A)
    %mul3A_1 = arith.constant 100352 : i32
    %mul3A_2 = arith.muli %arg1, %mul3A_1 : i32
    %add3A = arith.constant 0 : i32
    %add3A_3 = arith.addi %mul3A_2, %add3A : i32
    %dma_start3A = arith.constant 0 : i32
    %dma_start3A_4 = tpu.memref_slice %arg3[%dma_start3A, %add3A_3] : memref<2x1605632xi32, #tpu.memory_space<hbm>> -> memref<2x256xi32, #tpu.memory_space<hbm>>
    %dma_start3A_5 = arith.constant 0 : i32
    %dma_start3A_6 = tpu.memref_slice %arg3[%dma_start3A_5, %add3A_3] : memref<2x1605632xi32, #tpu.memory_space<hbm>> -> memref<2x256xi32, #tpu.memory_space<hbm>>
    tpu.enqueue_dma source(%dma_start3A_6 : memref<2x256xi32, #tpu.memory_space<hbm>>) target(%arg5 : memref<2x256xi32, #tpu.memory_space<vmem>>) target_semaphore(%arg14 : memref<!tpu.dma_semaphore, #tpu.memory_space<semaphore_mem>>)
    %add3A_7 = arith.constant 256 : i32
    %add3A_8 = arith.addi %mul3A_2, %add3A_7 : i32
    %dma_start3A_9 = arith.constant 0 : i32
    %dma_start3A_10 = tpu.memref_slice %arg3[%dma_start3A_9, %add3A_8] : memref<2x1605632xi32, #tpu.memory_space<hbm>> -> memref<2x256xi32, #tpu.memory_space<hbm>>
    %dma_start3A_11 = arith.constant 0 : i32
    %dma_start3A_12 = tpu.memref_slice %arg3[%dma_start3A_11, %add3A_8] : memref<2x1605632xi32, #tpu.memory_space<hbm>> -> memref<2x256xi32, #tpu.memory_space<hbm>>
    tpu.enqueue_dma source(%dma_start3A_12 : memref<2x256xi32, #tpu.memory_space<hbm>>) target(%arg6 : memref<2x256xi32, #tpu.memory_space<vmem>>) target_semaphore(%arg15 : memref<!tpu.dma_semaphore, #tpu.memory_space<semaphore_mem>>)
    %add3A_13 = arith.constant 512 : i32
    %add3A_14 = arith.addi %mul3A_2, %add3A_13 : i32
    %dma_start3A_15 = arith.constant 0 : i32
    %dma_start3A_16 = tpu.memref_slice %arg3[%dma_start3A_15, %add3A_14] : memref<2x1605632xi32, #tpu.memory_space<hbm>> -> memref<2x256xi32, #tpu.memory_space<hbm>>
    %dma_start3A_17 = arith.constant 0 : i32
    %dma_start3A_18 = tpu.memref_slice %arg3[%dma_start3A_17, %add3A_14] : memref<2x1605632xi32, #tpu.memory_space<hbm>> -> memref<2x256xi32, #tpu.memory_space<hbm>>
    tpu.enqueue_dma source(%dma_start3A_18 : memref<2x256xi32, #tpu.memory_space<hbm>>) target(%arg7 : memref<2x256xi32, #tpu.memory_space<vmem>>) target_semaphore(%arg16 : memref<!tpu.dma_semaphore, #tpu.memory_space<semaphore_mem>>)
    %add3A_19 = arith.constant 768 : i32
    %add3A_20 = arith.addi %mul3A_2, %add3A_19 : i32
    %dma_start3A_21 = arith.constant 0 : i32
    %dma_start3A_22 = tpu.memref_slice %arg3[%dma_start3A_21, %add3A_20] : memref<2x1605632xi32, #tpu.memory_space<hbm>> -> memref<2x256xi32, #tpu.memory_space<hbm>>
    %dma_start3A_23 = arith.constant 0 : i32
    %dma_start3A_24 = tpu.memref_slice %arg3[%dma_start3A_23, %add3A_20] : memref<2x1605632xi32, #tpu.memory_space<hbm>> -> memref<2x256xi32, #tpu.memory_space<hbm>>
    tpu.enqueue_dma source(%dma_start3A_24 : memref<2x256xi32, #tpu.memory_space<hbm>>) target(%arg8 : memref<2x256xi32, #tpu.memory_space<vmem>>) target_semaphore(%arg17 : memref<!tpu.dma_semaphore, #tpu.memory_space<semaphore_mem>>)
    %scan3A = arith.constant 0 : i32
    %scan3A_25 = arith.constant 97 : i32
    %scan3A_26 = arith.addi %scan3A, %scan3A_25 : i32
    %scan3A_27 = arith.constant 1 : i32
    scf.for %scan3A_189 = %scan3A to %scan3A_26 step %scan3A_27  : i32 {
      %mul3A_190 = arith.constant 4 : i32
      %mul3A_191 = arith.muli %scan3A_189, %mul3A_190 : i32
      %add3A_192 = arith.constant 0 : i32
      %add3A_193 = arith.addi %add3A_192, %mul3A_191 : i32
      %dma_wait3A_194 = arith.constant 0 : i32
      %dma_wait3A_195 = tpu.memref_slice %arg3[%dma_wait3A_194, %mul3A_2] : memref<2x1605632xi32, #tpu.memory_space<hbm>> -> memref<2x256xi32, #tpu.memory_space<hbm>>
      %dma_wait3A_196 = arith.constant 0 : i32
      %dma_wait3A_197 = tpu.memref_slice %arg3[%dma_wait3A_196, %mul3A_2] : memref<2x1605632xi32, #tpu.memory_space<hbm>> -> memref<2x256xi32, #tpu.memory_space<hbm>>
      tpu.wait_dma2 semaphore(%arg14 : memref<!tpu.dma_semaphore, #tpu.memory_space<semaphore_mem>>) src(%dma_wait3A_197 : memref<2x256xi32, #tpu.memory_space<hbm>>) dst(%arg5 : memref<2x256xi32, #tpu.memory_space<vmem>>)
      %dma_start3A_198 = arith.constant 0 : i32
      %dma_start3A_199 = arith.constant 0 : i32
      %dma_start3A_200 = tpu.memref_slice %arg5[%dma_start3A_198, %dma_start3A_199] : memref<2x256xi32, #tpu.memory_space<vmem>> -> memref<1x256xi32, #tpu.memory_space<vmem>>
      %dma_start3A_201 = tpu.memref_squeeze %dma_start3A_200 : memref<1x256xi32, #tpu.memory_space<vmem>> -> memref<256xi32, #tpu.memory_space<vmem>>
      %dma_start3A_202 = arith.constant 0 : i32
      %dma_start3A_203 = arith.constant 0 : i32
      %dma_start3A_204 = tpu.memref_slice %arg2[%arg0, %dma_start3A_202, %dma_start3A_203] : memref<2x100352x16xf32, #tpu.memory_space<hbm>> -> memref<1x100352x16xf32, #tpu.memory_space<hbm>>
      %dma_start3A_205 = tpu.memref_squeeze %dma_start3A_204 : memref<1x100352x16xf32, #tpu.memory_space<hbm>> -> memref<100352x16xf32, #tpu.memory_space<hbm>>
      %dma_start3A_206 = arith.constant 0 : i32
      %dma_start3A_207 = arith.constant 0 : i32
      %dma_start3A_208 = tpu.memref_slice %dma_start3A_205[%dma_start3A_206, %dma_start3A_207] : memref<100352x16xf32, #tpu.memory_space<hbm>> -> memref<100352x16xf32, #tpu.memory_space<hbm>>
      tpu.enqueue_indirect_dma source(%dma_start3A_208 : memref<100352x16xf32, #tpu.memory_space<hbm>>) target(%arg9 : memref<256x16xf32, #tpu.memory_space<vmem>>) offsets(%dma_start3A_201 : memref<256xi32, #tpu.memory_space<vmem>>) semaphore(%arg18 : memref<!tpu.dma_semaphore, #tpu.memory_space<semaphore_mem>>)
      %dma_wait3A_209 = arith.constant 0 : i32
      %dma_wait3A_210 = tpu.memref_slice %arg3[%dma_wait3A_209, %mul3A_2] : memref<2x1605632xi32, #tpu.memory_space<hbm>> -> memref<2x256xi32, #tpu.memory_space<hbm>>
      %dma_wait3A_211 = arith.constant 0 : i32
      %dma_wait3A_212 = tpu.memref_slice %arg3[%dma_wait3A_211, %mul3A_2] : memref<2x1605632xi32, #tpu.memory_space<hbm>> -> memref<2x256xi32, #tpu.memory_space<hbm>>
      tpu.wait_dma2 semaphore(%arg15 : memref<!tpu.dma_semaphore, #tpu.memory_space<semaphore_mem>>) src(%dma_wait3A_212 : memref<2x256xi32, #tpu.memory_space<hbm>>) dst(%arg6 : memref<2x256xi32, #tpu.memory_space<vmem>>)
      %dma_start3A_213 = arith.constant 0 : i32
      %dma_start3A_214 = arith.constant 0 : i32
      %dma_start3A_215 = tpu.memref_slice %arg6[%dma_start3A_213, %dma_start3A_214] : memref<2x256xi32, #tpu.memory_space<vmem>> -> memref<1x256xi32, #tpu.memory_space<vmem>>
      %dma_start3A_216 = tpu.memref_squeeze %dma_start3A_215 : memref<1x256xi32, #tpu.memory_space<vmem>> -> memref<256xi32, #tpu.memory_space<vmem>>
      %dma_start3A_217 = arith.constant 0 : i32
      %dma_start3A_218 = arith.constant 0 : i32
      %dma_start3A_219 = tpu.memref_slice %arg2[%arg0, %dma_start3A_217, %dma_start3A_218] : memref<2x100352x16xf32, #tpu.memory_space<hbm>> -> memref<1x100352x16xf32, #tpu.memory_space<hbm>>
      %dma_start3A_220 = tpu.memref_squeeze %dma_start3A_219 : memref<1x100352x16xf32, #tpu.memory_space<hbm>> -> memref<100352x16xf32, #tpu.memory_space<hbm>>
      %dma_start3A_221 = arith.constant 0 : i32
      %dma_start3A_222 = arith.constant 0 : i32
      %dma_start3A_223 = tpu.memref_slice %dma_start3A_220[%dma_start3A_221, %dma_start3A_222] : memref<100352x16xf32, #tpu.memory_space<hbm>> -> memref<100352x16xf32, #tpu.memory_space<hbm>>
      tpu.enqueue_indirect_dma source(%dma_start3A_223 : memref<100352x16xf32, #tpu.memory_space<hbm>>) target(%arg10 : memref<256x16xf32, #tpu.memory_space<vmem>>) offsets(%dma_start3A_216 : memref<256xi32, #tpu.memory_space<vmem>>) semaphore(%arg19 : memref<!tpu.dma_semaphore, #tpu.memory_space<semaphore_mem>>)
      %dma_wait3A_224 = arith.constant 0 : i32
      %dma_wait3A_225 = tpu.memref_slice %arg3[%dma_wait3A_224, %mul3A_2] : memref<2x1605632xi32, #tpu.memory_space<hbm>> -> memref<2x256xi32, #tpu.memory_space<hbm>>
      %dma_wait3A_226 = arith.constant 0 : i32
      %dma_wait3A_227 = tpu.memref_slice %arg3[%dma_wait3A_226, %mul3A_2] : memref<2x1605632xi32, #tpu.memory_space<hbm>> -> memref<2x256xi32, #tpu.memory_space<hbm>>
      tpu.wait_dma2 semaphore(%arg16 : memref<!tpu.dma_semaphore, #tpu.memory_space<semaphore_mem>>) src(%dma_wait3A_227 : memref<2x256xi32, #tpu.memory_space<hbm>>) dst(%arg7 : memref<2x256xi32, #tpu.memory_space<vmem>>)
      %dma_start3A_228 = arith.constant 0 : i32
      %dma_start3A_229 = arith.constant 0 : i32
      %dma_start3A_230 = tpu.memref_slice %arg7[%dma_start3A_228, %dma_start3A_229] : memref<2x256xi32, #tpu.memory_space<vmem>> -> memref<1x256xi32, #tpu.memory_space<vmem>>
      %dma_start3A_231 = tpu.memref_squeeze %dma_start3A_230 : memref<1x256xi32, #tpu.memory_space<vmem>> -> memref<256xi32, #tpu.memory_space<vmem>>
      %dma_start3A_232 = arith.constant 0 : i32
      %dma_start3A_233 = arith.constant 0 : i32
      %dma_start3A_234 = tpu.memref_slice %arg2[%arg0, %dma_start3A_232, %dma_start3A_233] : memref<2x100352x16xf32, #tpu.memory_space<hbm>> -> memref<1x100352x16xf32, #tpu.memory_space<hbm>>
      %dma_start3A_235 = tpu.memref_squeeze %dma_start3A_234 : memref<1x100352x16xf32, #tpu.memory_space<hbm>> -> memref<100352x16xf32, #tpu.memory_space<hbm>>
      %dma_start3A_236 = arith.constant 0 : i32
      %dma_start3A_237 = arith.constant 0 : i32
      %dma_start3A_238 = tpu.memref_slice %dma_start3A_235[%dma_start3A_236, %dma_start3A_237] : memref<100352x16xf32, #tpu.memory_space<hbm>> -> memref<100352x16xf32, #tpu.memory_space<hbm>>
      tpu.enqueue_indirect_dma source(%dma_start3A_238 : memref<100352x16xf32, #tpu.memory_space<hbm>>) target(%arg11 : memref<256x16xf32, #tpu.memory_space<vmem>>) offsets(%dma_start3A_231 : memref<256xi32, #tpu.memory_space<vmem>>) semaphore(%arg20 : memref<!tpu.dma_semaphore, #tpu.memory_space<semaphore_mem>>)
      %dma_wait3A_239 = arith.constant 0 : i32
      %dma_wait3A_240 = tpu.memref_slice %arg3[%dma_wait3A_239, %mul3A_2] : memref<2x1605632xi32, #tpu.memory_space<hbm>> -> memref<2x256xi32, #tpu.memory_space<hbm>>
      %dma_wait3A_241 = arith.constant 0 : i32
      %dma_wait3A_242 = tpu.memref_slice %arg3[%dma_wait3A_241, %mul3A_2] : memref<2x1605632xi32, #tpu.memory_space<hbm>> -> memref<2x256xi32, #tpu.memory_space<hbm>>
      tpu.wait_dma2 semaphore(%arg17 : memref<!tpu.dma_semaphore, #tpu.memory_space<semaphore_mem>>) src(%dma_wait3A_242 : memref<2x256xi32, #tpu.memory_space<hbm>>) dst(%arg8 : memref<2x256xi32, #tpu.memory_space<vmem>>)
      %dma_start3A_243 = arith.constant 0 : i32
      %dma_start3A_244 = arith.constant 0 : i32
      %dma_start3A_245 = tpu.memref_slice %arg8[%dma_start3A_243, %dma_start3A_244] : memref<2x256xi32, #tpu.memory_space<vmem>> -> memref<1x256xi32, #tpu.memory_space<vmem>>
      %dma_start3A_246 = tpu.memref_squeeze %dma_start3A_245 : memref<1x256xi32, #tpu.memory_space<vmem>> -> memref<256xi32, #tpu.memory_space<vmem>>
      %dma_start3A_247 = arith.constant 0 : i32
      %dma_start3A_248 = arith.constant 0 : i32
      %dma_start3A_249 = tpu.memref_slice %arg2[%arg0, %dma_start3A_247, %dma_start3A_248] : memref<2x100352x16xf32, #tpu.memory_space<hbm>> -> memref<1x100352x16xf32, #tpu.memory_space<hbm>>
      %dma_start3A_250 = tpu.memref_squeeze %dma_start3A_249 : memref<1x100352x16xf32, #tpu.memory_space<hbm>> -> memref<100352x16xf32, #tpu.memory_space<hbm>>
      %dma_start3A_251 = arith.constant 0 : i32
      %dma_start3A_252 = arith.constant 0 : i32
      %dma_start3A_253 = tpu.memref_slice %dma_start3A_250[%dma_start3A_251, %dma_start3A_252] : memref<100352x16xf32, #tpu.memory_space<hbm>> -> memref<100352x16xf32, #tpu.memory_space<hbm>>
      tpu.enqueue_indirect_dma source(%dma_start3A_253 : memref<100352x16xf32, #tpu.memory_space<hbm>>) target(%arg12 : memref<256x16xf32, #tpu.memory_space<vmem>>) offsets(%dma_start3A_246 : memref<256xi32, #tpu.memory_space<vmem>>) semaphore(%arg21 : memref<!tpu.dma_semaphore, #tpu.memory_space<semaphore_mem>>)
      %dma_wait3A_254 = arith.constant 0 : i32
      %dma_wait3A_255 = arith.constant 0 : i32
      %dma_wait3A_256 = tpu.memref_slice %arg5[%dma_wait3A_254, %dma_wait3A_255] : memref<2x256xi32, #tpu.memory_space<vmem>> -> memref<1x256xi32, #tpu.memory_space<vmem>>
      %dma_wait3A_257 = tpu.memref_squeeze %dma_wait3A_256 : memref<1x256xi32, #tpu.memory_space<vmem>> -> memref<256xi32, #tpu.memory_space<vmem>>
      %dma_wait3A_258 = arith.constant 0 : i32
      %dma_wait3A_259 = arith.constant 0 : i32
      %dma_wait3A_260 = tpu.memref_slice %arg2[%arg0, %dma_wait3A_258, %dma_wait3A_259] : memref<2x100352x16xf32, #tpu.memory_space<hbm>> -> memref<1x100352x16xf32, #tpu.memory_space<hbm>>
      %dma_wait3A_261 = tpu.memref_squeeze %dma_wait3A_260 : memref<1x100352x16xf32, #tpu.memory_space<hbm>> -> memref<100352x16xf32, #tpu.memory_space<hbm>>
      %dma_wait3A_262 = arith.constant 0 : i32
      %dma_wait3A_263 = arith.constant 0 : i32
      %dma_wait3A_264 = tpu.memref_slice %dma_wait3A_261[%dma_wait3A_262, %dma_wait3A_263] : memref<100352x16xf32, #tpu.memory_space<hbm>> -> memref<100352x16xf32, #tpu.memory_space<hbm>>
      tpu.wait_indirect_dma semaphore(%arg18 : memref<!tpu.dma_semaphore, #tpu.memory_space<semaphore_mem>>) src(%dma_wait3A_264 : memref<100352x16xf32, #tpu.memory_space<hbm>>) dst(%arg9 : memref<256x16xf32, #tpu.memory_space<vmem>>)
      %dma_start3A_265 = arith.constant 1 : i32
      %dma_start3A_266 = arith.constant 0 : i32
      %dma_start3A_267 = tpu.memref_slice %arg5[%dma_start3A_265, %dma_start3A_266] : memref<2x256xi32, #tpu.memory_space<vmem>> -> memref<1x256xi32, #tpu.memory_space<vmem>>
      %dma_start3A_268 = tpu.memref_squeeze %dma_start3A_267 : memref<1x256xi32, #tpu.memory_space<vmem>> -> memref<256xi32, #tpu.memory_space<vmem>>
      %dma_start3A_269 = arith.constant 0 : i32
      %dma_start3A_270 = arith.constant 0 : i32
      %dma_start3A_271 = tpu.memref_slice %arg13[%dma_start3A_269, %dma_start3A_270] : memref<100480x16xf32, #tpu.memory_space<vmem_shared>> -> memref<100480x16xf32, #tpu.memory_space<vmem_shared>>
      tpu.enqueue_indirect_dma source(%arg9 : memref<256x16xf32, #tpu.memory_space<vmem>>) target(%dma_start3A_271 : memref<100480x16xf32, #tpu.memory_space<vmem_shared>>) offsets(%dma_start3A_268 : memref<256xi32, #tpu.memory_space<vmem>>) semaphore(%arg22 : memref<!tpu.dma_semaphore, #tpu.memory_space<semaphore_mem>>) {add = true}
      %dma_wait3A_272 = arith.constant 0 : i32
      %dma_wait3A_273 = arith.constant 0 : i32
      %dma_wait3A_274 = tpu.memref_slice %arg6[%dma_wait3A_272, %dma_wait3A_273] : memref<2x256xi32, #tpu.memory_space<vmem>> -> memref<1x256xi32, #tpu.memory_space<vmem>>
      %dma_wait3A_275 = tpu.memref_squeeze %dma_wait3A_274 : memref<1x256xi32, #tpu.memory_space<vmem>> -> memref<256xi32, #tpu.memory_space<vmem>>
      %dma_wait3A_276 = arith.constant 0 : i32
      %dma_wait3A_277 = arith.constant 0 : i32
      %dma_wait3A_278 = tpu.memref_slice %arg2[%arg0, %dma_wait3A_276, %dma_wait3A_277] : memref<2x100352x16xf32, #tpu.memory_space<hbm>> -> memref<1x100352x16xf32, #tpu.memory_space<hbm>>
      %dma_wait3A_279 = tpu.memref_squeeze %dma_wait3A_278 : memref<1x100352x16xf32, #tpu.memory_space<hbm>> -> memref<100352x16xf32, #tpu.memory_space<hbm>>
      %dma_wait3A_280 = arith.constant 0 : i32
      %dma_wait3A_281 = arith.constant 0 : i32
      %dma_wait3A_282 = tpu.memref_slice %dma_wait3A_279[%dma_wait3A_280, %dma_wait3A_281] : memref<100352x16xf32, #tpu.memory_space<hbm>> -> memref<100352x16xf32, #tpu.memory_space<hbm>>
      tpu.wait_indirect_dma semaphore(%arg19 : memref<!tpu.dma_semaphore, #tpu.memory_space<semaphore_mem>>) src(%dma_wait3A_282 : memref<100352x16xf32, #tpu.memory_space<hbm>>) dst(%arg10 : memref<256x16xf32, #tpu.memory_space<vmem>>)
      %dma_start3A_283 = arith.constant 1 : i32
      %dma_start3A_284 = arith.constant 0 : i32
      %dma_start3A_285 = tpu.memref_slice %arg6[%dma_start3A_283, %dma_start3A_284] : memref<2x256xi32, #tpu.memory_space<vmem>> -> memref<1x256xi32, #tpu.memory_space<vmem>>
      %dma_start3A_286 = tpu.memref_squeeze %dma_start3A_285 : memref<1x256xi32, #tpu.memory_space<vmem>> -> memref<256xi32, #tpu.memory_space<vmem>>
      %dma_start3A_287 = arith.constant 0 : i32
      %dma_start3A_288 = arith.constant 0 : i32
      %dma_start3A_289 = tpu.memref_slice %arg13[%dma_start3A_287, %dma_start3A_288] : memref<100480x16xf32, #tpu.memory_space<vmem_shared>> -> memref<100480x16xf32, #tpu.memory_space<vmem_shared>>
      tpu.enqueue_indirect_dma source(%arg10 : memref<256x16xf32, #tpu.memory_space<vmem>>) target(%dma_start3A_289 : memref<100480x16xf32, #tpu.memory_space<vmem_shared>>) offsets(%dma_start3A_286 : memref<256xi32, #tpu.memory_space<vmem>>) semaphore(%arg23 : memref<!tpu.dma_semaphore, #tpu.memory_space<semaphore_mem>>) {add = true}
      %dma_wait3A_290 = arith.constant 0 : i32
      %dma_wait3A_291 = arith.constant 0 : i32
      %dma_wait3A_292 = tpu.memref_slice %arg7[%dma_wait3A_290, %dma_wait3A_291] : memref<2x256xi32, #tpu.memory_space<vmem>> -> memref<1x256xi32, #tpu.memory_space<vmem>>
      %dma_wait3A_293 = tpu.memref_squeeze %dma_wait3A_292 : memref<1x256xi32, #tpu.memory_space<vmem>> -> memref<256xi32, #tpu.memory_space<vmem>>
      %dma_wait3A_294 = arith.constant 0 : i32
      %dma_wait3A_295 = arith.constant 0 : i32
      %dma_wait3A_296 = tpu.memref_slice %arg2[%arg0, %dma_wait3A_294, %dma_wait3A_295] : memref<2x100352x16xf32, #tpu.memory_space<hbm>> -> memref<1x100352x16xf32, #tpu.memory_space<hbm>>
      %dma_wait3A_297 = tpu.memref_squeeze %dma_wait3A_296 : memref<1x100352x16xf32, #tpu.memory_space<hbm>> -> memref<100352x16xf32, #tpu.memory_space<hbm>>
      %dma_wait3A_298 = arith.constant 0 : i32
      %dma_wait3A_299 = arith.constant 0 : i32
      %dma_wait3A_300 = tpu.memref_slice %dma_wait3A_297[%dma_wait3A_298, %dma_wait3A_299] : memref<100352x16xf32, #tpu.memory_space<hbm>> -> memref<100352x16xf32, #tpu.memory_space<hbm>>
      tpu.wait_indirect_dma semaphore(%arg20 : memref<!tpu.dma_semaphore, #tpu.memory_space<semaphore_mem>>) src(%dma_wait3A_300 : memref<100352x16xf32, #tpu.memory_space<hbm>>) dst(%arg11 : memref<256x16xf32, #tpu.memory_space<vmem>>)
      %dma_start3A_301 = arith.constant 1 : i32
      %dma_start3A_302 = arith.constant 0 : i32
      %dma_start3A_303 = tpu.memref_slice %arg7[%dma_start3A_301, %dma_start3A_302] : memref<2x256xi32, #tpu.memory_space<vmem>> -> memref<1x256xi32, #tpu.memory_space<vmem>>
      %dma_start3A_304 = tpu.memref_squeeze %dma_start3A_303 : memref<1x256xi32, #tpu.memory_space<vmem>> -> memref<256xi32, #tpu.memory_space<vmem>>
      %dma_start3A_305 = arith.constant 0 : i32
      %dma_start3A_306 = arith.constant 0 : i32
      %dma_start3A_307 = tpu.memref_slice %arg13[%dma_start3A_305, %dma_start3A_306] : memref<100480x16xf32, #tpu.memory_space<vmem_shared>> -> memref<100480x16xf32, #tpu.memory_space<vmem_shared>>
      tpu.enqueue_indirect_dma source(%arg11 : memref<256x16xf32, #tpu.memory_space<vmem>>) target(%dma_start3A_307 : memref<100480x16xf32, #tpu.memory_space<vmem_shared>>) offsets(%dma_start3A_304 : memref<256xi32, #tpu.memory_space<vmem>>) semaphore(%arg24 : memref<!tpu.dma_semaphore, #tpu.memory_space<semaphore_mem>>) {add = true}
      %dma_wait3A_308 = arith.constant 0 : i32
      %dma_wait3A_309 = arith.constant 0 : i32
      %dma_wait3A_310 = tpu.memref_slice %arg8[%dma_wait3A_308, %dma_wait3A_309] : memref<2x256xi32, #tpu.memory_space<vmem>> -> memref<1x256xi32, #tpu.memory_space<vmem>>
      %dma_wait3A_311 = tpu.memref_squeeze %dma_wait3A_310 : memref<1x256xi32, #tpu.memory_space<vmem>> -> memref<256xi32, #tpu.memory_space<vmem>>
      %dma_wait3A_312 = arith.constant 0 : i32
      %dma_wait3A_313 = arith.constant 0 : i32
      %dma_wait3A_314 = tpu.memref_slice %arg2[%arg0, %dma_wait3A_312, %dma_wait3A_313] : memref<2x100352x16xf32, #tpu.memory_space<hbm>> -> memref<1x100352x16xf32, #tpu.memory_space<hbm>>
      %dma_wait3A_315 = tpu.memref_squeeze %dma_wait3A_314 : memref<1x100352x16xf32, #tpu.memory_space<hbm>> -> memref<100352x16xf32, #tpu.memory_space<hbm>>
      %dma_wait3A_316 = arith.constant 0 : i32
      %dma_wait3A_317 = arith.constant 0 : i32
      %dma_wait3A_318 = tpu.memref_slice %dma_wait3A_315[%dma_wait3A_316, %dma_wait3A_317] : memref<100352x16xf32, #tpu.memory_space<hbm>> -> memref<100352x16xf32, #tpu.memory_space<hbm>>
      tpu.wait_indirect_dma semaphore(%arg21 : memref<!tpu.dma_semaphore, #tpu.memory_space<semaphore_mem>>) src(%dma_wait3A_318 : memref<100352x16xf32, #tpu.memory_space<hbm>>) dst(%arg12 : memref<256x16xf32, #tpu.memory_space<vmem>>)
      %dma_start3A_319 = arith.constant 1 : i32
      %dma_start3A_320 = arith.constant 0 : i32
      %dma_start3A_321 = tpu.memref_slice %arg8[%dma_start3A_319, %dma_start3A_320] : memref<2x256xi32, #tpu.memory_space<vmem>> -> memref<1x256xi32, #tpu.memory_space<vmem>>
      %dma_start3A_322 = tpu.memref_squeeze %dma_start3A_321 : memref<1x256xi32, #tpu.memory_space<vmem>> -> memref<256xi32, #tpu.memory_space<vmem>>
      %dma_start3A_323 = arith.constant 0 : i32
      %dma_start3A_324 = arith.constant 0 : i32
      %dma_start3A_325 = tpu.memref_slice %arg13[%dma_start3A_323, %dma_start3A_324] : memref<100480x16xf32, #tpu.memory_space<vmem_shared>> -> memref<100480x16xf32, #tpu.memory_space<vmem_shared>>
      tpu.enqueue_indirect_dma source(%arg12 : memref<256x16xf32, #tpu.memory_space<vmem>>) target(%dma_start3A_325 : memref<100480x16xf32, #tpu.memory_space<vmem_shared>>) offsets(%dma_start3A_322 : memref<256xi32, #tpu.memory_space<vmem>>) semaphore(%arg25 : memref<!tpu.dma_semaphore, #tpu.memory_space<semaphore_mem>>) {add = true}
      %dma_wait3A_326 = arith.constant 1 : i32
      %dma_wait3A_327 = arith.constant 0 : i32
      %dma_wait3A_328 = tpu.memref_slice %arg5[%dma_wait3A_326, %dma_wait3A_327] : memref<2x256xi32, #tpu.memory_space<vmem>> -> memref<1x256xi32, #tpu.memory_space<vmem>>
      %dma_wait3A_329 = tpu.memref_squeeze %dma_wait3A_328 : memref<1x256xi32, #tpu.memory_space<vmem>> -> memref<256xi32, #tpu.memory_space<vmem>>
      %dma_wait3A_330 = arith.constant 0 : i32
      %dma_wait3A_331 = arith.constant 0 : i32
      %dma_wait3A_332 = tpu.memref_slice %arg13[%dma_wait3A_330, %dma_wait3A_331] : memref<100480x16xf32, #tpu.memory_space<vmem_shared>> -> memref<100480x16xf32, #tpu.memory_space<vmem_shared>>
      tpu.wait_indirect_dma semaphore(%arg22 : memref<!tpu.dma_semaphore, #tpu.memory_space<semaphore_mem>>) src(%arg9 : memref<256x16xf32, #tpu.memory_space<vmem>>) dst(%dma_wait3A_332 : memref<100480x16xf32, #tpu.memory_space<vmem_shared>>)
      %add3A_333 = arith.constant 4 : i32
      %add3A_334 = arith.addi %add3A_193, %add3A_333 : i32
      %add3A_335 = arith.constant 0 : i32
      %add3A_336 = arith.addi %add3A_334, %add3A_335 : i32
      %mul3A_337 = arith.constant 256 : i32
      %mul3A_338 = arith.muli %add3A_336, %mul3A_337 : i32
      %add3A_339 = arith.addi %mul3A_2, %mul3A_338 : i32
      %dma_start3A_340 = arith.constant 0 : i32
      %dma_start3A_341 = tpu.memref_slice %arg3[%dma_start3A_340, %add3A_339] : memref<2x1605632xi32, #tpu.memory_space<hbm>> -> memref<2x256xi32, #tpu.memory_space<hbm>>
      %dma_start3A_342 = arith.constant 0 : i32
      %dma_start3A_343 = tpu.memref_slice %arg3[%dma_start3A_342, %add3A_339] : memref<2x1605632xi32, #tpu.memory_space<hbm>> -> memref<2x256xi32, #tpu.memory_space<hbm>>
      tpu.enqueue_dma source(%dma_start3A_343 : memref<2x256xi32, #tpu.memory_space<hbm>>) target(%arg5 : memref<2x256xi32, #tpu.memory_space<vmem>>) target_semaphore(%arg14 : memref<!tpu.dma_semaphore, #tpu.memory_space<semaphore_mem>>)
      %dma_wait3A_344 = arith.constant 1 : i32
      %dma_wait3A_345 = arith.constant 0 : i32
      %dma_wait3A_346 = tpu.memref_slice %arg6[%dma_wait3A_344, %dma_wait3A_345] : memref<2x256xi32, #tpu.memory_space<vmem>> -> memref<1x256xi32, #tpu.memory_space<vmem>>
      %dma_wait3A_347 = tpu.memref_squeeze %dma_wait3A_346 : memref<1x256xi32, #tpu.memory_space<vmem>> -> memref<256xi32, #tpu.memory_space<vmem>>
      %dma_wait3A_348 = arith.constant 0 : i32
      %dma_wait3A_349 = arith.constant 0 : i32
      %dma_wait3A_350 = tpu.memref_slice %arg13[%dma_wait3A_348, %dma_wait3A_349] : memref<100480x16xf32, #tpu.memory_space<vmem_shared>> -> memref<100480x16xf32, #tpu.memory_space<vmem_shared>>
      tpu.wait_indirect_dma semaphore(%arg23 : memref<!tpu.dma_semaphore, #tpu.memory_space<semaphore_mem>>) src(%arg10 : memref<256x16xf32, #tpu.memory_space<vmem>>) dst(%dma_wait3A_350 : memref<100480x16xf32, #tpu.memory_space<vmem_shared>>)
      %add3A_351 = arith.constant 4 : i32
      %add3A_352 = arith.addi %add3A_193, %add3A_351 : i32
      %add3A_353 = arith.constant 1 : i32
      %add3A_354 = arith.addi %add3A_352, %add3A_353 : i32
      %mul3A_355 = arith.constant 256 : i32
      %mul3A_356 = arith.muli %add3A_354, %mul3A_355 : i32
      %add3A_357 = arith.addi %mul3A_2, %mul3A_356 : i32
      %dma_start3A_358 = arith.constant 0 : i32
      %dma_start3A_359 = tpu.memref_slice %arg3[%dma_start3A_358, %add3A_357] : memref<2x1605632xi32, #tpu.memory_space<hbm>> -> memref<2x256xi32, #tpu.memory_space<hbm>>
      %dma_start3A_360 = arith.constant 0 : i32
      %dma_start3A_361 = tpu.memref_slice %arg3[%dma_start3A_360, %add3A_357] : memref<2x1605632xi32, #tpu.memory_space<hbm>> -> memref<2x256xi32, #tpu.memory_space<hbm>>
      tpu.enqueue_dma source(%dma_start3A_361 : memref<2x256xi32, #tpu.memory_space<hbm>>) target(%arg6 : memref<2x256xi32, #tpu.memory_space<vmem>>) target_semaphore(%arg15 : memref<!tpu.dma_semaphore, #tpu.memory_space<semaphore_mem>>)
      %dma_wait3A_362 = arith.constant 1 : i32
      %dma_wait3A_363 = arith.constant 0 : i32
      %dma_wait3A_364 = tpu.memref_slice %arg7[%dma_wait3A_362, %dma_wait3A_363] : memref<2x256xi32, #tpu.memory_space<vmem>> -> memref<1x256xi32, #tpu.memory_space<vmem>>
      %dma_wait3A_365 = tpu.memref_squeeze %dma_wait3A_364 : memref<1x256xi32, #tpu.memory_space<vmem>> -> memref<256xi32, #tpu.memory_space<vmem>>
      %dma_wait3A_366 = arith.constant 0 : i32
      %dma_wait3A_367 = arith.constant 0 : i32
      %dma_wait3A_368 = tpu.memref_slice %arg13[%dma_wait3A_366, %dma_wait3A_367] : memref<100480x16xf32, #tpu.memory_space<vmem_shared>> -> memref<100480x16xf32, #tpu.memory_space<vmem_shared>>
      tpu.wait_indirect_dma semaphore(%arg24 : memref<!tpu.dma_semaphore, #tpu.memory_space<semaphore_mem>>) src(%arg11 : memref<256x16xf32, #tpu.memory_space<vmem>>) dst(%dma_wait3A_368 : memref<100480x16xf32, #tpu.memory_space<vmem_shared>>)
      %add3A_369 = arith.constant 4 : i32
      %add3A_370 = arith.addi %add3A_193, %add3A_369 : i32
      %add3A_371 = arith.constant 2 : i32
      %add3A_372 = arith.addi %add3A_370, %add3A_371 : i32
      %mul3A_373 = arith.constant 256 : i32
      %mul3A_374 = arith.muli %add3A_372, %mul3A_373 : i32
      %add3A_375 = arith.addi %mul3A_2, %mul3A_374 : i32
      %dma_start3A_376 = arith.constant 0 : i32
      %dma_start3A_377 = tpu.memref_slice %arg3[%dma_start3A_376, %add3A_375] : memref<2x1605632xi32, #tpu.memory_space<hbm>> -> memref<2x256xi32, #tpu.memory_space<hbm>>
      %dma_start3A_378 = arith.constant 0 : i32
      %dma_start3A_379 = tpu.memref_slice %arg3[%dma_start3A_378, %add3A_375] : memref<2x1605632xi32, #tpu.memory_space<hbm>> -> memref<2x256xi32, #tpu.memory_space<hbm>>
      tpu.enqueue_dma source(%dma_start3A_379 : memref<2x256xi32, #tpu.memory_space<hbm>>) target(%arg7 : memref<2x256xi32, #tpu.memory_space<vmem>>) target_semaphore(%arg16 : memref<!tpu.dma_semaphore, #tpu.memory_space<semaphore_mem>>)
      %dma_wait3A_380 = arith.constant 1 : i32
      %dma_wait3A_381 = arith.constant 0 : i32
      %dma_wait3A_382 = tpu.memref_slice %arg8[%dma_wait3A_380, %dma_wait3A_381] : memref<2x256xi32, #tpu.memory_space<vmem>> -> memref<1x256xi32, #tpu.memory_space<vmem>>
      %dma_wait3A_383 = tpu.memref_squeeze %dma_wait3A_382 : memref<1x256xi32, #tpu.memory_space<vmem>> -> memref<256xi32, #tpu.memory_space<vmem>>
      %dma_wait3A_384 = arith.constant 0 : i32
      %dma_wait3A_385 = arith.constant 0 : i32
      %dma_wait3A_386 = tpu.memref_slice %arg13[%dma_wait3A_384, %dma_wait3A_385] : memref<100480x16xf32, #tpu.memory_space<vmem_shared>> -> memref<100480x16xf32, #tpu.memory_space<vmem_shared>>
      tpu.wait_indirect_dma semaphore(%arg25 : memref<!tpu.dma_semaphore, #tpu.memory_space<semaphore_mem>>) src(%arg12 : memref<256x16xf32, #tpu.memory_space<vmem>>) dst(%dma_wait3A_386 : memref<100480x16xf32, #tpu.memory_space<vmem_shared>>)
      %add3A_387 = arith.constant 4 : i32
      %add3A_388 = arith.addi %add3A_193, %add3A_387 : i32
      %add3A_389 = arith.constant 3 : i32
      %add3A_390 = arith.addi %add3A_388, %add3A_389 : i32
      %mul3A_391 = arith.constant 256 : i32
      %mul3A_392 = arith.muli %add3A_390, %mul3A_391 : i32
      %add3A_393 = arith.addi %mul3A_2, %mul3A_392 : i32
      %dma_start3A_394 = arith.constant 0 : i32
      %dma_start3A_395 = tpu.memref_slice %arg3[%dma_start3A_394, %add3A_393] : memref<2x1605632xi32, #tpu.memory_space<hbm>> -> memref<2x256xi32, #tpu.memory_space<hbm>>
      %dma_start3A_396 = arith.constant 0 : i32
      %dma_start3A_397 = tpu.memref_slice %arg3[%dma_start3A_396, %add3A_393] : memref<2x1605632xi32, #tpu.memory_space<hbm>> -> memref<2x256xi32, #tpu.memory_space<hbm>>
      tpu.enqueue_dma source(%dma_start3A_397 : memref<2x256xi32, #tpu.memory_space<hbm>>) target(%arg8 : memref<2x256xi32, #tpu.memory_space<vmem>>) target_semaphore(%arg17 : memref<!tpu.dma_semaphore, #tpu.memory_space<semaphore_mem>>)
    }
    %scan3A_28 = arith.constant 97 : i32
    %dma_wait3A = arith.constant 0 : i32
    %dma_wait3A_29 = tpu.memref_slice %arg3[%dma_wait3A, %mul3A_2] : memref<2x1605632xi32, #tpu.memory_space<hbm>> -> memref<2x256xi32, #tpu.memory_space<hbm>>
    %dma_wait3A_30 = arith.constant 0 : i32
    %dma_wait3A_31 = tpu.memref_slice %arg3[%dma_wait3A_30, %mul3A_2] : memref<2x1605632xi32, #tpu.memory_space<hbm>> -> memref<2x256xi32, #tpu.memory_space<hbm>>
    tpu.wait_dma2 semaphore(%arg14 : memref<!tpu.dma_semaphore, #tpu.memory_space<semaphore_mem>>) src(%dma_wait3A_31 : memref<2x256xi32, #tpu.memory_space<hbm>>) dst(%arg5 : memref<2x256xi32, #tpu.memory_space<vmem>>)
    %dma_start3A_32 = arith.constant 0 : i32
    %dma_start3A_33 = arith.constant 0 : i32
    %dma_start3A_34 = tpu.memref_slice %arg5[%dma_start3A_32, %dma_start3A_33] : memref<2x256xi32, #tpu.memory_space<vmem>> -> memref<1x256xi32, #tpu.memory_space<vmem>>
    %dma_start3A_35 = tpu.memref_squeeze %dma_start3A_34 : memref<1x256xi32, #tpu.memory_space<vmem>> -> memref<256xi32, #tpu.memory_space<vmem>>
    %dma_start3A_36 = arith.constant 0 : i32
    %dma_start3A_37 = arith.constant 0 : i32
    %dma_start3A_38 = tpu.memref_slice %arg2[%arg0, %dma_start3A_36, %dma_start3A_37] : memref<2x100352x16xf32, #tpu.memory_space<hbm>> -> memref<1x100352x16xf32, #tpu.memory_space<hbm>>
    %dma_start3A_39 = tpu.memref_squeeze %dma_start3A_38 : memref<1x100352x16xf32, #tpu.memory_space<hbm>> -> memref<100352x16xf32, #tpu.memory_space<hbm>>
    %dma_start3A_40 = arith.constant 0 : i32
    %dma_start3A_41 = arith.constant 0 : i32
    %dma_start3A_42 = tpu.memref_slice %dma_start3A_39[%dma_start3A_40, %dma_start3A_41] : memref<100352x16xf32, #tpu.memory_space<hbm>> -> memref<100352x16xf32, #tpu.memory_space<hbm>>
    tpu.enqueue_indirect_dma source(%dma_start3A_42 : memref<100352x16xf32, #tpu.memory_space<hbm>>) target(%arg9 : memref<256x16xf32, #tpu.memory_space<vmem>>) offsets(%dma_start3A_35 : memref<256xi32, #tpu.memory_space<vmem>>) semaphore(%arg18 : memref<!tpu.dma_semaphore, #tpu.memory_space<semaphore_mem>>)
    %dma_wait3A_43 = arith.constant 0 : i32
    %dma_wait3A_44 = tpu.memref_slice %arg3[%dma_wait3A_43, %mul3A_2] : memref<2x1605632xi32, #tpu.memory_space<hbm>> -> memref<2x256xi32, #tpu.memory_space<hbm>>
    %dma_wait3A_45 = arith.constant 0 : i32
    %dma_wait3A_46 = tpu.memref_slice %arg3[%dma_wait3A_45, %mul3A_2] : memref<2x1605632xi32, #tpu.memory_space<hbm>> -> memref<2x256xi32, #tpu.memory_space<hbm>>
    tpu.wait_dma2 semaphore(%arg15 : memref<!tpu.dma_semaphore, #tpu.memory_space<semaphore_mem>>) src(%dma_wait3A_46 : memref<2x256xi32, #tpu.memory_space<hbm>>) dst(%arg6 : memref<2x256xi32, #tpu.memory_space<vmem>>)
    %dma_start3A_47 = arith.constant 0 : i32
    %dma_start3A_48 = arith.constant 0 : i32
    %dma_start3A_49 = tpu.memref_slice %arg6[%dma_start3A_47, %dma_start3A_48] : memref<2x256xi32, #tpu.memory_space<vmem>> -> memref<1x256xi32, #tpu.memory_space<vmem>>
    %dma_start3A_50 = tpu.memref_squeeze %dma_start3A_49 : memref<1x256xi32, #tpu.memory_space<vmem>> -> memref<256xi32, #tpu.memory_space<vmem>>
    %dma_start3A_51 = arith.constant 0 : i32
    %dma_start3A_52 = arith.constant 0 : i32
    %dma_start3A_53 = tpu.memref_slice %arg2[%arg0, %dma_start3A_51, %dma_start3A_52] : memref<2x100352x16xf32, #tpu.memory_space<hbm>> -> memref<1x100352x16xf32, #tpu.memory_space<hbm>>
    %dma_start3A_54 = tpu.memref_squeeze %dma_start3A_53 : memref<1x100352x16xf32, #tpu.memory_space<hbm>> -> memref<100352x16xf32, #tpu.memory_space<hbm>>
    %dma_start3A_55 = arith.constant 0 : i32
    %dma_start3A_56 = arith.constant 0 : i32
    %dma_start3A_57 = tpu.memref_slice %dma_start3A_54[%dma_start3A_55, %dma_start3A_56] : memref<100352x16xf32, #tpu.memory_space<hbm>> -> memref<100352x16xf32, #tpu.memory_space<hbm>>
    tpu.enqueue_indirect_dma source(%dma_start3A_57 : memref<100352x16xf32, #tpu.memory_space<hbm>>) target(%arg10 : memref<256x16xf32, #tpu.memory_space<vmem>>) offsets(%dma_start3A_50 : memref<256xi32, #tpu.memory_space<vmem>>) semaphore(%arg19 : memref<!tpu.dma_semaphore, #tpu.memory_space<semaphore_mem>>)
    %dma_wait3A_58 = arith.constant 0 : i32
    %dma_wait3A_59 = tpu.memref_slice %arg3[%dma_wait3A_58, %mul3A_2] : memref<2x1605632xi32, #tpu.memory_space<hbm>> -> memref<2x256xi32, #tpu.memory_space<hbm>>
    %dma_wait3A_60 = arith.constant 0 : i32
    %dma_wait3A_61 = tpu.memref_slice %arg3[%dma_wait3A_60, %mul3A_2] : memref<2x1605632xi32, #tpu.memory_space<hbm>> -> memref<2x256xi32, #tpu.memory_space<hbm>>
    tpu.wait_dma2 semaphore(%arg16 : memref<!tpu.dma_semaphore, #tpu.memory_space<semaphore_mem>>) src(%dma_wait3A_61 : memref<2x256xi32, #tpu.memory_space<hbm>>) dst(%arg7 : memref<2x256xi32, #tpu.memory_space<vmem>>)
    %dma_start3A_62 = arith.constant 0 : i32
    %dma_start3A_63 = arith.constant 0 : i32
    %dma_start3A_64 = tpu.memref_slice %arg7[%dma_start3A_62, %dma_start3A_63] : memref<2x256xi32, #tpu.memory_space<vmem>> -> memref<1x256xi32, #tpu.memory_space<vmem>>
    %dma_start3A_65 = tpu.memref_squeeze %dma_start3A_64 : memref<1x256xi32, #tpu.memory_space<vmem>> -> memref<256xi32, #tpu.memory_space<vmem>>
    %dma_start3A_66 = arith.constant 0 : i32
    %dma_start3A_67 = arith.constant 0 : i32
    %dma_start3A_68 = tpu.memref_slice %arg2[%arg0, %dma_start3A_66, %dma_start3A_67] : memref<2x100352x16xf32, #tpu.memory_space<hbm>> -> memref<1x100352x16xf32, #tpu.memory_space<hbm>>
    %dma_start3A_69 = tpu.memref_squeeze %dma_start3A_68 : memref<1x100352x16xf32, #tpu.memory_space<hbm>> -> memref<100352x16xf32, #tpu.memory_space<hbm>>
    %dma_start3A_70 = arith.constant 0 : i32
    %dma_start3A_71 = arith.constant 0 : i32
    %dma_start3A_72 = tpu.memref_slice %dma_start3A_69[%dma_start3A_70, %dma_start3A_71] : memref<100352x16xf32, #tpu.memory_space<hbm>> -> memref<100352x16xf32, #tpu.memory_space<hbm>>
    tpu.enqueue_indirect_dma source(%dma_start3A_72 : memref<100352x16xf32, #tpu.memory_space<hbm>>) target(%arg11 : memref<256x16xf32, #tpu.memory_space<vmem>>) offsets(%dma_start3A_65 : memref<256xi32, #tpu.memory_space<vmem>>) semaphore(%arg20 : memref<!tpu.dma_semaphore, #tpu.memory_space<semaphore_mem>>)
    %dma_wait3A_73 = arith.constant 0 : i32
    %dma_wait3A_74 = tpu.memref_slice %arg3[%dma_wait3A_73, %mul3A_2] : memref<2x1605632xi32, #tpu.memory_space<hbm>> -> memref<2x256xi32, #tpu.memory_space<hbm>>
    %dma_wait3A_75 = arith.constant 0 : i32
    %dma_wait3A_76 = tpu.memref_slice %arg3[%dma_wait3A_75, %mul3A_2] : memref<2x1605632xi32, #tpu.memory_space<hbm>> -> memref<2x256xi32, #tpu.memory_space<hbm>>
    tpu.wait_dma2 semaphore(%arg17 : memref<!tpu.dma_semaphore, #tpu.memory_space<semaphore_mem>>) src(%dma_wait3A_76 : memref<2x256xi32, #tpu.memory_space<hbm>>) dst(%arg8 : memref<2x256xi32, #tpu.memory_space<vmem>>)
    %dma_start3A_77 = arith.constant 0 : i32
    %dma_start3A_78 = arith.constant 0 : i32
    %dma_start3A_79 = tpu.memref_slice %arg8[%dma_start3A_77, %dma_start3A_78] : memref<2x256xi32, #tpu.memory_space<vmem>> -> memref<1x256xi32, #tpu.memory_space<vmem>>
    %dma_start3A_80 = tpu.memref_squeeze %dma_start3A_79 : memref<1x256xi32, #tpu.memory_space<vmem>> -> memref<256xi32, #tpu.memory_space<vmem>>
    %dma_start3A_81 = arith.constant 0 : i32
    %dma_start3A_82 = arith.constant 0 : i32
    %dma_start3A_83 = tpu.memref_slice %arg2[%arg0, %dma_start3A_81, %dma_start3A_82] : memref<2x100352x16xf32, #tpu.memory_space<hbm>> -> memref<1x100352x16xf32, #tpu.memory_space<hbm>>
    %dma_start3A_84 = tpu.memref_squeeze %dma_start3A_83 : memref<1x100352x16xf32, #tpu.memory_space<hbm>> -> memref<100352x16xf32, #tpu.memory_space<hbm>>
    %dma_start3A_85 = arith.constant 0 : i32
    %dma_start3A_86 = arith.constant 0 : i32
    %dma_start3A_87 = tpu.memref_slice %dma_start3A_84[%dma_start3A_85, %dma_start3A_86] : memref<100352x16xf32, #tpu.memory_space<hbm>> -> memref<100352x16xf32, #tpu.memory_space<hbm>>
    tpu.enqueue_indirect_dma source(%dma_start3A_87 : memref<100352x16xf32, #tpu.memory_space<hbm>>) target(%arg12 : memref<256x16xf32, #tpu.memory_space<vmem>>) offsets(%dma_start3A_80 : memref<256xi32, #tpu.memory_space<vmem>>) semaphore(%arg21 : memref<!tpu.dma_semaphore, #tpu.memory_space<semaphore_mem>>)
    %dma_wait3A_88 = arith.constant 0 : i32
    %dma_wait3A_89 = arith.constant 0 : i32
    %dma_wait3A_90 = tpu.memref_slice %arg5[%dma_wait3A_88, %dma_wait3A_89] : memref<2x256xi32, #tpu.memory_space<vmem>> -> memref<1x256xi32, #tpu.memory_space<vmem>>
    %dma_wait3A_91 = tpu.memref_squeeze %dma_wait3A_90 : memref<1x256xi32, #tpu.memory_space<vmem>> -> memref<256xi32, #tpu.memory_space<vmem>>
    %dma_wait3A_92 = arith.constant 0 : i32
    %dma_wait3A_93 = arith.constant 0 : i32
    %dma_wait3A_94 = tpu.memref_slice %arg2[%arg0, %dma_wait3A_92, %dma_wait3A_93] : memref<2x100352x16xf32, #tpu.memory_space<hbm>> -> memref<1x100352x16xf32, #tpu.memory_space<hbm>>
    %dma_wait3A_95 = tpu.memref_squeeze %dma_wait3A_94 : memref<1x100352x16xf32, #tpu.memory_space<hbm>> -> memref<100352x16xf32, #tpu.memory_space<hbm>>
    %dma_wait3A_96 = arith.constant 0 : i32
    %dma_wait3A_97 = arith.constant 0 : i32
    %dma_wait3A_98 = tpu.memref_slice %dma_wait3A_95[%dma_wait3A_96, %dma_wait3A_97] : memref<100352x16xf32, #tpu.memory_space<hbm>> -> memref<100352x16xf32, #tpu.memory_space<hbm>>
    tpu.wait_indirect_dma semaphore(%arg18 : memref<!tpu.dma_semaphore, #tpu.memory_space<semaphore_mem>>) src(%dma_wait3A_98 : memref<100352x16xf32, #tpu.memory_space<hbm>>) dst(%arg9 : memref<256x16xf32, #tpu.memory_space<vmem>>)
    %dma_start3A_99 = arith.constant 1 : i32
    %dma_start3A_100 = arith.constant 0 : i32
    %dma_start3A_101 = tpu.memref_slice %arg5[%dma_start3A_99, %dma_start3A_100] : memref<2x256xi32, #tpu.memory_space<vmem>> -> memref<1x256xi32, #tpu.memory_space<vmem>>
    %dma_start3A_102 = tpu.memref_squeeze %dma_start3A_101 : memref<1x256xi32, #tpu.memory_space<vmem>> -> memref<256xi32, #tpu.memory_space<vmem>>
    %dma_start3A_103 = arith.constant 0 : i32
    %dma_start3A_104 = arith.constant 0 : i32
    %dma_start3A_105 = tpu.memref_slice %arg13[%dma_start3A_103, %dma_start3A_104] : memref<100480x16xf32, #tpu.memory_space<vmem_shared>> -> memref<100480x16xf32, #tpu.memory_space<vmem_shared>>
    tpu.enqueue_indirect_dma source(%arg9 : memref<256x16xf32, #tpu.memory_space<vmem>>) target(%dma_start3A_105 : memref<100480x16xf32, #tpu.memory_space<vmem_shared>>) offsets(%dma_start3A_102 : memref<256xi32, #tpu.memory_space<vmem>>) semaphore(%arg22 : memref<!tpu.dma_semaphore, #tpu.memory_space<semaphore_mem>>) {add = true}
    %dma_wait3A_106 = arith.constant 0 : i32
    %dma_wait3A_107 = arith.constant 0 : i32
    %dma_wait3A_108 = tpu.memref_slice %arg6[%dma_wait3A_106, %dma_wait3A_107] : memref<2x256xi32, #tpu.memory_space<vmem>> -> memref<1x256xi32, #tpu.memory_space<vmem>>
    %dma_wait3A_109 = tpu.memref_squeeze %dma_wait3A_108 : memref<1x256xi32, #tpu.memory_space<vmem>> -> memref<256xi32, #tpu.memory_space<vmem>>
    %dma_wait3A_110 = arith.constant 0 : i32
    %dma_wait3A_111 = arith.constant 0 : i32
    %dma_wait3A_112 = tpu.memref_slice %arg2[%arg0, %dma_wait3A_110, %dma_wait3A_111] : memref<2x100352x16xf32, #tpu.memory_space<hbm>> -> memref<1x100352x16xf32, #tpu.memory_space<hbm>>
    %dma_wait3A_113 = tpu.memref_squeeze %dma_wait3A_112 : memref<1x100352x16xf32, #tpu.memory_space<hbm>> -> memref<100352x16xf32, #tpu.memory_space<hbm>>
    %dma_wait3A_114 = arith.constant 0 : i32
    %dma_wait3A_115 = arith.constant 0 : i32
    %dma_wait3A_116 = tpu.memref_slice %dma_wait3A_113[%dma_wait3A_114, %dma_wait3A_115] : memref<100352x16xf32, #tpu.memory_space<hbm>> -> memref<100352x16xf32, #tpu.memory_space<hbm>>
    tpu.wait_indirect_dma semaphore(%arg19 : memref<!tpu.dma_semaphore, #tpu.memory_space<semaphore_mem>>) src(%dma_wait3A_116 : memref<100352x16xf32, #tpu.memory_space<hbm>>) dst(%arg10 : memref<256x16xf32, #tpu.memory_space<vmem>>)
    %dma_start3A_117 = arith.constant 1 : i32
    %dma_start3A_118 = arith.constant 0 : i32
    %dma_start3A_119 = tpu.memref_slice %arg6[%dma_start3A_117, %dma_start3A_118] : memref<2x256xi32, #tpu.memory_space<vmem>> -> memref<1x256xi32, #tpu.memory_space<vmem>>
    %dma_start3A_120 = tpu.memref_squeeze %dma_start3A_119 : memref<1x256xi32, #tpu.memory_space<vmem>> -> memref<256xi32, #tpu.memory_space<vmem>>
    %dma_start3A_121 = arith.constant 0 : i32
    %dma_start3A_122 = arith.constant 0 : i32
    %dma_start3A_123 = tpu.memref_slice %arg13[%dma_start3A_121, %dma_start3A_122] : memref<100480x16xf32, #tpu.memory_space<vmem_shared>> -> memref<100480x16xf32, #tpu.memory_space<vmem_shared>>
    tpu.enqueue_indirect_dma source(%arg10 : memref<256x16xf32, #tpu.memory_space<vmem>>) target(%dma_start3A_123 : memref<100480x16xf32, #tpu.memory_space<vmem_shared>>) offsets(%dma_start3A_120 : memref<256xi32, #tpu.memory_space<vmem>>) semaphore(%arg23 : memref<!tpu.dma_semaphore, #tpu.memory_space<semaphore_mem>>) {add = true}
    %dma_wait3A_124 = arith.constant 0 : i32
    %dma_wait3A_125 = arith.constant 0 : i32
    %dma_wait3A_126 = tpu.memref_slice %arg7[%dma_wait3A_124, %dma_wait3A_125] : memref<2x256xi32, #tpu.memory_space<vmem>> -> memref<1x256xi32, #tpu.memory_space<vmem>>
    %dma_wait3A_127 = tpu.memref_squeeze %dma_wait3A_126 : memref<1x256xi32, #tpu.memory_space<vmem>> -> memref<256xi32, #tpu.memory_space<vmem>>
    %dma_wait3A_128 = arith.constant 0 : i32
    %dma_wait3A_129 = arith.constant 0 : i32
    %dma_wait3A_130 = tpu.memref_slice %arg2[%arg0, %dma_wait3A_128, %dma_wait3A_129] : memref<2x100352x16xf32, #tpu.memory_space<hbm>> -> memref<1x100352x16xf32, #tpu.memory_space<hbm>>
    %dma_wait3A_131 = tpu.memref_squeeze %dma_wait3A_130 : memref<1x100352x16xf32, #tpu.memory_space<hbm>> -> memref<100352x16xf32, #tpu.memory_space<hbm>>
    %dma_wait3A_132 = arith.constant 0 : i32
    %dma_wait3A_133 = arith.constant 0 : i32
    %dma_wait3A_134 = tpu.memref_slice %dma_wait3A_131[%dma_wait3A_132, %dma_wait3A_133] : memref<100352x16xf32, #tpu.memory_space<hbm>> -> memref<100352x16xf32, #tpu.memory_space<hbm>>
    tpu.wait_indirect_dma semaphore(%arg20 : memref<!tpu.dma_semaphore, #tpu.memory_space<semaphore_mem>>) src(%dma_wait3A_134 : memref<100352x16xf32, #tpu.memory_space<hbm>>) dst(%arg11 : memref<256x16xf32, #tpu.memory_space<vmem>>)
    %dma_start3A_135 = arith.constant 1 : i32
    %dma_start3A_136 = arith.constant 0 : i32
    %dma_start3A_137 = tpu.memref_slice %arg7[%dma_start3A_135, %dma_start3A_136] : memref<2x256xi32, #tpu.memory_space<vmem>> -> memref<1x256xi32, #tpu.memory_space<vmem>>
    %dma_start3A_138 = tpu.memref_squeeze %dma_start3A_137 : memref<1x256xi32, #tpu.memory_space<vmem>> -> memref<256xi32, #tpu.memory_space<vmem>>
    %dma_start3A_139 = arith.constant 0 : i32
    %dma_start3A_140 = arith.constant 0 : i32
    %dma_start3A_141 = tpu.memref_slice %arg13[%dma_start3A_139, %dma_start3A_140] : memref<100480x16xf32, #tpu.memory_space<vmem_shared>> -> memref<100480x16xf32, #tpu.memory_space<vmem_shared>>
    tpu.enqueue_indirect_dma source(%arg11 : memref<256x16xf32, #tpu.memory_space<vmem>>) target(%dma_start3A_141 : memref<100480x16xf32, #tpu.memory_space<vmem_shared>>) offsets(%dma_start3A_138 : memref<256xi32, #tpu.memory_space<vmem>>) semaphore(%arg24 : memref<!tpu.dma_semaphore, #tpu.memory_space<semaphore_mem>>) {add = true}
    %dma_wait3A_142 = arith.constant 0 : i32
    %dma_wait3A_143 = arith.constant 0 : i32
    %dma_wait3A_144 = tpu.memref_slice %arg8[%dma_wait3A_142, %dma_wait3A_143] : memref<2x256xi32, #tpu.memory_space<vmem>> -> memref<1x256xi32, #tpu.memory_space<vmem>>
    %dma_wait3A_145 = tpu.memref_squeeze %dma_wait3A_144 : memref<1x256xi32, #tpu.memory_space<vmem>> -> memref<256xi32, #tpu.memory_space<vmem>>
    %dma_wait3A_146 = arith.constant 0 : i32
    %dma_wait3A_147 = arith.constant 0 : i32
    %dma_wait3A_148 = tpu.memref_slice %arg2[%arg0, %dma_wait3A_146, %dma_wait3A_147] : memref<2x100352x16xf32, #tpu.memory_space<hbm>> -> memref<1x100352x16xf32, #tpu.memory_space<hbm>>
    %dma_wait3A_149 = tpu.memref_squeeze %dma_wait3A_148 : memref<1x100352x16xf32, #tpu.memory_space<hbm>> -> memref<100352x16xf32, #tpu.memory_space<hbm>>
    %dma_wait3A_150 = arith.constant 0 : i32
    %dma_wait3A_151 = arith.constant 0 : i32
    %dma_wait3A_152 = tpu.memref_slice %dma_wait3A_149[%dma_wait3A_150, %dma_wait3A_151] : memref<100352x16xf32, #tpu.memory_space<hbm>> -> memref<100352x16xf32, #tpu.memory_space<hbm>>
    tpu.wait_indirect_dma semaphore(%arg21 : memref<!tpu.dma_semaphore, #tpu.memory_space<semaphore_mem>>) src(%dma_wait3A_152 : memref<100352x16xf32, #tpu.memory_space<hbm>>) dst(%arg12 : memref<256x16xf32, #tpu.memory_space<vmem>>)
    %dma_start3A_153 = arith.constant 1 : i32
    %dma_start3A_154 = arith.constant 0 : i32
    %dma_start3A_155 = tpu.memref_slice %arg8[%dma_start3A_153, %dma_start3A_154] : memref<2x256xi32, #tpu.memory_space<vmem>> -> memref<1x256xi32, #tpu.memory_space<vmem>>
    %dma_start3A_156 = tpu.memref_squeeze %dma_start3A_155 : memref<1x256xi32, #tpu.memory_space<vmem>> -> memref<256xi32, #tpu.memory_space<vmem>>
    %dma_start3A_157 = arith.constant 0 : i32
    %dma_start3A_158 = arith.constant 0 : i32
    %dma_start3A_159 = tpu.memref_slice %arg13[%dma_start3A_157, %dma_start3A_158] : memref<100480x16xf32, #tpu.memory_space<vmem_shared>> -> memref<100480x16xf32, #tpu.memory_space<vmem_shared>>
    tpu.enqueue_indirect_dma source(%arg12 : memref<256x16xf32, #tpu.memory_space<vmem>>) target(%dma_start3A_159 : memref<100480x16xf32, #tpu.memory_space<vmem_shared>>) offsets(%dma_start3A_156 : memref<256xi32, #tpu.memory_space<vmem>>) semaphore(%arg25 : memref<!tpu.dma_semaphore, #tpu.memory_space<semaphore_mem>>) {add = true}
    %dma_wait3A_160 = arith.constant 1 : i32
    %dma_wait3A_161 = arith.constant 0 : i32
    %dma_wait3A_162 = tpu.memref_slice %arg5[%dma_wait3A_160, %dma_wait3A_161] : memref<2x256xi32, #tpu.memory_space<vmem>> -> memref<1x256xi32, #tpu.memory_space<vmem>>
    %dma_wait3A_163 = tpu.memref_squeeze %dma_wait3A_162 : memref<1x256xi32, #tpu.memory_space<vmem>> -> memref<256xi32, #tpu.memory_space<vmem>>
    %dma_wait3A_164 = arith.constant 0 : i32
    %dma_wait3A_165 = arith.constant 0 : i32
    %dma_wait3A_166 = tpu.memref_slice %arg13[%dma_wait3A_164, %dma_wait3A_165] : memref<100480x16xf32, #tpu.memory_space<vmem_shared>> -> memref<100480x16xf32, #tpu.memory_space<vmem_shared>>
    tpu.wait_indirect_dma semaphore(%arg22 : memref<!tpu.dma_semaphore, #tpu.memory_space<semaphore_mem>>) src(%arg9 : memref<256x16xf32, #tpu.memory_space<vmem>>) dst(%dma_wait3A_166 : memref<100480x16xf32, #tpu.memory_space<vmem_shared>>)
    %dma_wait3A_167 = arith.constant 1 : i32
    %dma_wait3A_168 = arith.constant 0 : i32
    %dma_wait3A_169 = tpu.memref_slice %arg6[%dma_wait3A_167, %dma_wait3A_168] : memref<2x256xi32, #tpu.memory_space<vmem>> -> memref<1x256xi32, #tpu.memory_space<vmem>>
    %dma_wait3A_170 = tpu.memref_squeeze %dma_wait3A_169 : memref<1x256xi32, #tpu.memory_space<vmem>> -> memref<256xi32, #tpu.memory_space<vmem>>
    %dma_wait3A_171 = arith.constant 0 : i32
    %dma_wait3A_172 = arith.constant 0 : i32
    %dma_wait3A_173 = tpu.memref_slice %arg13[%dma_wait3A_171, %dma_wait3A_172] : memref<100480x16xf32, #tpu.memory_space<vmem_shared>> -> memref<100480x16xf32, #tpu.memory_space<vmem_shared>>
    tpu.wait_indirect_dma semaphore(%arg23 : memref<!tpu.dma_semaphore, #tpu.memory_space<semaphore_mem>>) src(%arg10 : memref<256x16xf32, #tpu.memory_space<vmem>>) dst(%dma_wait3A_173 : memref<100480x16xf32, #tpu.memory_space<vmem_shared>>)
    %dma_wait3A_174 = arith.constant 1 : i32
    %dma_wait3A_175 = arith.constant 0 : i32
    %dma_wait3A_176 = tpu.memref_slice %arg7[%dma_wait3A_174, %dma_wait3A_175] : memref<2x256xi32, #tpu.memory_space<vmem>> -> memref<1x256xi32, #tpu.memory_space<vmem>>
    %dma_wait3A_177 = tpu.memref_squeeze %dma_wait3A_176 : memref<1x256xi32, #tpu.memory_space<vmem>> -> memref<256xi32, #tpu.memory_space<vmem>>
    %dma_wait3A_178 = arith.constant 0 : i32
    %dma_wait3A_179 = arith.constant 0 : i32
    %dma_wait3A_180 = tpu.memref_slice %arg13[%dma_wait3A_178, %dma_wait3A_179] : memref<100480x16xf32, #tpu.memory_space<vmem_shared>> -> memref<100480x16xf32, #tpu.memory_space<vmem_shared>>
    tpu.wait_indirect_dma semaphore(%arg24 : memref<!tpu.dma_semaphore, #tpu.memory_space<semaphore_mem>>) src(%arg11 : memref<256x16xf32, #tpu.memory_space<vmem>>) dst(%dma_wait3A_180 : memref<100480x16xf32, #tpu.memory_space<vmem_shared>>)
    %dma_wait3A_181 = arith.constant 1 : i32
    %dma_wait3A_182 = arith.constant 0 : i32
    %dma_wait3A_183 = tpu.memref_slice %arg8[%dma_wait3A_181, %dma_wait3A_182] : memref<2x256xi32, #tpu.memory_space<vmem>> -> memref<1x256xi32, #tpu.memory_space<vmem>>
    %dma_wait3A_184 = tpu.memref_squeeze %dma_wait3A_183 : memref<1x256xi32, #tpu.memory_space<vmem>> -> memref<256xi32, #tpu.memory_space<vmem>>
    %dma_wait3A_185 = arith.constant 0 : i32
    %dma_wait3A_186 = arith.constant 0 : i32
    %dma_wait3A_187 = tpu.memref_slice %arg13[%dma_wait3A_185, %dma_wait3A_186] : memref<100480x16xf32, #tpu.memory_space<vmem_shared>> -> memref<100480x16xf32, #tpu.memory_space<vmem_shared>>
    tpu.wait_indirect_dma semaphore(%arg25 : memref<!tpu.dma_semaphore, #tpu.memory_space<semaphore_mem>>) src(%arg12 : memref<256x16xf32, #tpu.memory_space<vmem>>) dst(%dma_wait3A_187 : memref<100480x16xf32, #tpu.memory_space<vmem_shared>>)
    %barrier3A_188 = arith.constant 0 : index
    tpu.barrier barrier_id(%barrier3A_188)
    "tpu.region"() ({
      %run_scoped3A = tpu.sem_alloc : memref<!tpu.dma_semaphore, #tpu.memory_space<semaphore_mem>>
      %dma_start3A_189 = arith.constant 0 : i32
      %dma_start3A_190 = tpu.memref_slice %arg4[%arg0, %mul3A_0, %dma_start3A_189] : memref<2x100352x16xf32, #tpu.memory_space<hbm>> -> memref<1x6272x16xf32, #tpu.memory_space<hbm>>
      %dma_start3A_191 = tpu.memref_squeeze %dma_start3A_190 : memref<1x6272x16xf32, #tpu.memory_space<hbm>> -> memref<6272x16xf32, #tpu.memory_space<hbm>>
      %dma_start3A_192 = arith.constant 0 : i32
      %dma_start3A_193 = tpu.memref_slice %arg13[%mul3A_0, %dma_start3A_192] : memref<100480x16xf32, #tpu.memory_space<vmem_shared>> -> memref<6272x16xf32, #tpu.memory_space<vmem_shared>>
      tpu.enqueue_dma source(%dma_start3A_193 : memref<6272x16xf32, #tpu.memory_space<vmem_shared>>) target(%dma_start3A_191 : memref<6272x16xf32, #tpu.memory_space<hbm>>) target_semaphore(%run_scoped3A : memref<!tpu.dma_semaphore, #tpu.memory_space<semaphore_mem>>)
      %dma_wait3A_194 = arith.constant 0 : i32
      %dma_wait3A_195 = tpu.memref_slice %arg4[%arg0, %mul3A_0, %dma_wait3A_194] : memref<2x100352x16xf32, #tpu.memory_space<hbm>> -> memref<1x6272x16xf32, #tpu.memory_space<hbm>>
      %dma_wait3A_196 = tpu.memref_squeeze %dma_wait3A_195 : memref<1x6272x16xf32, #tpu.memory_space<hbm>> -> memref<6272x16xf32, #tpu.memory_space<hbm>>
      %dma_wait3A_197 = arith.constant 0 : i32
      %dma_wait3A_198 = tpu.memref_slice %arg13[%mul3A_0, %dma_wait3A_197] : memref<100480x16xf32, #tpu.memory_space<vmem_shared>> -> memref<6272x16xf32, #tpu.memory_space<vmem_shared>>
      tpu.wait_dma2 semaphore(%run_scoped3A : memref<!tpu.dma_semaphore, #tpu.memory_space<semaphore_mem>>) src(%dma_wait3A_198 : memref<6272x16xf32, #tpu.memory_space<vmem_shared>>) dst(%dma_wait3A_196 : memref<6272x16xf32, #tpu.memory_space<hbm>>)
      tpu.yield
    }) : () -> ()
    return
  }
}

#map = affine_map<(d0, d1) -> (0, 0, 0)>
#map1 = affine_map<(d0, d1) -> (0, 0)>
module attributes {stable_mosaic.version = 14 : i64} {
  func.func @_agg_kernel(%arg0: i32, %arg1: i32, %arg2: memref<2x100352x16xf32, #tpu.memory_space<hbm>>, %arg3: memref<2x1605632xi32, #tpu.memory_space<hbm>>, %arg4: memref<2x100352x16xf32, #tpu.memory_space<hbm>>, %arg5: memref<2x256xi32, #tpu.memory_space<vmem>>, %arg6: memref<2x256xi32, #tpu.memory_space<vmem>>, %arg7: memref<2x256xi32, #tpu.memory_space<vmem>>, %arg8: memref<2x256xi32, #tpu.memory_space<vmem>>, %arg9: memref<256x16xf32, #tpu.memory_space<vmem>>, %arg10: memref<256x16xf32, #tpu.memory_space<vmem>>, %arg11: memref<256x16xf32, #tpu.memory_space<vmem>>, %arg12: memref<256x16xf32, #tpu.memory_space<vmem>>, %arg13: memref<100480x16xf32, #tpu.memory_space<vmem_shared>>, %arg14: memref<!tpu.dma_semaphore, #tpu.memory_space<semaphore_mem>>, %arg15: memref<!tpu.dma_semaphore, #tpu.memory_space<semaphore_mem>>, %arg16: memref<!tpu.dma_semaphore, #tpu.memory_space<semaphore_mem>>, %arg17: memref<!tpu.dma_semaphore, #tpu.memory_space<semaphore_mem>>, %arg18: memref<!tpu.dma_semaphore, #tpu.memory_space<semaphore_mem>>, %arg19: memref<!tpu.dma_semaphore, #tpu.memory_space<semaphore_mem>>, %arg20: memref<!tpu.dma_semaphore, #tpu.memory_space<semaphore_mem>>, %arg21: memref<!tpu.dma_semaphore, #tpu.memory_space<semaphore_mem>>, %arg22: memref<!tpu.dma_semaphore, #tpu.memory_space<semaphore_mem>>, %arg23: memref<!tpu.dma_semaphore, #tpu.memory_space<semaphore_mem>>, %arg24: memref<!tpu.dma_semaphore, #tpu.memory_space<semaphore_mem>>, %arg25: memref<!tpu.dma_semaphore, #tpu.memory_space<semaphore_mem>>) attributes {dimension_semantics = [#tpu.dimension_semantics<core_parallel>, #tpu.dimension_semantics<subcore_parallel>], iteration_bounds = array<i64: 2, 16>, scalar_prefetch = 0 : i64, scratch_operands = 21 : i64, tpu.core_type = #tpu.core_type<sc_vector_subcore>, window_params = [{transform_indices = #map}, {transform_indices = #map1}, {transform_indices = #map}]} {
    %mul3A = arith.constant 6272 : i32
    %mul3A_0 = arith.muli %arg1, %mul3A : i32
    "tpu.region"() ({
      %run_scoped3A = tpu.sem_alloc : memref<!tpu.dma_semaphore, #tpu.memory_space<semaphore_mem>>
      %dma_start3A_189 = arith.constant 0 : i32
      %dma_start3A_190 = tpu.memref_slice %arg13[%mul3A_0, %dma_start3A_189] : memref<100480x16xf32, #tpu.memory_space<vmem_shared>> -> memref<6272x16xf32, #tpu.memory_space<vmem_shared>>
      %dma_start3A_191 = arith.constant 0 : i32
      %dma_start3A_192 = arith.constant 0 : i32
      %dma_start3A_193 = tpu.memref_slice %arg2[%arg0, %dma_start3A_191, %dma_start3A_192] : memref<2x100352x16xf32, #tpu.memory_space<hbm>> -> memref<1x100352x16xf32, #tpu.memory_space<hbm>>
      %dma_start3A_194 = tpu.memref_squeeze %dma_start3A_193 : memref<1x100352x16xf32, #tpu.memory_space<hbm>> -> memref<100352x16xf32, #tpu.memory_space<hbm>>
      %dma_start3A_195 = arith.constant 0 : i32
      %dma_start3A_196 = tpu.memref_slice %dma_start3A_194[%mul3A_0, %dma_start3A_195] : memref<100352x16xf32, #tpu.memory_space<hbm>> -> memref<6272x16xf32, #tpu.memory_space<hbm>>
      tpu.enqueue_dma source(%dma_start3A_196 : memref<6272x16xf32, #tpu.memory_space<hbm>>) target(%dma_start3A_190 : memref<6272x16xf32, #tpu.memory_space<vmem_shared>>) target_semaphore(%run_scoped3A : memref<!tpu.dma_semaphore, #tpu.memory_space<semaphore_mem>>)
      %dma_wait3A_197 = arith.constant 0 : i32
      %dma_wait3A_198 = tpu.memref_slice %arg13[%mul3A_0, %dma_wait3A_197] : memref<100480x16xf32, #tpu.memory_space<vmem_shared>> -> memref<6272x16xf32, #tpu.memory_space<vmem_shared>>
      %dma_wait3A_199 = arith.constant 0 : i32
      %dma_wait3A_200 = arith.constant 0 : i32
      %dma_wait3A_201 = tpu.memref_slice %arg2[%arg0, %dma_wait3A_199, %dma_wait3A_200] : memref<2x100352x16xf32, #tpu.memory_space<hbm>> -> memref<1x100352x16xf32, #tpu.memory_space<hbm>>
      %dma_wait3A_202 = tpu.memref_squeeze %dma_wait3A_201 : memref<1x100352x16xf32, #tpu.memory_space<hbm>> -> memref<100352x16xf32, #tpu.memory_space<hbm>>
      %dma_wait3A_203 = arith.constant 0 : i32
      %dma_wait3A_204 = tpu.memref_slice %dma_wait3A_202[%mul3A_0, %dma_wait3A_203] : memref<100352x16xf32, #tpu.memory_space<hbm>> -> memref<6272x16xf32, #tpu.memory_space<hbm>>
      tpu.wait_dma2 semaphore(%run_scoped3A : memref<!tpu.dma_semaphore, #tpu.memory_space<semaphore_mem>>) src(%dma_wait3A_204 : memref<6272x16xf32, #tpu.memory_space<hbm>>) dst(%dma_wait3A_198 : memref<6272x16xf32, #tpu.memory_space<vmem_shared>>)
      tpu.yield
    }) : () -> ()
    %barrier3A = arith.constant 0 : index
    tpu.barrier barrier_id(%barrier3A)
    %mul3A_1 = arith.constant 100352 : i32
    %mul3A_2 = arith.muli %arg1, %mul3A_1 : i32
    %add3A = arith.constant 0 : i32
    %add3A_3 = arith.addi %mul3A_2, %add3A : i32
    %dma_start3A = arith.constant 0 : i32
    %dma_start3A_4 = tpu.memref_slice %arg3[%dma_start3A, %add3A_3] : memref<2x1605632xi32, #tpu.memory_space<hbm>> -> memref<2x256xi32, #tpu.memory_space<hbm>>
    %dma_start3A_5 = arith.constant 0 : i32
    %dma_start3A_6 = tpu.memref_slice %arg3[%dma_start3A_5, %add3A_3] : memref<2x1605632xi32, #tpu.memory_space<hbm>> -> memref<2x256xi32, #tpu.memory_space<hbm>>
    tpu.enqueue_dma source(%dma_start3A_6 : memref<2x256xi32, #tpu.memory_space<hbm>>) target(%arg5 : memref<2x256xi32, #tpu.memory_space<vmem>>) target_semaphore(%arg14 : memref<!tpu.dma_semaphore, #tpu.memory_space<semaphore_mem>>)
    %add3A_7 = arith.constant 256 : i32
    %add3A_8 = arith.addi %mul3A_2, %add3A_7 : i32
    %dma_start3A_9 = arith.constant 0 : i32
    %dma_start3A_10 = tpu.memref_slice %arg3[%dma_start3A_9, %add3A_8] : memref<2x1605632xi32, #tpu.memory_space<hbm>> -> memref<2x256xi32, #tpu.memory_space<hbm>>
    %dma_start3A_11 = arith.constant 0 : i32
    %dma_start3A_12 = tpu.memref_slice %arg3[%dma_start3A_11, %add3A_8] : memref<2x1605632xi32, #tpu.memory_space<hbm>> -> memref<2x256xi32, #tpu.memory_space<hbm>>
    tpu.enqueue_dma source(%dma_start3A_12 : memref<2x256xi32, #tpu.memory_space<hbm>>) target(%arg6 : memref<2x256xi32, #tpu.memory_space<vmem>>) target_semaphore(%arg15 : memref<!tpu.dma_semaphore, #tpu.memory_space<semaphore_mem>>)
    %add3A_13 = arith.constant 512 : i32
    %add3A_14 = arith.addi %mul3A_2, %add3A_13 : i32
    %dma_start3A_15 = arith.constant 0 : i32
    %dma_start3A_16 = tpu.memref_slice %arg3[%dma_start3A_15, %add3A_14] : memref<2x1605632xi32, #tpu.memory_space<hbm>> -> memref<2x256xi32, #tpu.memory_space<hbm>>
    %dma_start3A_17 = arith.constant 0 : i32
    %dma_start3A_18 = tpu.memref_slice %arg3[%dma_start3A_17, %add3A_14] : memref<2x1605632xi32, #tpu.memory_space<hbm>> -> memref<2x256xi32, #tpu.memory_space<hbm>>
    tpu.enqueue_dma source(%dma_start3A_18 : memref<2x256xi32, #tpu.memory_space<hbm>>) target(%arg7 : memref<2x256xi32, #tpu.memory_space<vmem>>) target_semaphore(%arg16 : memref<!tpu.dma_semaphore, #tpu.memory_space<semaphore_mem>>)
    %add3A_19 = arith.constant 768 : i32
    %add3A_20 = arith.addi %mul3A_2, %add3A_19 : i32
    %dma_start3A_21 = arith.constant 0 : i32
    %dma_start3A_22 = tpu.memref_slice %arg3[%dma_start3A_21, %add3A_20] : memref<2x1605632xi32, #tpu.memory_space<hbm>> -> memref<2x256xi32, #tpu.memory_space<hbm>>
    %dma_start3A_23 = arith.constant 0 : i32
    %dma_start3A_24 = tpu.memref_slice %arg3[%dma_start3A_23, %add3A_20] : memref<2x1605632xi32, #tpu.memory_space<hbm>> -> memref<2x256xi32, #tpu.memory_space<hbm>>
    tpu.enqueue_dma source(%dma_start3A_24 : memref<2x256xi32, #tpu.memory_space<hbm>>) target(%arg8 : memref<2x256xi32, #tpu.memory_space<vmem>>) target_semaphore(%arg17 : memref<!tpu.dma_semaphore, #tpu.memory_space<semaphore_mem>>)
    %scan3A = arith.constant 0 : i32
    %scan3A_25 = arith.constant 97 : i32
    %scan3A_26 = arith.addi %scan3A, %scan3A_25 : i32
    %scan3A_27 = arith.constant 1 : i32
    scf.for %scan3A_189 = %scan3A to %scan3A_26 step %scan3A_27  : i32 {
      %mul3A_190 = arith.constant 4 : i32
      %mul3A_191 = arith.muli %scan3A_189, %mul3A_190 : i32
      %add3A_192 = arith.constant 0 : i32
      %add3A_193 = arith.addi %add3A_192, %mul3A_191 : i32
      %dma_wait3A_194 = arith.constant 0 : i32
      %dma_wait3A_195 = tpu.memref_slice %arg3[%dma_wait3A_194, %mul3A_2] : memref<2x1605632xi32, #tpu.memory_space<hbm>> -> memref<2x256xi32, #tpu.memory_space<hbm>>
      %dma_wait3A_196 = arith.constant 0 : i32
      %dma_wait3A_197 = tpu.memref_slice %arg3[%dma_wait3A_196, %mul3A_2] : memref<2x1605632xi32, #tpu.memory_space<hbm>> -> memref<2x256xi32, #tpu.memory_space<hbm>>
      tpu.wait_dma2 semaphore(%arg14 : memref<!tpu.dma_semaphore, #tpu.memory_space<semaphore_mem>>) src(%dma_wait3A_197 : memref<2x256xi32, #tpu.memory_space<hbm>>) dst(%arg5 : memref<2x256xi32, #tpu.memory_space<vmem>>)
      %dma_start3A_198 = arith.constant 0 : i32
      %dma_start3A_199 = arith.constant 0 : i32
      %dma_start3A_200 = tpu.memref_slice %arg5[%dma_start3A_198, %dma_start3A_199] : memref<2x256xi32, #tpu.memory_space<vmem>> -> memref<1x256xi32, #tpu.memory_space<vmem>>
      %dma_start3A_201 = tpu.memref_squeeze %dma_start3A_200 : memref<1x256xi32, #tpu.memory_space<vmem>> -> memref<256xi32, #tpu.memory_space<vmem>>
      %dma_start3A_202 = arith.constant 0 : i32
      %dma_start3A_203 = arith.constant 0 : i32
      %dma_start3A_204 = tpu.memref_slice %arg2[%arg0, %dma_start3A_202, %dma_start3A_203] : memref<2x100352x16xf32, #tpu.memory_space<hbm>> -> memref<1x100352x16xf32, #tpu.memory_space<hbm>>
      %dma_start3A_205 = tpu.memref_squeeze %dma_start3A_204 : memref<1x100352x16xf32, #tpu.memory_space<hbm>> -> memref<100352x16xf32, #tpu.memory_space<hbm>>
      %dma_start3A_206 = arith.constant 0 : i32
      %dma_start3A_207 = arith.constant 0 : i32
      %dma_start3A_208 = tpu.memref_slice %dma_start3A_205[%dma_start3A_206, %dma_start3A_207] : memref<100352x16xf32, #tpu.memory_space<hbm>> -> memref<100352x16xf32, #tpu.memory_space<hbm>>
      tpu.enqueue_indirect_dma source(%dma_start3A_208 : memref<100352x16xf32, #tpu.memory_space<hbm>>) target(%arg9 : memref<256x16xf32, #tpu.memory_space<vmem>>) offsets(%dma_start3A_201 : memref<256xi32, #tpu.memory_space<vmem>>) semaphore(%arg18 : memref<!tpu.dma_semaphore, #tpu.memory_space<semaphore_mem>>)
      %dma_wait3A_209 = arith.constant 0 : i32
      %dma_wait3A_210 = tpu.memref_slice %arg3[%dma_wait3A_209, %mul3A_2] : memref<2x1605632xi32, #tpu.memory_space<hbm>> -> memref<2x256xi32, #tpu.memory_space<hbm>>
      %dma_wait3A_211 = arith.constant 0 : i32
      %dma_wait3A_212 = tpu.memref_slice %arg3[%dma_wait3A_211, %mul3A_2] : memref<2x1605632xi32, #tpu.memory_space<hbm>> -> memref<2x256xi32, #tpu.memory_space<hbm>>
      tpu.wait_dma2 semaphore(%arg15 : memref<!tpu.dma_semaphore, #tpu.memory_space<semaphore_mem>>) src(%dma_wait3A_212 : memref<2x256xi32, #tpu.memory_space<hbm>>) dst(%arg6 : memref<2x256xi32, #tpu.memory_space<vmem>>)
      %dma_start3A_213 = arith.constant 0 : i32
      %dma_start3A_214 = arith.constant 0 : i32
      %dma_start3A_215 = tpu.memref_slice %arg6[%dma_start3A_213, %dma_start3A_214] : memref<2x256xi32, #tpu.memory_space<vmem>> -> memref<1x256xi32, #tpu.memory_space<vmem>>
      %dma_start3A_216 = tpu.memref_squeeze %dma_start3A_215 : memref<1x256xi32, #tpu.memory_space<vmem>> -> memref<256xi32, #tpu.memory_space<vmem>>
      %dma_start3A_217 = arith.constant 0 : i32
      %dma_start3A_218 = arith.constant 0 : i32
      %dma_start3A_219 = tpu.memref_slice %arg2[%arg0, %dma_start3A_217, %dma_start3A_218] : memref<2x100352x16xf32, #tpu.memory_space<hbm>> -> memref<1x100352x16xf32, #tpu.memory_space<hbm>>
      %dma_start3A_220 = tpu.memref_squeeze %dma_start3A_219 : memref<1x100352x16xf32, #tpu.memory_space<hbm>> -> memref<100352x16xf32, #tpu.memory_space<hbm>>
      %dma_start3A_221 = arith.constant 0 : i32
      %dma_start3A_222 = arith.constant 0 : i32
      %dma_start3A_223 = tpu.memref_slice %dma_start3A_220[%dma_start3A_221, %dma_start3A_222] : memref<100352x16xf32, #tpu.memory_space<hbm>> -> memref<100352x16xf32, #tpu.memory_space<hbm>>
      tpu.enqueue_indirect_dma source(%dma_start3A_223 : memref<100352x16xf32, #tpu.memory_space<hbm>>) target(%arg10 : memref<256x16xf32, #tpu.memory_space<vmem>>) offsets(%dma_start3A_216 : memref<256xi32, #tpu.memory_space<vmem>>) semaphore(%arg19 : memref<!tpu.dma_semaphore, #tpu.memory_space<semaphore_mem>>)
      %dma_wait3A_224 = arith.constant 0 : i32
      %dma_wait3A_225 = tpu.memref_slice %arg3[%dma_wait3A_224, %mul3A_2] : memref<2x1605632xi32, #tpu.memory_space<hbm>> -> memref<2x256xi32, #tpu.memory_space<hbm>>
      %dma_wait3A_226 = arith.constant 0 : i32
      %dma_wait3A_227 = tpu.memref_slice %arg3[%dma_wait3A_226, %mul3A_2] : memref<2x1605632xi32, #tpu.memory_space<hbm>> -> memref<2x256xi32, #tpu.memory_space<hbm>>
      tpu.wait_dma2 semaphore(%arg16 : memref<!tpu.dma_semaphore, #tpu.memory_space<semaphore_mem>>) src(%dma_wait3A_227 : memref<2x256xi32, #tpu.memory_space<hbm>>) dst(%arg7 : memref<2x256xi32, #tpu.memory_space<vmem>>)
      %dma_start3A_228 = arith.constant 0 : i32
      %dma_start3A_229 = arith.constant 0 : i32
      %dma_start3A_230 = tpu.memref_slice %arg7[%dma_start3A_228, %dma_start3A_229] : memref<2x256xi32, #tpu.memory_space<vmem>> -> memref<1x256xi32, #tpu.memory_space<vmem>>
      %dma_start3A_231 = tpu.memref_squeeze %dma_start3A_230 : memref<1x256xi32, #tpu.memory_space<vmem>> -> memref<256xi32, #tpu.memory_space<vmem>>
      %dma_start3A_232 = arith.constant 0 : i32
      %dma_start3A_233 = arith.constant 0 : i32
      %dma_start3A_234 = tpu.memref_slice %arg2[%arg0, %dma_start3A_232, %dma_start3A_233] : memref<2x100352x16xf32, #tpu.memory_space<hbm>> -> memref<1x100352x16xf32, #tpu.memory_space<hbm>>
      %dma_start3A_235 = tpu.memref_squeeze %dma_start3A_234 : memref<1x100352x16xf32, #tpu.memory_space<hbm>> -> memref<100352x16xf32, #tpu.memory_space<hbm>>
      %dma_start3A_236 = arith.constant 0 : i32
      %dma_start3A_237 = arith.constant 0 : i32
      %dma_start3A_238 = tpu.memref_slice %dma_start3A_235[%dma_start3A_236, %dma_start3A_237] : memref<100352x16xf32, #tpu.memory_space<hbm>> -> memref<100352x16xf32, #tpu.memory_space<hbm>>
      tpu.enqueue_indirect_dma source(%dma_start3A_238 : memref<100352x16xf32, #tpu.memory_space<hbm>>) target(%arg11 : memref<256x16xf32, #tpu.memory_space<vmem>>) offsets(%dma_start3A_231 : memref<256xi32, #tpu.memory_space<vmem>>) semaphore(%arg20 : memref<!tpu.dma_semaphore, #tpu.memory_space<semaphore_mem>>)
      %dma_wait3A_239 = arith.constant 0 : i32
      %dma_wait3A_240 = tpu.memref_slice %arg3[%dma_wait3A_239, %mul3A_2] : memref<2x1605632xi32, #tpu.memory_space<hbm>> -> memref<2x256xi32, #tpu.memory_space<hbm>>
      %dma_wait3A_241 = arith.constant 0 : i32
      %dma_wait3A_242 = tpu.memref_slice %arg3[%dma_wait3A_241, %mul3A_2] : memref<2x1605632xi32, #tpu.memory_space<hbm>> -> memref<2x256xi32, #tpu.memory_space<hbm>>
      tpu.wait_dma2 semaphore(%arg17 : memref<!tpu.dma_semaphore, #tpu.memory_space<semaphore_mem>>) src(%dma_wait3A_242 : memref<2x256xi32, #tpu.memory_space<hbm>>) dst(%arg8 : memref<2x256xi32, #tpu.memory_space<vmem>>)
      %dma_start3A_243 = arith.constant 0 : i32
      %dma_start3A_244 = arith.constant 0 : i32
      %dma_start3A_245 = tpu.memref_slice %arg8[%dma_start3A_243, %dma_start3A_244] : memref<2x256xi32, #tpu.memory_space<vmem>> -> memref<1x256xi32, #tpu.memory_space<vmem>>
      %dma_start3A_246 = tpu.memref_squeeze %dma_start3A_245 : memref<1x256xi32, #tpu.memory_space<vmem>> -> memref<256xi32, #tpu.memory_space<vmem>>
      %dma_start3A_247 = arith.constant 0 : i32
      %dma_start3A_248 = arith.constant 0 : i32
      %dma_start3A_249 = tpu.memref_slice %arg2[%arg0, %dma_start3A_247, %dma_start3A_248] : memref<2x100352x16xf32, #tpu.memory_space<hbm>> -> memref<1x100352x16xf32, #tpu.memory_space<hbm>>
      %dma_start3A_250 = tpu.memref_squeeze %dma_start3A_249 : memref<1x100352x16xf32, #tpu.memory_space<hbm>> -> memref<100352x16xf32, #tpu.memory_space<hbm>>
      %dma_start3A_251 = arith.constant 0 : i32
      %dma_start3A_252 = arith.constant 0 : i32
      %dma_start3A_253 = tpu.memref_slice %dma_start3A_250[%dma_start3A_251, %dma_start3A_252] : memref<100352x16xf32, #tpu.memory_space<hbm>> -> memref<100352x16xf32, #tpu.memory_space<hbm>>
      tpu.enqueue_indirect_dma source(%dma_start3A_253 : memref<100352x16xf32, #tpu.memory_space<hbm>>) target(%arg12 : memref<256x16xf32, #tpu.memory_space<vmem>>) offsets(%dma_start3A_246 : memref<256xi32, #tpu.memory_space<vmem>>) semaphore(%arg21 : memref<!tpu.dma_semaphore, #tpu.memory_space<semaphore_mem>>)
      %dma_wait3A_254 = arith.constant 0 : i32
      %dma_wait3A_255 = arith.constant 0 : i32
      %dma_wait3A_256 = tpu.memref_slice %arg5[%dma_wait3A_254, %dma_wait3A_255] : memref<2x256xi32, #tpu.memory_space<vmem>> -> memref<1x256xi32, #tpu.memory_space<vmem>>
      %dma_wait3A_257 = tpu.memref_squeeze %dma_wait3A_256 : memref<1x256xi32, #tpu.memory_space<vmem>> -> memref<256xi32, #tpu.memory_space<vmem>>
      %dma_wait3A_258 = arith.constant 0 : i32
      %dma_wait3A_259 = arith.constant 0 : i32
      %dma_wait3A_260 = tpu.memref_slice %arg2[%arg0, %dma_wait3A_258, %dma_wait3A_259] : memref<2x100352x16xf32, #tpu.memory_space<hbm>> -> memref<1x100352x16xf32, #tpu.memory_space<hbm>>
      %dma_wait3A_261 = tpu.memref_squeeze %dma_wait3A_260 : memref<1x100352x16xf32, #tpu.memory_space<hbm>> -> memref<100352x16xf32, #tpu.memory_space<hbm>>
      %dma_wait3A_262 = arith.constant 0 : i32
      %dma_wait3A_263 = arith.constant 0 : i32
      %dma_wait3A_264 = tpu.memref_slice %dma_wait3A_261[%dma_wait3A_262, %dma_wait3A_263] : memref<100352x16xf32, #tpu.memory_space<hbm>> -> memref<100352x16xf32, #tpu.memory_space<hbm>>
      tpu.wait_indirect_dma semaphore(%arg18 : memref<!tpu.dma_semaphore, #tpu.memory_space<semaphore_mem>>) src(%dma_wait3A_264 : memref<100352x16xf32, #tpu.memory_space<hbm>>) dst(%arg9 : memref<256x16xf32, #tpu.memory_space<vmem>>)
      %dma_start3A_265 = arith.constant 1 : i32
      %dma_start3A_266 = arith.constant 0 : i32
      %dma_start3A_267 = tpu.memref_slice %arg5[%dma_start3A_265, %dma_start3A_266] : memref<2x256xi32, #tpu.memory_space<vmem>> -> memref<1x256xi32, #tpu.memory_space<vmem>>
      %dma_start3A_268 = tpu.memref_squeeze %dma_start3A_267 : memref<1x256xi32, #tpu.memory_space<vmem>> -> memref<256xi32, #tpu.memory_space<vmem>>
      %dma_start3A_269 = arith.constant 0 : i32
      %dma_start3A_270 = arith.constant 0 : i32
      %dma_start3A_271 = tpu.memref_slice %arg13[%dma_start3A_269, %dma_start3A_270] : memref<100480x16xf32, #tpu.memory_space<vmem_shared>> -> memref<100480x16xf32, #tpu.memory_space<vmem_shared>>
      tpu.enqueue_indirect_dma source(%arg9 : memref<256x16xf32, #tpu.memory_space<vmem>>) target(%dma_start3A_271 : memref<100480x16xf32, #tpu.memory_space<vmem_shared>>) offsets(%dma_start3A_268 : memref<256xi32, #tpu.memory_space<vmem>>) semaphore(%arg22 : memref<!tpu.dma_semaphore, #tpu.memory_space<semaphore_mem>>) {add = true}
      %dma_wait3A_272 = arith.constant 0 : i32
      %dma_wait3A_273 = arith.constant 0 : i32
      %dma_wait3A_274 = tpu.memref_slice %arg6[%dma_wait3A_272, %dma_wait3A_273] : memref<2x256xi32, #tpu.memory_space<vmem>> -> memref<1x256xi32, #tpu.memory_space<vmem>>
      %dma_wait3A_275 = tpu.memref_squeeze %dma_wait3A_274 : memref<1x256xi32, #tpu.memory_space<vmem>> -> memref<256xi32, #tpu.memory_space<vmem>>
      %dma_wait3A_276 = arith.constant 0 : i32
      %dma_wait3A_277 = arith.constant 0 : i32
      %dma_wait3A_278 = tpu.memref_slice %arg2[%arg0, %dma_wait3A_276, %dma_wait3A_277] : memref<2x100352x16xf32, #tpu.memory_space<hbm>> -> memref<1x100352x16xf32, #tpu.memory_space<hbm>>
      %dma_wait3A_279 = tpu.memref_squeeze %dma_wait3A_278 : memref<1x100352x16xf32, #tpu.memory_space<hbm>> -> memref<100352x16xf32, #tpu.memory_space<hbm>>
      %dma_wait3A_280 = arith.constant 0 : i32
      %dma_wait3A_281 = arith.constant 0 : i32
      %dma_wait3A_282 = tpu.memref_slice %dma_wait3A_279[%dma_wait3A_280, %dma_wait3A_281] : memref<100352x16xf32, #tpu.memory_space<hbm>> -> memref<100352x16xf32, #tpu.memory_space<hbm>>
      tpu.wait_indirect_dma semaphore(%arg19 : memref<!tpu.dma_semaphore, #tpu.memory_space<semaphore_mem>>) src(%dma_wait3A_282 : memref<100352x16xf32, #tpu.memory_space<hbm>>) dst(%arg10 : memref<256x16xf32, #tpu.memory_space<vmem>>)
      %dma_start3A_283 = arith.constant 1 : i32
      %dma_start3A_284 = arith.constant 0 : i32
      %dma_start3A_285 = tpu.memref_slice %arg6[%dma_start3A_283, %dma_start3A_284] : memref<2x256xi32, #tpu.memory_space<vmem>> -> memref<1x256xi32, #tpu.memory_space<vmem>>
      %dma_start3A_286 = tpu.memref_squeeze %dma_start3A_285 : memref<1x256xi32, #tpu.memory_space<vmem>> -> memref<256xi32, #tpu.memory_space<vmem>>
      %dma_start3A_287 = arith.constant 0 : i32
      %dma_start3A_288 = arith.constant 0 : i32
      %dma_start3A_289 = tpu.memref_slice %arg13[%dma_start3A_287, %dma_start3A_288] : memref<100480x16xf32, #tpu.memory_space<vmem_shared>> -> memref<100480x16xf32, #tpu.memory_space<vmem_shared>>
      tpu.enqueue_indirect_dma source(%arg10 : memref<256x16xf32, #tpu.memory_space<vmem>>) target(%dma_start3A_289 : memref<100480x16xf32, #tpu.memory_space<vmem_shared>>) offsets(%dma_start3A_286 : memref<256xi32, #tpu.memory_space<vmem>>) semaphore(%arg23 : memref<!tpu.dma_semaphore, #tpu.memory_space<semaphore_mem>>) {add = true}
      %dma_wait3A_290 = arith.constant 0 : i32
      %dma_wait3A_291 = arith.constant 0 : i32
      %dma_wait3A_292 = tpu.memref_slice %arg7[%dma_wait3A_290, %dma_wait3A_291] : memref<2x256xi32, #tpu.memory_space<vmem>> -> memref<1x256xi32, #tpu.memory_space<vmem>>
      %dma_wait3A_293 = tpu.memref_squeeze %dma_wait3A_292 : memref<1x256xi32, #tpu.memory_space<vmem>> -> memref<256xi32, #tpu.memory_space<vmem>>
      %dma_wait3A_294 = arith.constant 0 : i32
      %dma_wait3A_295 = arith.constant 0 : i32
      %dma_wait3A_296 = tpu.memref_slice %arg2[%arg0, %dma_wait3A_294, %dma_wait3A_295] : memref<2x100352x16xf32, #tpu.memory_space<hbm>> -> memref<1x100352x16xf32, #tpu.memory_space<hbm>>
      %dma_wait3A_297 = tpu.memref_squeeze %dma_wait3A_296 : memref<1x100352x16xf32, #tpu.memory_space<hbm>> -> memref<100352x16xf32, #tpu.memory_space<hbm>>
      %dma_wait3A_298 = arith.constant 0 : i32
      %dma_wait3A_299 = arith.constant 0 : i32
      %dma_wait3A_300 = tpu.memref_slice %dma_wait3A_297[%dma_wait3A_298, %dma_wait3A_299] : memref<100352x16xf32, #tpu.memory_space<hbm>> -> memref<100352x16xf32, #tpu.memory_space<hbm>>
      tpu.wait_indirect_dma semaphore(%arg20 : memref<!tpu.dma_semaphore, #tpu.memory_space<semaphore_mem>>) src(%dma_wait3A_300 : memref<100352x16xf32, #tpu.memory_space<hbm>>) dst(%arg11 : memref<256x16xf32, #tpu.memory_space<vmem>>)
      %dma_start3A_301 = arith.constant 1 : i32
      %dma_start3A_302 = arith.constant 0 : i32
      %dma_start3A_303 = tpu.memref_slice %arg7[%dma_start3A_301, %dma_start3A_302] : memref<2x256xi32, #tpu.memory_space<vmem>> -> memref<1x256xi32, #tpu.memory_space<vmem>>
      %dma_start3A_304 = tpu.memref_squeeze %dma_start3A_303 : memref<1x256xi32, #tpu.memory_space<vmem>> -> memref<256xi32, #tpu.memory_space<vmem>>
      %dma_start3A_305 = arith.constant 0 : i32
      %dma_start3A_306 = arith.constant 0 : i32
      %dma_start3A_307 = tpu.memref_slice %arg13[%dma_start3A_305, %dma_start3A_306] : memref<100480x16xf32, #tpu.memory_space<vmem_shared>> -> memref<100480x16xf32, #tpu.memory_space<vmem_shared>>
      tpu.enqueue_indirect_dma source(%arg11 : memref<256x16xf32, #tpu.memory_space<vmem>>) target(%dma_start3A_307 : memref<100480x16xf32, #tpu.memory_space<vmem_shared>>) offsets(%dma_start3A_304 : memref<256xi32, #tpu.memory_space<vmem>>) semaphore(%arg24 : memref<!tpu.dma_semaphore, #tpu.memory_space<semaphore_mem>>) {add = true}
      %dma_wait3A_308 = arith.constant 0 : i32
      %dma_wait3A_309 = arith.constant 0 : i32
      %dma_wait3A_310 = tpu.memref_slice %arg8[%dma_wait3A_308, %dma_wait3A_309] : memref<2x256xi32, #tpu.memory_space<vmem>> -> memref<1x256xi32, #tpu.memory_space<vmem>>
      %dma_wait3A_311 = tpu.memref_squeeze %dma_wait3A_310 : memref<1x256xi32, #tpu.memory_space<vmem>> -> memref<256xi32, #tpu.memory_space<vmem>>
      %dma_wait3A_312 = arith.constant 0 : i32
      %dma_wait3A_313 = arith.constant 0 : i32
      %dma_wait3A_314 = tpu.memref_slice %arg2[%arg0, %dma_wait3A_312, %dma_wait3A_313] : memref<2x100352x16xf32, #tpu.memory_space<hbm>> -> memref<1x100352x16xf32, #tpu.memory_space<hbm>>
      %dma_wait3A_315 = tpu.memref_squeeze %dma_wait3A_314 : memref<1x100352x16xf32, #tpu.memory_space<hbm>> -> memref<100352x16xf32, #tpu.memory_space<hbm>>
      %dma_wait3A_316 = arith.constant 0 : i32
      %dma_wait3A_317 = arith.constant 0 : i32
      %dma_wait3A_318 = tpu.memref_slice %dma_wait3A_315[%dma_wait3A_316, %dma_wait3A_317] : memref<100352x16xf32, #tpu.memory_space<hbm>> -> memref<100352x16xf32, #tpu.memory_space<hbm>>
      tpu.wait_indirect_dma semaphore(%arg21 : memref<!tpu.dma_semaphore, #tpu.memory_space<semaphore_mem>>) src(%dma_wait3A_318 : memref<100352x16xf32, #tpu.memory_space<hbm>>) dst(%arg12 : memref<256x16xf32, #tpu.memory_space<vmem>>)
      %dma_start3A_319 = arith.constant 1 : i32
      %dma_start3A_320 = arith.constant 0 : i32
      %dma_start3A_321 = tpu.memref_slice %arg8[%dma_start3A_319, %dma_start3A_320] : memref<2x256xi32, #tpu.memory_space<vmem>> -> memref<1x256xi32, #tpu.memory_space<vmem>>
      %dma_start3A_322 = tpu.memref_squeeze %dma_start3A_321 : memref<1x256xi32, #tpu.memory_space<vmem>> -> memref<256xi32, #tpu.memory_space<vmem>>
      %dma_start3A_323 = arith.constant 0 : i32
      %dma_start3A_324 = arith.constant 0 : i32
      %dma_start3A_325 = tpu.memref_slice %arg13[%dma_start3A_323, %dma_start3A_324] : memref<100480x16xf32, #tpu.memory_space<vmem_shared>> -> memref<100480x16xf32, #tpu.memory_space<vmem_shared>>
      tpu.enqueue_indirect_dma source(%arg12 : memref<256x16xf32, #tpu.memory_space<vmem>>) target(%dma_start3A_325 : memref<100480x16xf32, #tpu.memory_space<vmem_shared>>) offsets(%dma_start3A_322 : memref<256xi32, #tpu.memory_space<vmem>>) semaphore(%arg25 : memref<!tpu.dma_semaphore, #tpu.memory_space<semaphore_mem>>) {add = true}
      %dma_wait3A_326 = arith.constant 1 : i32
      %dma_wait3A_327 = arith.constant 0 : i32
      %dma_wait3A_328 = tpu.memref_slice %arg5[%dma_wait3A_326, %dma_wait3A_327] : memref<2x256xi32, #tpu.memory_space<vmem>> -> memref<1x256xi32, #tpu.memory_space<vmem>>
      %dma_wait3A_329 = tpu.memref_squeeze %dma_wait3A_328 : memref<1x256xi32, #tpu.memory_space<vmem>> -> memref<256xi32, #tpu.memory_space<vmem>>
      %dma_wait3A_330 = arith.constant 0 : i32
      %dma_wait3A_331 = arith.constant 0 : i32
      %dma_wait3A_332 = tpu.memref_slice %arg13[%dma_wait3A_330, %dma_wait3A_331] : memref<100480x16xf32, #tpu.memory_space<vmem_shared>> -> memref<100480x16xf32, #tpu.memory_space<vmem_shared>>
      tpu.wait_indirect_dma semaphore(%arg22 : memref<!tpu.dma_semaphore, #tpu.memory_space<semaphore_mem>>) src(%arg9 : memref<256x16xf32, #tpu.memory_space<vmem>>) dst(%dma_wait3A_332 : memref<100480x16xf32, #tpu.memory_space<vmem_shared>>)
      %add3A_333 = arith.constant 4 : i32
      %add3A_334 = arith.addi %add3A_193, %add3A_333 : i32
      %add3A_335 = arith.constant 0 : i32
      %add3A_336 = arith.addi %add3A_334, %add3A_335 : i32
      %mul3A_337 = arith.constant 256 : i32
      %mul3A_338 = arith.muli %add3A_336, %mul3A_337 : i32
      %add3A_339 = arith.addi %mul3A_2, %mul3A_338 : i32
      %dma_start3A_340 = arith.constant 0 : i32
      %dma_start3A_341 = tpu.memref_slice %arg3[%dma_start3A_340, %add3A_339] : memref<2x1605632xi32, #tpu.memory_space<hbm>> -> memref<2x256xi32, #tpu.memory_space<hbm>>
      %dma_start3A_342 = arith.constant 0 : i32
      %dma_start3A_343 = tpu.memref_slice %arg3[%dma_start3A_342, %add3A_339] : memref<2x1605632xi32, #tpu.memory_space<hbm>> -> memref<2x256xi32, #tpu.memory_space<hbm>>
      tpu.enqueue_dma source(%dma_start3A_343 : memref<2x256xi32, #tpu.memory_space<hbm>>) target(%arg5 : memref<2x256xi32, #tpu.memory_space<vmem>>) target_semaphore(%arg14 : memref<!tpu.dma_semaphore, #tpu.memory_space<semaphore_mem>>)
      %dma_wait3A_344 = arith.constant 1 : i32
      %dma_wait3A_345 = arith.constant 0 : i32
      %dma_wait3A_346 = tpu.memref_slice %arg6[%dma_wait3A_344, %dma_wait3A_345] : memref<2x256xi32, #tpu.memory_space<vmem>> -> memref<1x256xi32, #tpu.memory_space<vmem>>
      %dma_wait3A_347 = tpu.memref_squeeze %dma_wait3A_346 : memref<1x256xi32, #tpu.memory_space<vmem>> -> memref<256xi32, #tpu.memory_space<vmem>>
      %dma_wait3A_348 = arith.constant 0 : i32
      %dma_wait3A_349 = arith.constant 0 : i32
      %dma_wait3A_350 = tpu.memref_slice %arg13[%dma_wait3A_348, %dma_wait3A_349] : memref<100480x16xf32, #tpu.memory_space<vmem_shared>> -> memref<100480x16xf32, #tpu.memory_space<vmem_shared>>
      tpu.wait_indirect_dma semaphore(%arg23 : memref<!tpu.dma_semaphore, #tpu.memory_space<semaphore_mem>>) src(%arg10 : memref<256x16xf32, #tpu.memory_space<vmem>>) dst(%dma_wait3A_350 : memref<100480x16xf32, #tpu.memory_space<vmem_shared>>)
      %add3A_351 = arith.constant 4 : i32
      %add3A_352 = arith.addi %add3A_193, %add3A_351 : i32
      %add3A_353 = arith.constant 1 : i32
      %add3A_354 = arith.addi %add3A_352, %add3A_353 : i32
      %mul3A_355 = arith.constant 256 : i32
      %mul3A_356 = arith.muli %add3A_354, %mul3A_355 : i32
      %add3A_357 = arith.addi %mul3A_2, %mul3A_356 : i32
      %dma_start3A_358 = arith.constant 0 : i32
      %dma_start3A_359 = tpu.memref_slice %arg3[%dma_start3A_358, %add3A_357] : memref<2x1605632xi32, #tpu.memory_space<hbm>> -> memref<2x256xi32, #tpu.memory_space<hbm>>
      %dma_start3A_360 = arith.constant 0 : i32
      %dma_start3A_361 = tpu.memref_slice %arg3[%dma_start3A_360, %add3A_357] : memref<2x1605632xi32, #tpu.memory_space<hbm>> -> memref<2x256xi32, #tpu.memory_space<hbm>>
      tpu.enqueue_dma source(%dma_start3A_361 : memref<2x256xi32, #tpu.memory_space<hbm>>) target(%arg6 : memref<2x256xi32, #tpu.memory_space<vmem>>) target_semaphore(%arg15 : memref<!tpu.dma_semaphore, #tpu.memory_space<semaphore_mem>>)
      %dma_wait3A_362 = arith.constant 1 : i32
      %dma_wait3A_363 = arith.constant 0 : i32
      %dma_wait3A_364 = tpu.memref_slice %arg7[%dma_wait3A_362, %dma_wait3A_363] : memref<2x256xi32, #tpu.memory_space<vmem>> -> memref<1x256xi32, #tpu.memory_space<vmem>>
      %dma_wait3A_365 = tpu.memref_squeeze %dma_wait3A_364 : memref<1x256xi32, #tpu.memory_space<vmem>> -> memref<256xi32, #tpu.memory_space<vmem>>
      %dma_wait3A_366 = arith.constant 0 : i32
      %dma_wait3A_367 = arith.constant 0 : i32
      %dma_wait3A_368 = tpu.memref_slice %arg13[%dma_wait3A_366, %dma_wait3A_367] : memref<100480x16xf32, #tpu.memory_space<vmem_shared>> -> memref<100480x16xf32, #tpu.memory_space<vmem_shared>>
      tpu.wait_indirect_dma semaphore(%arg24 : memref<!tpu.dma_semaphore, #tpu.memory_space<semaphore_mem>>) src(%arg11 : memref<256x16xf32, #tpu.memory_space<vmem>>) dst(%dma_wait3A_368 : memref<100480x16xf32, #tpu.memory_space<vmem_shared>>)
      %add3A_369 = arith.constant 4 : i32
      %add3A_370 = arith.addi %add3A_193, %add3A_369 : i32
      %add3A_371 = arith.constant 2 : i32
      %add3A_372 = arith.addi %add3A_370, %add3A_371 : i32
      %mul3A_373 = arith.constant 256 : i32
      %mul3A_374 = arith.muli %add3A_372, %mul3A_373 : i32
      %add3A_375 = arith.addi %mul3A_2, %mul3A_374 : i32
      %dma_start3A_376 = arith.constant 0 : i32
      %dma_start3A_377 = tpu.memref_slice %arg3[%dma_start3A_376, %add3A_375] : memref<2x1605632xi32, #tpu.memory_space<hbm>> -> memref<2x256xi32, #tpu.memory_space<hbm>>
      %dma_start3A_378 = arith.constant 0 : i32
      %dma_start3A_379 = tpu.memref_slice %arg3[%dma_start3A_378, %add3A_375] : memref<2x1605632xi32, #tpu.memory_space<hbm>> -> memref<2x256xi32, #tpu.memory_space<hbm>>
      tpu.enqueue_dma source(%dma_start3A_379 : memref<2x256xi32, #tpu.memory_space<hbm>>) target(%arg7 : memref<2x256xi32, #tpu.memory_space<vmem>>) target_semaphore(%arg16 : memref<!tpu.dma_semaphore, #tpu.memory_space<semaphore_mem>>)
      %dma_wait3A_380 = arith.constant 1 : i32
      %dma_wait3A_381 = arith.constant 0 : i32
      %dma_wait3A_382 = tpu.memref_slice %arg8[%dma_wait3A_380, %dma_wait3A_381] : memref<2x256xi32, #tpu.memory_space<vmem>> -> memref<1x256xi32, #tpu.memory_space<vmem>>
      %dma_wait3A_383 = tpu.memref_squeeze %dma_wait3A_382 : memref<1x256xi32, #tpu.memory_space<vmem>> -> memref<256xi32, #tpu.memory_space<vmem>>
      %dma_wait3A_384 = arith.constant 0 : i32
      %dma_wait3A_385 = arith.constant 0 : i32
      %dma_wait3A_386 = tpu.memref_slice %arg13[%dma_wait3A_384, %dma_wait3A_385] : memref<100480x16xf32, #tpu.memory_space<vmem_shared>> -> memref<100480x16xf32, #tpu.memory_space<vmem_shared>>
      tpu.wait_indirect_dma semaphore(%arg25 : memref<!tpu.dma_semaphore, #tpu.memory_space<semaphore_mem>>) src(%arg12 : memref<256x16xf32, #tpu.memory_space<vmem>>) dst(%dma_wait3A_386 : memref<100480x16xf32, #tpu.memory_space<vmem_shared>>)
      %add3A_387 = arith.constant 4 : i32
      %add3A_388 = arith.addi %add3A_193, %add3A_387 : i32
      %add3A_389 = arith.constant 3 : i32
      %add3A_390 = arith.addi %add3A_388, %add3A_389 : i32
      %mul3A_391 = arith.constant 256 : i32
      %mul3A_392 = arith.muli %add3A_390, %mul3A_391 : i32
      %add3A_393 = arith.addi %mul3A_2, %mul3A_392 : i32
      %dma_start3A_394 = arith.constant 0 : i32
      %dma_start3A_395 = tpu.memref_slice %arg3[%dma_start3A_394, %add3A_393] : memref<2x1605632xi32, #tpu.memory_space<hbm>> -> memref<2x256xi32, #tpu.memory_space<hbm>>
      %dma_start3A_396 = arith.constant 0 : i32
      %dma_start3A_397 = tpu.memref_slice %arg3[%dma_start3A_396, %add3A_393] : memref<2x1605632xi32, #tpu.memory_space<hbm>> -> memref<2x256xi32, #tpu.memory_space<hbm>>
      tpu.enqueue_dma source(%dma_start3A_397 : memref<2x256xi32, #tpu.memory_space<hbm>>) target(%arg8 : memref<2x256xi32, #tpu.memory_space<vmem>>) target_semaphore(%arg17 : memref<!tpu.dma_semaphore, #tpu.memory_space<semaphore_mem>>)
    }
    %scan3A_28 = arith.constant 97 : i32
    %dma_wait3A = arith.constant 0 : i32
    %dma_wait3A_29 = tpu.memref_slice %arg3[%dma_wait3A, %mul3A_2] : memref<2x1605632xi32, #tpu.memory_space<hbm>> -> memref<2x256xi32, #tpu.memory_space<hbm>>
    %dma_wait3A_30 = arith.constant 0 : i32
    %dma_wait3A_31 = tpu.memref_slice %arg3[%dma_wait3A_30, %mul3A_2] : memref<2x1605632xi32, #tpu.memory_space<hbm>> -> memref<2x256xi32, #tpu.memory_space<hbm>>
    tpu.wait_dma2 semaphore(%arg14 : memref<!tpu.dma_semaphore, #tpu.memory_space<semaphore_mem>>) src(%dma_wait3A_31 : memref<2x256xi32, #tpu.memory_space<hbm>>) dst(%arg5 : memref<2x256xi32, #tpu.memory_space<vmem>>)
    %dma_start3A_32 = arith.constant 0 : i32
    %dma_start3A_33 = arith.constant 0 : i32
    %dma_start3A_34 = tpu.memref_slice %arg5[%dma_start3A_32, %dma_start3A_33] : memref<2x256xi32, #tpu.memory_space<vmem>> -> memref<1x256xi32, #tpu.memory_space<vmem>>
    %dma_start3A_35 = tpu.memref_squeeze %dma_start3A_34 : memref<1x256xi32, #tpu.memory_space<vmem>> -> memref<256xi32, #tpu.memory_space<vmem>>
    %dma_start3A_36 = arith.constant 0 : i32
    %dma_start3A_37 = arith.constant 0 : i32
    %dma_start3A_38 = tpu.memref_slice %arg2[%arg0, %dma_start3A_36, %dma_start3A_37] : memref<2x100352x16xf32, #tpu.memory_space<hbm>> -> memref<1x100352x16xf32, #tpu.memory_space<hbm>>
    %dma_start3A_39 = tpu.memref_squeeze %dma_start3A_38 : memref<1x100352x16xf32, #tpu.memory_space<hbm>> -> memref<100352x16xf32, #tpu.memory_space<hbm>>
    %dma_start3A_40 = arith.constant 0 : i32
    %dma_start3A_41 = arith.constant 0 : i32
    %dma_start3A_42 = tpu.memref_slice %dma_start3A_39[%dma_start3A_40, %dma_start3A_41] : memref<100352x16xf32, #tpu.memory_space<hbm>> -> memref<100352x16xf32, #tpu.memory_space<hbm>>
    tpu.enqueue_indirect_dma source(%dma_start3A_42 : memref<100352x16xf32, #tpu.memory_space<hbm>>) target(%arg9 : memref<256x16xf32, #tpu.memory_space<vmem>>) offsets(%dma_start3A_35 : memref<256xi32, #tpu.memory_space<vmem>>) semaphore(%arg18 : memref<!tpu.dma_semaphore, #tpu.memory_space<semaphore_mem>>)
    %dma_wait3A_43 = arith.constant 0 : i32
    %dma_wait3A_44 = tpu.memref_slice %arg3[%dma_wait3A_43, %mul3A_2] : memref<2x1605632xi32, #tpu.memory_space<hbm>> -> memref<2x256xi32, #tpu.memory_space<hbm>>
    %dma_wait3A_45 = arith.constant 0 : i32
    %dma_wait3A_46 = tpu.memref_slice %arg3[%dma_wait3A_45, %mul3A_2] : memref<2x1605632xi32, #tpu.memory_space<hbm>> -> memref<2x256xi32, #tpu.memory_space<hbm>>
    tpu.wait_dma2 semaphore(%arg15 : memref<!tpu.dma_semaphore, #tpu.memory_space<semaphore_mem>>) src(%dma_wait3A_46 : memref<2x256xi32, #tpu.memory_space<hbm>>) dst(%arg6 : memref<2x256xi32, #tpu.memory_space<vmem>>)
    %dma_start3A_47 = arith.constant 0 : i32
    %dma_start3A_48 = arith.constant 0 : i32
    %dma_start3A_49 = tpu.memref_slice %arg6[%dma_start3A_47, %dma_start3A_48] : memref<2x256xi32, #tpu.memory_space<vmem>> -> memref<1x256xi32, #tpu.memory_space<vmem>>
    %dma_start3A_50 = tpu.memref_squeeze %dma_start3A_49 : memref<1x256xi32, #tpu.memory_space<vmem>> -> memref<256xi32, #tpu.memory_space<vmem>>
    %dma_start3A_51 = arith.constant 0 : i32
    %dma_start3A_52 = arith.constant 0 : i32
    %dma_start3A_53 = tpu.memref_slice %arg2[%arg0, %dma_start3A_51, %dma_start3A_52] : memref<2x100352x16xf32, #tpu.memory_space<hbm>> -> memref<1x100352x16xf32, #tpu.memory_space<hbm>>
    %dma_start3A_54 = tpu.memref_squeeze %dma_start3A_53 : memref<1x100352x16xf32, #tpu.memory_space<hbm>> -> memref<100352x16xf32, #tpu.memory_space<hbm>>
    %dma_start3A_55 = arith.constant 0 : i32
    %dma_start3A_56 = arith.constant 0 : i32
    %dma_start3A_57 = tpu.memref_slice %dma_start3A_54[%dma_start3A_55, %dma_start3A_56] : memref<100352x16xf32, #tpu.memory_space<hbm>> -> memref<100352x16xf32, #tpu.memory_space<hbm>>
    tpu.enqueue_indirect_dma source(%dma_start3A_57 : memref<100352x16xf32, #tpu.memory_space<hbm>>) target(%arg10 : memref<256x16xf32, #tpu.memory_space<vmem>>) offsets(%dma_start3A_50 : memref<256xi32, #tpu.memory_space<vmem>>) semaphore(%arg19 : memref<!tpu.dma_semaphore, #tpu.memory_space<semaphore_mem>>)
    %dma_wait3A_58 = arith.constant 0 : i32
    %dma_wait3A_59 = tpu.memref_slice %arg3[%dma_wait3A_58, %mul3A_2] : memref<2x1605632xi32, #tpu.memory_space<hbm>> -> memref<2x256xi32, #tpu.memory_space<hbm>>
    %dma_wait3A_60 = arith.constant 0 : i32
    %dma_wait3A_61 = tpu.memref_slice %arg3[%dma_wait3A_60, %mul3A_2] : memref<2x1605632xi32, #tpu.memory_space<hbm>> -> memref<2x256xi32, #tpu.memory_space<hbm>>
    tpu.wait_dma2 semaphore(%arg16 : memref<!tpu.dma_semaphore, #tpu.memory_space<semaphore_mem>>) src(%dma_wait3A_61 : memref<2x256xi32, #tpu.memory_space<hbm>>) dst(%arg7 : memref<2x256xi32, #tpu.memory_space<vmem>>)
    %dma_start3A_62 = arith.constant 0 : i32
    %dma_start3A_63 = arith.constant 0 : i32
    %dma_start3A_64 = tpu.memref_slice %arg7[%dma_start3A_62, %dma_start3A_63] : memref<2x256xi32, #tpu.memory_space<vmem>> -> memref<1x256xi32, #tpu.memory_space<vmem>>
    %dma_start3A_65 = tpu.memref_squeeze %dma_start3A_64 : memref<1x256xi32, #tpu.memory_space<vmem>> -> memref<256xi32, #tpu.memory_space<vmem>>
    %dma_start3A_66 = arith.constant 0 : i32
    %dma_start3A_67 = arith.constant 0 : i32
    %dma_start3A_68 = tpu.memref_slice %arg2[%arg0, %dma_start3A_66, %dma_start3A_67] : memref<2x100352x16xf32, #tpu.memory_space<hbm>> -> memref<1x100352x16xf32, #tpu.memory_space<hbm>>
    %dma_start3A_69 = tpu.memref_squeeze %dma_start3A_68 : memref<1x100352x16xf32, #tpu.memory_space<hbm>> -> memref<100352x16xf32, #tpu.memory_space<hbm>>
    %dma_start3A_70 = arith.constant 0 : i32
    %dma_start3A_71 = arith.constant 0 : i32
    %dma_start3A_72 = tpu.memref_slice %dma_start3A_69[%dma_start3A_70, %dma_start3A_71] : memref<100352x16xf32, #tpu.memory_space<hbm>> -> memref<100352x16xf32, #tpu.memory_space<hbm>>
    tpu.enqueue_indirect_dma source(%dma_start3A_72 : memref<100352x16xf32, #tpu.memory_space<hbm>>) target(%arg11 : memref<256x16xf32, #tpu.memory_space<vmem>>) offsets(%dma_start3A_65 : memref<256xi32, #tpu.memory_space<vmem>>) semaphore(%arg20 : memref<!tpu.dma_semaphore, #tpu.memory_space<semaphore_mem>>)
    %dma_wait3A_73 = arith.constant 0 : i32
    %dma_wait3A_74 = tpu.memref_slice %arg3[%dma_wait3A_73, %mul3A_2] : memref<2x1605632xi32, #tpu.memory_space<hbm>> -> memref<2x256xi32, #tpu.memory_space<hbm>>
    %dma_wait3A_75 = arith.constant 0 : i32
    %dma_wait3A_76 = tpu.memref_slice %arg3[%dma_wait3A_75, %mul3A_2] : memref<2x1605632xi32, #tpu.memory_space<hbm>> -> memref<2x256xi32, #tpu.memory_space<hbm>>
    tpu.wait_dma2 semaphore(%arg17 : memref<!tpu.dma_semaphore, #tpu.memory_space<semaphore_mem>>) src(%dma_wait3A_76 : memref<2x256xi32, #tpu.memory_space<hbm>>) dst(%arg8 : memref<2x256xi32, #tpu.memory_space<vmem>>)
    %dma_start3A_77 = arith.constant 0 : i32
    %dma_start3A_78 = arith.constant 0 : i32
    %dma_start3A_79 = tpu.memref_slice %arg8[%dma_start3A_77, %dma_start3A_78] : memref<2x256xi32, #tpu.memory_space<vmem>> -> memref<1x256xi32, #tpu.memory_space<vmem>>
    %dma_start3A_80 = tpu.memref_squeeze %dma_start3A_79 : memref<1x256xi32, #tpu.memory_space<vmem>> -> memref<256xi32, #tpu.memory_space<vmem>>
    %dma_start3A_81 = arith.constant 0 : i32
    %dma_start3A_82 = arith.constant 0 : i32
    %dma_start3A_83 = tpu.memref_slice %arg2[%arg0, %dma_start3A_81, %dma_start3A_82] : memref<2x100352x16xf32, #tpu.memory_space<hbm>> -> memref<1x100352x16xf32, #tpu.memory_space<hbm>>
    %dma_start3A_84 = tpu.memref_squeeze %dma_start3A_83 : memref<1x100352x16xf32, #tpu.memory_space<hbm>> -> memref<100352x16xf32, #tpu.memory_space<hbm>>
    %dma_start3A_85 = arith.constant 0 : i32
    %dma_start3A_86 = arith.constant 0 : i32
    %dma_start3A_87 = tpu.memref_slice %dma_start3A_84[%dma_start3A_85, %dma_start3A_86] : memref<100352x16xf32, #tpu.memory_space<hbm>> -> memref<100352x16xf32, #tpu.memory_space<hbm>>
    tpu.enqueue_indirect_dma source(%dma_start3A_87 : memref<100352x16xf32, #tpu.memory_space<hbm>>) target(%arg12 : memref<256x16xf32, #tpu.memory_space<vmem>>) offsets(%dma_start3A_80 : memref<256xi32, #tpu.memory_space<vmem>>) semaphore(%arg21 : memref<!tpu.dma_semaphore, #tpu.memory_space<semaphore_mem>>)
    %dma_wait3A_88 = arith.constant 0 : i32
    %dma_wait3A_89 = arith.constant 0 : i32
    %dma_wait3A_90 = tpu.memref_slice %arg5[%dma_wait3A_88, %dma_wait3A_89] : memref<2x256xi32, #tpu.memory_space<vmem>> -> memref<1x256xi32, #tpu.memory_space<vmem>>
    %dma_wait3A_91 = tpu.memref_squeeze %dma_wait3A_90 : memref<1x256xi32, #tpu.memory_space<vmem>> -> memref<256xi32, #tpu.memory_space<vmem>>
    %dma_wait3A_92 = arith.constant 0 : i32
    %dma_wait3A_93 = arith.constant 0 : i32
    %dma_wait3A_94 = tpu.memref_slice %arg2[%arg0, %dma_wait3A_92, %dma_wait3A_93] : memref<2x100352x16xf32, #tpu.memory_space<hbm>> -> memref<1x100352x16xf32, #tpu.memory_space<hbm>>
    %dma_wait3A_95 = tpu.memref_squeeze %dma_wait3A_94 : memref<1x100352x16xf32, #tpu.memory_space<hbm>> -> memref<100352x16xf32, #tpu.memory_space<hbm>>
    %dma_wait3A_96 = arith.constant 0 : i32
    %dma_wait3A_97 = arith.constant 0 : i32
    %dma_wait3A_98 = tpu.memref_slice %dma_wait3A_95[%dma_wait3A_96, %dma_wait3A_97] : memref<100352x16xf32, #tpu.memory_space<hbm>> -> memref<100352x16xf32, #tpu.memory_space<hbm>>
    tpu.wait_indirect_dma semaphore(%arg18 : memref<!tpu.dma_semaphore, #tpu.memory_space<semaphore_mem>>) src(%dma_wait3A_98 : memref<100352x16xf32, #tpu.memory_space<hbm>>) dst(%arg9 : memref<256x16xf32, #tpu.memory_space<vmem>>)
    %dma_start3A_99 = arith.constant 1 : i32
    %dma_start3A_100 = arith.constant 0 : i32
    %dma_start3A_101 = tpu.memref_slice %arg5[%dma_start3A_99, %dma_start3A_100] : memref<2x256xi32, #tpu.memory_space<vmem>> -> memref<1x256xi32, #tpu.memory_space<vmem>>
    %dma_start3A_102 = tpu.memref_squeeze %dma_start3A_101 : memref<1x256xi32, #tpu.memory_space<vmem>> -> memref<256xi32, #tpu.memory_space<vmem>>
    %dma_start3A_103 = arith.constant 0 : i32
    %dma_start3A_104 = arith.constant 0 : i32
    %dma_start3A_105 = tpu.memref_slice %arg13[%dma_start3A_103, %dma_start3A_104] : memref<100480x16xf32, #tpu.memory_space<vmem_shared>> -> memref<100480x16xf32, #tpu.memory_space<vmem_shared>>
    tpu.enqueue_indirect_dma source(%arg9 : memref<256x16xf32, #tpu.memory_space<vmem>>) target(%dma_start3A_105 : memref<100480x16xf32, #tpu.memory_space<vmem_shared>>) offsets(%dma_start3A_102 : memref<256xi32, #tpu.memory_space<vmem>>) semaphore(%arg22 : memref<!tpu.dma_semaphore, #tpu.memory_space<semaphore_mem>>) {add = true}
    %dma_wait3A_106 = arith.constant 0 : i32
    %dma_wait3A_107 = arith.constant 0 : i32
    %dma_wait3A_108 = tpu.memref_slice %arg6[%dma_wait3A_106, %dma_wait3A_107] : memref<2x256xi32, #tpu.memory_space<vmem>> -> memref<1x256xi32, #tpu.memory_space<vmem>>
    %dma_wait3A_109 = tpu.memref_squeeze %dma_wait3A_108 : memref<1x256xi32, #tpu.memory_space<vmem>> -> memref<256xi32, #tpu.memory_space<vmem>>
    %dma_wait3A_110 = arith.constant 0 : i32
    %dma_wait3A_111 = arith.constant 0 : i32
    %dma_wait3A_112 = tpu.memref_slice %arg2[%arg0, %dma_wait3A_110, %dma_wait3A_111] : memref<2x100352x16xf32, #tpu.memory_space<hbm>> -> memref<1x100352x16xf32, #tpu.memory_space<hbm>>
    %dma_wait3A_113 = tpu.memref_squeeze %dma_wait3A_112 : memref<1x100352x16xf32, #tpu.memory_space<hbm>> -> memref<100352x16xf32, #tpu.memory_space<hbm>>
    %dma_wait3A_114 = arith.constant 0 : i32
    %dma_wait3A_115 = arith.constant 0 : i32
    %dma_wait3A_116 = tpu.memref_slice %dma_wait3A_113[%dma_wait3A_114, %dma_wait3A_115] : memref<100352x16xf32, #tpu.memory_space<hbm>> -> memref<100352x16xf32, #tpu.memory_space<hbm>>
    tpu.wait_indirect_dma semaphore(%arg19 : memref<!tpu.dma_semaphore, #tpu.memory_space<semaphore_mem>>) src(%dma_wait3A_116 : memref<100352x16xf32, #tpu.memory_space<hbm>>) dst(%arg10 : memref<256x16xf32, #tpu.memory_space<vmem>>)
    %dma_start3A_117 = arith.constant 1 : i32
    %dma_start3A_118 = arith.constant 0 : i32
    %dma_start3A_119 = tpu.memref_slice %arg6[%dma_start3A_117, %dma_start3A_118] : memref<2x256xi32, #tpu.memory_space<vmem>> -> memref<1x256xi32, #tpu.memory_space<vmem>>
    %dma_start3A_120 = tpu.memref_squeeze %dma_start3A_119 : memref<1x256xi32, #tpu.memory_space<vmem>> -> memref<256xi32, #tpu.memory_space<vmem>>
    %dma_start3A_121 = arith.constant 0 : i32
    %dma_start3A_122 = arith.constant 0 : i32
    %dma_start3A_123 = tpu.memref_slice %arg13[%dma_start3A_121, %dma_start3A_122] : memref<100480x16xf32, #tpu.memory_space<vmem_shared>> -> memref<100480x16xf32, #tpu.memory_space<vmem_shared>>
    tpu.enqueue_indirect_dma source(%arg10 : memref<256x16xf32, #tpu.memory_space<vmem>>) target(%dma_start3A_123 : memref<100480x16xf32, #tpu.memory_space<vmem_shared>>) offsets(%dma_start3A_120 : memref<256xi32, #tpu.memory_space<vmem>>) semaphore(%arg23 : memref<!tpu.dma_semaphore, #tpu.memory_space<semaphore_mem>>) {add = true}
    %dma_wait3A_124 = arith.constant 0 : i32
    %dma_wait3A_125 = arith.constant 0 : i32
    %dma_wait3A_126 = tpu.memref_slice %arg7[%dma_wait3A_124, %dma_wait3A_125] : memref<2x256xi32, #tpu.memory_space<vmem>> -> memref<1x256xi32, #tpu.memory_space<vmem>>
    %dma_wait3A_127 = tpu.memref_squeeze %dma_wait3A_126 : memref<1x256xi32, #tpu.memory_space<vmem>> -> memref<256xi32, #tpu.memory_space<vmem>>
    %dma_wait3A_128 = arith.constant 0 : i32
    %dma_wait3A_129 = arith.constant 0 : i32
    %dma_wait3A_130 = tpu.memref_slice %arg2[%arg0, %dma_wait3A_128, %dma_wait3A_129] : memref<2x100352x16xf32, #tpu.memory_space<hbm>> -> memref<1x100352x16xf32, #tpu.memory_space<hbm>>
    %dma_wait3A_131 = tpu.memref_squeeze %dma_wait3A_130 : memref<1x100352x16xf32, #tpu.memory_space<hbm>> -> memref<100352x16xf32, #tpu.memory_space<hbm>>
    %dma_wait3A_132 = arith.constant 0 : i32
    %dma_wait3A_133 = arith.constant 0 : i32
    %dma_wait3A_134 = tpu.memref_slice %dma_wait3A_131[%dma_wait3A_132, %dma_wait3A_133] : memref<100352x16xf32, #tpu.memory_space<hbm>> -> memref<100352x16xf32, #tpu.memory_space<hbm>>
    tpu.wait_indirect_dma semaphore(%arg20 : memref<!tpu.dma_semaphore, #tpu.memory_space<semaphore_mem>>) src(%dma_wait3A_134 : memref<100352x16xf32, #tpu.memory_space<hbm>>) dst(%arg11 : memref<256x16xf32, #tpu.memory_space<vmem>>)
    %dma_start3A_135 = arith.constant 1 : i32
    %dma_start3A_136 = arith.constant 0 : i32
    %dma_start3A_137 = tpu.memref_slice %arg7[%dma_start3A_135, %dma_start3A_136] : memref<2x256xi32, #tpu.memory_space<vmem>> -> memref<1x256xi32, #tpu.memory_space<vmem>>
    %dma_start3A_138 = tpu.memref_squeeze %dma_start3A_137 : memref<1x256xi32, #tpu.memory_space<vmem>> -> memref<256xi32, #tpu.memory_space<vmem>>
    %dma_start3A_139 = arith.constant 0 : i32
    %dma_start3A_140 = arith.constant 0 : i32
    %dma_start3A_141 = tpu.memref_slice %arg13[%dma_start3A_139, %dma_start3A_140] : memref<100480x16xf32, #tpu.memory_space<vmem_shared>> -> memref<100480x16xf32, #tpu.memory_space<vmem_shared>>
    tpu.enqueue_indirect_dma source(%arg11 : memref<256x16xf32, #tpu.memory_space<vmem>>) target(%dma_start3A_141 : memref<100480x16xf32, #tpu.memory_space<vmem_shared>>) offsets(%dma_start3A_138 : memref<256xi32, #tpu.memory_space<vmem>>) semaphore(%arg24 : memref<!tpu.dma_semaphore, #tpu.memory_space<semaphore_mem>>) {add = true}
    %dma_wait3A_142 = arith.constant 0 : i32
    %dma_wait3A_143 = arith.constant 0 : i32
    %dma_wait3A_144 = tpu.memref_slice %arg8[%dma_wait3A_142, %dma_wait3A_143] : memref<2x256xi32, #tpu.memory_space<vmem>> -> memref<1x256xi32, #tpu.memory_space<vmem>>
    %dma_wait3A_145 = tpu.memref_squeeze %dma_wait3A_144 : memref<1x256xi32, #tpu.memory_space<vmem>> -> memref<256xi32, #tpu.memory_space<vmem>>
    %dma_wait3A_146 = arith.constant 0 : i32
    %dma_wait3A_147 = arith.constant 0 : i32
    %dma_wait3A_148 = tpu.memref_slice %arg2[%arg0, %dma_wait3A_146, %dma_wait3A_147] : memref<2x100352x16xf32, #tpu.memory_space<hbm>> -> memref<1x100352x16xf32, #tpu.memory_space<hbm>>
    %dma_wait3A_149 = tpu.memref_squeeze %dma_wait3A_148 : memref<1x100352x16xf32, #tpu.memory_space<hbm>> -> memref<100352x16xf32, #tpu.memory_space<hbm>>
    %dma_wait3A_150 = arith.constant 0 : i32
    %dma_wait3A_151 = arith.constant 0 : i32
    %dma_wait3A_152 = tpu.memref_slice %dma_wait3A_149[%dma_wait3A_150, %dma_wait3A_151] : memref<100352x16xf32, #tpu.memory_space<hbm>> -> memref<100352x16xf32, #tpu.memory_space<hbm>>
    tpu.wait_indirect_dma semaphore(%arg21 : memref<!tpu.dma_semaphore, #tpu.memory_space<semaphore_mem>>) src(%dma_wait3A_152 : memref<100352x16xf32, #tpu.memory_space<hbm>>) dst(%arg12 : memref<256x16xf32, #tpu.memory_space<vmem>>)
    %dma_start3A_153 = arith.constant 1 : i32
    %dma_start3A_154 = arith.constant 0 : i32
    %dma_start3A_155 = tpu.memref_slice %arg8[%dma_start3A_153, %dma_start3A_154] : memref<2x256xi32, #tpu.memory_space<vmem>> -> memref<1x256xi32, #tpu.memory_space<vmem>>
    %dma_start3A_156 = tpu.memref_squeeze %dma_start3A_155 : memref<1x256xi32, #tpu.memory_space<vmem>> -> memref<256xi32, #tpu.memory_space<vmem>>
    %dma_start3A_157 = arith.constant 0 : i32
    %dma_start3A_158 = arith.constant 0 : i32
    %dma_start3A_159 = tpu.memref_slice %arg13[%dma_start3A_157, %dma_start3A_158] : memref<100480x16xf32, #tpu.memory_space<vmem_shared>> -> memref<100480x16xf32, #tpu.memory_space<vmem_shared>>
    tpu.enqueue_indirect_dma source(%arg12 : memref<256x16xf32, #tpu.memory_space<vmem>>) target(%dma_start3A_159 : memref<100480x16xf32, #tpu.memory_space<vmem_shared>>) offsets(%dma_start3A_156 : memref<256xi32, #tpu.memory_space<vmem>>) semaphore(%arg25 : memref<!tpu.dma_semaphore, #tpu.memory_space<semaphore_mem>>) {add = true}
    %dma_wait3A_160 = arith.constant 1 : i32
    %dma_wait3A_161 = arith.constant 0 : i32
    %dma_wait3A_162 = tpu.memref_slice %arg5[%dma_wait3A_160, %dma_wait3A_161] : memref<2x256xi32, #tpu.memory_space<vmem>> -> memref<1x256xi32, #tpu.memory_space<vmem>>
    %dma_wait3A_163 = tpu.memref_squeeze %dma_wait3A_162 : memref<1x256xi32, #tpu.memory_space<vmem>> -> memref<256xi32, #tpu.memory_space<vmem>>
    %dma_wait3A_164 = arith.constant 0 : i32
    %dma_wait3A_165 = arith.constant 0 : i32
    %dma_wait3A_166 = tpu.memref_slice %arg13[%dma_wait3A_164, %dma_wait3A_165] : memref<100480x16xf32, #tpu.memory_space<vmem_shared>> -> memref<100480x16xf32, #tpu.memory_space<vmem_shared>>
    tpu.wait_indirect_dma semaphore(%arg22 : memref<!tpu.dma_semaphore, #tpu.memory_space<semaphore_mem>>) src(%arg9 : memref<256x16xf32, #tpu.memory_space<vmem>>) dst(%dma_wait3A_166 : memref<100480x16xf32, #tpu.memory_space<vmem_shared>>)
    %dma_wait3A_167 = arith.constant 1 : i32
    %dma_wait3A_168 = arith.constant 0 : i32
    %dma_wait3A_169 = tpu.memref_slice %arg6[%dma_wait3A_167, %dma_wait3A_168] : memref<2x256xi32, #tpu.memory_space<vmem>> -> memref<1x256xi32, #tpu.memory_space<vmem>>
    %dma_wait3A_170 = tpu.memref_squeeze %dma_wait3A_169 : memref<1x256xi32, #tpu.memory_space<vmem>> -> memref<256xi32, #tpu.memory_space<vmem>>
    %dma_wait3A_171 = arith.constant 0 : i32
    %dma_wait3A_172 = arith.constant 0 : i32
    %dma_wait3A_173 = tpu.memref_slice %arg13[%dma_wait3A_171, %dma_wait3A_172] : memref<100480x16xf32, #tpu.memory_space<vmem_shared>> -> memref<100480x16xf32, #tpu.memory_space<vmem_shared>>
    tpu.wait_indirect_dma semaphore(%arg23 : memref<!tpu.dma_semaphore, #tpu.memory_space<semaphore_mem>>) src(%arg10 : memref<256x16xf32, #tpu.memory_space<vmem>>) dst(%dma_wait3A_173 : memref<100480x16xf32, #tpu.memory_space<vmem_shared>>)
    %dma_wait3A_174 = arith.constant 1 : i32
    %dma_wait3A_175 = arith.constant 0 : i32
    %dma_wait3A_176 = tpu.memref_slice %arg7[%dma_wait3A_174, %dma_wait3A_175] : memref<2x256xi32, #tpu.memory_space<vmem>> -> memref<1x256xi32, #tpu.memory_space<vmem>>
    %dma_wait3A_177 = tpu.memref_squeeze %dma_wait3A_176 : memref<1x256xi32, #tpu.memory_space<vmem>> -> memref<256xi32, #tpu.memory_space<vmem>>
    %dma_wait3A_178 = arith.constant 0 : i32
    %dma_wait3A_179 = arith.constant 0 : i32
    %dma_wait3A_180 = tpu.memref_slice %arg13[%dma_wait3A_178, %dma_wait3A_179] : memref<100480x16xf32, #tpu.memory_space<vmem_shared>> -> memref<100480x16xf32, #tpu.memory_space<vmem_shared>>
    tpu.wait_indirect_dma semaphore(%arg24 : memref<!tpu.dma_semaphore, #tpu.memory_space<semaphore_mem>>) src(%arg11 : memref<256x16xf32, #tpu.memory_space<vmem>>) dst(%dma_wait3A_180 : memref<100480x16xf32, #tpu.memory_space<vmem_shared>>)
    %dma_wait3A_181 = arith.constant 1 : i32
    %dma_wait3A_182 = arith.constant 0 : i32
    %dma_wait3A_183 = tpu.memref_slice %arg8[%dma_wait3A_181, %dma_wait3A_182] : memref<2x256xi32, #tpu.memory_space<vmem>> -> memref<1x256xi32, #tpu.memory_space<vmem>>
    %dma_wait3A_184 = tpu.memref_squeeze %dma_wait3A_183 : memref<1x256xi32, #tpu.memory_space<vmem>> -> memref<256xi32, #tpu.memory_space<vmem>>
    %dma_wait3A_185 = arith.constant 0 : i32
    %dma_wait3A_186 = arith.constant 0 : i32
    %dma_wait3A_187 = tpu.memref_slice %arg13[%dma_wait3A_185, %dma_wait3A_186] : memref<100480x16xf32, #tpu.memory_space<vmem_shared>> -> memref<100480x16xf32, #tpu.memory_space<vmem_shared>>
    tpu.wait_indirect_dma semaphore(%arg25 : memref<!tpu.dma_semaphore, #tpu.memory_space<semaphore_mem>>) src(%arg12 : memref<256x16xf32, #tpu.memory_space<vmem>>) dst(%dma_wait3A_187 : memref<100480x16xf32, #tpu.memory_space<vmem_shared>>)
    %barrier3A_188 = arith.constant 0 : index
    tpu.barrier barrier_id(%barrier3A_188)
    "tpu.region"() ({
      %run_scoped3A = tpu.sem_alloc : memref<!tpu.dma_semaphore, #tpu.memory_space<semaphore_mem>>
      %dma_start3A_189 = arith.constant 0 : i32
      %dma_start3A_190 = tpu.memref_slice %arg4[%arg0, %mul3A_0, %dma_start3A_189] : memref<2x100352x16xf32, #tpu.memory_space<hbm>> -> memref<1x6272x16xf32, #tpu.memory_space<hbm>>
      %dma_start3A_191 = tpu.memref_squeeze %dma_start3A_190 : memref<1x6272x16xf32, #tpu.memory_space<hbm>> -> memref<6272x16xf32, #tpu.memory_space<hbm>>
      %dma_start3A_192 = arith.constant 0 : i32
      %dma_start3A_193 = tpu.memref_slice %arg13[%mul3A_0, %dma_start3A_192] : memref<100480x16xf32, #tpu.memory_space<vmem_shared>> -> memref<6272x16xf32, #tpu.memory_space<vmem_shared>>
      tpu.enqueue_dma source(%dma_start3A_193 : memref<6272x16xf32, #tpu.memory_space<vmem_shared>>) target(%dma_start3A_191 : memref<6272x16xf32, #tpu.memory_space<hbm>>) target_semaphore(%run_scoped3A : memref<!tpu.dma_semaphore, #tpu.memory_space<semaphore_mem>>)
      %dma_wait3A_194 = arith.constant 0 : i32
      %dma_wait3A_195 = tpu.memref_slice %arg4[%arg0, %mul3A_0, %dma_wait3A_194] : memref<2x100352x16xf32, #tpu.memory_space<hbm>> -> memref<1x6272x16xf32, #tpu.memory_space<hbm>>
      %dma_wait3A_196 = tpu.memref_squeeze %dma_wait3A_195 : memref<1x6272x16xf32, #tpu.memory_space<hbm>> -> memref<6272x16xf32, #tpu.memory_space<hbm>>
      %dma_wait3A_197 = arith.constant 0 : i32
      %dma_wait3A_198 = tpu.memref_slice %arg13[%mul3A_0, %dma_wait3A_197] : memref<100480x16xf32, #tpu.memory_space<vmem_shared>> -> memref<6272x16xf32, #tpu.memory_space<vmem_shared>>
      tpu.wait_dma2 semaphore(%run_scoped3A : memref<!tpu.dma_semaphore, #tpu.memory_space<semaphore_mem>>) src(%dma_wait3A_198 : memref<6272x16xf32, #tpu.memory_space<vmem_shared>>) dst(%dma_wait3A_196 : memref<6272x16xf32, #tpu.memory_space<hbm>>)
      tpu.yield
    }) : () -> ()
    return
  }
}

#map = affine_map<(d0, d1) -> (0)>
#map1 = affine_map<(d0, d1) -> (0, 0)>
module attributes {stable_mosaic.version = 14 : i64} {
  func.func @_deg_kernel(%arg0: i32, %arg1: i32, %arg2: memref<1605632xi32, #tpu.memory_space<hbm>>, %arg3: memref<2x100352xf32, #tpu.memory_space<hbm>>, %arg4: memref<128xf32, #tpu.memory_space<hbm>>, %arg5: memref<2x100352xf32, #tpu.memory_space<hbm>>, %arg6: memref<128xi32, #tpu.memory_space<vmem>>, %arg7: memref<128xi32, #tpu.memory_space<vmem>>, %arg8: memref<128xi32, #tpu.memory_space<vmem>>, %arg9: memref<128xi32, #tpu.memory_space<vmem>>, %arg10: memref<128xf32, #tpu.memory_space<vmem>>, %arg11: memref<100480xf32, #tpu.memory_space<vmem_shared>>, %arg12: memref<!tpu.dma_semaphore, #tpu.memory_space<semaphore_mem>>, %arg13: memref<!tpu.dma_semaphore, #tpu.memory_space<semaphore_mem>>, %arg14: memref<!tpu.dma_semaphore, #tpu.memory_space<semaphore_mem>>, %arg15: memref<!tpu.dma_semaphore, #tpu.memory_space<semaphore_mem>>, %arg16: memref<!tpu.dma_semaphore, #tpu.memory_space<semaphore_mem>>, %arg17: memref<!tpu.dma_semaphore, #tpu.memory_space<semaphore_mem>>, %arg18: memref<!tpu.dma_semaphore, #tpu.memory_space<semaphore_mem>>, %arg19: memref<!tpu.dma_semaphore, #tpu.memory_space<semaphore_mem>>) attributes {dimension_semantics = [#tpu.dimension_semantics<core_parallel>, #tpu.dimension_semantics<subcore_parallel>], iteration_bounds = array<i64: 2, 16>, scalar_prefetch = 0 : i64, scratch_operands = 14 : i64, tpu.core_type = #tpu.core_type<sc_vector_subcore>, window_params = [{transform_indices = #map}, {transform_indices = #map1}, {transform_indices = #map}, {transform_indices = #map1}]} {
    %mul3A = arith.constant 6272 : i32
    %mul3A_0 = arith.muli %arg1, %mul3A : i32
    "tpu.region"() ({
      %run_scoped3A = tpu.sem_alloc : memref<!tpu.dma_semaphore, #tpu.memory_space<semaphore_mem>>
      %dma_start3A_48 = tpu.memref_slice %arg11[%mul3A_0] : memref<100480xf32, #tpu.memory_space<vmem_shared>> -> memref<6272xf32, #tpu.memory_space<vmem_shared>>
      %dma_start3A_49 = tpu.memref_slice %arg3[%arg0, %mul3A_0] : memref<2x100352xf32, #tpu.memory_space<hbm>> -> memref<1x6272xf32, #tpu.memory_space<hbm>>
      %dma_start3A_50 = tpu.memref_squeeze %dma_start3A_49 : memref<1x6272xf32, #tpu.memory_space<hbm>> -> memref<6272xf32, #tpu.memory_space<hbm>>
      tpu.enqueue_dma source(%dma_start3A_50 : memref<6272xf32, #tpu.memory_space<hbm>>) target(%dma_start3A_48 : memref<6272xf32, #tpu.memory_space<vmem_shared>>) target_semaphore(%run_scoped3A : memref<!tpu.dma_semaphore, #tpu.memory_space<semaphore_mem>>)
      %dma_wait3A_51 = tpu.memref_slice %arg11[%mul3A_0] : memref<100480xf32, #tpu.memory_space<vmem_shared>> -> memref<6272xf32, #tpu.memory_space<vmem_shared>>
      %dma_wait3A_52 = tpu.memref_slice %arg3[%arg0, %mul3A_0] : memref<2x100352xf32, #tpu.memory_space<hbm>> -> memref<1x6272xf32, #tpu.memory_space<hbm>>
      %dma_wait3A_53 = tpu.memref_squeeze %dma_wait3A_52 : memref<1x6272xf32, #tpu.memory_space<hbm>> -> memref<6272xf32, #tpu.memory_space<hbm>>
      tpu.wait_dma2 semaphore(%run_scoped3A : memref<!tpu.dma_semaphore, #tpu.memory_space<semaphore_mem>>) src(%dma_wait3A_53 : memref<6272xf32, #tpu.memory_space<hbm>>) dst(%dma_wait3A_51 : memref<6272xf32, #tpu.memory_space<vmem_shared>>)
      tpu.yield
    }) : () -> ()
    "tpu.region"() ({
      %run_scoped3A = tpu.sem_alloc : memref<!tpu.dma_semaphore, #tpu.memory_space<semaphore_mem>>
      tpu.enqueue_dma source(%arg4 : memref<128xf32, #tpu.memory_space<hbm>>) target(%arg10 : memref<128xf32, #tpu.memory_space<vmem>>) target_semaphore(%run_scoped3A : memref<!tpu.dma_semaphore, #tpu.memory_space<semaphore_mem>>)
      tpu.wait_dma2 semaphore(%run_scoped3A : memref<!tpu.dma_semaphore, #tpu.memory_space<semaphore_mem>>) src(%arg4 : memref<128xf32, #tpu.memory_space<hbm>>) dst(%arg10 : memref<128xf32, #tpu.memory_space<vmem>>)
      tpu.yield
    }) : () -> ()
    %barrier3A = arith.constant 0 : index
    tpu.barrier barrier_id(%barrier3A)
    %mul3A_1 = arith.constant 802816 : i32
    %mul3A_2 = arith.muli %arg0, %mul3A_1 : i32
    %mul3A_3 = arith.constant 50176 : i32
    %mul3A_4 = arith.muli %arg1, %mul3A_3 : i32
    %add3A = arith.addi %mul3A_2, %mul3A_4 : i32
    %add3A_5 = arith.constant 0 : i32
    %add3A_6 = arith.addi %add3A, %add3A_5 : i32
    %dma_start3A = tpu.memref_slice %arg2[%add3A_6] : memref<1605632xi32, #tpu.memory_space<hbm>> -> memref<128xi32, #tpu.memory_space<hbm>>
    %dma_start3A_7 = tpu.memref_slice %arg2[%add3A_6] : memref<1605632xi32, #tpu.memory_space<hbm>> -> memref<128xi32, #tpu.memory_space<hbm>>
    tpu.enqueue_dma source(%dma_start3A_7 : memref<128xi32, #tpu.memory_space<hbm>>) target(%arg6 : memref<128xi32, #tpu.memory_space<vmem>>) target_semaphore(%arg12 : memref<!tpu.dma_semaphore, #tpu.memory_space<semaphore_mem>>)
    %add3A_8 = arith.constant 128 : i32
    %add3A_9 = arith.addi %add3A, %add3A_8 : i32
    %dma_start3A_10 = tpu.memref_slice %arg2[%add3A_9] : memref<1605632xi32, #tpu.memory_space<hbm>> -> memref<128xi32, #tpu.memory_space<hbm>>
    %dma_start3A_11 = tpu.memref_slice %arg2[%add3A_9] : memref<1605632xi32, #tpu.memory_space<hbm>> -> memref<128xi32, #tpu.memory_space<hbm>>
    tpu.enqueue_dma source(%dma_start3A_11 : memref<128xi32, #tpu.memory_space<hbm>>) target(%arg7 : memref<128xi32, #tpu.memory_space<vmem>>) target_semaphore(%arg13 : memref<!tpu.dma_semaphore, #tpu.memory_space<semaphore_mem>>)
    %add3A_12 = arith.constant 256 : i32
    %add3A_13 = arith.addi %add3A, %add3A_12 : i32
    %dma_start3A_14 = tpu.memref_slice %arg2[%add3A_13] : memref<1605632xi32, #tpu.memory_space<hbm>> -> memref<128xi32, #tpu.memory_space<hbm>>
    %dma_start3A_15 = tpu.memref_slice %arg2[%add3A_13] : memref<1605632xi32, #tpu.memory_space<hbm>> -> memref<128xi32, #tpu.memory_space<hbm>>
    tpu.enqueue_dma source(%dma_start3A_15 : memref<128xi32, #tpu.memory_space<hbm>>) target(%arg8 : memref<128xi32, #tpu.memory_space<vmem>>) target_semaphore(%arg14 : memref<!tpu.dma_semaphore, #tpu.memory_space<semaphore_mem>>)
    %add3A_16 = arith.constant 384 : i32
    %add3A_17 = arith.addi %add3A, %add3A_16 : i32
    %dma_start3A_18 = tpu.memref_slice %arg2[%add3A_17] : memref<1605632xi32, #tpu.memory_space<hbm>> -> memref<128xi32, #tpu.memory_space<hbm>>
    %dma_start3A_19 = tpu.memref_slice %arg2[%add3A_17] : memref<1605632xi32, #tpu.memory_space<hbm>> -> memref<128xi32, #tpu.memory_space<hbm>>
    tpu.enqueue_dma source(%dma_start3A_19 : memref<128xi32, #tpu.memory_space<hbm>>) target(%arg9 : memref<128xi32, #tpu.memory_space<vmem>>) target_semaphore(%arg15 : memref<!tpu.dma_semaphore, #tpu.memory_space<semaphore_mem>>)
    %scan3A = arith.constant 0 : i32
    %scan3A_20 = arith.constant 97 : i32
    %scan3A_21 = arith.addi %scan3A, %scan3A_20 : i32
    %scan3A_22 = arith.constant 1 : i32
    scf.for %scan3A_48 = %scan3A to %scan3A_21 step %scan3A_22  : i32 {
      %mul3A_49 = arith.constant 4 : i32
      %mul3A_50 = arith.muli %scan3A_48, %mul3A_49 : i32
      %add3A_51 = arith.constant 0 : i32
      %add3A_52 = arith.addi %add3A_51, %mul3A_50 : i32
      %dma_wait3A_53 = tpu.memref_slice %arg2[%add3A] : memref<1605632xi32, #tpu.memory_space<hbm>> -> memref<128xi32, #tpu.memory_space<hbm>>
      %dma_wait3A_54 = tpu.memref_slice %arg2[%add3A] : memref<1605632xi32, #tpu.memory_space<hbm>> -> memref<128xi32, #tpu.memory_space<hbm>>
      tpu.wait_dma2 semaphore(%arg12 : memref<!tpu.dma_semaphore, #tpu.memory_space<semaphore_mem>>) src(%dma_wait3A_54 : memref<128xi32, #tpu.memory_space<hbm>>) dst(%arg6 : memref<128xi32, #tpu.memory_space<vmem>>)
      %dma_start3A_55 = arith.constant 0 : i32
      %dma_start3A_56 = tpu.memref_slice %arg11[%dma_start3A_55] : memref<100480xf32, #tpu.memory_space<vmem_shared>> -> memref<100480xf32, #tpu.memory_space<vmem_shared>>
      tpu.enqueue_indirect_dma source(%arg10 : memref<128xf32, #tpu.memory_space<vmem>>) target(%dma_start3A_56 : memref<100480xf32, #tpu.memory_space<vmem_shared>>) offsets(%arg6 : memref<128xi32, #tpu.memory_space<vmem>>) semaphore(%arg16 : memref<!tpu.dma_semaphore, #tpu.memory_space<semaphore_mem>>) {add = true}
      %dma_wait3A_57 = tpu.memref_slice %arg2[%add3A] : memref<1605632xi32, #tpu.memory_space<hbm>> -> memref<128xi32, #tpu.memory_space<hbm>>
      %dma_wait3A_58 = tpu.memref_slice %arg2[%add3A] : memref<1605632xi32, #tpu.memory_space<hbm>> -> memref<128xi32, #tpu.memory_space<hbm>>
      tpu.wait_dma2 semaphore(%arg13 : memref<!tpu.dma_semaphore, #tpu.memory_space<semaphore_mem>>) src(%dma_wait3A_58 : memref<128xi32, #tpu.memory_space<hbm>>) dst(%arg7 : memref<128xi32, #tpu.memory_space<vmem>>)
      %dma_start3A_59 = arith.constant 0 : i32
      %dma_start3A_60 = tpu.memref_slice %arg11[%dma_start3A_59] : memref<100480xf32, #tpu.memory_space<vmem_shared>> -> memref<100480xf32, #tpu.memory_space<vmem_shared>>
      tpu.enqueue_indirect_dma source(%arg10 : memref<128xf32, #tpu.memory_space<vmem>>) target(%dma_start3A_60 : memref<100480xf32, #tpu.memory_space<vmem_shared>>) offsets(%arg7 : memref<128xi32, #tpu.memory_space<vmem>>) semaphore(%arg17 : memref<!tpu.dma_semaphore, #tpu.memory_space<semaphore_mem>>) {add = true}
      %dma_wait3A_61 = tpu.memref_slice %arg2[%add3A] : memref<1605632xi32, #tpu.memory_space<hbm>> -> memref<128xi32, #tpu.memory_space<hbm>>
      %dma_wait3A_62 = tpu.memref_slice %arg2[%add3A] : memref<1605632xi32, #tpu.memory_space<hbm>> -> memref<128xi32, #tpu.memory_space<hbm>>
      tpu.wait_dma2 semaphore(%arg14 : memref<!tpu.dma_semaphore, #tpu.memory_space<semaphore_mem>>) src(%dma_wait3A_62 : memref<128xi32, #tpu.memory_space<hbm>>) dst(%arg8 : memref<128xi32, #tpu.memory_space<vmem>>)
      %dma_start3A_63 = arith.constant 0 : i32
      %dma_start3A_64 = tpu.memref_slice %arg11[%dma_start3A_63] : memref<100480xf32, #tpu.memory_space<vmem_shared>> -> memref<100480xf32, #tpu.memory_space<vmem_shared>>
      tpu.enqueue_indirect_dma source(%arg10 : memref<128xf32, #tpu.memory_space<vmem>>) target(%dma_start3A_64 : memref<100480xf32, #tpu.memory_space<vmem_shared>>) offsets(%arg8 : memref<128xi32, #tpu.memory_space<vmem>>) semaphore(%arg18 : memref<!tpu.dma_semaphore, #tpu.memory_space<semaphore_mem>>) {add = true}
      %dma_wait3A_65 = tpu.memref_slice %arg2[%add3A] : memref<1605632xi32, #tpu.memory_space<hbm>> -> memref<128xi32, #tpu.memory_space<hbm>>
      %dma_wait3A_66 = tpu.memref_slice %arg2[%add3A] : memref<1605632xi32, #tpu.memory_space<hbm>> -> memref<128xi32, #tpu.memory_space<hbm>>
      tpu.wait_dma2 semaphore(%arg15 : memref<!tpu.dma_semaphore, #tpu.memory_space<semaphore_mem>>) src(%dma_wait3A_66 : memref<128xi32, #tpu.memory_space<hbm>>) dst(%arg9 : memref<128xi32, #tpu.memory_space<vmem>>)
      %dma_start3A_67 = arith.constant 0 : i32
      %dma_start3A_68 = tpu.memref_slice %arg11[%dma_start3A_67] : memref<100480xf32, #tpu.memory_space<vmem_shared>> -> memref<100480xf32, #tpu.memory_space<vmem_shared>>
      tpu.enqueue_indirect_dma source(%arg10 : memref<128xf32, #tpu.memory_space<vmem>>) target(%dma_start3A_68 : memref<100480xf32, #tpu.memory_space<vmem_shared>>) offsets(%arg9 : memref<128xi32, #tpu.memory_space<vmem>>) semaphore(%arg19 : memref<!tpu.dma_semaphore, #tpu.memory_space<semaphore_mem>>) {add = true}
      %dma_wait3A_69 = arith.constant 0 : i32
      %dma_wait3A_70 = tpu.memref_slice %arg11[%dma_wait3A_69] : memref<100480xf32, #tpu.memory_space<vmem_shared>> -> memref<100480xf32, #tpu.memory_space<vmem_shared>>
      tpu.wait_indirect_dma semaphore(%arg16 : memref<!tpu.dma_semaphore, #tpu.memory_space<semaphore_mem>>) src(%arg10 : memref<128xf32, #tpu.memory_space<vmem>>) dst(%dma_wait3A_70 : memref<100480xf32, #tpu.memory_space<vmem_shared>>)
      %add3A_71 = arith.constant 4 : i32
      %add3A_72 = arith.addi %add3A_52, %add3A_71 : i32
      %add3A_73 = arith.constant 0 : i32
      %add3A_74 = arith.addi %add3A_72, %add3A_73 : i32
      %mul3A_75 = arith.constant 128 : i32
      %mul3A_76 = arith.muli %add3A_74, %mul3A_75 : i32
      %add3A_77 = arith.addi %add3A, %mul3A_76 : i32
      %dma_start3A_78 = tpu.memref_slice %arg2[%add3A_77] : memref<1605632xi32, #tpu.memory_space<hbm>> -> memref<128xi32, #tpu.memory_space<hbm>>
      %dma_start3A_79 = tpu.memref_slice %arg2[%add3A_77] : memref<1605632xi32, #tpu.memory_space<hbm>> -> memref<128xi32, #tpu.memory_space<hbm>>
      tpu.enqueue_dma source(%dma_start3A_79 : memref<128xi32, #tpu.memory_space<hbm>>) target(%arg6 : memref<128xi32, #tpu.memory_space<vmem>>) target_semaphore(%arg12 : memref<!tpu.dma_semaphore, #tpu.memory_space<semaphore_mem>>)
      %dma_wait3A_80 = arith.constant 0 : i32
      %dma_wait3A_81 = tpu.memref_slice %arg11[%dma_wait3A_80] : memref<100480xf32, #tpu.memory_space<vmem_shared>> -> memref<100480xf32, #tpu.memory_space<vmem_shared>>
      tpu.wait_indirect_dma semaphore(%arg17 : memref<!tpu.dma_semaphore, #tpu.memory_space<semaphore_mem>>) src(%arg10 : memref<128xf32, #tpu.memory_space<vmem>>) dst(%dma_wait3A_81 : memref<100480xf32, #tpu.memory_space<vmem_shared>>)
      %add3A_82 = arith.constant 4 : i32
      %add3A_83 = arith.addi %add3A_52, %add3A_82 : i32
      %add3A_84 = arith.constant 1 : i32
      %add3A_85 = arith.addi %add3A_83, %add3A_84 : i32
      %mul3A_86 = arith.constant 128 : i32
      %mul3A_87 = arith.muli %add3A_85, %mul3A_86 : i32
      %add3A_88 = arith.addi %add3A, %mul3A_87 : i32
      %dma_start3A_89 = tpu.memref_slice %arg2[%add3A_88] : memref<1605632xi32, #tpu.memory_space<hbm>> -> memref<128xi32, #tpu.memory_space<hbm>>
      %dma_start3A_90 = tpu.memref_slice %arg2[%add3A_88] : memref<1605632xi32, #tpu.memory_space<hbm>> -> memref<128xi32, #tpu.memory_space<hbm>>
      tpu.enqueue_dma source(%dma_start3A_90 : memref<128xi32, #tpu.memory_space<hbm>>) target(%arg7 : memref<128xi32, #tpu.memory_space<vmem>>) target_semaphore(%arg13 : memref<!tpu.dma_semaphore, #tpu.memory_space<semaphore_mem>>)
      %dma_wait3A_91 = arith.constant 0 : i32
      %dma_wait3A_92 = tpu.memref_slice %arg11[%dma_wait3A_91] : memref<100480xf32, #tpu.memory_space<vmem_shared>> -> memref<100480xf32, #tpu.memory_space<vmem_shared>>
      tpu.wait_indirect_dma semaphore(%arg18 : memref<!tpu.dma_semaphore, #tpu.memory_space<semaphore_mem>>) src(%arg10 : memref<128xf32, #tpu.memory_space<vmem>>) dst(%dma_wait3A_92 : memref<100480xf32, #tpu.memory_space<vmem_shared>>)
      %add3A_93 = arith.constant 4 : i32
      %add3A_94 = arith.addi %add3A_52, %add3A_93 : i32
      %add3A_95 = arith.constant 2 : i32
      %add3A_96 = arith.addi %add3A_94, %add3A_95 : i32
      %mul3A_97 = arith.constant 128 : i32
      %mul3A_98 = arith.muli %add3A_96, %mul3A_97 : i32
      %add3A_99 = arith.addi %add3A, %mul3A_98 : i32
      %dma_start3A_100 = tpu.memref_slice %arg2[%add3A_99] : memref<1605632xi32, #tpu.memory_space<hbm>> -> memref<128xi32, #tpu.memory_space<hbm>>
      %dma_start3A_101 = tpu.memref_slice %arg2[%add3A_99] : memref<1605632xi32, #tpu.memory_space<hbm>> -> memref<128xi32, #tpu.memory_space<hbm>>
      tpu.enqueue_dma source(%dma_start3A_101 : memref<128xi32, #tpu.memory_space<hbm>>) target(%arg8 : memref<128xi32, #tpu.memory_space<vmem>>) target_semaphore(%arg14 : memref<!tpu.dma_semaphore, #tpu.memory_space<semaphore_mem>>)
      %dma_wait3A_102 = arith.constant 0 : i32
      %dma_wait3A_103 = tpu.memref_slice %arg11[%dma_wait3A_102] : memref<100480xf32, #tpu.memory_space<vmem_shared>> -> memref<100480xf32, #tpu.memory_space<vmem_shared>>
      tpu.wait_indirect_dma semaphore(%arg19 : memref<!tpu.dma_semaphore, #tpu.memory_space<semaphore_mem>>) src(%arg10 : memref<128xf32, #tpu.memory_space<vmem>>) dst(%dma_wait3A_103 : memref<100480xf32, #tpu.memory_space<vmem_shared>>)
      %add3A_104 = arith.constant 4 : i32
      %add3A_105 = arith.addi %add3A_52, %add3A_104 : i32
      %add3A_106 = arith.constant 3 : i32
      %add3A_107 = arith.addi %add3A_105, %add3A_106 : i32
      %mul3A_108 = arith.constant 128 : i32
      %mul3A_109 = arith.muli %add3A_107, %mul3A_108 : i32
      %add3A_110 = arith.addi %add3A, %mul3A_109 : i32
      %dma_start3A_111 = tpu.memref_slice %arg2[%add3A_110] : memref<1605632xi32, #tpu.memory_space<hbm>> -> memref<128xi32, #tpu.memory_space<hbm>>
      %dma_start3A_112 = tpu.memref_slice %arg2[%add3A_110] : memref<1605632xi32, #tpu.memory_space<hbm>> -> memref<128xi32, #tpu.memory_space<hbm>>
      tpu.enqueue_dma source(%dma_start3A_112 : memref<128xi32, #tpu.memory_space<hbm>>) target(%arg9 : memref<128xi32, #tpu.memory_space<vmem>>) target_semaphore(%arg15 : memref<!tpu.dma_semaphore, #tpu.memory_space<semaphore_mem>>)
    }
    %scan3A_23 = arith.constant 97 : i32
    %dma_wait3A = tpu.memref_slice %arg2[%add3A] : memref<1605632xi32, #tpu.memory_space<hbm>> -> memref<128xi32, #tpu.memory_space<hbm>>
    %dma_wait3A_24 = tpu.memref_slice %arg2[%add3A] : memref<1605632xi32, #tpu.memory_space<hbm>> -> memref<128xi32, #tpu.memory_space<hbm>>
    tpu.wait_dma2 semaphore(%arg12 : memref<!tpu.dma_semaphore, #tpu.memory_space<semaphore_mem>>) src(%dma_wait3A_24 : memref<128xi32, #tpu.memory_space<hbm>>) dst(%arg6 : memref<128xi32, #tpu.memory_space<vmem>>)
    %dma_start3A_25 = arith.constant 0 : i32
    %dma_start3A_26 = tpu.memref_slice %arg11[%dma_start3A_25] : memref<100480xf32, #tpu.memory_space<vmem_shared>> -> memref<100480xf32, #tpu.memory_space<vmem_shared>>
    tpu.enqueue_indirect_dma source(%arg10 : memref<128xf32, #tpu.memory_space<vmem>>) target(%dma_start3A_26 : memref<100480xf32, #tpu.memory_space<vmem_shared>>) offsets(%arg6 : memref<128xi32, #tpu.memory_space<vmem>>) semaphore(%arg16 : memref<!tpu.dma_semaphore, #tpu.memory_space<semaphore_mem>>) {add = true}
    %dma_wait3A_27 = tpu.memref_slice %arg2[%add3A] : memref<1605632xi32, #tpu.memory_space<hbm>> -> memref<128xi32, #tpu.memory_space<hbm>>
    %dma_wait3A_28 = tpu.memref_slice %arg2[%add3A] : memref<1605632xi32, #tpu.memory_space<hbm>> -> memref<128xi32, #tpu.memory_space<hbm>>
    tpu.wait_dma2 semaphore(%arg13 : memref<!tpu.dma_semaphore, #tpu.memory_space<semaphore_mem>>) src(%dma_wait3A_28 : memref<128xi32, #tpu.memory_space<hbm>>) dst(%arg7 : memref<128xi32, #tpu.memory_space<vmem>>)
    %dma_start3A_29 = arith.constant 0 : i32
    %dma_start3A_30 = tpu.memref_slice %arg11[%dma_start3A_29] : memref<100480xf32, #tpu.memory_space<vmem_shared>> -> memref<100480xf32, #tpu.memory_space<vmem_shared>>
    tpu.enqueue_indirect_dma source(%arg10 : memref<128xf32, #tpu.memory_space<vmem>>) target(%dma_start3A_30 : memref<100480xf32, #tpu.memory_space<vmem_shared>>) offsets(%arg7 : memref<128xi32, #tpu.memory_space<vmem>>) semaphore(%arg17 : memref<!tpu.dma_semaphore, #tpu.memory_space<semaphore_mem>>) {add = true}
    %dma_wait3A_31 = tpu.memref_slice %arg2[%add3A] : memref<1605632xi32, #tpu.memory_space<hbm>> -> memref<128xi32, #tpu.memory_space<hbm>>
    %dma_wait3A_32 = tpu.memref_slice %arg2[%add3A] : memref<1605632xi32, #tpu.memory_space<hbm>> -> memref<128xi32, #tpu.memory_space<hbm>>
    tpu.wait_dma2 semaphore(%arg14 : memref<!tpu.dma_semaphore, #tpu.memory_space<semaphore_mem>>) src(%dma_wait3A_32 : memref<128xi32, #tpu.memory_space<hbm>>) dst(%arg8 : memref<128xi32, #tpu.memory_space<vmem>>)
    %dma_start3A_33 = arith.constant 0 : i32
    %dma_start3A_34 = tpu.memref_slice %arg11[%dma_start3A_33] : memref<100480xf32, #tpu.memory_space<vmem_shared>> -> memref<100480xf32, #tpu.memory_space<vmem_shared>>
    tpu.enqueue_indirect_dma source(%arg10 : memref<128xf32, #tpu.memory_space<vmem>>) target(%dma_start3A_34 : memref<100480xf32, #tpu.memory_space<vmem_shared>>) offsets(%arg8 : memref<128xi32, #tpu.memory_space<vmem>>) semaphore(%arg18 : memref<!tpu.dma_semaphore, #tpu.memory_space<semaphore_mem>>) {add = true}
    %dma_wait3A_35 = tpu.memref_slice %arg2[%add3A] : memref<1605632xi32, #tpu.memory_space<hbm>> -> memref<128xi32, #tpu.memory_space<hbm>>
    %dma_wait3A_36 = tpu.memref_slice %arg2[%add3A] : memref<1605632xi32, #tpu.memory_space<hbm>> -> memref<128xi32, #tpu.memory_space<hbm>>
    tpu.wait_dma2 semaphore(%arg15 : memref<!tpu.dma_semaphore, #tpu.memory_space<semaphore_mem>>) src(%dma_wait3A_36 : memref<128xi32, #tpu.memory_space<hbm>>) dst(%arg9 : memref<128xi32, #tpu.memory_space<vmem>>)
    %dma_start3A_37 = arith.constant 0 : i32
    %dma_start3A_38 = tpu.memref_slice %arg11[%dma_start3A_37] : memref<100480xf32, #tpu.memory_space<vmem_shared>> -> memref<100480xf32, #tpu.memory_space<vmem_shared>>
    tpu.enqueue_indirect_dma source(%arg10 : memref<128xf32, #tpu.memory_space<vmem>>) target(%dma_start3A_38 : memref<100480xf32, #tpu.memory_space<vmem_shared>>) offsets(%arg9 : memref<128xi32, #tpu.memory_space<vmem>>) semaphore(%arg19 : memref<!tpu.dma_semaphore, #tpu.memory_space<semaphore_mem>>) {add = true}
    %dma_wait3A_39 = arith.constant 0 : i32
    %dma_wait3A_40 = tpu.memref_slice %arg11[%dma_wait3A_39] : memref<100480xf32, #tpu.memory_space<vmem_shared>> -> memref<100480xf32, #tpu.memory_space<vmem_shared>>
    tpu.wait_indirect_dma semaphore(%arg16 : memref<!tpu.dma_semaphore, #tpu.memory_space<semaphore_mem>>) src(%arg10 : memref<128xf32, #tpu.memory_space<vmem>>) dst(%dma_wait3A_40 : memref<100480xf32, #tpu.memory_space<vmem_shared>>)
    %dma_wait3A_41 = arith.constant 0 : i32
    %dma_wait3A_42 = tpu.memref_slice %arg11[%dma_wait3A_41] : memref<100480xf32, #tpu.memory_space<vmem_shared>> -> memref<100480xf32, #tpu.memory_space<vmem_shared>>
    tpu.wait_indirect_dma semaphore(%arg17 : memref<!tpu.dma_semaphore, #tpu.memory_space<semaphore_mem>>) src(%arg10 : memref<128xf32, #tpu.memory_space<vmem>>) dst(%dma_wait3A_42 : memref<100480xf32, #tpu.memory_space<vmem_shared>>)
    %dma_wait3A_43 = arith.constant 0 : i32
    %dma_wait3A_44 = tpu.memref_slice %arg11[%dma_wait3A_43] : memref<100480xf32, #tpu.memory_space<vmem_shared>> -> memref<100480xf32, #tpu.memory_space<vmem_shared>>
    tpu.wait_indirect_dma semaphore(%arg18 : memref<!tpu.dma_semaphore, #tpu.memory_space<semaphore_mem>>) src(%arg10 : memref<128xf32, #tpu.memory_space<vmem>>) dst(%dma_wait3A_44 : memref<100480xf32, #tpu.memory_space<vmem_shared>>)
    %dma_wait3A_45 = arith.constant 0 : i32
    %dma_wait3A_46 = tpu.memref_slice %arg11[%dma_wait3A_45] : memref<100480xf32, #tpu.memory_space<vmem_shared>> -> memref<100480xf32, #tpu.memory_space<vmem_shared>>
    tpu.wait_indirect_dma semaphore(%arg19 : memref<!tpu.dma_semaphore, #tpu.memory_space<semaphore_mem>>) src(%arg10 : memref<128xf32, #tpu.memory_space<vmem>>) dst(%dma_wait3A_46 : memref<100480xf32, #tpu.memory_space<vmem_shared>>)
    %barrier3A_47 = arith.constant 0 : index
    tpu.barrier barrier_id(%barrier3A_47)
    "tpu.region"() ({
      %run_scoped3A = tpu.sem_alloc : memref<!tpu.dma_semaphore, #tpu.memory_space<semaphore_mem>>
      %dma_start3A_48 = tpu.memref_slice %arg5[%arg0, %mul3A_0] : memref<2x100352xf32, #tpu.memory_space<hbm>> -> memref<1x6272xf32, #tpu.memory_space<hbm>>
      %dma_start3A_49 = tpu.memref_squeeze %dma_start3A_48 : memref<1x6272xf32, #tpu.memory_space<hbm>> -> memref<6272xf32, #tpu.memory_space<hbm>>
      %dma_start3A_50 = tpu.memref_slice %arg11[%mul3A_0] : memref<100480xf32, #tpu.memory_space<vmem_shared>> -> memref<6272xf32, #tpu.memory_space<vmem_shared>>
      tpu.enqueue_dma source(%dma_start3A_50 : memref<6272xf32, #tpu.memory_space<vmem_shared>>) target(%dma_start3A_49 : memref<6272xf32, #tpu.memory_space<hbm>>) target_semaphore(%run_scoped3A : memref<!tpu.dma_semaphore, #tpu.memory_space<semaphore_mem>>)
      %dma_wait3A_51 = tpu.memref_slice %arg5[%arg0, %mul3A_0] : memref<2x100352xf32, #tpu.memory_space<hbm>> -> memref<1x6272xf32, #tpu.memory_space<hbm>>
      %dma_wait3A_52 = tpu.memref_squeeze %dma_wait3A_51 : memref<1x6272xf32, #tpu.memory_space<hbm>> -> memref<6272xf32, #tpu.memory_space<hbm>>
      %dma_wait3A_53 = tpu.memref_slice %arg11[%mul3A_0] : memref<100480xf32, #tpu.memory_space<vmem_shared>> -> memref<6272xf32, #tpu.memory_space<vmem_shared>>
      tpu.wait_dma2 semaphore(%run_scoped3A : memref<!tpu.dma_semaphore, #tpu.memory_space<semaphore_mem>>) src(%dma_wait3A_53 : memref<6272xf32, #tpu.memory_space<vmem_shared>>) dst(%dma_wait3A_52 : memref<6272xf32, #tpu.memory_space<hbm>>)
      tpu.yield
    }) : () -> ()
    return
  }
}

#map = affine_map<(d0, d1) -> (0, 0, 0)>
#map1 = affine_map<(d0, d1) -> (0, 0)>
module attributes {stable_mosaic.version = 14 : i64} {
  func.func @_agg_kernel(%arg0: i32, %arg1: i32, %arg2: memref<2x100352x16xf32, #tpu.memory_space<hbm>>, %arg3: memref<2x1605632xi32, #tpu.memory_space<hbm>>, %arg4: memref<2x100352x16xf32, #tpu.memory_space<hbm>>, %arg5: memref<2x256xi32, #tpu.memory_space<vmem>>, %arg6: memref<2x256xi32, #tpu.memory_space<vmem>>, %arg7: memref<2x256xi32, #tpu.memory_space<vmem>>, %arg8: memref<2x256xi32, #tpu.memory_space<vmem>>, %arg9: memref<256x16xf32, #tpu.memory_space<vmem>>, %arg10: memref<256x16xf32, #tpu.memory_space<vmem>>, %arg11: memref<256x16xf32, #tpu.memory_space<vmem>>, %arg12: memref<256x16xf32, #tpu.memory_space<vmem>>, %arg13: memref<100480x16xf32, #tpu.memory_space<vmem_shared>>, %arg14: memref<!tpu.dma_semaphore, #tpu.memory_space<semaphore_mem>>, %arg15: memref<!tpu.dma_semaphore, #tpu.memory_space<semaphore_mem>>, %arg16: memref<!tpu.dma_semaphore, #tpu.memory_space<semaphore_mem>>, %arg17: memref<!tpu.dma_semaphore, #tpu.memory_space<semaphore_mem>>, %arg18: memref<!tpu.dma_semaphore, #tpu.memory_space<semaphore_mem>>, %arg19: memref<!tpu.dma_semaphore, #tpu.memory_space<semaphore_mem>>, %arg20: memref<!tpu.dma_semaphore, #tpu.memory_space<semaphore_mem>>, %arg21: memref<!tpu.dma_semaphore, #tpu.memory_space<semaphore_mem>>, %arg22: memref<!tpu.dma_semaphore, #tpu.memory_space<semaphore_mem>>, %arg23: memref<!tpu.dma_semaphore, #tpu.memory_space<semaphore_mem>>, %arg24: memref<!tpu.dma_semaphore, #tpu.memory_space<semaphore_mem>>, %arg25: memref<!tpu.dma_semaphore, #tpu.memory_space<semaphore_mem>>) attributes {dimension_semantics = [#tpu.dimension_semantics<core_parallel>, #tpu.dimension_semantics<subcore_parallel>], iteration_bounds = array<i64: 2, 16>, scalar_prefetch = 0 : i64, scratch_operands = 21 : i64, tpu.core_type = #tpu.core_type<sc_vector_subcore>, window_params = [{transform_indices = #map}, {transform_indices = #map1}, {transform_indices = #map}]} {
    %mul3A = arith.constant 6272 : i32
    %mul3A_0 = arith.muli %arg1, %mul3A : i32
    "tpu.region"() ({
      %run_scoped3A = tpu.sem_alloc : memref<!tpu.dma_semaphore, #tpu.memory_space<semaphore_mem>>
      %dma_start3A_189 = arith.constant 0 : i32
      %dma_start3A_190 = tpu.memref_slice %arg13[%mul3A_0, %dma_start3A_189] : memref<100480x16xf32, #tpu.memory_space<vmem_shared>> -> memref<6272x16xf32, #tpu.memory_space<vmem_shared>>
      %dma_start3A_191 = arith.constant 0 : i32
      %dma_start3A_192 = arith.constant 0 : i32
      %dma_start3A_193 = tpu.memref_slice %arg2[%arg0, %dma_start3A_191, %dma_start3A_192] : memref<2x100352x16xf32, #tpu.memory_space<hbm>> -> memref<1x100352x16xf32, #tpu.memory_space<hbm>>
      %dma_start3A_194 = tpu.memref_squeeze %dma_start3A_193 : memref<1x100352x16xf32, #tpu.memory_space<hbm>> -> memref<100352x16xf32, #tpu.memory_space<hbm>>
      %dma_start3A_195 = arith.constant 0 : i32
      %dma_start3A_196 = tpu.memref_slice %dma_start3A_194[%mul3A_0, %dma_start3A_195] : memref<100352x16xf32, #tpu.memory_space<hbm>> -> memref<6272x16xf32, #tpu.memory_space<hbm>>
      tpu.enqueue_dma source(%dma_start3A_196 : memref<6272x16xf32, #tpu.memory_space<hbm>>) target(%dma_start3A_190 : memref<6272x16xf32, #tpu.memory_space<vmem_shared>>) target_semaphore(%run_scoped3A : memref<!tpu.dma_semaphore, #tpu.memory_space<semaphore_mem>>)
      %dma_wait3A_197 = arith.constant 0 : i32
      %dma_wait3A_198 = tpu.memref_slice %arg13[%mul3A_0, %dma_wait3A_197] : memref<100480x16xf32, #tpu.memory_space<vmem_shared>> -> memref<6272x16xf32, #tpu.memory_space<vmem_shared>>
      %dma_wait3A_199 = arith.constant 0 : i32
      %dma_wait3A_200 = arith.constant 0 : i32
      %dma_wait3A_201 = tpu.memref_slice %arg2[%arg0, %dma_wait3A_199, %dma_wait3A_200] : memref<2x100352x16xf32, #tpu.memory_space<hbm>> -> memref<1x100352x16xf32, #tpu.memory_space<hbm>>
      %dma_wait3A_202 = tpu.memref_squeeze %dma_wait3A_201 : memref<1x100352x16xf32, #tpu.memory_space<hbm>> -> memref<100352x16xf32, #tpu.memory_space<hbm>>
      %dma_wait3A_203 = arith.constant 0 : i32
      %dma_wait3A_204 = tpu.memref_slice %dma_wait3A_202[%mul3A_0, %dma_wait3A_203] : memref<100352x16xf32, #tpu.memory_space<hbm>> -> memref<6272x16xf32, #tpu.memory_space<hbm>>
      tpu.wait_dma2 semaphore(%run_scoped3A : memref<!tpu.dma_semaphore, #tpu.memory_space<semaphore_mem>>) src(%dma_wait3A_204 : memref<6272x16xf32, #tpu.memory_space<hbm>>) dst(%dma_wait3A_198 : memref<6272x16xf32, #tpu.memory_space<vmem_shared>>)
      tpu.yield
    }) : () -> ()
    %barrier3A = arith.constant 0 : index
    tpu.barrier barrier_id(%barrier3A)
    %mul3A_1 = arith.constant 100352 : i32
    %mul3A_2 = arith.muli %arg1, %mul3A_1 : i32
    %add3A = arith.constant 0 : i32
    %add3A_3 = arith.addi %mul3A_2, %add3A : i32
    %dma_start3A = arith.constant 0 : i32
    %dma_start3A_4 = tpu.memref_slice %arg3[%dma_start3A, %add3A_3] : memref<2x1605632xi32, #tpu.memory_space<hbm>> -> memref<2x256xi32, #tpu.memory_space<hbm>>
    %dma_start3A_5 = arith.constant 0 : i32
    %dma_start3A_6 = tpu.memref_slice %arg3[%dma_start3A_5, %add3A_3] : memref<2x1605632xi32, #tpu.memory_space<hbm>> -> memref<2x256xi32, #tpu.memory_space<hbm>>
    tpu.enqueue_dma source(%dma_start3A_6 : memref<2x256xi32, #tpu.memory_space<hbm>>) target(%arg5 : memref<2x256xi32, #tpu.memory_space<vmem>>) target_semaphore(%arg14 : memref<!tpu.dma_semaphore, #tpu.memory_space<semaphore_mem>>)
    %add3A_7 = arith.constant 256 : i32
    %add3A_8 = arith.addi %mul3A_2, %add3A_7 : i32
    %dma_start3A_9 = arith.constant 0 : i32
    %dma_start3A_10 = tpu.memref_slice %arg3[%dma_start3A_9, %add3A_8] : memref<2x1605632xi32, #tpu.memory_space<hbm>> -> memref<2x256xi32, #tpu.memory_space<hbm>>
    %dma_start3A_11 = arith.constant 0 : i32
    %dma_start3A_12 = tpu.memref_slice %arg3[%dma_start3A_11, %add3A_8] : memref<2x1605632xi32, #tpu.memory_space<hbm>> -> memref<2x256xi32, #tpu.memory_space<hbm>>
    tpu.enqueue_dma source(%dma_start3A_12 : memref<2x256xi32, #tpu.memory_space<hbm>>) target(%arg6 : memref<2x256xi32, #tpu.memory_space<vmem>>) target_semaphore(%arg15 : memref<!tpu.dma_semaphore, #tpu.memory_space<semaphore_mem>>)
    %add3A_13 = arith.constant 512 : i32
    %add3A_14 = arith.addi %mul3A_2, %add3A_13 : i32
    %dma_start3A_15 = arith.constant 0 : i32
    %dma_start3A_16 = tpu.memref_slice %arg3[%dma_start3A_15, %add3A_14] : memref<2x1605632xi32, #tpu.memory_space<hbm>> -> memref<2x256xi32, #tpu.memory_space<hbm>>
    %dma_start3A_17 = arith.constant 0 : i32
    %dma_start3A_18 = tpu.memref_slice %arg3[%dma_start3A_17, %add3A_14] : memref<2x1605632xi32, #tpu.memory_space<hbm>> -> memref<2x256xi32, #tpu.memory_space<hbm>>
    tpu.enqueue_dma source(%dma_start3A_18 : memref<2x256xi32, #tpu.memory_space<hbm>>) target(%arg7 : memref<2x256xi32, #tpu.memory_space<vmem>>) target_semaphore(%arg16 : memref<!tpu.dma_semaphore, #tpu.memory_space<semaphore_mem>>)
    %add3A_19 = arith.constant 768 : i32
    %add3A_20 = arith.addi %mul3A_2, %add3A_19 : i32
    %dma_start3A_21 = arith.constant 0 : i32
    %dma_start3A_22 = tpu.memref_slice %arg3[%dma_start3A_21, %add3A_20] : memref<2x1605632xi32, #tpu.memory_space<hbm>> -> memref<2x256xi32, #tpu.memory_space<hbm>>
    %dma_start3A_23 = arith.constant 0 : i32
    %dma_start3A_24 = tpu.memref_slice %arg3[%dma_start3A_23, %add3A_20] : memref<2x1605632xi32, #tpu.memory_space<hbm>> -> memref<2x256xi32, #tpu.memory_space<hbm>>
    tpu.enqueue_dma source(%dma_start3A_24 : memref<2x256xi32, #tpu.memory_space<hbm>>) target(%arg8 : memref<2x256xi32, #tpu.memory_space<vmem>>) target_semaphore(%arg17 : memref<!tpu.dma_semaphore, #tpu.memory_space<semaphore_mem>>)
    %scan3A = arith.constant 0 : i32
    %scan3A_25 = arith.constant 97 : i32
    %scan3A_26 = arith.addi %scan3A, %scan3A_25 : i32
    %scan3A_27 = arith.constant 1 : i32
    scf.for %scan3A_189 = %scan3A to %scan3A_26 step %scan3A_27  : i32 {
      %mul3A_190 = arith.constant 4 : i32
      %mul3A_191 = arith.muli %scan3A_189, %mul3A_190 : i32
      %add3A_192 = arith.constant 0 : i32
      %add3A_193 = arith.addi %add3A_192, %mul3A_191 : i32
      %dma_wait3A_194 = arith.constant 0 : i32
      %dma_wait3A_195 = tpu.memref_slice %arg3[%dma_wait3A_194, %mul3A_2] : memref<2x1605632xi32, #tpu.memory_space<hbm>> -> memref<2x256xi32, #tpu.memory_space<hbm>>
      %dma_wait3A_196 = arith.constant 0 : i32
      %dma_wait3A_197 = tpu.memref_slice %arg3[%dma_wait3A_196, %mul3A_2] : memref<2x1605632xi32, #tpu.memory_space<hbm>> -> memref<2x256xi32, #tpu.memory_space<hbm>>
      tpu.wait_dma2 semaphore(%arg14 : memref<!tpu.dma_semaphore, #tpu.memory_space<semaphore_mem>>) src(%dma_wait3A_197 : memref<2x256xi32, #tpu.memory_space<hbm>>) dst(%arg5 : memref<2x256xi32, #tpu.memory_space<vmem>>)
      %dma_start3A_198 = arith.constant 0 : i32
      %dma_start3A_199 = arith.constant 0 : i32
      %dma_start3A_200 = tpu.memref_slice %arg5[%dma_start3A_198, %dma_start3A_199] : memref<2x256xi32, #tpu.memory_space<vmem>> -> memref<1x256xi32, #tpu.memory_space<vmem>>
      %dma_start3A_201 = tpu.memref_squeeze %dma_start3A_200 : memref<1x256xi32, #tpu.memory_space<vmem>> -> memref<256xi32, #tpu.memory_space<vmem>>
      %dma_start3A_202 = arith.constant 0 : i32
      %dma_start3A_203 = arith.constant 0 : i32
      %dma_start3A_204 = tpu.memref_slice %arg2[%arg0, %dma_start3A_202, %dma_start3A_203] : memref<2x100352x16xf32, #tpu.memory_space<hbm>> -> memref<1x100352x16xf32, #tpu.memory_space<hbm>>
      %dma_start3A_205 = tpu.memref_squeeze %dma_start3A_204 : memref<1x100352x16xf32, #tpu.memory_space<hbm>> -> memref<100352x16xf32, #tpu.memory_space<hbm>>
      %dma_start3A_206 = arith.constant 0 : i32
      %dma_start3A_207 = arith.constant 0 : i32
      %dma_start3A_208 = tpu.memref_slice %dma_start3A_205[%dma_start3A_206, %dma_start3A_207] : memref<100352x16xf32, #tpu.memory_space<hbm>> -> memref<100352x16xf32, #tpu.memory_space<hbm>>
      tpu.enqueue_indirect_dma source(%dma_start3A_208 : memref<100352x16xf32, #tpu.memory_space<hbm>>) target(%arg9 : memref<256x16xf32, #tpu.memory_space<vmem>>) offsets(%dma_start3A_201 : memref<256xi32, #tpu.memory_space<vmem>>) semaphore(%arg18 : memref<!tpu.dma_semaphore, #tpu.memory_space<semaphore_mem>>)
      %dma_wait3A_209 = arith.constant 0 : i32
      %dma_wait3A_210 = tpu.memref_slice %arg3[%dma_wait3A_209, %mul3A_2] : memref<2x1605632xi32, #tpu.memory_space<hbm>> -> memref<2x256xi32, #tpu.memory_space<hbm>>
      %dma_wait3A_211 = arith.constant 0 : i32
      %dma_wait3A_212 = tpu.memref_slice %arg3[%dma_wait3A_211, %mul3A_2] : memref<2x1605632xi32, #tpu.memory_space<hbm>> -> memref<2x256xi32, #tpu.memory_space<hbm>>
      tpu.wait_dma2 semaphore(%arg15 : memref<!tpu.dma_semaphore, #tpu.memory_space<semaphore_mem>>) src(%dma_wait3A_212 : memref<2x256xi32, #tpu.memory_space<hbm>>) dst(%arg6 : memref<2x256xi32, #tpu.memory_space<vmem>>)
      %dma_start3A_213 = arith.constant 0 : i32
      %dma_start3A_214 = arith.constant 0 : i32
      %dma_start3A_215 = tpu.memref_slice %arg6[%dma_start3A_213, %dma_start3A_214] : memref<2x256xi32, #tpu.memory_space<vmem>> -> memref<1x256xi32, #tpu.memory_space<vmem>>
      %dma_start3A_216 = tpu.memref_squeeze %dma_start3A_215 : memref<1x256xi32, #tpu.memory_space<vmem>> -> memref<256xi32, #tpu.memory_space<vmem>>
      %dma_start3A_217 = arith.constant 0 : i32
      %dma_start3A_218 = arith.constant 0 : i32
      %dma_start3A_219 = tpu.memref_slice %arg2[%arg0, %dma_start3A_217, %dma_start3A_218] : memref<2x100352x16xf32, #tpu.memory_space<hbm>> -> memref<1x100352x16xf32, #tpu.memory_space<hbm>>
      %dma_start3A_220 = tpu.memref_squeeze %dma_start3A_219 : memref<1x100352x16xf32, #tpu.memory_space<hbm>> -> memref<100352x16xf32, #tpu.memory_space<hbm>>
      %dma_start3A_221 = arith.constant 0 : i32
      %dma_start3A_222 = arith.constant 0 : i32
      %dma_start3A_223 = tpu.memref_slice %dma_start3A_220[%dma_start3A_221, %dma_start3A_222] : memref<100352x16xf32, #tpu.memory_space<hbm>> -> memref<100352x16xf32, #tpu.memory_space<hbm>>
      tpu.enqueue_indirect_dma source(%dma_start3A_223 : memref<100352x16xf32, #tpu.memory_space<hbm>>) target(%arg10 : memref<256x16xf32, #tpu.memory_space<vmem>>) offsets(%dma_start3A_216 : memref<256xi32, #tpu.memory_space<vmem>>) semaphore(%arg19 : memref<!tpu.dma_semaphore, #tpu.memory_space<semaphore_mem>>)
      %dma_wait3A_224 = arith.constant 0 : i32
      %dma_wait3A_225 = tpu.memref_slice %arg3[%dma_wait3A_224, %mul3A_2] : memref<2x1605632xi32, #tpu.memory_space<hbm>> -> memref<2x256xi32, #tpu.memory_space<hbm>>
      %dma_wait3A_226 = arith.constant 0 : i32
      %dma_wait3A_227 = tpu.memref_slice %arg3[%dma_wait3A_226, %mul3A_2] : memref<2x1605632xi32, #tpu.memory_space<hbm>> -> memref<2x256xi32, #tpu.memory_space<hbm>>
      tpu.wait_dma2 semaphore(%arg16 : memref<!tpu.dma_semaphore, #tpu.memory_space<semaphore_mem>>) src(%dma_wait3A_227 : memref<2x256xi32, #tpu.memory_space<hbm>>) dst(%arg7 : memref<2x256xi32, #tpu.memory_space<vmem>>)
      %dma_start3A_228 = arith.constant 0 : i32
      %dma_start3A_229 = arith.constant 0 : i32
      %dma_start3A_230 = tpu.memref_slice %arg7[%dma_start3A_228, %dma_start3A_229] : memref<2x256xi32, #tpu.memory_space<vmem>> -> memref<1x256xi32, #tpu.memory_space<vmem>>
      %dma_start3A_231 = tpu.memref_squeeze %dma_start3A_230 : memref<1x256xi32, #tpu.memory_space<vmem>> -> memref<256xi32, #tpu.memory_space<vmem>>
      %dma_start3A_232 = arith.constant 0 : i32
      %dma_start3A_233 = arith.constant 0 : i32
      %dma_start3A_234 = tpu.memref_slice %arg2[%arg0, %dma_start3A_232, %dma_start3A_233] : memref<2x100352x16xf32, #tpu.memory_space<hbm>> -> memref<1x100352x16xf32, #tpu.memory_space<hbm>>
      %dma_start3A_235 = tpu.memref_squeeze %dma_start3A_234 : memref<1x100352x16xf32, #tpu.memory_space<hbm>> -> memref<100352x16xf32, #tpu.memory_space<hbm>>
      %dma_start3A_236 = arith.constant 0 : i32
      %dma_start3A_237 = arith.constant 0 : i32
      %dma_start3A_238 = tpu.memref_slice %dma_start3A_235[%dma_start3A_236, %dma_start3A_237] : memref<100352x16xf32, #tpu.memory_space<hbm>> -> memref<100352x16xf32, #tpu.memory_space<hbm>>
      tpu.enqueue_indirect_dma source(%dma_start3A_238 : memref<100352x16xf32, #tpu.memory_space<hbm>>) target(%arg11 : memref<256x16xf32, #tpu.memory_space<vmem>>) offsets(%dma_start3A_231 : memref<256xi32, #tpu.memory_space<vmem>>) semaphore(%arg20 : memref<!tpu.dma_semaphore, #tpu.memory_space<semaphore_mem>>)
      %dma_wait3A_239 = arith.constant 0 : i32
      %dma_wait3A_240 = tpu.memref_slice %arg3[%dma_wait3A_239, %mul3A_2] : memref<2x1605632xi32, #tpu.memory_space<hbm>> -> memref<2x256xi32, #tpu.memory_space<hbm>>
      %dma_wait3A_241 = arith.constant 0 : i32
      %dma_wait3A_242 = tpu.memref_slice %arg3[%dma_wait3A_241, %mul3A_2] : memref<2x1605632xi32, #tpu.memory_space<hbm>> -> memref<2x256xi32, #tpu.memory_space<hbm>>
      tpu.wait_dma2 semaphore(%arg17 : memref<!tpu.dma_semaphore, #tpu.memory_space<semaphore_mem>>) src(%dma_wait3A_242 : memref<2x256xi32, #tpu.memory_space<hbm>>) dst(%arg8 : memref<2x256xi32, #tpu.memory_space<vmem>>)
      %dma_start3A_243 = arith.constant 0 : i32
      %dma_start3A_244 = arith.constant 0 : i32
      %dma_start3A_245 = tpu.memref_slice %arg8[%dma_start3A_243, %dma_start3A_244] : memref<2x256xi32, #tpu.memory_space<vmem>> -> memref<1x256xi32, #tpu.memory_space<vmem>>
      %dma_start3A_246 = tpu.memref_squeeze %dma_start3A_245 : memref<1x256xi32, #tpu.memory_space<vmem>> -> memref<256xi32, #tpu.memory_space<vmem>>
      %dma_start3A_247 = arith.constant 0 : i32
      %dma_start3A_248 = arith.constant 0 : i32
      %dma_start3A_249 = tpu.memref_slice %arg2[%arg0, %dma_start3A_247, %dma_start3A_248] : memref<2x100352x16xf32, #tpu.memory_space<hbm>> -> memref<1x100352x16xf32, #tpu.memory_space<hbm>>
      %dma_start3A_250 = tpu.memref_squeeze %dma_start3A_249 : memref<1x100352x16xf32, #tpu.memory_space<hbm>> -> memref<100352x16xf32, #tpu.memory_space<hbm>>
      %dma_start3A_251 = arith.constant 0 : i32
      %dma_start3A_252 = arith.constant 0 : i32
      %dma_start3A_253 = tpu.memref_slice %dma_start3A_250[%dma_start3A_251, %dma_start3A_252] : memref<100352x16xf32, #tpu.memory_space<hbm>> -> memref<100352x16xf32, #tpu.memory_space<hbm>>
      tpu.enqueue_indirect_dma source(%dma_start3A_253 : memref<100352x16xf32, #tpu.memory_space<hbm>>) target(%arg12 : memref<256x16xf32, #tpu.memory_space<vmem>>) offsets(%dma_start3A_246 : memref<256xi32, #tpu.memory_space<vmem>>) semaphore(%arg21 : memref<!tpu.dma_semaphore, #tpu.memory_space<semaphore_mem>>)
      %dma_wait3A_254 = arith.constant 0 : i32
      %dma_wait3A_255 = arith.constant 0 : i32
      %dma_wait3A_256 = tpu.memref_slice %arg5[%dma_wait3A_254, %dma_wait3A_255] : memref<2x256xi32, #tpu.memory_space<vmem>> -> memref<1x256xi32, #tpu.memory_space<vmem>>
      %dma_wait3A_257 = tpu.memref_squeeze %dma_wait3A_256 : memref<1x256xi32, #tpu.memory_space<vmem>> -> memref<256xi32, #tpu.memory_space<vmem>>
      %dma_wait3A_258 = arith.constant 0 : i32
      %dma_wait3A_259 = arith.constant 0 : i32
      %dma_wait3A_260 = tpu.memref_slice %arg2[%arg0, %dma_wait3A_258, %dma_wait3A_259] : memref<2x100352x16xf32, #tpu.memory_space<hbm>> -> memref<1x100352x16xf32, #tpu.memory_space<hbm>>
      %dma_wait3A_261 = tpu.memref_squeeze %dma_wait3A_260 : memref<1x100352x16xf32, #tpu.memory_space<hbm>> -> memref<100352x16xf32, #tpu.memory_space<hbm>>
      %dma_wait3A_262 = arith.constant 0 : i32
      %dma_wait3A_263 = arith.constant 0 : i32
      %dma_wait3A_264 = tpu.memref_slice %dma_wait3A_261[%dma_wait3A_262, %dma_wait3A_263] : memref<100352x16xf32, #tpu.memory_space<hbm>> -> memref<100352x16xf32, #tpu.memory_space<hbm>>
      tpu.wait_indirect_dma semaphore(%arg18 : memref<!tpu.dma_semaphore, #tpu.memory_space<semaphore_mem>>) src(%dma_wait3A_264 : memref<100352x16xf32, #tpu.memory_space<hbm>>) dst(%arg9 : memref<256x16xf32, #tpu.memory_space<vmem>>)
      %dma_start3A_265 = arith.constant 1 : i32
      %dma_start3A_266 = arith.constant 0 : i32
      %dma_start3A_267 = tpu.memref_slice %arg5[%dma_start3A_265, %dma_start3A_266] : memref<2x256xi32, #tpu.memory_space<vmem>> -> memref<1x256xi32, #tpu.memory_space<vmem>>
      %dma_start3A_268 = tpu.memref_squeeze %dma_start3A_267 : memref<1x256xi32, #tpu.memory_space<vmem>> -> memref<256xi32, #tpu.memory_space<vmem>>
      %dma_start3A_269 = arith.constant 0 : i32
      %dma_start3A_270 = arith.constant 0 : i32
      %dma_start3A_271 = tpu.memref_slice %arg13[%dma_start3A_269, %dma_start3A_270] : memref<100480x16xf32, #tpu.memory_space<vmem_shared>> -> memref<100480x16xf32, #tpu.memory_space<vmem_shared>>
      tpu.enqueue_indirect_dma source(%arg9 : memref<256x16xf32, #tpu.memory_space<vmem>>) target(%dma_start3A_271 : memref<100480x16xf32, #tpu.memory_space<vmem_shared>>) offsets(%dma_start3A_268 : memref<256xi32, #tpu.memory_space<vmem>>) semaphore(%arg22 : memref<!tpu.dma_semaphore, #tpu.memory_space<semaphore_mem>>) {add = true}
      %dma_wait3A_272 = arith.constant 0 : i32
      %dma_wait3A_273 = arith.constant 0 : i32
      %dma_wait3A_274 = tpu.memref_slice %arg6[%dma_wait3A_272, %dma_wait3A_273] : memref<2x256xi32, #tpu.memory_space<vmem>> -> memref<1x256xi32, #tpu.memory_space<vmem>>
      %dma_wait3A_275 = tpu.memref_squeeze %dma_wait3A_274 : memref<1x256xi32, #tpu.memory_space<vmem>> -> memref<256xi32, #tpu.memory_space<vmem>>
      %dma_wait3A_276 = arith.constant 0 : i32
      %dma_wait3A_277 = arith.constant 0 : i32
      %dma_wait3A_278 = tpu.memref_slice %arg2[%arg0, %dma_wait3A_276, %dma_wait3A_277] : memref<2x100352x16xf32, #tpu.memory_space<hbm>> -> memref<1x100352x16xf32, #tpu.memory_space<hbm>>
      %dma_wait3A_279 = tpu.memref_squeeze %dma_wait3A_278 : memref<1x100352x16xf32, #tpu.memory_space<hbm>> -> memref<100352x16xf32, #tpu.memory_space<hbm>>
      %dma_wait3A_280 = arith.constant 0 : i32
      %dma_wait3A_281 = arith.constant 0 : i32
      %dma_wait3A_282 = tpu.memref_slice %dma_wait3A_279[%dma_wait3A_280, %dma_wait3A_281] : memref<100352x16xf32, #tpu.memory_space<hbm>> -> memref<100352x16xf32, #tpu.memory_space<hbm>>
      tpu.wait_indirect_dma semaphore(%arg19 : memref<!tpu.dma_semaphore, #tpu.memory_space<semaphore_mem>>) src(%dma_wait3A_282 : memref<100352x16xf32, #tpu.memory_space<hbm>>) dst(%arg10 : memref<256x16xf32, #tpu.memory_space<vmem>>)
      %dma_start3A_283 = arith.constant 1 : i32
      %dma_start3A_284 = arith.constant 0 : i32
      %dma_start3A_285 = tpu.memref_slice %arg6[%dma_start3A_283, %dma_start3A_284] : memref<2x256xi32, #tpu.memory_space<vmem>> -> memref<1x256xi32, #tpu.memory_space<vmem>>
      %dma_start3A_286 = tpu.memref_squeeze %dma_start3A_285 : memref<1x256xi32, #tpu.memory_space<vmem>> -> memref<256xi32, #tpu.memory_space<vmem>>
      %dma_start3A_287 = arith.constant 0 : i32
      %dma_start3A_288 = arith.constant 0 : i32
      %dma_start3A_289 = tpu.memref_slice %arg13[%dma_start3A_287, %dma_start3A_288] : memref<100480x16xf32, #tpu.memory_space<vmem_shared>> -> memref<100480x16xf32, #tpu.memory_space<vmem_shared>>
      tpu.enqueue_indirect_dma source(%arg10 : memref<256x16xf32, #tpu.memory_space<vmem>>) target(%dma_start3A_289 : memref<100480x16xf32, #tpu.memory_space<vmem_shared>>) offsets(%dma_start3A_286 : memref<256xi32, #tpu.memory_space<vmem>>) semaphore(%arg23 : memref<!tpu.dma_semaphore, #tpu.memory_space<semaphore_mem>>) {add = true}
      %dma_wait3A_290 = arith.constant 0 : i32
      %dma_wait3A_291 = arith.constant 0 : i32
      %dma_wait3A_292 = tpu.memref_slice %arg7[%dma_wait3A_290, %dma_wait3A_291] : memref<2x256xi32, #tpu.memory_space<vmem>> -> memref<1x256xi32, #tpu.memory_space<vmem>>
      %dma_wait3A_293 = tpu.memref_squeeze %dma_wait3A_292 : memref<1x256xi32, #tpu.memory_space<vmem>> -> memref<256xi32, #tpu.memory_space<vmem>>
      %dma_wait3A_294 = arith.constant 0 : i32
      %dma_wait3A_295 = arith.constant 0 : i32
      %dma_wait3A_296 = tpu.memref_slice %arg2[%arg0, %dma_wait3A_294, %dma_wait3A_295] : memref<2x100352x16xf32, #tpu.memory_space<hbm>> -> memref<1x100352x16xf32, #tpu.memory_space<hbm>>
      %dma_wait3A_297 = tpu.memref_squeeze %dma_wait3A_296 : memref<1x100352x16xf32, #tpu.memory_space<hbm>> -> memref<100352x16xf32, #tpu.memory_space<hbm>>
      %dma_wait3A_298 = arith.constant 0 : i32
      %dma_wait3A_299 = arith.constant 0 : i32
      %dma_wait3A_300 = tpu.memref_slice %dma_wait3A_297[%dma_wait3A_298, %dma_wait3A_299] : memref<100352x16xf32, #tpu.memory_space<hbm>> -> memref<100352x16xf32, #tpu.memory_space<hbm>>
      tpu.wait_indirect_dma semaphore(%arg20 : memref<!tpu.dma_semaphore, #tpu.memory_space<semaphore_mem>>) src(%dma_wait3A_300 : memref<100352x16xf32, #tpu.memory_space<hbm>>) dst(%arg11 : memref<256x16xf32, #tpu.memory_space<vmem>>)
      %dma_start3A_301 = arith.constant 1 : i32
      %dma_start3A_302 = arith.constant 0 : i32
      %dma_start3A_303 = tpu.memref_slice %arg7[%dma_start3A_301, %dma_start3A_302] : memref<2x256xi32, #tpu.memory_space<vmem>> -> memref<1x256xi32, #tpu.memory_space<vmem>>
      %dma_start3A_304 = tpu.memref_squeeze %dma_start3A_303 : memref<1x256xi32, #tpu.memory_space<vmem>> -> memref<256xi32, #tpu.memory_space<vmem>>
      %dma_start3A_305 = arith.constant 0 : i32
      %dma_start3A_306 = arith.constant 0 : i32
      %dma_start3A_307 = tpu.memref_slice %arg13[%dma_start3A_305, %dma_start3A_306] : memref<100480x16xf32, #tpu.memory_space<vmem_shared>> -> memref<100480x16xf32, #tpu.memory_space<vmem_shared>>
      tpu.enqueue_indirect_dma source(%arg11 : memref<256x16xf32, #tpu.memory_space<vmem>>) target(%dma_start3A_307 : memref<100480x16xf32, #tpu.memory_space<vmem_shared>>) offsets(%dma_start3A_304 : memref<256xi32, #tpu.memory_space<vmem>>) semaphore(%arg24 : memref<!tpu.dma_semaphore, #tpu.memory_space<semaphore_mem>>) {add = true}
      %dma_wait3A_308 = arith.constant 0 : i32
      %dma_wait3A_309 = arith.constant 0 : i32
      %dma_wait3A_310 = tpu.memref_slice %arg8[%dma_wait3A_308, %dma_wait3A_309] : memref<2x256xi32, #tpu.memory_space<vmem>> -> memref<1x256xi32, #tpu.memory_space<vmem>>
      %dma_wait3A_311 = tpu.memref_squeeze %dma_wait3A_310 : memref<1x256xi32, #tpu.memory_space<vmem>> -> memref<256xi32, #tpu.memory_space<vmem>>
      %dma_wait3A_312 = arith.constant 0 : i32
      %dma_wait3A_313 = arith.constant 0 : i32
      %dma_wait3A_314 = tpu.memref_slice %arg2[%arg0, %dma_wait3A_312, %dma_wait3A_313] : memref<2x100352x16xf32, #tpu.memory_space<hbm>> -> memref<1x100352x16xf32, #tpu.memory_space<hbm>>
      %dma_wait3A_315 = tpu.memref_squeeze %dma_wait3A_314 : memref<1x100352x16xf32, #tpu.memory_space<hbm>> -> memref<100352x16xf32, #tpu.memory_space<hbm>>
      %dma_wait3A_316 = arith.constant 0 : i32
      %dma_wait3A_317 = arith.constant 0 : i32
      %dma_wait3A_318 = tpu.memref_slice %dma_wait3A_315[%dma_wait3A_316, %dma_wait3A_317] : memref<100352x16xf32, #tpu.memory_space<hbm>> -> memref<100352x16xf32, #tpu.memory_space<hbm>>
      tpu.wait_indirect_dma semaphore(%arg21 : memref<!tpu.dma_semaphore, #tpu.memory_space<semaphore_mem>>) src(%dma_wait3A_318 : memref<100352x16xf32, #tpu.memory_space<hbm>>) dst(%arg12 : memref<256x16xf32, #tpu.memory_space<vmem>>)
      %dma_start3A_319 = arith.constant 1 : i32
      %dma_start3A_320 = arith.constant 0 : i32
      %dma_start3A_321 = tpu.memref_slice %arg8[%dma_start3A_319, %dma_start3A_320] : memref<2x256xi32, #tpu.memory_space<vmem>> -> memref<1x256xi32, #tpu.memory_space<vmem>>
      %dma_start3A_322 = tpu.memref_squeeze %dma_start3A_321 : memref<1x256xi32, #tpu.memory_space<vmem>> -> memref<256xi32, #tpu.memory_space<vmem>>
      %dma_start3A_323 = arith.constant 0 : i32
      %dma_start3A_324 = arith.constant 0 : i32
      %dma_start3A_325 = tpu.memref_slice %arg13[%dma_start3A_323, %dma_start3A_324] : memref<100480x16xf32, #tpu.memory_space<vmem_shared>> -> memref<100480x16xf32, #tpu.memory_space<vmem_shared>>
      tpu.enqueue_indirect_dma source(%arg12 : memref<256x16xf32, #tpu.memory_space<vmem>>) target(%dma_start3A_325 : memref<100480x16xf32, #tpu.memory_space<vmem_shared>>) offsets(%dma_start3A_322 : memref<256xi32, #tpu.memory_space<vmem>>) semaphore(%arg25 : memref<!tpu.dma_semaphore, #tpu.memory_space<semaphore_mem>>) {add = true}
      %dma_wait3A_326 = arith.constant 1 : i32
      %dma_wait3A_327 = arith.constant 0 : i32
      %dma_wait3A_328 = tpu.memref_slice %arg5[%dma_wait3A_326, %dma_wait3A_327] : memref<2x256xi32, #tpu.memory_space<vmem>> -> memref<1x256xi32, #tpu.memory_space<vmem>>
      %dma_wait3A_329 = tpu.memref_squeeze %dma_wait3A_328 : memref<1x256xi32, #tpu.memory_space<vmem>> -> memref<256xi32, #tpu.memory_space<vmem>>
      %dma_wait3A_330 = arith.constant 0 : i32
      %dma_wait3A_331 = arith.constant 0 : i32
      %dma_wait3A_332 = tpu.memref_slice %arg13[%dma_wait3A_330, %dma_wait3A_331] : memref<100480x16xf32, #tpu.memory_space<vmem_shared>> -> memref<100480x16xf32, #tpu.memory_space<vmem_shared>>
      tpu.wait_indirect_dma semaphore(%arg22 : memref<!tpu.dma_semaphore, #tpu.memory_space<semaphore_mem>>) src(%arg9 : memref<256x16xf32, #tpu.memory_space<vmem>>) dst(%dma_wait3A_332 : memref<100480x16xf32, #tpu.memory_space<vmem_shared>>)
      %add3A_333 = arith.constant 4 : i32
      %add3A_334 = arith.addi %add3A_193, %add3A_333 : i32
      %add3A_335 = arith.constant 0 : i32
      %add3A_336 = arith.addi %add3A_334, %add3A_335 : i32
      %mul3A_337 = arith.constant 256 : i32
      %mul3A_338 = arith.muli %add3A_336, %mul3A_337 : i32
      %add3A_339 = arith.addi %mul3A_2, %mul3A_338 : i32
      %dma_start3A_340 = arith.constant 0 : i32
      %dma_start3A_341 = tpu.memref_slice %arg3[%dma_start3A_340, %add3A_339] : memref<2x1605632xi32, #tpu.memory_space<hbm>> -> memref<2x256xi32, #tpu.memory_space<hbm>>
      %dma_start3A_342 = arith.constant 0 : i32
      %dma_start3A_343 = tpu.memref_slice %arg3[%dma_start3A_342, %add3A_339] : memref<2x1605632xi32, #tpu.memory_space<hbm>> -> memref<2x256xi32, #tpu.memory_space<hbm>>
      tpu.enqueue_dma source(%dma_start3A_343 : memref<2x256xi32, #tpu.memory_space<hbm>>) target(%arg5 : memref<2x256xi32, #tpu.memory_space<vmem>>) target_semaphore(%arg14 : memref<!tpu.dma_semaphore, #tpu.memory_space<semaphore_mem>>)
      %dma_wait3A_344 = arith.constant 1 : i32
      %dma_wait3A_345 = arith.constant 0 : i32
      %dma_wait3A_346 = tpu.memref_slice %arg6[%dma_wait3A_344, %dma_wait3A_345] : memref<2x256xi32, #tpu.memory_space<vmem>> -> memref<1x256xi32, #tpu.memory_space<vmem>>
      %dma_wait3A_347 = tpu.memref_squeeze %dma_wait3A_346 : memref<1x256xi32, #tpu.memory_space<vmem>> -> memref<256xi32, #tpu.memory_space<vmem>>
      %dma_wait3A_348 = arith.constant 0 : i32
      %dma_wait3A_349 = arith.constant 0 : i32
      %dma_wait3A_350 = tpu.memref_slice %arg13[%dma_wait3A_348, %dma_wait3A_349] : memref<100480x16xf32, #tpu.memory_space<vmem_shared>> -> memref<100480x16xf32, #tpu.memory_space<vmem_shared>>
      tpu.wait_indirect_dma semaphore(%arg23 : memref<!tpu.dma_semaphore, #tpu.memory_space<semaphore_mem>>) src(%arg10 : memref<256x16xf32, #tpu.memory_space<vmem>>) dst(%dma_wait3A_350 : memref<100480x16xf32, #tpu.memory_space<vmem_shared>>)
      %add3A_351 = arith.constant 4 : i32
      %add3A_352 = arith.addi %add3A_193, %add3A_351 : i32
      %add3A_353 = arith.constant 1 : i32
      %add3A_354 = arith.addi %add3A_352, %add3A_353 : i32
      %mul3A_355 = arith.constant 256 : i32
      %mul3A_356 = arith.muli %add3A_354, %mul3A_355 : i32
      %add3A_357 = arith.addi %mul3A_2, %mul3A_356 : i32
      %dma_start3A_358 = arith.constant 0 : i32
      %dma_start3A_359 = tpu.memref_slice %arg3[%dma_start3A_358, %add3A_357] : memref<2x1605632xi32, #tpu.memory_space<hbm>> -> memref<2x256xi32, #tpu.memory_space<hbm>>
      %dma_start3A_360 = arith.constant 0 : i32
      %dma_start3A_361 = tpu.memref_slice %arg3[%dma_start3A_360, %add3A_357] : memref<2x1605632xi32, #tpu.memory_space<hbm>> -> memref<2x256xi32, #tpu.memory_space<hbm>>
      tpu.enqueue_dma source(%dma_start3A_361 : memref<2x256xi32, #tpu.memory_space<hbm>>) target(%arg6 : memref<2x256xi32, #tpu.memory_space<vmem>>) target_semaphore(%arg15 : memref<!tpu.dma_semaphore, #tpu.memory_space<semaphore_mem>>)
      %dma_wait3A_362 = arith.constant 1 : i32
      %dma_wait3A_363 = arith.constant 0 : i32
      %dma_wait3A_364 = tpu.memref_slice %arg7[%dma_wait3A_362, %dma_wait3A_363] : memref<2x256xi32, #tpu.memory_space<vmem>> -> memref<1x256xi32, #tpu.memory_space<vmem>>
      %dma_wait3A_365 = tpu.memref_squeeze %dma_wait3A_364 : memref<1x256xi32, #tpu.memory_space<vmem>> -> memref<256xi32, #tpu.memory_space<vmem>>
      %dma_wait3A_366 = arith.constant 0 : i32
      %dma_wait3A_367 = arith.constant 0 : i32
      %dma_wait3A_368 = tpu.memref_slice %arg13[%dma_wait3A_366, %dma_wait3A_367] : memref<100480x16xf32, #tpu.memory_space<vmem_shared>> -> memref<100480x16xf32, #tpu.memory_space<vmem_shared>>
      tpu.wait_indirect_dma semaphore(%arg24 : memref<!tpu.dma_semaphore, #tpu.memory_space<semaphore_mem>>) src(%arg11 : memref<256x16xf32, #tpu.memory_space<vmem>>) dst(%dma_wait3A_368 : memref<100480x16xf32, #tpu.memory_space<vmem_shared>>)
      %add3A_369 = arith.constant 4 : i32
      %add3A_370 = arith.addi %add3A_193, %add3A_369 : i32
      %add3A_371 = arith.constant 2 : i32
      %add3A_372 = arith.addi %add3A_370, %add3A_371 : i32
      %mul3A_373 = arith.constant 256 : i32
      %mul3A_374 = arith.muli %add3A_372, %mul3A_373 : i32
      %add3A_375 = arith.addi %mul3A_2, %mul3A_374 : i32
      %dma_start3A_376 = arith.constant 0 : i32
      %dma_start3A_377 = tpu.memref_slice %arg3[%dma_start3A_376, %add3A_375] : memref<2x1605632xi32, #tpu.memory_space<hbm>> -> memref<2x256xi32, #tpu.memory_space<hbm>>
      %dma_start3A_378 = arith.constant 0 : i32
      %dma_start3A_379 = tpu.memref_slice %arg3[%dma_start3A_378, %add3A_375] : memref<2x1605632xi32, #tpu.memory_space<hbm>> -> memref<2x256xi32, #tpu.memory_space<hbm>>
      tpu.enqueue_dma source(%dma_start3A_379 : memref<2x256xi32, #tpu.memory_space<hbm>>) target(%arg7 : memref<2x256xi32, #tpu.memory_space<vmem>>) target_semaphore(%arg16 : memref<!tpu.dma_semaphore, #tpu.memory_space<semaphore_mem>>)
      %dma_wait3A_380 = arith.constant 1 : i32
      %dma_wait3A_381 = arith.constant 0 : i32
      %dma_wait3A_382 = tpu.memref_slice %arg8[%dma_wait3A_380, %dma_wait3A_381] : memref<2x256xi32, #tpu.memory_space<vmem>> -> memref<1x256xi32, #tpu.memory_space<vmem>>
      %dma_wait3A_383 = tpu.memref_squeeze %dma_wait3A_382 : memref<1x256xi32, #tpu.memory_space<vmem>> -> memref<256xi32, #tpu.memory_space<vmem>>
      %dma_wait3A_384 = arith.constant 0 : i32
      %dma_wait3A_385 = arith.constant 0 : i32
      %dma_wait3A_386 = tpu.memref_slice %arg13[%dma_wait3A_384, %dma_wait3A_385] : memref<100480x16xf32, #tpu.memory_space<vmem_shared>> -> memref<100480x16xf32, #tpu.memory_space<vmem_shared>>
      tpu.wait_indirect_dma semaphore(%arg25 : memref<!tpu.dma_semaphore, #tpu.memory_space<semaphore_mem>>) src(%arg12 : memref<256x16xf32, #tpu.memory_space<vmem>>) dst(%dma_wait3A_386 : memref<100480x16xf32, #tpu.memory_space<vmem_shared>>)
      %add3A_387 = arith.constant 4 : i32
      %add3A_388 = arith.addi %add3A_193, %add3A_387 : i32
      %add3A_389 = arith.constant 3 : i32
      %add3A_390 = arith.addi %add3A_388, %add3A_389 : i32
      %mul3A_391 = arith.constant 256 : i32
      %mul3A_392 = arith.muli %add3A_390, %mul3A_391 : i32
      %add3A_393 = arith.addi %mul3A_2, %mul3A_392 : i32
      %dma_start3A_394 = arith.constant 0 : i32
      %dma_start3A_395 = tpu.memref_slice %arg3[%dma_start3A_394, %add3A_393] : memref<2x1605632xi32, #tpu.memory_space<hbm>> -> memref<2x256xi32, #tpu.memory_space<hbm>>
      %dma_start3A_396 = arith.constant 0 : i32
      %dma_start3A_397 = tpu.memref_slice %arg3[%dma_start3A_396, %add3A_393] : memref<2x1605632xi32, #tpu.memory_space<hbm>> -> memref<2x256xi32, #tpu.memory_space<hbm>>
      tpu.enqueue_dma source(%dma_start3A_397 : memref<2x256xi32, #tpu.memory_space<hbm>>) target(%arg8 : memref<2x256xi32, #tpu.memory_space<vmem>>) target_semaphore(%arg17 : memref<!tpu.dma_semaphore, #tpu.memory_space<semaphore_mem>>)
    }
    %scan3A_28 = arith.constant 97 : i32
    %dma_wait3A = arith.constant 0 : i32
    %dma_wait3A_29 = tpu.memref_slice %arg3[%dma_wait3A, %mul3A_2] : memref<2x1605632xi32, #tpu.memory_space<hbm>> -> memref<2x256xi32, #tpu.memory_space<hbm>>
    %dma_wait3A_30 = arith.constant 0 : i32
    %dma_wait3A_31 = tpu.memref_slice %arg3[%dma_wait3A_30, %mul3A_2] : memref<2x1605632xi32, #tpu.memory_space<hbm>> -> memref<2x256xi32, #tpu.memory_space<hbm>>
    tpu.wait_dma2 semaphore(%arg14 : memref<!tpu.dma_semaphore, #tpu.memory_space<semaphore_mem>>) src(%dma_wait3A_31 : memref<2x256xi32, #tpu.memory_space<hbm>>) dst(%arg5 : memref<2x256xi32, #tpu.memory_space<vmem>>)
    %dma_start3A_32 = arith.constant 0 : i32
    %dma_start3A_33 = arith.constant 0 : i32
    %dma_start3A_34 = tpu.memref_slice %arg5[%dma_start3A_32, %dma_start3A_33] : memref<2x256xi32, #tpu.memory_space<vmem>> -> memref<1x256xi32, #tpu.memory_space<vmem>>
    %dma_start3A_35 = tpu.memref_squeeze %dma_start3A_34 : memref<1x256xi32, #tpu.memory_space<vmem>> -> memref<256xi32, #tpu.memory_space<vmem>>
    %dma_start3A_36 = arith.constant 0 : i32
    %dma_start3A_37 = arith.constant 0 : i32
    %dma_start3A_38 = tpu.memref_slice %arg2[%arg0, %dma_start3A_36, %dma_start3A_37] : memref<2x100352x16xf32, #tpu.memory_space<hbm>> -> memref<1x100352x16xf32, #tpu.memory_space<hbm>>
    %dma_start3A_39 = tpu.memref_squeeze %dma_start3A_38 : memref<1x100352x16xf32, #tpu.memory_space<hbm>> -> memref<100352x16xf32, #tpu.memory_space<hbm>>
    %dma_start3A_40 = arith.constant 0 : i32
    %dma_start3A_41 = arith.constant 0 : i32
    %dma_start3A_42 = tpu.memref_slice %dma_start3A_39[%dma_start3A_40, %dma_start3A_41] : memref<100352x16xf32, #tpu.memory_space<hbm>> -> memref<100352x16xf32, #tpu.memory_space<hbm>>
    tpu.enqueue_indirect_dma source(%dma_start3A_42 : memref<100352x16xf32, #tpu.memory_space<hbm>>) target(%arg9 : memref<256x16xf32, #tpu.memory_space<vmem>>) offsets(%dma_start3A_35 : memref<256xi32, #tpu.memory_space<vmem>>) semaphore(%arg18 : memref<!tpu.dma_semaphore, #tpu.memory_space<semaphore_mem>>)
    %dma_wait3A_43 = arith.constant 0 : i32
    %dma_wait3A_44 = tpu.memref_slice %arg3[%dma_wait3A_43, %mul3A_2] : memref<2x1605632xi32, #tpu.memory_space<hbm>> -> memref<2x256xi32, #tpu.memory_space<hbm>>
    %dma_wait3A_45 = arith.constant 0 : i32
    %dma_wait3A_46 = tpu.memref_slice %arg3[%dma_wait3A_45, %mul3A_2] : memref<2x1605632xi32, #tpu.memory_space<hbm>> -> memref<2x256xi32, #tpu.memory_space<hbm>>
    tpu.wait_dma2 semaphore(%arg15 : memref<!tpu.dma_semaphore, #tpu.memory_space<semaphore_mem>>) src(%dma_wait3A_46 : memref<2x256xi32, #tpu.memory_space<hbm>>) dst(%arg6 : memref<2x256xi32, #tpu.memory_space<vmem>>)
    %dma_start3A_47 = arith.constant 0 : i32
    %dma_start3A_48 = arith.constant 0 : i32
    %dma_start3A_49 = tpu.memref_slice %arg6[%dma_start3A_47, %dma_start3A_48] : memref<2x256xi32, #tpu.memory_space<vmem>> -> memref<1x256xi32, #tpu.memory_space<vmem>>
    %dma_start3A_50 = tpu.memref_squeeze %dma_start3A_49 : memref<1x256xi32, #tpu.memory_space<vmem>> -> memref<256xi32, #tpu.memory_space<vmem>>
    %dma_start3A_51 = arith.constant 0 : i32
    %dma_start3A_52 = arith.constant 0 : i32
    %dma_start3A_53 = tpu.memref_slice %arg2[%arg0, %dma_start3A_51, %dma_start3A_52] : memref<2x100352x16xf32, #tpu.memory_space<hbm>> -> memref<1x100352x16xf32, #tpu.memory_space<hbm>>
    %dma_start3A_54 = tpu.memref_squeeze %dma_start3A_53 : memref<1x100352x16xf32, #tpu.memory_space<hbm>> -> memref<100352x16xf32, #tpu.memory_space<hbm>>
    %dma_start3A_55 = arith.constant 0 : i32
    %dma_start3A_56 = arith.constant 0 : i32
    %dma_start3A_57 = tpu.memref_slice %dma_start3A_54[%dma_start3A_55, %dma_start3A_56] : memref<100352x16xf32, #tpu.memory_space<hbm>> -> memref<100352x16xf32, #tpu.memory_space<hbm>>
    tpu.enqueue_indirect_dma source(%dma_start3A_57 : memref<100352x16xf32, #tpu.memory_space<hbm>>) target(%arg10 : memref<256x16xf32, #tpu.memory_space<vmem>>) offsets(%dma_start3A_50 : memref<256xi32, #tpu.memory_space<vmem>>) semaphore(%arg19 : memref<!tpu.dma_semaphore, #tpu.memory_space<semaphore_mem>>)
    %dma_wait3A_58 = arith.constant 0 : i32
    %dma_wait3A_59 = tpu.memref_slice %arg3[%dma_wait3A_58, %mul3A_2] : memref<2x1605632xi32, #tpu.memory_space<hbm>> -> memref<2x256xi32, #tpu.memory_space<hbm>>
    %dma_wait3A_60 = arith.constant 0 : i32
    %dma_wait3A_61 = tpu.memref_slice %arg3[%dma_wait3A_60, %mul3A_2] : memref<2x1605632xi32, #tpu.memory_space<hbm>> -> memref<2x256xi32, #tpu.memory_space<hbm>>
    tpu.wait_dma2 semaphore(%arg16 : memref<!tpu.dma_semaphore, #tpu.memory_space<semaphore_mem>>) src(%dma_wait3A_61 : memref<2x256xi32, #tpu.memory_space<hbm>>) dst(%arg7 : memref<2x256xi32, #tpu.memory_space<vmem>>)
    %dma_start3A_62 = arith.constant 0 : i32
    %dma_start3A_63 = arith.constant 0 : i32
    %dma_start3A_64 = tpu.memref_slice %arg7[%dma_start3A_62, %dma_start3A_63] : memref<2x256xi32, #tpu.memory_space<vmem>> -> memref<1x256xi32, #tpu.memory_space<vmem>>
    %dma_start3A_65 = tpu.memref_squeeze %dma_start3A_64 : memref<1x256xi32, #tpu.memory_space<vmem>> -> memref<256xi32, #tpu.memory_space<vmem>>
    %dma_start3A_66 = arith.constant 0 : i32
    %dma_start3A_67 = arith.constant 0 : i32
    %dma_start3A_68 = tpu.memref_slice %arg2[%arg0, %dma_start3A_66, %dma_start3A_67] : memref<2x100352x16xf32, #tpu.memory_space<hbm>> -> memref<1x100352x16xf32, #tpu.memory_space<hbm>>
    %dma_start3A_69 = tpu.memref_squeeze %dma_start3A_68 : memref<1x100352x16xf32, #tpu.memory_space<hbm>> -> memref<100352x16xf32, #tpu.memory_space<hbm>>
    %dma_start3A_70 = arith.constant 0 : i32
    %dma_start3A_71 = arith.constant 0 : i32
    %dma_start3A_72 = tpu.memref_slice %dma_start3A_69[%dma_start3A_70, %dma_start3A_71] : memref<100352x16xf32, #tpu.memory_space<hbm>> -> memref<100352x16xf32, #tpu.memory_space<hbm>>
    tpu.enqueue_indirect_dma source(%dma_start3A_72 : memref<100352x16xf32, #tpu.memory_space<hbm>>) target(%arg11 : memref<256x16xf32, #tpu.memory_space<vmem>>) offsets(%dma_start3A_65 : memref<256xi32, #tpu.memory_space<vmem>>) semaphore(%arg20 : memref<!tpu.dma_semaphore, #tpu.memory_space<semaphore_mem>>)
    %dma_wait3A_73 = arith.constant 0 : i32
    %dma_wait3A_74 = tpu.memref_slice %arg3[%dma_wait3A_73, %mul3A_2] : memref<2x1605632xi32, #tpu.memory_space<hbm>> -> memref<2x256xi32, #tpu.memory_space<hbm>>
    %dma_wait3A_75 = arith.constant 0 : i32
    %dma_wait3A_76 = tpu.memref_slice %arg3[%dma_wait3A_75, %mul3A_2] : memref<2x1605632xi32, #tpu.memory_space<hbm>> -> memref<2x256xi32, #tpu.memory_space<hbm>>
    tpu.wait_dma2 semaphore(%arg17 : memref<!tpu.dma_semaphore, #tpu.memory_space<semaphore_mem>>) src(%dma_wait3A_76 : memref<2x256xi32, #tpu.memory_space<hbm>>) dst(%arg8 : memref<2x256xi32, #tpu.memory_space<vmem>>)
    %dma_start3A_77 = arith.constant 0 : i32
    %dma_start3A_78 = arith.constant 0 : i32
    %dma_start3A_79 = tpu.memref_slice %arg8[%dma_start3A_77, %dma_start3A_78] : memref<2x256xi32, #tpu.memory_space<vmem>> -> memref<1x256xi32, #tpu.memory_space<vmem>>
    %dma_start3A_80 = tpu.memref_squeeze %dma_start3A_79 : memref<1x256xi32, #tpu.memory_space<vmem>> -> memref<256xi32, #tpu.memory_space<vmem>>
    %dma_start3A_81 = arith.constant 0 : i32
    %dma_start3A_82 = arith.constant 0 : i32
    %dma_start3A_83 = tpu.memref_slice %arg2[%arg0, %dma_start3A_81, %dma_start3A_82] : memref<2x100352x16xf32, #tpu.memory_space<hbm>> -> memref<1x100352x16xf32, #tpu.memory_space<hbm>>
    %dma_start3A_84 = tpu.memref_squeeze %dma_start3A_83 : memref<1x100352x16xf32, #tpu.memory_space<hbm>> -> memref<100352x16xf32, #tpu.memory_space<hbm>>
    %dma_start3A_85 = arith.constant 0 : i32
    %dma_start3A_86 = arith.constant 0 : i32
    %dma_start3A_87 = tpu.memref_slice %dma_start3A_84[%dma_start3A_85, %dma_start3A_86] : memref<100352x16xf32, #tpu.memory_space<hbm>> -> memref<100352x16xf32, #tpu.memory_space<hbm>>
    tpu.enqueue_indirect_dma source(%dma_start3A_87 : memref<100352x16xf32, #tpu.memory_space<hbm>>) target(%arg12 : memref<256x16xf32, #tpu.memory_space<vmem>>) offsets(%dma_start3A_80 : memref<256xi32, #tpu.memory_space<vmem>>) semaphore(%arg21 : memref<!tpu.dma_semaphore, #tpu.memory_space<semaphore_mem>>)
    %dma_wait3A_88 = arith.constant 0 : i32
    %dma_wait3A_89 = arith.constant 0 : i32
    %dma_wait3A_90 = tpu.memref_slice %arg5[%dma_wait3A_88, %dma_wait3A_89] : memref<2x256xi32, #tpu.memory_space<vmem>> -> memref<1x256xi32, #tpu.memory_space<vmem>>
    %dma_wait3A_91 = tpu.memref_squeeze %dma_wait3A_90 : memref<1x256xi32, #tpu.memory_space<vmem>> -> memref<256xi32, #tpu.memory_space<vmem>>
    %dma_wait3A_92 = arith.constant 0 : i32
    %dma_wait3A_93 = arith.constant 0 : i32
    %dma_wait3A_94 = tpu.memref_slice %arg2[%arg0, %dma_wait3A_92, %dma_wait3A_93] : memref<2x100352x16xf32, #tpu.memory_space<hbm>> -> memref<1x100352x16xf32, #tpu.memory_space<hbm>>
    %dma_wait3A_95 = tpu.memref_squeeze %dma_wait3A_94 : memref<1x100352x16xf32, #tpu.memory_space<hbm>> -> memref<100352x16xf32, #tpu.memory_space<hbm>>
    %dma_wait3A_96 = arith.constant 0 : i32
    %dma_wait3A_97 = arith.constant 0 : i32
    %dma_wait3A_98 = tpu.memref_slice %dma_wait3A_95[%dma_wait3A_96, %dma_wait3A_97] : memref<100352x16xf32, #tpu.memory_space<hbm>> -> memref<100352x16xf32, #tpu.memory_space<hbm>>
    tpu.wait_indirect_dma semaphore(%arg18 : memref<!tpu.dma_semaphore, #tpu.memory_space<semaphore_mem>>) src(%dma_wait3A_98 : memref<100352x16xf32, #tpu.memory_space<hbm>>) dst(%arg9 : memref<256x16xf32, #tpu.memory_space<vmem>>)
    %dma_start3A_99 = arith.constant 1 : i32
    %dma_start3A_100 = arith.constant 0 : i32
    %dma_start3A_101 = tpu.memref_slice %arg5[%dma_start3A_99, %dma_start3A_100] : memref<2x256xi32, #tpu.memory_space<vmem>> -> memref<1x256xi32, #tpu.memory_space<vmem>>
    %dma_start3A_102 = tpu.memref_squeeze %dma_start3A_101 : memref<1x256xi32, #tpu.memory_space<vmem>> -> memref<256xi32, #tpu.memory_space<vmem>>
    %dma_start3A_103 = arith.constant 0 : i32
    %dma_start3A_104 = arith.constant 0 : i32
    %dma_start3A_105 = tpu.memref_slice %arg13[%dma_start3A_103, %dma_start3A_104] : memref<100480x16xf32, #tpu.memory_space<vmem_shared>> -> memref<100480x16xf32, #tpu.memory_space<vmem_shared>>
    tpu.enqueue_indirect_dma source(%arg9 : memref<256x16xf32, #tpu.memory_space<vmem>>) target(%dma_start3A_105 : memref<100480x16xf32, #tpu.memory_space<vmem_shared>>) offsets(%dma_start3A_102 : memref<256xi32, #tpu.memory_space<vmem>>) semaphore(%arg22 : memref<!tpu.dma_semaphore, #tpu.memory_space<semaphore_mem>>) {add = true}
    %dma_wait3A_106 = arith.constant 0 : i32
    %dma_wait3A_107 = arith.constant 0 : i32
    %dma_wait3A_108 = tpu.memref_slice %arg6[%dma_wait3A_106, %dma_wait3A_107] : memref<2x256xi32, #tpu.memory_space<vmem>> -> memref<1x256xi32, #tpu.memory_space<vmem>>
    %dma_wait3A_109 = tpu.memref_squeeze %dma_wait3A_108 : memref<1x256xi32, #tpu.memory_space<vmem>> -> memref<256xi32, #tpu.memory_space<vmem>>
    %dma_wait3A_110 = arith.constant 0 : i32
    %dma_wait3A_111 = arith.constant 0 : i32
    %dma_wait3A_112 = tpu.memref_slice %arg2[%arg0, %dma_wait3A_110, %dma_wait3A_111] : memref<2x100352x16xf32, #tpu.memory_space<hbm>> -> memref<1x100352x16xf32, #tpu.memory_space<hbm>>
    %dma_wait3A_113 = tpu.memref_squeeze %dma_wait3A_112 : memref<1x100352x16xf32, #tpu.memory_space<hbm>> -> memref<100352x16xf32, #tpu.memory_space<hbm>>
    %dma_wait3A_114 = arith.constant 0 : i32
    %dma_wait3A_115 = arith.constant 0 : i32
    %dma_wait3A_116 = tpu.memref_slice %dma_wait3A_113[%dma_wait3A_114, %dma_wait3A_115] : memref<100352x16xf32, #tpu.memory_space<hbm>> -> memref<100352x16xf32, #tpu.memory_space<hbm>>
    tpu.wait_indirect_dma semaphore(%arg19 : memref<!tpu.dma_semaphore, #tpu.memory_space<semaphore_mem>>) src(%dma_wait3A_116 : memref<100352x16xf32, #tpu.memory_space<hbm>>) dst(%arg10 : memref<256x16xf32, #tpu.memory_space<vmem>>)
    %dma_start3A_117 = arith.constant 1 : i32
    %dma_start3A_118 = arith.constant 0 : i32
    %dma_start3A_119 = tpu.memref_slice %arg6[%dma_start3A_117, %dma_start3A_118] : memref<2x256xi32, #tpu.memory_space<vmem>> -> memref<1x256xi32, #tpu.memory_space<vmem>>
    %dma_start3A_120 = tpu.memref_squeeze %dma_start3A_119 : memref<1x256xi32, #tpu.memory_space<vmem>> -> memref<256xi32, #tpu.memory_space<vmem>>
    %dma_start3A_121 = arith.constant 0 : i32
    %dma_start3A_122 = arith.constant 0 : i32
    %dma_start3A_123 = tpu.memref_slice %arg13[%dma_start3A_121, %dma_start3A_122] : memref<100480x16xf32, #tpu.memory_space<vmem_shared>> -> memref<100480x16xf32, #tpu.memory_space<vmem_shared>>
    tpu.enqueue_indirect_dma source(%arg10 : memref<256x16xf32, #tpu.memory_space<vmem>>) target(%dma_start3A_123 : memref<100480x16xf32, #tpu.memory_space<vmem_shared>>) offsets(%dma_start3A_120 : memref<256xi32, #tpu.memory_space<vmem>>) semaphore(%arg23 : memref<!tpu.dma_semaphore, #tpu.memory_space<semaphore_mem>>) {add = true}
    %dma_wait3A_124 = arith.constant 0 : i32
    %dma_wait3A_125 = arith.constant 0 : i32
    %dma_wait3A_126 = tpu.memref_slice %arg7[%dma_wait3A_124, %dma_wait3A_125] : memref<2x256xi32, #tpu.memory_space<vmem>> -> memref<1x256xi32, #tpu.memory_space<vmem>>
    %dma_wait3A_127 = tpu.memref_squeeze %dma_wait3A_126 : memref<1x256xi32, #tpu.memory_space<vmem>> -> memref<256xi32, #tpu.memory_space<vmem>>
    %dma_wait3A_128 = arith.constant 0 : i32
    %dma_wait3A_129 = arith.constant 0 : i32
    %dma_wait3A_130 = tpu.memref_slice %arg2[%arg0, %dma_wait3A_128, %dma_wait3A_129] : memref<2x100352x16xf32, #tpu.memory_space<hbm>> -> memref<1x100352x16xf32, #tpu.memory_space<hbm>>
    %dma_wait3A_131 = tpu.memref_squeeze %dma_wait3A_130 : memref<1x100352x16xf32, #tpu.memory_space<hbm>> -> memref<100352x16xf32, #tpu.memory_space<hbm>>
    %dma_wait3A_132 = arith.constant 0 : i32
    %dma_wait3A_133 = arith.constant 0 : i32
    %dma_wait3A_134 = tpu.memref_slice %dma_wait3A_131[%dma_wait3A_132, %dma_wait3A_133] : memref<100352x16xf32, #tpu.memory_space<hbm>> -> memref<100352x16xf32, #tpu.memory_space<hbm>>
    tpu.wait_indirect_dma semaphore(%arg20 : memref<!tpu.dma_semaphore, #tpu.memory_space<semaphore_mem>>) src(%dma_wait3A_134 : memref<100352x16xf32, #tpu.memory_space<hbm>>) dst(%arg11 : memref<256x16xf32, #tpu.memory_space<vmem>>)
    %dma_start3A_135 = arith.constant 1 : i32
    %dma_start3A_136 = arith.constant 0 : i32
    %dma_start3A_137 = tpu.memref_slice %arg7[%dma_start3A_135, %dma_start3A_136] : memref<2x256xi32, #tpu.memory_space<vmem>> -> memref<1x256xi32, #tpu.memory_space<vmem>>
    %dma_start3A_138 = tpu.memref_squeeze %dma_start3A_137 : memref<1x256xi32, #tpu.memory_space<vmem>> -> memref<256xi32, #tpu.memory_space<vmem>>
    %dma_start3A_139 = arith.constant 0 : i32
    %dma_start3A_140 = arith.constant 0 : i32
    %dma_start3A_141 = tpu.memref_slice %arg13[%dma_start3A_139, %dma_start3A_140] : memref<100480x16xf32, #tpu.memory_space<vmem_shared>> -> memref<100480x16xf32, #tpu.memory_space<vmem_shared>>
    tpu.enqueue_indirect_dma source(%arg11 : memref<256x16xf32, #tpu.memory_space<vmem>>) target(%dma_start3A_141 : memref<100480x16xf32, #tpu.memory_space<vmem_shared>>) offsets(%dma_start3A_138 : memref<256xi32, #tpu.memory_space<vmem>>) semaphore(%arg24 : memref<!tpu.dma_semaphore, #tpu.memory_space<semaphore_mem>>) {add = true}
    %dma_wait3A_142 = arith.constant 0 : i32
    %dma_wait3A_143 = arith.constant 0 : i32
    %dma_wait3A_144 = tpu.memref_slice %arg8[%dma_wait3A_142, %dma_wait3A_143] : memref<2x256xi32, #tpu.memory_space<vmem>> -> memref<1x256xi32, #tpu.memory_space<vmem>>
    %dma_wait3A_145 = tpu.memref_squeeze %dma_wait3A_144 : memref<1x256xi32, #tpu.memory_space<vmem>> -> memref<256xi32, #tpu.memory_space<vmem>>
    %dma_wait3A_146 = arith.constant 0 : i32
    %dma_wait3A_147 = arith.constant 0 : i32
    %dma_wait3A_148 = tpu.memref_slice %arg2[%arg0, %dma_wait3A_146, %dma_wait3A_147] : memref<2x100352x16xf32, #tpu.memory_space<hbm>> -> memref<1x100352x16xf32, #tpu.memory_space<hbm>>
    %dma_wait3A_149 = tpu.memref_squeeze %dma_wait3A_148 : memref<1x100352x16xf32, #tpu.memory_space<hbm>> -> memref<100352x16xf32, #tpu.memory_space<hbm>>
    %dma_wait3A_150 = arith.constant 0 : i32
    %dma_wait3A_151 = arith.constant 0 : i32
    %dma_wait3A_152 = tpu.memref_slice %dma_wait3A_149[%dma_wait3A_150, %dma_wait3A_151] : memref<100352x16xf32, #tpu.memory_space<hbm>> -> memref<100352x16xf32, #tpu.memory_space<hbm>>
    tpu.wait_indirect_dma semaphore(%arg21 : memref<!tpu.dma_semaphore, #tpu.memory_space<semaphore_mem>>) src(%dma_wait3A_152 : memref<100352x16xf32, #tpu.memory_space<hbm>>) dst(%arg12 : memref<256x16xf32, #tpu.memory_space<vmem>>)
    %dma_start3A_153 = arith.constant 1 : i32
    %dma_start3A_154 = arith.constant 0 : i32
    %dma_start3A_155 = tpu.memref_slice %arg8[%dma_start3A_153, %dma_start3A_154] : memref<2x256xi32, #tpu.memory_space<vmem>> -> memref<1x256xi32, #tpu.memory_space<vmem>>
    %dma_start3A_156 = tpu.memref_squeeze %dma_start3A_155 : memref<1x256xi32, #tpu.memory_space<vmem>> -> memref<256xi32, #tpu.memory_space<vmem>>
    %dma_start3A_157 = arith.constant 0 : i32
    %dma_start3A_158 = arith.constant 0 : i32
    %dma_start3A_159 = tpu.memref_slice %arg13[%dma_start3A_157, %dma_start3A_158] : memref<100480x16xf32, #tpu.memory_space<vmem_shared>> -> memref<100480x16xf32, #tpu.memory_space<vmem_shared>>
    tpu.enqueue_indirect_dma source(%arg12 : memref<256x16xf32, #tpu.memory_space<vmem>>) target(%dma_start3A_159 : memref<100480x16xf32, #tpu.memory_space<vmem_shared>>) offsets(%dma_start3A_156 : memref<256xi32, #tpu.memory_space<vmem>>) semaphore(%arg25 : memref<!tpu.dma_semaphore, #tpu.memory_space<semaphore_mem>>) {add = true}
    %dma_wait3A_160 = arith.constant 1 : i32
    %dma_wait3A_161 = arith.constant 0 : i32
    %dma_wait3A_162 = tpu.memref_slice %arg5[%dma_wait3A_160, %dma_wait3A_161] : memref<2x256xi32, #tpu.memory_space<vmem>> -> memref<1x256xi32, #tpu.memory_space<vmem>>
    %dma_wait3A_163 = tpu.memref_squeeze %dma_wait3A_162 : memref<1x256xi32, #tpu.memory_space<vmem>> -> memref<256xi32, #tpu.memory_space<vmem>>
    %dma_wait3A_164 = arith.constant 0 : i32
    %dma_wait3A_165 = arith.constant 0 : i32
    %dma_wait3A_166 = tpu.memref_slice %arg13[%dma_wait3A_164, %dma_wait3A_165] : memref<100480x16xf32, #tpu.memory_space<vmem_shared>> -> memref<100480x16xf32, #tpu.memory_space<vmem_shared>>
    tpu.wait_indirect_dma semaphore(%arg22 : memref<!tpu.dma_semaphore, #tpu.memory_space<semaphore_mem>>) src(%arg9 : memref<256x16xf32, #tpu.memory_space<vmem>>) dst(%dma_wait3A_166 : memref<100480x16xf32, #tpu.memory_space<vmem_shared>>)
    %dma_wait3A_167 = arith.constant 1 : i32
    %dma_wait3A_168 = arith.constant 0 : i32
    %dma_wait3A_169 = tpu.memref_slice %arg6[%dma_wait3A_167, %dma_wait3A_168] : memref<2x256xi32, #tpu.memory_space<vmem>> -> memref<1x256xi32, #tpu.memory_space<vmem>>
    %dma_wait3A_170 = tpu.memref_squeeze %dma_wait3A_169 : memref<1x256xi32, #tpu.memory_space<vmem>> -> memref<256xi32, #tpu.memory_space<vmem>>
    %dma_wait3A_171 = arith.constant 0 : i32
    %dma_wait3A_172 = arith.constant 0 : i32
    %dma_wait3A_173 = tpu.memref_slice %arg13[%dma_wait3A_171, %dma_wait3A_172] : memref<100480x16xf32, #tpu.memory_space<vmem_shared>> -> memref<100480x16xf32, #tpu.memory_space<vmem_shared>>
    tpu.wait_indirect_dma semaphore(%arg23 : memref<!tpu.dma_semaphore, #tpu.memory_space<semaphore_mem>>) src(%arg10 : memref<256x16xf32, #tpu.memory_space<vmem>>) dst(%dma_wait3A_173 : memref<100480x16xf32, #tpu.memory_space<vmem_shared>>)
    %dma_wait3A_174 = arith.constant 1 : i32
    %dma_wait3A_175 = arith.constant 0 : i32
    %dma_wait3A_176 = tpu.memref_slice %arg7[%dma_wait3A_174, %dma_wait3A_175] : memref<2x256xi32, #tpu.memory_space<vmem>> -> memref<1x256xi32, #tpu.memory_space<vmem>>
    %dma_wait3A_177 = tpu.memref_squeeze %dma_wait3A_176 : memref<1x256xi32, #tpu.memory_space<vmem>> -> memref<256xi32, #tpu.memory_space<vmem>>
    %dma_wait3A_178 = arith.constant 0 : i32
    %dma_wait3A_179 = arith.constant 0 : i32
    %dma_wait3A_180 = tpu.memref_slice %arg13[%dma_wait3A_178, %dma_wait3A_179] : memref<100480x16xf32, #tpu.memory_space<vmem_shared>> -> memref<100480x16xf32, #tpu.memory_space<vmem_shared>>
    tpu.wait_indirect_dma semaphore(%arg24 : memref<!tpu.dma_semaphore, #tpu.memory_space<semaphore_mem>>) src(%arg11 : memref<256x16xf32, #tpu.memory_space<vmem>>) dst(%dma_wait3A_180 : memref<100480x16xf32, #tpu.memory_space<vmem_shared>>)
    %dma_wait3A_181 = arith.constant 1 : i32
    %dma_wait3A_182 = arith.constant 0 : i32
    %dma_wait3A_183 = tpu.memref_slice %arg8[%dma_wait3A_181, %dma_wait3A_182] : memref<2x256xi32, #tpu.memory_space<vmem>> -> memref<1x256xi32, #tpu.memory_space<vmem>>
    %dma_wait3A_184 = tpu.memref_squeeze %dma_wait3A_183 : memref<1x256xi32, #tpu.memory_space<vmem>> -> memref<256xi32, #tpu.memory_space<vmem>>
    %dma_wait3A_185 = arith.constant 0 : i32
    %dma_wait3A_186 = arith.constant 0 : i32
    %dma_wait3A_187 = tpu.memref_slice %arg13[%dma_wait3A_185, %dma_wait3A_186] : memref<100480x16xf32, #tpu.memory_space<vmem_shared>> -> memref<100480x16xf32, #tpu.memory_space<vmem_shared>>
    tpu.wait_indirect_dma semaphore(%arg25 : memref<!tpu.dma_semaphore, #tpu.memory_space<semaphore_mem>>) src(%arg12 : memref<256x16xf32, #tpu.memory_space<vmem>>) dst(%dma_wait3A_187 : memref<100480x16xf32, #tpu.memory_space<vmem_shared>>)
    %barrier3A_188 = arith.constant 0 : index
    tpu.barrier barrier_id(%barrier3A_188)
    "tpu.region"() ({
      %run_scoped3A = tpu.sem_alloc : memref<!tpu.dma_semaphore, #tpu.memory_space<semaphore_mem>>
      %dma_start3A_189 = arith.constant 0 : i32
      %dma_start3A_190 = tpu.memref_slice %arg4[%arg0, %mul3A_0, %dma_start3A_189] : memref<2x100352x16xf32, #tpu.memory_space<hbm>> -> memref<1x6272x16xf32, #tpu.memory_space<hbm>>
      %dma_start3A_191 = tpu.memref_squeeze %dma_start3A_190 : memref<1x6272x16xf32, #tpu.memory_space<hbm>> -> memref<6272x16xf32, #tpu.memory_space<hbm>>
      %dma_start3A_192 = arith.constant 0 : i32
      %dma_start3A_193 = tpu.memref_slice %arg13[%mul3A_0, %dma_start3A_192] : memref<100480x16xf32, #tpu.memory_space<vmem_shared>> -> memref<6272x16xf32, #tpu.memory_space<vmem_shared>>
      tpu.enqueue_dma source(%dma_start3A_193 : memref<6272x16xf32, #tpu.memory_space<vmem_shared>>) target(%dma_start3A_191 : memref<6272x16xf32, #tpu.memory_space<hbm>>) target_semaphore(%run_scoped3A : memref<!tpu.dma_semaphore, #tpu.memory_space<semaphore_mem>>)
      %dma_wait3A_194 = arith.constant 0 : i32
      %dma_wait3A_195 = tpu.memref_slice %arg4[%arg0, %mul3A_0, %dma_wait3A_194] : memref<2x100352x16xf32, #tpu.memory_space<hbm>> -> memref<1x6272x16xf32, #tpu.memory_space<hbm>>
      %dma_wait3A_196 = tpu.memref_squeeze %dma_wait3A_195 : memref<1x6272x16xf32, #tpu.memory_space<hbm>> -> memref<6272x16xf32, #tpu.memory_space<hbm>>
      %dma_wait3A_197 = arith.constant 0 : i32
      %dma_wait3A_198 = tpu.memref_slice %arg13[%mul3A_0, %dma_wait3A_197] : memref<100480x16xf32, #tpu.memory_space<vmem_shared>> -> memref<6272x16xf32, #tpu.memory_space<vmem_shared>>
      tpu.wait_dma2 semaphore(%run_scoped3A : memref<!tpu.dma_semaphore, #tpu.memory_space<semaphore_mem>>) src(%dma_wait3A_198 : memref<6272x16xf32, #tpu.memory_space<vmem_shared>>) dst(%dma_wait3A_196 : memref<6272x16xf32, #tpu.memory_space<hbm>>)
      tpu.yield
    }) : () -> ()
    return
  }
}

#map = affine_map<(d0, d1) -> (0, 0, 0)>
#map1 = affine_map<(d0, d1) -> (0, 0)>
module attributes {stable_mosaic.version = 14 : i64} {
  func.func @_agg_kernel(%arg0: i32, %arg1: i32, %arg2: memref<2x100352x16xf32, #tpu.memory_space<hbm>>, %arg3: memref<2x1605632xi32, #tpu.memory_space<hbm>>, %arg4: memref<2x100352x16xf32, #tpu.memory_space<hbm>>, %arg5: memref<2x256xi32, #tpu.memory_space<vmem>>, %arg6: memref<2x256xi32, #tpu.memory_space<vmem>>, %arg7: memref<2x256xi32, #tpu.memory_space<vmem>>, %arg8: memref<2x256xi32, #tpu.memory_space<vmem>>, %arg9: memref<256x16xf32, #tpu.memory_space<vmem>>, %arg10: memref<256x16xf32, #tpu.memory_space<vmem>>, %arg11: memref<256x16xf32, #tpu.memory_space<vmem>>, %arg12: memref<256x16xf32, #tpu.memory_space<vmem>>, %arg13: memref<100480x16xf32, #tpu.memory_space<vmem_shared>>, %arg14: memref<!tpu.dma_semaphore, #tpu.memory_space<semaphore_mem>>, %arg15: memref<!tpu.dma_semaphore, #tpu.memory_space<semaphore_mem>>, %arg16: memref<!tpu.dma_semaphore, #tpu.memory_space<semaphore_mem>>, %arg17: memref<!tpu.dma_semaphore, #tpu.memory_space<semaphore_mem>>, %arg18: memref<!tpu.dma_semaphore, #tpu.memory_space<semaphore_mem>>, %arg19: memref<!tpu.dma_semaphore, #tpu.memory_space<semaphore_mem>>, %arg20: memref<!tpu.dma_semaphore, #tpu.memory_space<semaphore_mem>>, %arg21: memref<!tpu.dma_semaphore, #tpu.memory_space<semaphore_mem>>, %arg22: memref<!tpu.dma_semaphore, #tpu.memory_space<semaphore_mem>>, %arg23: memref<!tpu.dma_semaphore, #tpu.memory_space<semaphore_mem>>, %arg24: memref<!tpu.dma_semaphore, #tpu.memory_space<semaphore_mem>>, %arg25: memref<!tpu.dma_semaphore, #tpu.memory_space<semaphore_mem>>) attributes {dimension_semantics = [#tpu.dimension_semantics<core_parallel>, #tpu.dimension_semantics<subcore_parallel>], iteration_bounds = array<i64: 2, 16>, scalar_prefetch = 0 : i64, scratch_operands = 21 : i64, tpu.core_type = #tpu.core_type<sc_vector_subcore>, window_params = [{transform_indices = #map}, {transform_indices = #map1}, {transform_indices = #map}]} {
    %mul3A = arith.constant 6272 : i32
    %mul3A_0 = arith.muli %arg1, %mul3A : i32
    "tpu.region"() ({
      %run_scoped3A = tpu.sem_alloc : memref<!tpu.dma_semaphore, #tpu.memory_space<semaphore_mem>>
      %dma_start3A_189 = arith.constant 0 : i32
      %dma_start3A_190 = tpu.memref_slice %arg13[%mul3A_0, %dma_start3A_189] : memref<100480x16xf32, #tpu.memory_space<vmem_shared>> -> memref<6272x16xf32, #tpu.memory_space<vmem_shared>>
      %dma_start3A_191 = arith.constant 0 : i32
      %dma_start3A_192 = arith.constant 0 : i32
      %dma_start3A_193 = tpu.memref_slice %arg2[%arg0, %dma_start3A_191, %dma_start3A_192] : memref<2x100352x16xf32, #tpu.memory_space<hbm>> -> memref<1x100352x16xf32, #tpu.memory_space<hbm>>
      %dma_start3A_194 = tpu.memref_squeeze %dma_start3A_193 : memref<1x100352x16xf32, #tpu.memory_space<hbm>> -> memref<100352x16xf32, #tpu.memory_space<hbm>>
      %dma_start3A_195 = arith.constant 0 : i32
      %dma_start3A_196 = tpu.memref_slice %dma_start3A_194[%mul3A_0, %dma_start3A_195] : memref<100352x16xf32, #tpu.memory_space<hbm>> -> memref<6272x16xf32, #tpu.memory_space<hbm>>
      tpu.enqueue_dma source(%dma_start3A_196 : memref<6272x16xf32, #tpu.memory_space<hbm>>) target(%dma_start3A_190 : memref<6272x16xf32, #tpu.memory_space<vmem_shared>>) target_semaphore(%run_scoped3A : memref<!tpu.dma_semaphore, #tpu.memory_space<semaphore_mem>>)
      %dma_wait3A_197 = arith.constant 0 : i32
      %dma_wait3A_198 = tpu.memref_slice %arg13[%mul3A_0, %dma_wait3A_197] : memref<100480x16xf32, #tpu.memory_space<vmem_shared>> -> memref<6272x16xf32, #tpu.memory_space<vmem_shared>>
      %dma_wait3A_199 = arith.constant 0 : i32
      %dma_wait3A_200 = arith.constant 0 : i32
      %dma_wait3A_201 = tpu.memref_slice %arg2[%arg0, %dma_wait3A_199, %dma_wait3A_200] : memref<2x100352x16xf32, #tpu.memory_space<hbm>> -> memref<1x100352x16xf32, #tpu.memory_space<hbm>>
      %dma_wait3A_202 = tpu.memref_squeeze %dma_wait3A_201 : memref<1x100352x16xf32, #tpu.memory_space<hbm>> -> memref<100352x16xf32, #tpu.memory_space<hbm>>
      %dma_wait3A_203 = arith.constant 0 : i32
      %dma_wait3A_204 = tpu.memref_slice %dma_wait3A_202[%mul3A_0, %dma_wait3A_203] : memref<100352x16xf32, #tpu.memory_space<hbm>> -> memref<6272x16xf32, #tpu.memory_space<hbm>>
      tpu.wait_dma2 semaphore(%run_scoped3A : memref<!tpu.dma_semaphore, #tpu.memory_space<semaphore_mem>>) src(%dma_wait3A_204 : memref<6272x16xf32, #tpu.memory_space<hbm>>) dst(%dma_wait3A_198 : memref<6272x16xf32, #tpu.memory_space<vmem_shared>>)
      tpu.yield
    }) : () -> ()
    %barrier3A = arith.constant 0 : index
    tpu.barrier barrier_id(%barrier3A)
    %mul3A_1 = arith.constant 100352 : i32
    %mul3A_2 = arith.muli %arg1, %mul3A_1 : i32
    %add3A = arith.constant 0 : i32
    %add3A_3 = arith.addi %mul3A_2, %add3A : i32
    %dma_start3A = arith.constant 0 : i32
    %dma_start3A_4 = tpu.memref_slice %arg3[%dma_start3A, %add3A_3] : memref<2x1605632xi32, #tpu.memory_space<hbm>> -> memref<2x256xi32, #tpu.memory_space<hbm>>
    %dma_start3A_5 = arith.constant 0 : i32
    %dma_start3A_6 = tpu.memref_slice %arg3[%dma_start3A_5, %add3A_3] : memref<2x1605632xi32, #tpu.memory_space<hbm>> -> memref<2x256xi32, #tpu.memory_space<hbm>>
    tpu.enqueue_dma source(%dma_start3A_6 : memref<2x256xi32, #tpu.memory_space<hbm>>) target(%arg5 : memref<2x256xi32, #tpu.memory_space<vmem>>) target_semaphore(%arg14 : memref<!tpu.dma_semaphore, #tpu.memory_space<semaphore_mem>>)
    %add3A_7 = arith.constant 256 : i32
    %add3A_8 = arith.addi %mul3A_2, %add3A_7 : i32
    %dma_start3A_9 = arith.constant 0 : i32
    %dma_start3A_10 = tpu.memref_slice %arg3[%dma_start3A_9, %add3A_8] : memref<2x1605632xi32, #tpu.memory_space<hbm>> -> memref<2x256xi32, #tpu.memory_space<hbm>>
    %dma_start3A_11 = arith.constant 0 : i32
    %dma_start3A_12 = tpu.memref_slice %arg3[%dma_start3A_11, %add3A_8] : memref<2x1605632xi32, #tpu.memory_space<hbm>> -> memref<2x256xi32, #tpu.memory_space<hbm>>
    tpu.enqueue_dma source(%dma_start3A_12 : memref<2x256xi32, #tpu.memory_space<hbm>>) target(%arg6 : memref<2x256xi32, #tpu.memory_space<vmem>>) target_semaphore(%arg15 : memref<!tpu.dma_semaphore, #tpu.memory_space<semaphore_mem>>)
    %add3A_13 = arith.constant 512 : i32
    %add3A_14 = arith.addi %mul3A_2, %add3A_13 : i32
    %dma_start3A_15 = arith.constant 0 : i32
    %dma_start3A_16 = tpu.memref_slice %arg3[%dma_start3A_15, %add3A_14] : memref<2x1605632xi32, #tpu.memory_space<hbm>> -> memref<2x256xi32, #tpu.memory_space<hbm>>
    %dma_start3A_17 = arith.constant 0 : i32
    %dma_start3A_18 = tpu.memref_slice %arg3[%dma_start3A_17, %add3A_14] : memref<2x1605632xi32, #tpu.memory_space<hbm>> -> memref<2x256xi32, #tpu.memory_space<hbm>>
    tpu.enqueue_dma source(%dma_start3A_18 : memref<2x256xi32, #tpu.memory_space<hbm>>) target(%arg7 : memref<2x256xi32, #tpu.memory_space<vmem>>) target_semaphore(%arg16 : memref<!tpu.dma_semaphore, #tpu.memory_space<semaphore_mem>>)
    %add3A_19 = arith.constant 768 : i32
    %add3A_20 = arith.addi %mul3A_2, %add3A_19 : i32
    %dma_start3A_21 = arith.constant 0 : i32
    %dma_start3A_22 = tpu.memref_slice %arg3[%dma_start3A_21, %add3A_20] : memref<2x1605632xi32, #tpu.memory_space<hbm>> -> memref<2x256xi32, #tpu.memory_space<hbm>>
    %dma_start3A_23 = arith.constant 0 : i32
    %dma_start3A_24 = tpu.memref_slice %arg3[%dma_start3A_23, %add3A_20] : memref<2x1605632xi32, #tpu.memory_space<hbm>> -> memref<2x256xi32, #tpu.memory_space<hbm>>
    tpu.enqueue_dma source(%dma_start3A_24 : memref<2x256xi32, #tpu.memory_space<hbm>>) target(%arg8 : memref<2x256xi32, #tpu.memory_space<vmem>>) target_semaphore(%arg17 : memref<!tpu.dma_semaphore, #tpu.memory_space<semaphore_mem>>)
    %scan3A = arith.constant 0 : i32
    %scan3A_25 = arith.constant 97 : i32
    %scan3A_26 = arith.addi %scan3A, %scan3A_25 : i32
    %scan3A_27 = arith.constant 1 : i32
    scf.for %scan3A_189 = %scan3A to %scan3A_26 step %scan3A_27  : i32 {
      %mul3A_190 = arith.constant 4 : i32
      %mul3A_191 = arith.muli %scan3A_189, %mul3A_190 : i32
      %add3A_192 = arith.constant 0 : i32
      %add3A_193 = arith.addi %add3A_192, %mul3A_191 : i32
      %dma_wait3A_194 = arith.constant 0 : i32
      %dma_wait3A_195 = tpu.memref_slice %arg3[%dma_wait3A_194, %mul3A_2] : memref<2x1605632xi32, #tpu.memory_space<hbm>> -> memref<2x256xi32, #tpu.memory_space<hbm>>
      %dma_wait3A_196 = arith.constant 0 : i32
      %dma_wait3A_197 = tpu.memref_slice %arg3[%dma_wait3A_196, %mul3A_2] : memref<2x1605632xi32, #tpu.memory_space<hbm>> -> memref<2x256xi32, #tpu.memory_space<hbm>>
      tpu.wait_dma2 semaphore(%arg14 : memref<!tpu.dma_semaphore, #tpu.memory_space<semaphore_mem>>) src(%dma_wait3A_197 : memref<2x256xi32, #tpu.memory_space<hbm>>) dst(%arg5 : memref<2x256xi32, #tpu.memory_space<vmem>>)
      %dma_start3A_198 = arith.constant 0 : i32
      %dma_start3A_199 = arith.constant 0 : i32
      %dma_start3A_200 = tpu.memref_slice %arg5[%dma_start3A_198, %dma_start3A_199] : memref<2x256xi32, #tpu.memory_space<vmem>> -> memref<1x256xi32, #tpu.memory_space<vmem>>
      %dma_start3A_201 = tpu.memref_squeeze %dma_start3A_200 : memref<1x256xi32, #tpu.memory_space<vmem>> -> memref<256xi32, #tpu.memory_space<vmem>>
      %dma_start3A_202 = arith.constant 0 : i32
      %dma_start3A_203 = arith.constant 0 : i32
      %dma_start3A_204 = tpu.memref_slice %arg2[%arg0, %dma_start3A_202, %dma_start3A_203] : memref<2x100352x16xf32, #tpu.memory_space<hbm>> -> memref<1x100352x16xf32, #tpu.memory_space<hbm>>
      %dma_start3A_205 = tpu.memref_squeeze %dma_start3A_204 : memref<1x100352x16xf32, #tpu.memory_space<hbm>> -> memref<100352x16xf32, #tpu.memory_space<hbm>>
      %dma_start3A_206 = arith.constant 0 : i32
      %dma_start3A_207 = arith.constant 0 : i32
      %dma_start3A_208 = tpu.memref_slice %dma_start3A_205[%dma_start3A_206, %dma_start3A_207] : memref<100352x16xf32, #tpu.memory_space<hbm>> -> memref<100352x16xf32, #tpu.memory_space<hbm>>
      tpu.enqueue_indirect_dma source(%dma_start3A_208 : memref<100352x16xf32, #tpu.memory_space<hbm>>) target(%arg9 : memref<256x16xf32, #tpu.memory_space<vmem>>) offsets(%dma_start3A_201 : memref<256xi32, #tpu.memory_space<vmem>>) semaphore(%arg18 : memref<!tpu.dma_semaphore, #tpu.memory_space<semaphore_mem>>)
      %dma_wait3A_209 = arith.constant 0 : i32
      %dma_wait3A_210 = tpu.memref_slice %arg3[%dma_wait3A_209, %mul3A_2] : memref<2x1605632xi32, #tpu.memory_space<hbm>> -> memref<2x256xi32, #tpu.memory_space<hbm>>
      %dma_wait3A_211 = arith.constant 0 : i32
      %dma_wait3A_212 = tpu.memref_slice %arg3[%dma_wait3A_211, %mul3A_2] : memref<2x1605632xi32, #tpu.memory_space<hbm>> -> memref<2x256xi32, #tpu.memory_space<hbm>>
      tpu.wait_dma2 semaphore(%arg15 : memref<!tpu.dma_semaphore, #tpu.memory_space<semaphore_mem>>) src(%dma_wait3A_212 : memref<2x256xi32, #tpu.memory_space<hbm>>) dst(%arg6 : memref<2x256xi32, #tpu.memory_space<vmem>>)
      %dma_start3A_213 = arith.constant 0 : i32
      %dma_start3A_214 = arith.constant 0 : i32
      %dma_start3A_215 = tpu.memref_slice %arg6[%dma_start3A_213, %dma_start3A_214] : memref<2x256xi32, #tpu.memory_space<vmem>> -> memref<1x256xi32, #tpu.memory_space<vmem>>
      %dma_start3A_216 = tpu.memref_squeeze %dma_start3A_215 : memref<1x256xi32, #tpu.memory_space<vmem>> -> memref<256xi32, #tpu.memory_space<vmem>>
      %dma_start3A_217 = arith.constant 0 : i32
      %dma_start3A_218 = arith.constant 0 : i32
      %dma_start3A_219 = tpu.memref_slice %arg2[%arg0, %dma_start3A_217, %dma_start3A_218] : memref<2x100352x16xf32, #tpu.memory_space<hbm>> -> memref<1x100352x16xf32, #tpu.memory_space<hbm>>
      %dma_start3A_220 = tpu.memref_squeeze %dma_start3A_219 : memref<1x100352x16xf32, #tpu.memory_space<hbm>> -> memref<100352x16xf32, #tpu.memory_space<hbm>>
      %dma_start3A_221 = arith.constant 0 : i32
      %dma_start3A_222 = arith.constant 0 : i32
      %dma_start3A_223 = tpu.memref_slice %dma_start3A_220[%dma_start3A_221, %dma_start3A_222] : memref<100352x16xf32, #tpu.memory_space<hbm>> -> memref<100352x16xf32, #tpu.memory_space<hbm>>
      tpu.enqueue_indirect_dma source(%dma_start3A_223 : memref<100352x16xf32, #tpu.memory_space<hbm>>) target(%arg10 : memref<256x16xf32, #tpu.memory_space<vmem>>) offsets(%dma_start3A_216 : memref<256xi32, #tpu.memory_space<vmem>>) semaphore(%arg19 : memref<!tpu.dma_semaphore, #tpu.memory_space<semaphore_mem>>)
      %dma_wait3A_224 = arith.constant 0 : i32
      %dma_wait3A_225 = tpu.memref_slice %arg3[%dma_wait3A_224, %mul3A_2] : memref<2x1605632xi32, #tpu.memory_space<hbm>> -> memref<2x256xi32, #tpu.memory_space<hbm>>
      %dma_wait3A_226 = arith.constant 0 : i32
      %dma_wait3A_227 = tpu.memref_slice %arg3[%dma_wait3A_226, %mul3A_2] : memref<2x1605632xi32, #tpu.memory_space<hbm>> -> memref<2x256xi32, #tpu.memory_space<hbm>>
      tpu.wait_dma2 semaphore(%arg16 : memref<!tpu.dma_semaphore, #tpu.memory_space<semaphore_mem>>) src(%dma_wait3A_227 : memref<2x256xi32, #tpu.memory_space<hbm>>) dst(%arg7 : memref<2x256xi32, #tpu.memory_space<vmem>>)
      %dma_start3A_228 = arith.constant 0 : i32
      %dma_start3A_229 = arith.constant 0 : i32
      %dma_start3A_230 = tpu.memref_slice %arg7[%dma_start3A_228, %dma_start3A_229] : memref<2x256xi32, #tpu.memory_space<vmem>> -> memref<1x256xi32, #tpu.memory_space<vmem>>
      %dma_start3A_231 = tpu.memref_squeeze %dma_start3A_230 : memref<1x256xi32, #tpu.memory_space<vmem>> -> memref<256xi32, #tpu.memory_space<vmem>>
      %dma_start3A_232 = arith.constant 0 : i32
      %dma_start3A_233 = arith.constant 0 : i32
      %dma_start3A_234 = tpu.memref_slice %arg2[%arg0, %dma_start3A_232, %dma_start3A_233] : memref<2x100352x16xf32, #tpu.memory_space<hbm>> -> memref<1x100352x16xf32, #tpu.memory_space<hbm>>
      %dma_start3A_235 = tpu.memref_squeeze %dma_start3A_234 : memref<1x100352x16xf32, #tpu.memory_space<hbm>> -> memref<100352x16xf32, #tpu.memory_space<hbm>>
      %dma_start3A_236 = arith.constant 0 : i32
      %dma_start3A_237 = arith.constant 0 : i32
      %dma_start3A_238 = tpu.memref_slice %dma_start3A_235[%dma_start3A_236, %dma_start3A_237] : memref<100352x16xf32, #tpu.memory_space<hbm>> -> memref<100352x16xf32, #tpu.memory_space<hbm>>
      tpu.enqueue_indirect_dma source(%dma_start3A_238 : memref<100352x16xf32, #tpu.memory_space<hbm>>) target(%arg11 : memref<256x16xf32, #tpu.memory_space<vmem>>) offsets(%dma_start3A_231 : memref<256xi32, #tpu.memory_space<vmem>>) semaphore(%arg20 : memref<!tpu.dma_semaphore, #tpu.memory_space<semaphore_mem>>)
      %dma_wait3A_239 = arith.constant 0 : i32
      %dma_wait3A_240 = tpu.memref_slice %arg3[%dma_wait3A_239, %mul3A_2] : memref<2x1605632xi32, #tpu.memory_space<hbm>> -> memref<2x256xi32, #tpu.memory_space<hbm>>
      %dma_wait3A_241 = arith.constant 0 : i32
      %dma_wait3A_242 = tpu.memref_slice %arg3[%dma_wait3A_241, %mul3A_2] : memref<2x1605632xi32, #tpu.memory_space<hbm>> -> memref<2x256xi32, #tpu.memory_space<hbm>>
      tpu.wait_dma2 semaphore(%arg17 : memref<!tpu.dma_semaphore, #tpu.memory_space<semaphore_mem>>) src(%dma_wait3A_242 : memref<2x256xi32, #tpu.memory_space<hbm>>) dst(%arg8 : memref<2x256xi32, #tpu.memory_space<vmem>>)
      %dma_start3A_243 = arith.constant 0 : i32
      %dma_start3A_244 = arith.constant 0 : i32
      %dma_start3A_245 = tpu.memref_slice %arg8[%dma_start3A_243, %dma_start3A_244] : memref<2x256xi32, #tpu.memory_space<vmem>> -> memref<1x256xi32, #tpu.memory_space<vmem>>
      %dma_start3A_246 = tpu.memref_squeeze %dma_start3A_245 : memref<1x256xi32, #tpu.memory_space<vmem>> -> memref<256xi32, #tpu.memory_space<vmem>>
      %dma_start3A_247 = arith.constant 0 : i32
      %dma_start3A_248 = arith.constant 0 : i32
      %dma_start3A_249 = tpu.memref_slice %arg2[%arg0, %dma_start3A_247, %dma_start3A_248] : memref<2x100352x16xf32, #tpu.memory_space<hbm>> -> memref<1x100352x16xf32, #tpu.memory_space<hbm>>
      %dma_start3A_250 = tpu.memref_squeeze %dma_start3A_249 : memref<1x100352x16xf32, #tpu.memory_space<hbm>> -> memref<100352x16xf32, #tpu.memory_space<hbm>>
      %dma_start3A_251 = arith.constant 0 : i32
      %dma_start3A_252 = arith.constant 0 : i32
      %dma_start3A_253 = tpu.memref_slice %dma_start3A_250[%dma_start3A_251, %dma_start3A_252] : memref<100352x16xf32, #tpu.memory_space<hbm>> -> memref<100352x16xf32, #tpu.memory_space<hbm>>
      tpu.enqueue_indirect_dma source(%dma_start3A_253 : memref<100352x16xf32, #tpu.memory_space<hbm>>) target(%arg12 : memref<256x16xf32, #tpu.memory_space<vmem>>) offsets(%dma_start3A_246 : memref<256xi32, #tpu.memory_space<vmem>>) semaphore(%arg21 : memref<!tpu.dma_semaphore, #tpu.memory_space<semaphore_mem>>)
      %dma_wait3A_254 = arith.constant 0 : i32
      %dma_wait3A_255 = arith.constant 0 : i32
      %dma_wait3A_256 = tpu.memref_slice %arg5[%dma_wait3A_254, %dma_wait3A_255] : memref<2x256xi32, #tpu.memory_space<vmem>> -> memref<1x256xi32, #tpu.memory_space<vmem>>
      %dma_wait3A_257 = tpu.memref_squeeze %dma_wait3A_256 : memref<1x256xi32, #tpu.memory_space<vmem>> -> memref<256xi32, #tpu.memory_space<vmem>>
      %dma_wait3A_258 = arith.constant 0 : i32
      %dma_wait3A_259 = arith.constant 0 : i32
      %dma_wait3A_260 = tpu.memref_slice %arg2[%arg0, %dma_wait3A_258, %dma_wait3A_259] : memref<2x100352x16xf32, #tpu.memory_space<hbm>> -> memref<1x100352x16xf32, #tpu.memory_space<hbm>>
      %dma_wait3A_261 = tpu.memref_squeeze %dma_wait3A_260 : memref<1x100352x16xf32, #tpu.memory_space<hbm>> -> memref<100352x16xf32, #tpu.memory_space<hbm>>
      %dma_wait3A_262 = arith.constant 0 : i32
      %dma_wait3A_263 = arith.constant 0 : i32
      %dma_wait3A_264 = tpu.memref_slice %dma_wait3A_261[%dma_wait3A_262, %dma_wait3A_263] : memref<100352x16xf32, #tpu.memory_space<hbm>> -> memref<100352x16xf32, #tpu.memory_space<hbm>>
      tpu.wait_indirect_dma semaphore(%arg18 : memref<!tpu.dma_semaphore, #tpu.memory_space<semaphore_mem>>) src(%dma_wait3A_264 : memref<100352x16xf32, #tpu.memory_space<hbm>>) dst(%arg9 : memref<256x16xf32, #tpu.memory_space<vmem>>)
      %dma_start3A_265 = arith.constant 1 : i32
      %dma_start3A_266 = arith.constant 0 : i32
      %dma_start3A_267 = tpu.memref_slice %arg5[%dma_start3A_265, %dma_start3A_266] : memref<2x256xi32, #tpu.memory_space<vmem>> -> memref<1x256xi32, #tpu.memory_space<vmem>>
      %dma_start3A_268 = tpu.memref_squeeze %dma_start3A_267 : memref<1x256xi32, #tpu.memory_space<vmem>> -> memref<256xi32, #tpu.memory_space<vmem>>
      %dma_start3A_269 = arith.constant 0 : i32
      %dma_start3A_270 = arith.constant 0 : i32
      %dma_start3A_271 = tpu.memref_slice %arg13[%dma_start3A_269, %dma_start3A_270] : memref<100480x16xf32, #tpu.memory_space<vmem_shared>> -> memref<100480x16xf32, #tpu.memory_space<vmem_shared>>
      tpu.enqueue_indirect_dma source(%arg9 : memref<256x16xf32, #tpu.memory_space<vmem>>) target(%dma_start3A_271 : memref<100480x16xf32, #tpu.memory_space<vmem_shared>>) offsets(%dma_start3A_268 : memref<256xi32, #tpu.memory_space<vmem>>) semaphore(%arg22 : memref<!tpu.dma_semaphore, #tpu.memory_space<semaphore_mem>>) {add = true}
      %dma_wait3A_272 = arith.constant 0 : i32
      %dma_wait3A_273 = arith.constant 0 : i32
      %dma_wait3A_274 = tpu.memref_slice %arg6[%dma_wait3A_272, %dma_wait3A_273] : memref<2x256xi32, #tpu.memory_space<vmem>> -> memref<1x256xi32, #tpu.memory_space<vmem>>
      %dma_wait3A_275 = tpu.memref_squeeze %dma_wait3A_274 : memref<1x256xi32, #tpu.memory_space<vmem>> -> memref<256xi32, #tpu.memory_space<vmem>>
      %dma_wait3A_276 = arith.constant 0 : i32
      %dma_wait3A_277 = arith.constant 0 : i32
      %dma_wait3A_278 = tpu.memref_slice %arg2[%arg0, %dma_wait3A_276, %dma_wait3A_277] : memref<2x100352x16xf32, #tpu.memory_space<hbm>> -> memref<1x100352x16xf32, #tpu.memory_space<hbm>>
      %dma_wait3A_279 = tpu.memref_squeeze %dma_wait3A_278 : memref<1x100352x16xf32, #tpu.memory_space<hbm>> -> memref<100352x16xf32, #tpu.memory_space<hbm>>
      %dma_wait3A_280 = arith.constant 0 : i32
      %dma_wait3A_281 = arith.constant 0 : i32
      %dma_wait3A_282 = tpu.memref_slice %dma_wait3A_279[%dma_wait3A_280, %dma_wait3A_281] : memref<100352x16xf32, #tpu.memory_space<hbm>> -> memref<100352x16xf32, #tpu.memory_space<hbm>>
      tpu.wait_indirect_dma semaphore(%arg19 : memref<!tpu.dma_semaphore, #tpu.memory_space<semaphore_mem>>) src(%dma_wait3A_282 : memref<100352x16xf32, #tpu.memory_space<hbm>>) dst(%arg10 : memref<256x16xf32, #tpu.memory_space<vmem>>)
      %dma_start3A_283 = arith.constant 1 : i32
      %dma_start3A_284 = arith.constant 0 : i32
      %dma_start3A_285 = tpu.memref_slice %arg6[%dma_start3A_283, %dma_start3A_284] : memref<2x256xi32, #tpu.memory_space<vmem>> -> memref<1x256xi32, #tpu.memory_space<vmem>>
      %dma_start3A_286 = tpu.memref_squeeze %dma_start3A_285 : memref<1x256xi32, #tpu.memory_space<vmem>> -> memref<256xi32, #tpu.memory_space<vmem>>
      %dma_start3A_287 = arith.constant 0 : i32
      %dma_start3A_288 = arith.constant 0 : i32
      %dma_start3A_289 = tpu.memref_slice %arg13[%dma_start3A_287, %dma_start3A_288] : memref<100480x16xf32, #tpu.memory_space<vmem_shared>> -> memref<100480x16xf32, #tpu.memory_space<vmem_shared>>
      tpu.enqueue_indirect_dma source(%arg10 : memref<256x16xf32, #tpu.memory_space<vmem>>) target(%dma_start3A_289 : memref<100480x16xf32, #tpu.memory_space<vmem_shared>>) offsets(%dma_start3A_286 : memref<256xi32, #tpu.memory_space<vmem>>) semaphore(%arg23 : memref<!tpu.dma_semaphore, #tpu.memory_space<semaphore_mem>>) {add = true}
      %dma_wait3A_290 = arith.constant 0 : i32
      %dma_wait3A_291 = arith.constant 0 : i32
      %dma_wait3A_292 = tpu.memref_slice %arg7[%dma_wait3A_290, %dma_wait3A_291] : memref<2x256xi32, #tpu.memory_space<vmem>> -> memref<1x256xi32, #tpu.memory_space<vmem>>
      %dma_wait3A_293 = tpu.memref_squeeze %dma_wait3A_292 : memref<1x256xi32, #tpu.memory_space<vmem>> -> memref<256xi32, #tpu.memory_space<vmem>>
      %dma_wait3A_294 = arith.constant 0 : i32
      %dma_wait3A_295 = arith.constant 0 : i32
      %dma_wait3A_296 = tpu.memref_slice %arg2[%arg0, %dma_wait3A_294, %dma_wait3A_295] : memref<2x100352x16xf32, #tpu.memory_space<hbm>> -> memref<1x100352x16xf32, #tpu.memory_space<hbm>>
      %dma_wait3A_297 = tpu.memref_squeeze %dma_wait3A_296 : memref<1x100352x16xf32, #tpu.memory_space<hbm>> -> memref<100352x16xf32, #tpu.memory_space<hbm>>
      %dma_wait3A_298 = arith.constant 0 : i32
      %dma_wait3A_299 = arith.constant 0 : i32
      %dma_wait3A_300 = tpu.memref_slice %dma_wait3A_297[%dma_wait3A_298, %dma_wait3A_299] : memref<100352x16xf32, #tpu.memory_space<hbm>> -> memref<100352x16xf32, #tpu.memory_space<hbm>>
      tpu.wait_indirect_dma semaphore(%arg20 : memref<!tpu.dma_semaphore, #tpu.memory_space<semaphore_mem>>) src(%dma_wait3A_300 : memref<100352x16xf32, #tpu.memory_space<hbm>>) dst(%arg11 : memref<256x16xf32, #tpu.memory_space<vmem>>)
      %dma_start3A_301 = arith.constant 1 : i32
      %dma_start3A_302 = arith.constant 0 : i32
      %dma_start3A_303 = tpu.memref_slice %arg7[%dma_start3A_301, %dma_start3A_302] : memref<2x256xi32, #tpu.memory_space<vmem>> -> memref<1x256xi32, #tpu.memory_space<vmem>>
      %dma_start3A_304 = tpu.memref_squeeze %dma_start3A_303 : memref<1x256xi32, #tpu.memory_space<vmem>> -> memref<256xi32, #tpu.memory_space<vmem>>
      %dma_start3A_305 = arith.constant 0 : i32
      %dma_start3A_306 = arith.constant 0 : i32
      %dma_start3A_307 = tpu.memref_slice %arg13[%dma_start3A_305, %dma_start3A_306] : memref<100480x16xf32, #tpu.memory_space<vmem_shared>> -> memref<100480x16xf32, #tpu.memory_space<vmem_shared>>
      tpu.enqueue_indirect_dma source(%arg11 : memref<256x16xf32, #tpu.memory_space<vmem>>) target(%dma_start3A_307 : memref<100480x16xf32, #tpu.memory_space<vmem_shared>>) offsets(%dma_start3A_304 : memref<256xi32, #tpu.memory_space<vmem>>) semaphore(%arg24 : memref<!tpu.dma_semaphore, #tpu.memory_space<semaphore_mem>>) {add = true}
      %dma_wait3A_308 = arith.constant 0 : i32
      %dma_wait3A_309 = arith.constant 0 : i32
      %dma_wait3A_310 = tpu.memref_slice %arg8[%dma_wait3A_308, %dma_wait3A_309] : memref<2x256xi32, #tpu.memory_space<vmem>> -> memref<1x256xi32, #tpu.memory_space<vmem>>
      %dma_wait3A_311 = tpu.memref_squeeze %dma_wait3A_310 : memref<1x256xi32, #tpu.memory_space<vmem>> -> memref<256xi32, #tpu.memory_space<vmem>>
      %dma_wait3A_312 = arith.constant 0 : i32
      %dma_wait3A_313 = arith.constant 0 : i32
      %dma_wait3A_314 = tpu.memref_slice %arg2[%arg0, %dma_wait3A_312, %dma_wait3A_313] : memref<2x100352x16xf32, #tpu.memory_space<hbm>> -> memref<1x100352x16xf32, #tpu.memory_space<hbm>>
      %dma_wait3A_315 = tpu.memref_squeeze %dma_wait3A_314 : memref<1x100352x16xf32, #tpu.memory_space<hbm>> -> memref<100352x16xf32, #tpu.memory_space<hbm>>
      %dma_wait3A_316 = arith.constant 0 : i32
      %dma_wait3A_317 = arith.constant 0 : i32
      %dma_wait3A_318 = tpu.memref_slice %dma_wait3A_315[%dma_wait3A_316, %dma_wait3A_317] : memref<100352x16xf32, #tpu.memory_space<hbm>> -> memref<100352x16xf32, #tpu.memory_space<hbm>>
      tpu.wait_indirect_dma semaphore(%arg21 : memref<!tpu.dma_semaphore, #tpu.memory_space<semaphore_mem>>) src(%dma_wait3A_318 : memref<100352x16xf32, #tpu.memory_space<hbm>>) dst(%arg12 : memref<256x16xf32, #tpu.memory_space<vmem>>)
      %dma_start3A_319 = arith.constant 1 : i32
      %dma_start3A_320 = arith.constant 0 : i32
      %dma_start3A_321 = tpu.memref_slice %arg8[%dma_start3A_319, %dma_start3A_320] : memref<2x256xi32, #tpu.memory_space<vmem>> -> memref<1x256xi32, #tpu.memory_space<vmem>>
      %dma_start3A_322 = tpu.memref_squeeze %dma_start3A_321 : memref<1x256xi32, #tpu.memory_space<vmem>> -> memref<256xi32, #tpu.memory_space<vmem>>
      %dma_start3A_323 = arith.constant 0 : i32
      %dma_start3A_324 = arith.constant 0 : i32
      %dma_start3A_325 = tpu.memref_slice %arg13[%dma_start3A_323, %dma_start3A_324] : memref<100480x16xf32, #tpu.memory_space<vmem_shared>> -> memref<100480x16xf32, #tpu.memory_space<vmem_shared>>
      tpu.enqueue_indirect_dma source(%arg12 : memref<256x16xf32, #tpu.memory_space<vmem>>) target(%dma_start3A_325 : memref<100480x16xf32, #tpu.memory_space<vmem_shared>>) offsets(%dma_start3A_322 : memref<256xi32, #tpu.memory_space<vmem>>) semaphore(%arg25 : memref<!tpu.dma_semaphore, #tpu.memory_space<semaphore_mem>>) {add = true}
      %dma_wait3A_326 = arith.constant 1 : i32
      %dma_wait3A_327 = arith.constant 0 : i32
      %dma_wait3A_328 = tpu.memref_slice %arg5[%dma_wait3A_326, %dma_wait3A_327] : memref<2x256xi32, #tpu.memory_space<vmem>> -> memref<1x256xi32, #tpu.memory_space<vmem>>
      %dma_wait3A_329 = tpu.memref_squeeze %dma_wait3A_328 : memref<1x256xi32, #tpu.memory_space<vmem>> -> memref<256xi32, #tpu.memory_space<vmem>>
      %dma_wait3A_330 = arith.constant 0 : i32
      %dma_wait3A_331 = arith.constant 0 : i32
      %dma_wait3A_332 = tpu.memref_slice %arg13[%dma_wait3A_330, %dma_wait3A_331] : memref<100480x16xf32, #tpu.memory_space<vmem_shared>> -> memref<100480x16xf32, #tpu.memory_space<vmem_shared>>
      tpu.wait_indirect_dma semaphore(%arg22 : memref<!tpu.dma_semaphore, #tpu.memory_space<semaphore_mem>>) src(%arg9 : memref<256x16xf32, #tpu.memory_space<vmem>>) dst(%dma_wait3A_332 : memref<100480x16xf32, #tpu.memory_space<vmem_shared>>)
      %add3A_333 = arith.constant 4 : i32
      %add3A_334 = arith.addi %add3A_193, %add3A_333 : i32
      %add3A_335 = arith.constant 0 : i32
      %add3A_336 = arith.addi %add3A_334, %add3A_335 : i32
      %mul3A_337 = arith.constant 256 : i32
      %mul3A_338 = arith.muli %add3A_336, %mul3A_337 : i32
      %add3A_339 = arith.addi %mul3A_2, %mul3A_338 : i32
      %dma_start3A_340 = arith.constant 0 : i32
      %dma_start3A_341 = tpu.memref_slice %arg3[%dma_start3A_340, %add3A_339] : memref<2x1605632xi32, #tpu.memory_space<hbm>> -> memref<2x256xi32, #tpu.memory_space<hbm>>
      %dma_start3A_342 = arith.constant 0 : i32
      %dma_start3A_343 = tpu.memref_slice %arg3[%dma_start3A_342, %add3A_339] : memref<2x1605632xi32, #tpu.memory_space<hbm>> -> memref<2x256xi32, #tpu.memory_space<hbm>>
      tpu.enqueue_dma source(%dma_start3A_343 : memref<2x256xi32, #tpu.memory_space<hbm>>) target(%arg5 : memref<2x256xi32, #tpu.memory_space<vmem>>) target_semaphore(%arg14 : memref<!tpu.dma_semaphore, #tpu.memory_space<semaphore_mem>>)
      %dma_wait3A_344 = arith.constant 1 : i32
      %dma_wait3A_345 = arith.constant 0 : i32
      %dma_wait3A_346 = tpu.memref_slice %arg6[%dma_wait3A_344, %dma_wait3A_345] : memref<2x256xi32, #tpu.memory_space<vmem>> -> memref<1x256xi32, #tpu.memory_space<vmem>>
      %dma_wait3A_347 = tpu.memref_squeeze %dma_wait3A_346 : memref<1x256xi32, #tpu.memory_space<vmem>> -> memref<256xi32, #tpu.memory_space<vmem>>
      %dma_wait3A_348 = arith.constant 0 : i32
      %dma_wait3A_349 = arith.constant 0 : i32
      %dma_wait3A_350 = tpu.memref_slice %arg13[%dma_wait3A_348, %dma_wait3A_349] : memref<100480x16xf32, #tpu.memory_space<vmem_shared>> -> memref<100480x16xf32, #tpu.memory_space<vmem_shared>>
      tpu.wait_indirect_dma semaphore(%arg23 : memref<!tpu.dma_semaphore, #tpu.memory_space<semaphore_mem>>) src(%arg10 : memref<256x16xf32, #tpu.memory_space<vmem>>) dst(%dma_wait3A_350 : memref<100480x16xf32, #tpu.memory_space<vmem_shared>>)
      %add3A_351 = arith.constant 4 : i32
      %add3A_352 = arith.addi %add3A_193, %add3A_351 : i32
      %add3A_353 = arith.constant 1 : i32
      %add3A_354 = arith.addi %add3A_352, %add3A_353 : i32
      %mul3A_355 = arith.constant 256 : i32
      %mul3A_356 = arith.muli %add3A_354, %mul3A_355 : i32
      %add3A_357 = arith.addi %mul3A_2, %mul3A_356 : i32
      %dma_start3A_358 = arith.constant 0 : i32
      %dma_start3A_359 = tpu.memref_slice %arg3[%dma_start3A_358, %add3A_357] : memref<2x1605632xi32, #tpu.memory_space<hbm>> -> memref<2x256xi32, #tpu.memory_space<hbm>>
      %dma_start3A_360 = arith.constant 0 : i32
      %dma_start3A_361 = tpu.memref_slice %arg3[%dma_start3A_360, %add3A_357] : memref<2x1605632xi32, #tpu.memory_space<hbm>> -> memref<2x256xi32, #tpu.memory_space<hbm>>
      tpu.enqueue_dma source(%dma_start3A_361 : memref<2x256xi32, #tpu.memory_space<hbm>>) target(%arg6 : memref<2x256xi32, #tpu.memory_space<vmem>>) target_semaphore(%arg15 : memref<!tpu.dma_semaphore, #tpu.memory_space<semaphore_mem>>)
      %dma_wait3A_362 = arith.constant 1 : i32
      %dma_wait3A_363 = arith.constant 0 : i32
      %dma_wait3A_364 = tpu.memref_slice %arg7[%dma_wait3A_362, %dma_wait3A_363] : memref<2x256xi32, #tpu.memory_space<vmem>> -> memref<1x256xi32, #tpu.memory_space<vmem>>
      %dma_wait3A_365 = tpu.memref_squeeze %dma_wait3A_364 : memref<1x256xi32, #tpu.memory_space<vmem>> -> memref<256xi32, #tpu.memory_space<vmem>>
      %dma_wait3A_366 = arith.constant 0 : i32
      %dma_wait3A_367 = arith.constant 0 : i32
      %dma_wait3A_368 = tpu.memref_slice %arg13[%dma_wait3A_366, %dma_wait3A_367] : memref<100480x16xf32, #tpu.memory_space<vmem_shared>> -> memref<100480x16xf32, #tpu.memory_space<vmem_shared>>
      tpu.wait_indirect_dma semaphore(%arg24 : memref<!tpu.dma_semaphore, #tpu.memory_space<semaphore_mem>>) src(%arg11 : memref<256x16xf32, #tpu.memory_space<vmem>>) dst(%dma_wait3A_368 : memref<100480x16xf32, #tpu.memory_space<vmem_shared>>)
      %add3A_369 = arith.constant 4 : i32
      %add3A_370 = arith.addi %add3A_193, %add3A_369 : i32
      %add3A_371 = arith.constant 2 : i32
      %add3A_372 = arith.addi %add3A_370, %add3A_371 : i32
      %mul3A_373 = arith.constant 256 : i32
      %mul3A_374 = arith.muli %add3A_372, %mul3A_373 : i32
      %add3A_375 = arith.addi %mul3A_2, %mul3A_374 : i32
      %dma_start3A_376 = arith.constant 0 : i32
      %dma_start3A_377 = tpu.memref_slice %arg3[%dma_start3A_376, %add3A_375] : memref<2x1605632xi32, #tpu.memory_space<hbm>> -> memref<2x256xi32, #tpu.memory_space<hbm>>
      %dma_start3A_378 = arith.constant 0 : i32
      %dma_start3A_379 = tpu.memref_slice %arg3[%dma_start3A_378, %add3A_375] : memref<2x1605632xi32, #tpu.memory_space<hbm>> -> memref<2x256xi32, #tpu.memory_space<hbm>>
      tpu.enqueue_dma source(%dma_start3A_379 : memref<2x256xi32, #tpu.memory_space<hbm>>) target(%arg7 : memref<2x256xi32, #tpu.memory_space<vmem>>) target_semaphore(%arg16 : memref<!tpu.dma_semaphore, #tpu.memory_space<semaphore_mem>>)
      %dma_wait3A_380 = arith.constant 1 : i32
      %dma_wait3A_381 = arith.constant 0 : i32
      %dma_wait3A_382 = tpu.memref_slice %arg8[%dma_wait3A_380, %dma_wait3A_381] : memref<2x256xi32, #tpu.memory_space<vmem>> -> memref<1x256xi32, #tpu.memory_space<vmem>>
      %dma_wait3A_383 = tpu.memref_squeeze %dma_wait3A_382 : memref<1x256xi32, #tpu.memory_space<vmem>> -> memref<256xi32, #tpu.memory_space<vmem>>
      %dma_wait3A_384 = arith.constant 0 : i32
      %dma_wait3A_385 = arith.constant 0 : i32
      %dma_wait3A_386 = tpu.memref_slice %arg13[%dma_wait3A_384, %dma_wait3A_385] : memref<100480x16xf32, #tpu.memory_space<vmem_shared>> -> memref<100480x16xf32, #tpu.memory_space<vmem_shared>>
      tpu.wait_indirect_dma semaphore(%arg25 : memref<!tpu.dma_semaphore, #tpu.memory_space<semaphore_mem>>) src(%arg12 : memref<256x16xf32, #tpu.memory_space<vmem>>) dst(%dma_wait3A_386 : memref<100480x16xf32, #tpu.memory_space<vmem_shared>>)
      %add3A_387 = arith.constant 4 : i32
      %add3A_388 = arith.addi %add3A_193, %add3A_387 : i32
      %add3A_389 = arith.constant 3 : i32
      %add3A_390 = arith.addi %add3A_388, %add3A_389 : i32
      %mul3A_391 = arith.constant 256 : i32
      %mul3A_392 = arith.muli %add3A_390, %mul3A_391 : i32
      %add3A_393 = arith.addi %mul3A_2, %mul3A_392 : i32
      %dma_start3A_394 = arith.constant 0 : i32
      %dma_start3A_395 = tpu.memref_slice %arg3[%dma_start3A_394, %add3A_393] : memref<2x1605632xi32, #tpu.memory_space<hbm>> -> memref<2x256xi32, #tpu.memory_space<hbm>>
      %dma_start3A_396 = arith.constant 0 : i32
      %dma_start3A_397 = tpu.memref_slice %arg3[%dma_start3A_396, %add3A_393] : memref<2x1605632xi32, #tpu.memory_space<hbm>> -> memref<2x256xi32, #tpu.memory_space<hbm>>
      tpu.enqueue_dma source(%dma_start3A_397 : memref<2x256xi32, #tpu.memory_space<hbm>>) target(%arg8 : memref<2x256xi32, #tpu.memory_space<vmem>>) target_semaphore(%arg17 : memref<!tpu.dma_semaphore, #tpu.memory_space<semaphore_mem>>)
    }
    %scan3A_28 = arith.constant 97 : i32
    %dma_wait3A = arith.constant 0 : i32
    %dma_wait3A_29 = tpu.memref_slice %arg3[%dma_wait3A, %mul3A_2] : memref<2x1605632xi32, #tpu.memory_space<hbm>> -> memref<2x256xi32, #tpu.memory_space<hbm>>
    %dma_wait3A_30 = arith.constant 0 : i32
    %dma_wait3A_31 = tpu.memref_slice %arg3[%dma_wait3A_30, %mul3A_2] : memref<2x1605632xi32, #tpu.memory_space<hbm>> -> memref<2x256xi32, #tpu.memory_space<hbm>>
    tpu.wait_dma2 semaphore(%arg14 : memref<!tpu.dma_semaphore, #tpu.memory_space<semaphore_mem>>) src(%dma_wait3A_31 : memref<2x256xi32, #tpu.memory_space<hbm>>) dst(%arg5 : memref<2x256xi32, #tpu.memory_space<vmem>>)
    %dma_start3A_32 = arith.constant 0 : i32
    %dma_start3A_33 = arith.constant 0 : i32
    %dma_start3A_34 = tpu.memref_slice %arg5[%dma_start3A_32, %dma_start3A_33] : memref<2x256xi32, #tpu.memory_space<vmem>> -> memref<1x256xi32, #tpu.memory_space<vmem>>
    %dma_start3A_35 = tpu.memref_squeeze %dma_start3A_34 : memref<1x256xi32, #tpu.memory_space<vmem>> -> memref<256xi32, #tpu.memory_space<vmem>>
    %dma_start3A_36 = arith.constant 0 : i32
    %dma_start3A_37 = arith.constant 0 : i32
    %dma_start3A_38 = tpu.memref_slice %arg2[%arg0, %dma_start3A_36, %dma_start3A_37] : memref<2x100352x16xf32, #tpu.memory_space<hbm>> -> memref<1x100352x16xf32, #tpu.memory_space<hbm>>
    %dma_start3A_39 = tpu.memref_squeeze %dma_start3A_38 : memref<1x100352x16xf32, #tpu.memory_space<hbm>> -> memref<100352x16xf32, #tpu.memory_space<hbm>>
    %dma_start3A_40 = arith.constant 0 : i32
    %dma_start3A_41 = arith.constant 0 : i32
    %dma_start3A_42 = tpu.memref_slice %dma_start3A_39[%dma_start3A_40, %dma_start3A_41] : memref<100352x16xf32, #tpu.memory_space<hbm>> -> memref<100352x16xf32, #tpu.memory_space<hbm>>
    tpu.enqueue_indirect_dma source(%dma_start3A_42 : memref<100352x16xf32, #tpu.memory_space<hbm>>) target(%arg9 : memref<256x16xf32, #tpu.memory_space<vmem>>) offsets(%dma_start3A_35 : memref<256xi32, #tpu.memory_space<vmem>>) semaphore(%arg18 : memref<!tpu.dma_semaphore, #tpu.memory_space<semaphore_mem>>)
    %dma_wait3A_43 = arith.constant 0 : i32
    %dma_wait3A_44 = tpu.memref_slice %arg3[%dma_wait3A_43, %mul3A_2] : memref<2x1605632xi32, #tpu.memory_space<hbm>> -> memref<2x256xi32, #tpu.memory_space<hbm>>
    %dma_wait3A_45 = arith.constant 0 : i32
    %dma_wait3A_46 = tpu.memref_slice %arg3[%dma_wait3A_45, %mul3A_2] : memref<2x1605632xi32, #tpu.memory_space<hbm>> -> memref<2x256xi32, #tpu.memory_space<hbm>>
    tpu.wait_dma2 semaphore(%arg15 : memref<!tpu.dma_semaphore, #tpu.memory_space<semaphore_mem>>) src(%dma_wait3A_46 : memref<2x256xi32, #tpu.memory_space<hbm>>) dst(%arg6 : memref<2x256xi32, #tpu.memory_space<vmem>>)
    %dma_start3A_47 = arith.constant 0 : i32
    %dma_start3A_48 = arith.constant 0 : i32
    %dma_start3A_49 = tpu.memref_slice %arg6[%dma_start3A_47, %dma_start3A_48] : memref<2x256xi32, #tpu.memory_space<vmem>> -> memref<1x256xi32, #tpu.memory_space<vmem>>
    %dma_start3A_50 = tpu.memref_squeeze %dma_start3A_49 : memref<1x256xi32, #tpu.memory_space<vmem>> -> memref<256xi32, #tpu.memory_space<vmem>>
    %dma_start3A_51 = arith.constant 0 : i32
    %dma_start3A_52 = arith.constant 0 : i32
    %dma_start3A_53 = tpu.memref_slice %arg2[%arg0, %dma_start3A_51, %dma_start3A_52] : memref<2x100352x16xf32, #tpu.memory_space<hbm>> -> memref<1x100352x16xf32, #tpu.memory_space<hbm>>
    %dma_start3A_54 = tpu.memref_squeeze %dma_start3A_53 : memref<1x100352x16xf32, #tpu.memory_space<hbm>> -> memref<100352x16xf32, #tpu.memory_space<hbm>>
    %dma_start3A_55 = arith.constant 0 : i32
    %dma_start3A_56 = arith.constant 0 : i32
    %dma_start3A_57 = tpu.memref_slice %dma_start3A_54[%dma_start3A_55, %dma_start3A_56] : memref<100352x16xf32, #tpu.memory_space<hbm>> -> memref<100352x16xf32, #tpu.memory_space<hbm>>
    tpu.enqueue_indirect_dma source(%dma_start3A_57 : memref<100352x16xf32, #tpu.memory_space<hbm>>) target(%arg10 : memref<256x16xf32, #tpu.memory_space<vmem>>) offsets(%dma_start3A_50 : memref<256xi32, #tpu.memory_space<vmem>>) semaphore(%arg19 : memref<!tpu.dma_semaphore, #tpu.memory_space<semaphore_mem>>)
    %dma_wait3A_58 = arith.constant 0 : i32
    %dma_wait3A_59 = tpu.memref_slice %arg3[%dma_wait3A_58, %mul3A_2] : memref<2x1605632xi32, #tpu.memory_space<hbm>> -> memref<2x256xi32, #tpu.memory_space<hbm>>
    %dma_wait3A_60 = arith.constant 0 : i32
    %dma_wait3A_61 = tpu.memref_slice %arg3[%dma_wait3A_60, %mul3A_2] : memref<2x1605632xi32, #tpu.memory_space<hbm>> -> memref<2x256xi32, #tpu.memory_space<hbm>>
    tpu.wait_dma2 semaphore(%arg16 : memref<!tpu.dma_semaphore, #tpu.memory_space<semaphore_mem>>) src(%dma_wait3A_61 : memref<2x256xi32, #tpu.memory_space<hbm>>) dst(%arg7 : memref<2x256xi32, #tpu.memory_space<vmem>>)
    %dma_start3A_62 = arith.constant 0 : i32
    %dma_start3A_63 = arith.constant 0 : i32
    %dma_start3A_64 = tpu.memref_slice %arg7[%dma_start3A_62, %dma_start3A_63] : memref<2x256xi32, #tpu.memory_space<vmem>> -> memref<1x256xi32, #tpu.memory_space<vmem>>
    %dma_start3A_65 = tpu.memref_squeeze %dma_start3A_64 : memref<1x256xi32, #tpu.memory_space<vmem>> -> memref<256xi32, #tpu.memory_space<vmem>>
    %dma_start3A_66 = arith.constant 0 : i32
    %dma_start3A_67 = arith.constant 0 : i32
    %dma_start3A_68 = tpu.memref_slice %arg2[%arg0, %dma_start3A_66, %dma_start3A_67] : memref<2x100352x16xf32, #tpu.memory_space<hbm>> -> memref<1x100352x16xf32, #tpu.memory_space<hbm>>
    %dma_start3A_69 = tpu.memref_squeeze %dma_start3A_68 : memref<1x100352x16xf32, #tpu.memory_space<hbm>> -> memref<100352x16xf32, #tpu.memory_space<hbm>>
    %dma_start3A_70 = arith.constant 0 : i32
    %dma_start3A_71 = arith.constant 0 : i32
    %dma_start3A_72 = tpu.memref_slice %dma_start3A_69[%dma_start3A_70, %dma_start3A_71] : memref<100352x16xf32, #tpu.memory_space<hbm>> -> memref<100352x16xf32, #tpu.memory_space<hbm>>
    tpu.enqueue_indirect_dma source(%dma_start3A_72 : memref<100352x16xf32, #tpu.memory_space<hbm>>) target(%arg11 : memref<256x16xf32, #tpu.memory_space<vmem>>) offsets(%dma_start3A_65 : memref<256xi32, #tpu.memory_space<vmem>>) semaphore(%arg20 : memref<!tpu.dma_semaphore, #tpu.memory_space<semaphore_mem>>)
    %dma_wait3A_73 = arith.constant 0 : i32
    %dma_wait3A_74 = tpu.memref_slice %arg3[%dma_wait3A_73, %mul3A_2] : memref<2x1605632xi32, #tpu.memory_space<hbm>> -> memref<2x256xi32, #tpu.memory_space<hbm>>
    %dma_wait3A_75 = arith.constant 0 : i32
    %dma_wait3A_76 = tpu.memref_slice %arg3[%dma_wait3A_75, %mul3A_2] : memref<2x1605632xi32, #tpu.memory_space<hbm>> -> memref<2x256xi32, #tpu.memory_space<hbm>>
    tpu.wait_dma2 semaphore(%arg17 : memref<!tpu.dma_semaphore, #tpu.memory_space<semaphore_mem>>) src(%dma_wait3A_76 : memref<2x256xi32, #tpu.memory_space<hbm>>) dst(%arg8 : memref<2x256xi32, #tpu.memory_space<vmem>>)
    %dma_start3A_77 = arith.constant 0 : i32
    %dma_start3A_78 = arith.constant 0 : i32
    %dma_start3A_79 = tpu.memref_slice %arg8[%dma_start3A_77, %dma_start3A_78] : memref<2x256xi32, #tpu.memory_space<vmem>> -> memref<1x256xi32, #tpu.memory_space<vmem>>
    %dma_start3A_80 = tpu.memref_squeeze %dma_start3A_79 : memref<1x256xi32, #tpu.memory_space<vmem>> -> memref<256xi32, #tpu.memory_space<vmem>>
    %dma_start3A_81 = arith.constant 0 : i32
    %dma_start3A_82 = arith.constant 0 : i32
    %dma_start3A_83 = tpu.memref_slice %arg2[%arg0, %dma_start3A_81, %dma_start3A_82] : memref<2x100352x16xf32, #tpu.memory_space<hbm>> -> memref<1x100352x16xf32, #tpu.memory_space<hbm>>
    %dma_start3A_84 = tpu.memref_squeeze %dma_start3A_83 : memref<1x100352x16xf32, #tpu.memory_space<hbm>> -> memref<100352x16xf32, #tpu.memory_space<hbm>>
    %dma_start3A_85 = arith.constant 0 : i32
    %dma_start3A_86 = arith.constant 0 : i32
    %dma_start3A_87 = tpu.memref_slice %dma_start3A_84[%dma_start3A_85, %dma_start3A_86] : memref<100352x16xf32, #tpu.memory_space<hbm>> -> memref<100352x16xf32, #tpu.memory_space<hbm>>
    tpu.enqueue_indirect_dma source(%dma_start3A_87 : memref<100352x16xf32, #tpu.memory_space<hbm>>) target(%arg12 : memref<256x16xf32, #tpu.memory_space<vmem>>) offsets(%dma_start3A_80 : memref<256xi32, #tpu.memory_space<vmem>>) semaphore(%arg21 : memref<!tpu.dma_semaphore, #tpu.memory_space<semaphore_mem>>)
    %dma_wait3A_88 = arith.constant 0 : i32
    %dma_wait3A_89 = arith.constant 0 : i32
    %dma_wait3A_90 = tpu.memref_slice %arg5[%dma_wait3A_88, %dma_wait3A_89] : memref<2x256xi32, #tpu.memory_space<vmem>> -> memref<1x256xi32, #tpu.memory_space<vmem>>
    %dma_wait3A_91 = tpu.memref_squeeze %dma_wait3A_90 : memref<1x256xi32, #tpu.memory_space<vmem>> -> memref<256xi32, #tpu.memory_space<vmem>>
    %dma_wait3A_92 = arith.constant 0 : i32
    %dma_wait3A_93 = arith.constant 0 : i32
    %dma_wait3A_94 = tpu.memref_slice %arg2[%arg0, %dma_wait3A_92, %dma_wait3A_93] : memref<2x100352x16xf32, #tpu.memory_space<hbm>> -> memref<1x100352x16xf32, #tpu.memory_space<hbm>>
    %dma_wait3A_95 = tpu.memref_squeeze %dma_wait3A_94 : memref<1x100352x16xf32, #tpu.memory_space<hbm>> -> memref<100352x16xf32, #tpu.memory_space<hbm>>
    %dma_wait3A_96 = arith.constant 0 : i32
    %dma_wait3A_97 = arith.constant 0 : i32
    %dma_wait3A_98 = tpu.memref_slice %dma_wait3A_95[%dma_wait3A_96, %dma_wait3A_97] : memref<100352x16xf32, #tpu.memory_space<hbm>> -> memref<100352x16xf32, #tpu.memory_space<hbm>>
    tpu.wait_indirect_dma semaphore(%arg18 : memref<!tpu.dma_semaphore, #tpu.memory_space<semaphore_mem>>) src(%dma_wait3A_98 : memref<100352x16xf32, #tpu.memory_space<hbm>>) dst(%arg9 : memref<256x16xf32, #tpu.memory_space<vmem>>)
    %dma_start3A_99 = arith.constant 1 : i32
    %dma_start3A_100 = arith.constant 0 : i32
    %dma_start3A_101 = tpu.memref_slice %arg5[%dma_start3A_99, %dma_start3A_100] : memref<2x256xi32, #tpu.memory_space<vmem>> -> memref<1x256xi32, #tpu.memory_space<vmem>>
    %dma_start3A_102 = tpu.memref_squeeze %dma_start3A_101 : memref<1x256xi32, #tpu.memory_space<vmem>> -> memref<256xi32, #tpu.memory_space<vmem>>
    %dma_start3A_103 = arith.constant 0 : i32
    %dma_start3A_104 = arith.constant 0 : i32
    %dma_start3A_105 = tpu.memref_slice %arg13[%dma_start3A_103, %dma_start3A_104] : memref<100480x16xf32, #tpu.memory_space<vmem_shared>> -> memref<100480x16xf32, #tpu.memory_space<vmem_shared>>
    tpu.enqueue_indirect_dma source(%arg9 : memref<256x16xf32, #tpu.memory_space<vmem>>) target(%dma_start3A_105 : memref<100480x16xf32, #tpu.memory_space<vmem_shared>>) offsets(%dma_start3A_102 : memref<256xi32, #tpu.memory_space<vmem>>) semaphore(%arg22 : memref<!tpu.dma_semaphore, #tpu.memory_space<semaphore_mem>>) {add = true}
    %dma_wait3A_106 = arith.constant 0 : i32
    %dma_wait3A_107 = arith.constant 0 : i32
    %dma_wait3A_108 = tpu.memref_slice %arg6[%dma_wait3A_106, %dma_wait3A_107] : memref<2x256xi32, #tpu.memory_space<vmem>> -> memref<1x256xi32, #tpu.memory_space<vmem>>
    %dma_wait3A_109 = tpu.memref_squeeze %dma_wait3A_108 : memref<1x256xi32, #tpu.memory_space<vmem>> -> memref<256xi32, #tpu.memory_space<vmem>>
    %dma_wait3A_110 = arith.constant 0 : i32
    %dma_wait3A_111 = arith.constant 0 : i32
    %dma_wait3A_112 = tpu.memref_slice %arg2[%arg0, %dma_wait3A_110, %dma_wait3A_111] : memref<2x100352x16xf32, #tpu.memory_space<hbm>> -> memref<1x100352x16xf32, #tpu.memory_space<hbm>>
    %dma_wait3A_113 = tpu.memref_squeeze %dma_wait3A_112 : memref<1x100352x16xf32, #tpu.memory_space<hbm>> -> memref<100352x16xf32, #tpu.memory_space<hbm>>
    %dma_wait3A_114 = arith.constant 0 : i32
    %dma_wait3A_115 = arith.constant 0 : i32
    %dma_wait3A_116 = tpu.memref_slice %dma_wait3A_113[%dma_wait3A_114, %dma_wait3A_115] : memref<100352x16xf32, #tpu.memory_space<hbm>> -> memref<100352x16xf32, #tpu.memory_space<hbm>>
    tpu.wait_indirect_dma semaphore(%arg19 : memref<!tpu.dma_semaphore, #tpu.memory_space<semaphore_mem>>) src(%dma_wait3A_116 : memref<100352x16xf32, #tpu.memory_space<hbm>>) dst(%arg10 : memref<256x16xf32, #tpu.memory_space<vmem>>)
    %dma_start3A_117 = arith.constant 1 : i32
    %dma_start3A_118 = arith.constant 0 : i32
    %dma_start3A_119 = tpu.memref_slice %arg6[%dma_start3A_117, %dma_start3A_118] : memref<2x256xi32, #tpu.memory_space<vmem>> -> memref<1x256xi32, #tpu.memory_space<vmem>>
    %dma_start3A_120 = tpu.memref_squeeze %dma_start3A_119 : memref<1x256xi32, #tpu.memory_space<vmem>> -> memref<256xi32, #tpu.memory_space<vmem>>
    %dma_start3A_121 = arith.constant 0 : i32
    %dma_start3A_122 = arith.constant 0 : i32
    %dma_start3A_123 = tpu.memref_slice %arg13[%dma_start3A_121, %dma_start3A_122] : memref<100480x16xf32, #tpu.memory_space<vmem_shared>> -> memref<100480x16xf32, #tpu.memory_space<vmem_shared>>
    tpu.enqueue_indirect_dma source(%arg10 : memref<256x16xf32, #tpu.memory_space<vmem>>) target(%dma_start3A_123 : memref<100480x16xf32, #tpu.memory_space<vmem_shared>>) offsets(%dma_start3A_120 : memref<256xi32, #tpu.memory_space<vmem>>) semaphore(%arg23 : memref<!tpu.dma_semaphore, #tpu.memory_space<semaphore_mem>>) {add = true}
    %dma_wait3A_124 = arith.constant 0 : i32
    %dma_wait3A_125 = arith.constant 0 : i32
    %dma_wait3A_126 = tpu.memref_slice %arg7[%dma_wait3A_124, %dma_wait3A_125] : memref<2x256xi32, #tpu.memory_space<vmem>> -> memref<1x256xi32, #tpu.memory_space<vmem>>
    %dma_wait3A_127 = tpu.memref_squeeze %dma_wait3A_126 : memref<1x256xi32, #tpu.memory_space<vmem>> -> memref<256xi32, #tpu.memory_space<vmem>>
    %dma_wait3A_128 = arith.constant 0 : i32
    %dma_wait3A_129 = arith.constant 0 : i32
    %dma_wait3A_130 = tpu.memref_slice %arg2[%arg0, %dma_wait3A_128, %dma_wait3A_129] : memref<2x100352x16xf32, #tpu.memory_space<hbm>> -> memref<1x100352x16xf32, #tpu.memory_space<hbm>>
    %dma_wait3A_131 = tpu.memref_squeeze %dma_wait3A_130 : memref<1x100352x16xf32, #tpu.memory_space<hbm>> -> memref<100352x16xf32, #tpu.memory_space<hbm>>
    %dma_wait3A_132 = arith.constant 0 : i32
    %dma_wait3A_133 = arith.constant 0 : i32
    %dma_wait3A_134 = tpu.memref_slice %dma_wait3A_131[%dma_wait3A_132, %dma_wait3A_133] : memref<100352x16xf32, #tpu.memory_space<hbm>> -> memref<100352x16xf32, #tpu.memory_space<hbm>>
    tpu.wait_indirect_dma semaphore(%arg20 : memref<!tpu.dma_semaphore, #tpu.memory_space<semaphore_mem>>) src(%dma_wait3A_134 : memref<100352x16xf32, #tpu.memory_space<hbm>>) dst(%arg11 : memref<256x16xf32, #tpu.memory_space<vmem>>)
    %dma_start3A_135 = arith.constant 1 : i32
    %dma_start3A_136 = arith.constant 0 : i32
    %dma_start3A_137 = tpu.memref_slice %arg7[%dma_start3A_135, %dma_start3A_136] : memref<2x256xi32, #tpu.memory_space<vmem>> -> memref<1x256xi32, #tpu.memory_space<vmem>>
    %dma_start3A_138 = tpu.memref_squeeze %dma_start3A_137 : memref<1x256xi32, #tpu.memory_space<vmem>> -> memref<256xi32, #tpu.memory_space<vmem>>
    %dma_start3A_139 = arith.constant 0 : i32
    %dma_start3A_140 = arith.constant 0 : i32
    %dma_start3A_141 = tpu.memref_slice %arg13[%dma_start3A_139, %dma_start3A_140] : memref<100480x16xf32, #tpu.memory_space<vmem_shared>> -> memref<100480x16xf32, #tpu.memory_space<vmem_shared>>
    tpu.enqueue_indirect_dma source(%arg11 : memref<256x16xf32, #tpu.memory_space<vmem>>) target(%dma_start3A_141 : memref<100480x16xf32, #tpu.memory_space<vmem_shared>>) offsets(%dma_start3A_138 : memref<256xi32, #tpu.memory_space<vmem>>) semaphore(%arg24 : memref<!tpu.dma_semaphore, #tpu.memory_space<semaphore_mem>>) {add = true}
    %dma_wait3A_142 = arith.constant 0 : i32
    %dma_wait3A_143 = arith.constant 0 : i32
    %dma_wait3A_144 = tpu.memref_slice %arg8[%dma_wait3A_142, %dma_wait3A_143] : memref<2x256xi32, #tpu.memory_space<vmem>> -> memref<1x256xi32, #tpu.memory_space<vmem>>
    %dma_wait3A_145 = tpu.memref_squeeze %dma_wait3A_144 : memref<1x256xi32, #tpu.memory_space<vmem>> -> memref<256xi32, #tpu.memory_space<vmem>>
    %dma_wait3A_146 = arith.constant 0 : i32
    %dma_wait3A_147 = arith.constant 0 : i32
    %dma_wait3A_148 = tpu.memref_slice %arg2[%arg0, %dma_wait3A_146, %dma_wait3A_147] : memref<2x100352x16xf32, #tpu.memory_space<hbm>> -> memref<1x100352x16xf32, #tpu.memory_space<hbm>>
    %dma_wait3A_149 = tpu.memref_squeeze %dma_wait3A_148 : memref<1x100352x16xf32, #tpu.memory_space<hbm>> -> memref<100352x16xf32, #tpu.memory_space<hbm>>
    %dma_wait3A_150 = arith.constant 0 : i32
    %dma_wait3A_151 = arith.constant 0 : i32
    %dma_wait3A_152 = tpu.memref_slice %dma_wait3A_149[%dma_wait3A_150, %dma_wait3A_151] : memref<100352x16xf32, #tpu.memory_space<hbm>> -> memref<100352x16xf32, #tpu.memory_space<hbm>>
    tpu.wait_indirect_dma semaphore(%arg21 : memref<!tpu.dma_semaphore, #tpu.memory_space<semaphore_mem>>) src(%dma_wait3A_152 : memref<100352x16xf32, #tpu.memory_space<hbm>>) dst(%arg12 : memref<256x16xf32, #tpu.memory_space<vmem>>)
    %dma_start3A_153 = arith.constant 1 : i32
    %dma_start3A_154 = arith.constant 0 : i32
    %dma_start3A_155 = tpu.memref_slice %arg8[%dma_start3A_153, %dma_start3A_154] : memref<2x256xi32, #tpu.memory_space<vmem>> -> memref<1x256xi32, #tpu.memory_space<vmem>>
    %dma_start3A_156 = tpu.memref_squeeze %dma_start3A_155 : memref<1x256xi32, #tpu.memory_space<vmem>> -> memref<256xi32, #tpu.memory_space<vmem>>
    %dma_start3A_157 = arith.constant 0 : i32
    %dma_start3A_158 = arith.constant 0 : i32
    %dma_start3A_159 = tpu.memref_slice %arg13[%dma_start3A_157, %dma_start3A_158] : memref<100480x16xf32, #tpu.memory_space<vmem_shared>> -> memref<100480x16xf32, #tpu.memory_space<vmem_shared>>
    tpu.enqueue_indirect_dma source(%arg12 : memref<256x16xf32, #tpu.memory_space<vmem>>) target(%dma_start3A_159 : memref<100480x16xf32, #tpu.memory_space<vmem_shared>>) offsets(%dma_start3A_156 : memref<256xi32, #tpu.memory_space<vmem>>) semaphore(%arg25 : memref<!tpu.dma_semaphore, #tpu.memory_space<semaphore_mem>>) {add = true}
    %dma_wait3A_160 = arith.constant 1 : i32
    %dma_wait3A_161 = arith.constant 0 : i32
    %dma_wait3A_162 = tpu.memref_slice %arg5[%dma_wait3A_160, %dma_wait3A_161] : memref<2x256xi32, #tpu.memory_space<vmem>> -> memref<1x256xi32, #tpu.memory_space<vmem>>
    %dma_wait3A_163 = tpu.memref_squeeze %dma_wait3A_162 : memref<1x256xi32, #tpu.memory_space<vmem>> -> memref<256xi32, #tpu.memory_space<vmem>>
    %dma_wait3A_164 = arith.constant 0 : i32
    %dma_wait3A_165 = arith.constant 0 : i32
    %dma_wait3A_166 = tpu.memref_slice %arg13[%dma_wait3A_164, %dma_wait3A_165] : memref<100480x16xf32, #tpu.memory_space<vmem_shared>> -> memref<100480x16xf32, #tpu.memory_space<vmem_shared>>
    tpu.wait_indirect_dma semaphore(%arg22 : memref<!tpu.dma_semaphore, #tpu.memory_space<semaphore_mem>>) src(%arg9 : memref<256x16xf32, #tpu.memory_space<vmem>>) dst(%dma_wait3A_166 : memref<100480x16xf32, #tpu.memory_space<vmem_shared>>)
    %dma_wait3A_167 = arith.constant 1 : i32
    %dma_wait3A_168 = arith.constant 0 : i32
    %dma_wait3A_169 = tpu.memref_slice %arg6[%dma_wait3A_167, %dma_wait3A_168] : memref<2x256xi32, #tpu.memory_space<vmem>> -> memref<1x256xi32, #tpu.memory_space<vmem>>
    %dma_wait3A_170 = tpu.memref_squeeze %dma_wait3A_169 : memref<1x256xi32, #tpu.memory_space<vmem>> -> memref<256xi32, #tpu.memory_space<vmem>>
    %dma_wait3A_171 = arith.constant 0 : i32
    %dma_wait3A_172 = arith.constant 0 : i32
    %dma_wait3A_173 = tpu.memref_slice %arg13[%dma_wait3A_171, %dma_wait3A_172] : memref<100480x16xf32, #tpu.memory_space<vmem_shared>> -> memref<100480x16xf32, #tpu.memory_space<vmem_shared>>
    tpu.wait_indirect_dma semaphore(%arg23 : memref<!tpu.dma_semaphore, #tpu.memory_space<semaphore_mem>>) src(%arg10 : memref<256x16xf32, #tpu.memory_space<vmem>>) dst(%dma_wait3A_173 : memref<100480x16xf32, #tpu.memory_space<vmem_shared>>)
    %dma_wait3A_174 = arith.constant 1 : i32
    %dma_wait3A_175 = arith.constant 0 : i32
    %dma_wait3A_176 = tpu.memref_slice %arg7[%dma_wait3A_174, %dma_wait3A_175] : memref<2x256xi32, #tpu.memory_space<vmem>> -> memref<1x256xi32, #tpu.memory_space<vmem>>
    %dma_wait3A_177 = tpu.memref_squeeze %dma_wait3A_176 : memref<1x256xi32, #tpu.memory_space<vmem>> -> memref<256xi32, #tpu.memory_space<vmem>>
    %dma_wait3A_178 = arith.constant 0 : i32
    %dma_wait3A_179 = arith.constant 0 : i32
    %dma_wait3A_180 = tpu.memref_slice %arg13[%dma_wait3A_178, %dma_wait3A_179] : memref<100480x16xf32, #tpu.memory_space<vmem_shared>> -> memref<100480x16xf32, #tpu.memory_space<vmem_shared>>
    tpu.wait_indirect_dma semaphore(%arg24 : memref<!tpu.dma_semaphore, #tpu.memory_space<semaphore_mem>>) src(%arg11 : memref<256x16xf32, #tpu.memory_space<vmem>>) dst(%dma_wait3A_180 : memref<100480x16xf32, #tpu.memory_space<vmem_shared>>)
    %dma_wait3A_181 = arith.constant 1 : i32
    %dma_wait3A_182 = arith.constant 0 : i32
    %dma_wait3A_183 = tpu.memref_slice %arg8[%dma_wait3A_181, %dma_wait3A_182] : memref<2x256xi32, #tpu.memory_space<vmem>> -> memref<1x256xi32, #tpu.memory_space<vmem>>
    %dma_wait3A_184 = tpu.memref_squeeze %dma_wait3A_183 : memref<1x256xi32, #tpu.memory_space<vmem>> -> memref<256xi32, #tpu.memory_space<vmem>>
    %dma_wait3A_185 = arith.constant 0 : i32
    %dma_wait3A_186 = arith.constant 0 : i32
    %dma_wait3A_187 = tpu.memref_slice %arg13[%dma_wait3A_185, %dma_wait3A_186] : memref<100480x16xf32, #tpu.memory_space<vmem_shared>> -> memref<100480x16xf32, #tpu.memory_space<vmem_shared>>
    tpu.wait_indirect_dma semaphore(%arg25 : memref<!tpu.dma_semaphore, #tpu.memory_space<semaphore_mem>>) src(%arg12 : memref<256x16xf32, #tpu.memory_space<vmem>>) dst(%dma_wait3A_187 : memref<100480x16xf32, #tpu.memory_space<vmem_shared>>)
    %barrier3A_188 = arith.constant 0 : index
    tpu.barrier barrier_id(%barrier3A_188)
    "tpu.region"() ({
      %run_scoped3A = tpu.sem_alloc : memref<!tpu.dma_semaphore, #tpu.memory_space<semaphore_mem>>
      %dma_start3A_189 = arith.constant 0 : i32
      %dma_start3A_190 = tpu.memref_slice %arg4[%arg0, %mul3A_0, %dma_start3A_189] : memref<2x100352x16xf32, #tpu.memory_space<hbm>> -> memref<1x6272x16xf32, #tpu.memory_space<hbm>>
      %dma_start3A_191 = tpu.memref_squeeze %dma_start3A_190 : memref<1x6272x16xf32, #tpu.memory_space<hbm>> -> memref<6272x16xf32, #tpu.memory_space<hbm>>
      %dma_start3A_192 = arith.constant 0 : i32
      %dma_start3A_193 = tpu.memref_slice %arg13[%mul3A_0, %dma_start3A_192] : memref<100480x16xf32, #tpu.memory_space<vmem_shared>> -> memref<6272x16xf32, #tpu.memory_space<vmem_shared>>
      tpu.enqueue_dma source(%dma_start3A_193 : memref<6272x16xf32, #tpu.memory_space<vmem_shared>>) target(%dma_start3A_191 : memref<6272x16xf32, #tpu.memory_space<hbm>>) target_semaphore(%run_scoped3A : memref<!tpu.dma_semaphore, #tpu.memory_space<semaphore_mem>>)
      %dma_wait3A_194 = arith.constant 0 : i32
      %dma_wait3A_195 = tpu.memref_slice %arg4[%arg0, %mul3A_0, %dma_wait3A_194] : memref<2x100352x16xf32, #tpu.memory_space<hbm>> -> memref<1x6272x16xf32, #tpu.memory_space<hbm>>
      %dma_wait3A_196 = tpu.memref_squeeze %dma_wait3A_195 : memref<1x6272x16xf32, #tpu.memory_space<hbm>> -> memref<6272x16xf32, #tpu.memory_space<hbm>>
      %dma_wait3A_197 = arith.constant 0 : i32
      %dma_wait3A_198 = tpu.memref_slice %arg13[%mul3A_0, %dma_wait3A_197] : memref<100480x16xf32, #tpu.memory_space<vmem_shared>> -> memref<6272x16xf32, #tpu.memory_space<vmem_shared>>
      tpu.wait_dma2 semaphore(%run_scoped3A : memref<!tpu.dma_semaphore, #tpu.memory_space<semaphore_mem>>) src(%dma_wait3A_198 : memref<6272x16xf32, #tpu.memory_space<vmem_shared>>) dst(%dma_wait3A_196 : memref<6272x16xf32, #tpu.memory_space<hbm>>)
      tpu.yield
    }) : () -> ()
    return
  }
}

module attributes {stable_mosaic.version = 14 : i64} {
  func.func @_tc_d_body(%arg0: i32, %arg1: memref<2x112x128xf32, #tpu.memory_space<vmem>>, %arg2: memref<112x128xf32, #tpu.memory_space<vmem>>) attributes {dimension_semantics = [#tpu.dimension_semantics<arbitrary>], iteration_bounds = array<i64: 7>, scalar_prefetch = 0 : i64, scratch_operands = 0 : i64, tpu.core_type = #tpu.core_type<tc>, window_params = [{transform_indices = @transform_0, window_bounds = array<i64: 2, 112, 128>}, {transform_indices = @transform_1, window_bounds = array<i64: 112, 128>}]} {
    %get3A = arith.constant 0 : index
    %get3A_0 = arith.constant 0 : index
    %get3A_1 = arith.constant 0 : index
    %get3A_2 = vector.load %arg1[%get3A, %get3A_0, %get3A_1] : memref<2x112x128xf32, #tpu.memory_space<vmem>>, vector<1x112x128xf32>
    %get3A_3 = vector.shape_cast %get3A_2 : vector<1x112x128xf32> to vector<112x128xf32>
    %get3A_4 = arith.constant 1 : index
    %get3A_5 = arith.constant 0 : index
    %get3A_6 = arith.constant 0 : index
    %get3A_7 = vector.load %arg1[%get3A_4, %get3A_5, %get3A_6] : memref<2x112x128xf32, #tpu.memory_space<vmem>>, vector<1x112x128xf32>
    %get3A_8 = vector.shape_cast %get3A_7 : vector<1x112x128xf32> to vector<112x128xf32>
    %add3A = arith.addf %get3A_3, %get3A_8 : vector<112x128xf32>
    %rsqrt3A = math.rsqrt %add3A : vector<112x128xf32>
    %swap3A = arith.constant 0 : index
    %swap3A_9 = arith.constant 0 : index
    %swap3A_10 = vector.load %arg2[%swap3A, %swap3A_9] : memref<112x128xf32, #tpu.memory_space<vmem>>, vector<112x128xf32>
    tpu.vector_store %arg2[%swap3A, %swap3A_9], %rsqrt3A {strides = array<i32>} : memref<112x128xf32, #tpu.memory_space<vmem>>, vector<112x128xf32>,
    return
  }
  func.func @transform_0(%arg0: i32) -> (i32, i32, i32) {
    %c0_i32 = arith.constant 0 : i32
    %c0_i32_0 = arith.constant 0 : i32
    %c0_i32_1 = arith.constant 0 : i32
    return %c0_i32, %arg0, %c0_i32_0 : i32, i32, i32
  }
  func.func @transform_1(%arg0: i32) -> (i32, i32) {
    %c0_i32 = arith.constant 0 : i32
    %c0_i32_0 = arith.constant 0 : i32
    return %arg0, %c0_i32 : i32, i32
  }
}

module attributes {stable_mosaic.version = 14 : i64} {
  func.func @_tc0_body(%arg0: i32, %arg1: i32, %arg2: memref<448x128xf32, #tpu.memory_space<vmem>>, %arg3: memref<1x128x512xf32, #tpu.memory_space<vmem>>, %arg4: memref<448x512xf32, #tpu.memory_space<vmem>>, %arg5: memref<1x448x512xf32, #tpu.memory_space<vmem>>) attributes {dimension_semantics = [#tpu.dimension_semantics<arbitrary>, #tpu.dimension_semantics<arbitrary>], iteration_bounds = array<i64: 2, 7>, scalar_prefetch = 0 : i64, scratch_operands = 0 : i64, tpu.core_type = #tpu.core_type<tc>, window_params = [{transform_indices = @transform_0, window_bounds = array<i64: 448, 128>}, {transform_indices = @transform_1, window_bounds = array<i64: 1, 128, 512>}, {transform_indices = @transform_2, window_bounds = array<i64: 448, 512>}, {transform_indices = @transform_3, window_bounds = array<i64: 1, 448, 512>}]} {
    %get3A = arith.constant 0 : index
    %get3A_0 = arith.constant 0 : index
    %get3A_1 = vector.load %arg2[%get3A, %get3A_0] : memref<448x128xf32, #tpu.memory_space<vmem>>, vector<448x128xf32>
    %get3A_2 = arith.constant 0 : index
    %get3A_3 = arith.constant 0 : index
    %get3A_4 = arith.constant 0 : index
    %get3A_5 = vector.load %arg3[%get3A_2, %get3A_3, %get3A_4] : memref<1x128x512xf32, #tpu.memory_space<vmem>>, vector<1x128x512xf32>
    %get3A_6 = vector.shape_cast %get3A_5 : vector<1x128x512xf32> to vector<128x512xf32>
    %dot_general3A = arith.constant dense<0.000000e+00> : vector<448x512xf32>
    %dot_general3A_7 = tpu.matmul %get3A_1, %get3A_6, %dot_general3A {dimension_numbers = #tpu.dot_dimension_numbers<[1], [0], [0], [1], [0, 0, 1, 1], [], []>, transpose_lhs_hint = false} : vector<448x128xf32>, vector<128x512xf32>, vector<448x512xf32> -> vector<448x512xf32>
    %get3A_8 = arith.constant 0 : index
    %get3A_9 = arith.constant 0 : index
    %get3A_10 = vector.load %arg4[%get3A_8, %get3A_9] : memref<448x512xf32, #tpu.memory_space<vmem>>, vector<448x512xf32>
    %mul3A = arith.mulf %get3A_10, %dot_general3A_7 : vector<448x512xf32>
    %swap3A = arith.constant 0 : index
    %swap3A_11 = arith.constant 0 : index
    %swap3A_12 = arith.constant 0 : index
    %swap3A_13 = vector.load %arg5[%swap3A, %swap3A_11, %swap3A_12] : memref<1x448x512xf32, #tpu.memory_space<vmem>>, vector<1x448x512xf32>
    %swap3A_14 = vector.shape_cast %swap3A_13 : vector<1x448x512xf32> to vector<448x512xf32>
    %swap3A_15 = vector.shape_cast %mul3A : vector<448x512xf32> to vector<1x448x512xf32>
    tpu.vector_store %arg5[%swap3A, %swap3A_11, %swap3A_12], %swap3A_15 {strides = array<i32>} : memref<1x448x512xf32, #tpu.memory_space<vmem>>, vector<1x448x512xf32>,
    return
  }
  func.func @transform_0(%arg0: i32, %arg1: i32) -> (i32, i32) {
    %c0_i32 = arith.constant 0 : i32
    %c0_i32_0 = arith.constant 0 : i32
    return %arg1, %c0_i32 : i32, i32
  }
  func.func @transform_1(%arg0: i32, %arg1: i32) -> (i32, i32, i32) {
    %c0_i32 = arith.constant 0 : i32
    %c0_i32_0 = arith.constant 0 : i32
    %c0_i32_1 = arith.constant 0 : i32
    return %arg0, %c0_i32, %c0_i32_0 : i32, i32, i32
  }
  func.func @transform_2(%arg0: i32, %arg1: i32) -> (i32, i32) {
    %c0_i32 = arith.constant 0 : i32
    %c0_i32_0 = arith.constant 0 : i32
    return %arg1, %c0_i32 : i32, i32
  }
  func.func @transform_3(%arg0: i32, %arg1: i32) -> (i32, i32, i32) {
    %c0_i32 = arith.constant 0 : i32
    %c0_i32_0 = arith.constant 0 : i32
    return %arg0, %arg1, %c0_i32 : i32, i32, i32
  }
}

module attributes {stable_mosaic.version = 14 : i64} {
  func.func @_tc_mid_body(%arg0: i32, %arg1: i32, %arg2: memref<2x256x128xf32, #tpu.memory_space<vmem>>, %arg3: memref<256x128xf32, #tpu.memory_space<vmem>>, %arg4: memref<2x128xf32, #tpu.memory_space<vmem>>, %arg5: memref<2x1x128x128xf32, #tpu.memory_space<vmem>>, %arg6: memref<1x256x128xf32, #tpu.memory_space<vmem>>) attributes {dimension_semantics = [#tpu.dimension_semantics<arbitrary>, #tpu.dimension_semantics<arbitrary>], iteration_bounds = array<i64: 2, 49>, scalar_prefetch = 0 : i64, scratch_operands = 0 : i64, tpu.core_type = #tpu.core_type<tc>, window_params = [{transform_indices = @transform_0, window_bounds = array<i64: 2, 256, 128>}, {transform_indices = @transform_1, window_bounds = array<i64: 256, 128>}, {pipeline_mode = #tpu.pipeline_mode<synchronous>, transform_indices = @transform_2, window_bounds = array<i64: 2, 128>}, {transform_indices = @transform_3, window_bounds = array<i64: 2, 1, 128, 128>}, {transform_indices = @transform_4, window_bounds = array<i64: 1, 256, 128>}]} {
    %get3A = arith.constant 0 : index
    %get3A_0 = arith.constant 0 : index
    %get3A_1 = vector.load %arg3[%get3A, %get3A_0] : memref<256x128xf32, #tpu.memory_space<vmem>>, vector<256x128xf32>
    %get3A_2 = arith.constant 0 : index
    %get3A_3 = arith.constant 0 : index
    %get3A_4 = arith.constant 0 : index
    %get3A_5 = vector.load %arg2[%get3A_2, %get3A_3, %get3A_4] : memref<2x256x128xf32, #tpu.memory_space<vmem>>, vector<1x256x128xf32>
    %get3A_6 = vector.shape_cast %get3A_5 : vector<1x256x128xf32> to vector<256x128xf32>
    %mul3A = arith.mulf %get3A_1, %get3A_6 : vector<256x128xf32>
    %get3A_7 = arith.constant 0 : index
    %get3A_8 = arith.constant 0 : index
    %get3A_9 = vector.load %arg4[%get3A_7, %get3A_8] : memref<2x128xf32, #tpu.memory_space<vmem>>, vector<1x128xf32>
    %get3A_10 = vector.shape_cast %get3A_9 : vector<1x128xf32> to vector<128xf32>
    %broadcast_in_dim3A = vector.shape_cast %get3A_10 : vector<128xf32> to vector<1x128xf32>
    %add3A = vector.broadcast %broadcast_in_dim3A : vector<1x128xf32> to vector<256x128xf32>
    %add3A_11 = arith.addf %mul3A, %add3A : vector<256x128xf32>
    %max3A = arith.constant 0.000000e+00 : f32
    %max3A_12 = vector.broadcast %max3A : f32 to vector<256x128xf32>
    %max3A_13 = arith.maximumf %add3A_11, %max3A_12 : vector<256x128xf32>
    %get3A_14 = arith.constant 1 : index
    %get3A_15 = arith.constant 0 : index
    %get3A_16 = arith.constant 0 : index
    %get3A_17 = vector.load %arg2[%get3A_14, %get3A_15, %get3A_16] : memref<2x256x128xf32, #tpu.memory_space<vmem>>, vector<1x256x128xf32>
    %get3A_18 = vector.shape_cast %get3A_17 : vector<1x256x128xf32> to vector<256x128xf32>
    %mul3A_19 = arith.mulf %get3A_1, %get3A_18 : vector<256x128xf32>
    %get3A_20 = arith.constant 1 : index
    %get3A_21 = arith.constant 0 : index
    %get3A_22 = vector.load %arg4[%get3A_20, %get3A_21] : memref<2x128xf32, #tpu.memory_space<vmem>>, vector<1x128xf32>
    %get3A_23 = vector.shape_cast %get3A_22 : vector<1x128xf32> to vector<128xf32>
    %broadcast_in_dim3A_24 = vector.shape_cast %get3A_23 : vector<128xf32> to vector<1x128xf32>
    %add3A_25 = vector.broadcast %broadcast_in_dim3A_24 : vector<1x128xf32> to vector<256x128xf32>
    %add3A_26 = arith.addf %mul3A_19, %add3A_25 : vector<256x128xf32>
    %max3A_27 = arith.constant 0.000000e+00 : f32
    %max3A_28 = vector.broadcast %max3A_27 : f32 to vector<256x128xf32>
    %max3A_29 = arith.maximumf %add3A_26, %max3A_28 : vector<256x128xf32>
    %get3A_30 = arith.constant 0 : index
    %get3A_31 = arith.constant 0 : index
    %get3A_32 = arith.constant 0 : index
    %get3A_33 = arith.constant 0 : index
    %get3A_34 = vector.load %arg5[%get3A_30, %get3A_31, %get3A_32, %get3A_33] : memref<2x1x128x128xf32, #tpu.memory_space<vmem>>, vector<1x1x128x128xf32>
    %get3A_35 = vector.shape_cast %get3A_34 : vector<1x1x128x128xf32> to vector<128x128xf32>
    %dot_general3A = arith.constant dense<0.000000e+00> : vector<256x128xf32>
    %dot_general3A_36 = tpu.matmul %max3A_13, %get3A_35, %dot_general3A {dimension_numbers = #tpu.dot_dimension_numbers<[1], [0], [0], [1], [0, 0, 1, 1], [], []>, transpose_lhs_hint = false} : vector<256x128xf32>, vector<128x128xf32>, vector<256x128xf32> -> vector<256x128xf32>
    %get3A_37 = arith.constant 1 : index
    %get3A_38 = arith.constant 0 : index
    %get3A_39 = arith.constant 0 : index
    %get3A_40 = arith.constant 0 : index
    %get3A_41 = vector.load %arg5[%get3A_37, %get3A_38, %get3A_39, %get3A_40] : memref<2x1x128x128xf32, #tpu.memory_space<vmem>>, vector<1x1x128x128xf32>
    %get3A_42 = vector.shape_cast %get3A_41 : vector<1x1x128x128xf32> to vector<128x128xf32>
    %dot_general3A_43 = arith.constant dense<0.000000e+00> : vector<256x128xf32>
    %dot_general3A_44 = tpu.matmul %max3A_29, %get3A_42, %dot_general3A_43 {dimension_numbers = #tpu.dot_dimension_numbers<[1], [0], [0], [1], [0, 0, 1, 1], [], []>, transpose_lhs_hint = false} : vector<256x128xf32>, vector<128x128xf32>, vector<256x128xf32> -> vector<256x128xf32>
    %add3A_45 = arith.addf %dot_general3A_36, %dot_general3A_44 : vector<256x128xf32>
    %mul3A_46 = arith.mulf %get3A_1, %add3A_45 : vector<256x128xf32>
    %swap3A = arith.constant 0 : index
    %swap3A_47 = arith.constant 0 : index
    %swap3A_48 = arith.constant 0 : index
    %swap3A_49 = vector.load %arg6[%swap3A, %swap3A_47, %swap3A_48] : memref<1x256x128xf32, #tpu.memory_space<vmem>>, vector<1x256x128xf32>
    %swap3A_50 = vector.shape_cast %swap3A_49 : vector<1x256x128xf32> to vector<256x128xf32>
    %swap3A_51 = vector.shape_cast %mul3A_46 : vector<256x128xf32> to vector<1x256x128xf32>
    tpu.vector_store %arg6[%swap3A, %swap3A_47, %swap3A_48], %swap3A_51 {strides = array<i32>} : memref<1x256x128xf32, #tpu.memory_space<vmem>>, vector<1x256x128xf32>,
    return
  }
  func.func @transform_0(%arg0: i32, %arg1: i32) -> (i32, i32, i32) {
    %c0_i32 = arith.constant 0 : i32
    %c0_i32_0 = arith.constant 0 : i32
    %c0_i32_1 = arith.constant 0 : i32
    return %c0_i32, %arg1, %c0_i32_0 : i32, i32, i32
  }
  func.func @transform_1(%arg0: i32, %arg1: i32) -> (i32, i32) {
    %c0_i32 = arith.constant 0 : i32
    %c0_i32_0 = arith.constant 0 : i32
    return %arg1, %c0_i32 : i32, i32
  }
  func.func @transform_2(%arg0: i32, %arg1: i32) -> (i32, i32) {
    %c0_i32 = arith.constant 0 : i32
    %c0_i32_0 = arith.constant 0 : i32
    %c0_i32_1 = arith.constant 0 : i32
    return %c0_i32, %c0_i32_0 : i32, i32
  }
  func.func @transform_3(%arg0: i32, %arg1: i32) -> (i32, i32, i32, i32) {
    %c0_i32 = arith.constant 0 : i32
    %c0_i32_0 = arith.constant 0 : i32
    %c0_i32_1 = arith.constant 0 : i32
    %c0_i32_2 = arith.constant 0 : i32
    return %c0_i32, %arg0, %c0_i32_0, %c0_i32_1 : i32, i32, i32, i32
  }
  func.func @transform_4(%arg0: i32, %arg1: i32) -> (i32, i32, i32) {
    %c0_i32 = arith.constant 0 : i32
    %c0_i32_0 = arith.constant 0 : i32
    return %arg0, %arg1, %c0_i32 : i32, i32, i32
  }
}

module attributes {stable_mosaic.version = 14 : i64} {
  func.func @_tc4_body(%arg0: i32, %arg1: i32, %arg2: memref<1x256x128xf32, #tpu.memory_space<vmem>>, %arg3: memref<256x128xf32, #tpu.memory_space<vmem>>, %arg4: memref<1x1x128xf32, #tpu.memory_space<vmem>>, %arg5: memref<1x256x128xf32, #tpu.memory_space<vmem>>) attributes {dimension_semantics = [#tpu.dimension_semantics<arbitrary>, #tpu.dimension_semantics<arbitrary>], iteration_bounds = array<i64: 2, 49>, scalar_prefetch = 0 : i64, scratch_operands = 0 : i64, tpu.core_type = #tpu.core_type<tc>, window_params = [{transform_indices = @transform_0, window_bounds = array<i64: 1, 256, 128>}, {transform_indices = @transform_1, window_bounds = array<i64: 256, 128>}, {transform_indices = @transform_2, window_bounds = array<i64: 1, 1, 128>}, {transform_indices = @transform_3, window_bounds = array<i64: 1, 256, 128>}]} {
    %get3A = arith.constant 0 : index
    %get3A_0 = arith.constant 0 : index
    %get3A_1 = vector.load %arg3[%get3A, %get3A_0] : memref<256x128xf32, #tpu.memory_space<vmem>>, vector<256x128xf32>
    %get3A_2 = arith.constant 0 : index
    %get3A_3 = arith.constant 0 : index
    %get3A_4 = arith.constant 0 : index
    %get3A_5 = vector.load %arg2[%get3A_2, %get3A_3, %get3A_4] : memref<1x256x128xf32, #tpu.memory_space<vmem>>, vector<1x256x128xf32>
    %get3A_6 = vector.shape_cast %get3A_5 : vector<1x256x128xf32> to vector<256x128xf32>
    %mul3A = arith.mulf %get3A_1, %get3A_6 : vector<256x128xf32>
    %get3A_7 = arith.constant 0 : index
    %get3A_8 = arith.constant 0 : index
    %get3A_9 = arith.constant 0 : index
    %get3A_10 = vector.load %arg4[%get3A_7, %get3A_8, %get3A_9] : memref<1x1x128xf32, #tpu.memory_space<vmem>>, vector<1x1x128xf32>
    %get3A_11 = vector.shape_cast %get3A_10 : vector<1x1x128xf32> to vector<128xf32>
    %broadcast_in_dim3A = vector.shape_cast %get3A_11 : vector<128xf32> to vector<1x128xf32>
    %add3A = vector.broadcast %broadcast_in_dim3A : vector<1x128xf32> to vector<256x128xf32>
    %add3A_12 = arith.addf %mul3A, %add3A : vector<256x128xf32>
    %max3A = arith.constant 0.000000e+00 : f32
    %max3A_13 = vector.broadcast %max3A : f32 to vector<256x128xf32>
    %max3A_14 = arith.maximumf %add3A_12, %max3A_13 : vector<256x128xf32>
    %mul3A_15 = arith.mulf %get3A_1, %max3A_14 : vector<256x128xf32>
    %swap3A = arith.constant 0 : index
    %swap3A_16 = arith.constant 0 : index
    %swap3A_17 = arith.constant 0 : index
    %swap3A_18 = vector.load %arg5[%swap3A, %swap3A_16, %swap3A_17] : memref<1x256x128xf32, #tpu.memory_space<vmem>>, vector<1x256x128xf32>
    %swap3A_19 = vector.shape_cast %swap3A_18 : vector<1x256x128xf32> to vector<256x128xf32>
    %swap3A_20 = vector.shape_cast %mul3A_15 : vector<256x128xf32> to vector<1x256x128xf32>
    tpu.vector_store %arg5[%swap3A, %swap3A_16, %swap3A_17], %swap3A_20 {strides = array<i32>} : memref<1x256x128xf32, #tpu.memory_space<vmem>>, vector<1x256x128xf32>,
    return
  }
  func.func @transform_0(%arg0: i32, %arg1: i32) -> (i32, i32, i32) {
    %c0_i32 = arith.constant 0 : i32
    %c0_i32_0 = arith.constant 0 : i32
    return %arg0, %arg1, %c0_i32 : i32, i32, i32
  }
  func.func @transform_1(%arg0: i32, %arg1: i32) -> (i32, i32) {
    %c0_i32 = arith.constant 0 : i32
    %c0_i32_0 = arith.constant 0 : i32
    return %arg1, %c0_i32 : i32, i32
  }
  func.func @transform_2(%arg0: i32, %arg1: i32) -> (i32, i32, i32) {
    %c0_i32 = arith.constant 0 : i32
    %c0_i32_0 = arith.constant 0 : i32
    %c0_i32_1 = arith.constant 0 : i32
    return %arg0, %c0_i32, %c0_i32_0 : i32, i32, i32
  }
  func.func @transform_3(%arg0: i32, %arg1: i32) -> (i32, i32, i32) {
    %c0_i32 = arith.constant 0 : i32
    %c0_i32_0 = arith.constant 0 : i32
    return %arg0, %arg1, %c0_i32 : i32, i32, i32
  }
}

module attributes {stable_mosaic.version = 14 : i64} {
  func.func @_tc_fin_body(%arg0: i32, %arg1: memref<2x256x128xf32, #tpu.memory_space<vmem>>, %arg2: memref<256x128xf32, #tpu.memory_space<vmem>>, %arg3: memref<2x128xf32, #tpu.memory_space<vmem>>, %arg4: memref<128x128xf32, #tpu.memory_space<vmem>>, %arg5: memref<1x1xf32, #tpu.memory_space<vmem>>, %arg6: memref<256x128xf32, #tpu.memory_space<vmem>>) attributes {dimension_semantics = [#tpu.dimension_semantics<arbitrary>], iteration_bounds = array<i64: 49>, scalar_prefetch = 0 : i64, scratch_operands = 0 : i64, tpu.core_type = #tpu.core_type<tc>, window_params = [{transform_indices = @transform_0, window_bounds = array<i64: 2, 256, 128>}, {transform_indices = @transform_1, window_bounds = array<i64: 256, 128>}, {pipeline_mode = #tpu.pipeline_mode<synchronous>, transform_indices = @transform_2, window_bounds = array<i64: 2, 128>}, {pipeline_mode = #tpu.pipeline_mode<synchronous>, transform_indices = @transform_3, window_bounds = array<i64: 128, 128>}, {pipeline_mode = #tpu.pipeline_mode<synchronous>, transform_indices = @transform_4, window_bounds = array<i64: 1, 1>}, {transform_indices = @transform_5, window_bounds = array<i64: 256, 128>}]} {
    %get3A = arith.constant 0 : index
    %get3A_0 = arith.constant 0 : index
    %get3A_1 = arith.constant 0 : index
    %get3A_2 = vector.load %arg1[%get3A, %get3A_0, %get3A_1] : memref<2x256x128xf32, #tpu.memory_space<vmem>>, vector<1x256x128xf32>
    %get3A_3 = vector.shape_cast %get3A_2 : vector<1x256x128xf32> to vector<256x128xf32>
    %get3A_4 = arith.constant 0 : index
    %get3A_5 = arith.constant 0 : index
    %get3A_6 = vector.load %arg3[%get3A_4, %get3A_5] : memref<2x128xf32, #tpu.memory_space<vmem>>, vector<1x128xf32>
    %get3A_7 = vector.shape_cast %get3A_6 : vector<1x128xf32> to vector<128xf32>
    %broadcast_in_dim3A = vector.shape_cast %get3A_7 : vector<128xf32> to vector<1x128xf32>
    %mul3A = vector.broadcast %broadcast_in_dim3A : vector<1x128xf32> to vector<256x128xf32>
    %mul3A_8 = arith.mulf %get3A_3, %mul3A : vector<256x128xf32>
    %get3A_9 = arith.constant 1 : index
    %get3A_10 = arith.constant 0 : index
    %get3A_11 = arith.constant 0 : index
    %get3A_12 = vector.load %arg1[%get3A_9, %get3A_10, %get3A_11] : memref<2x256x128xf32, #tpu.memory_space<vmem>>, vector<1x256x128xf32>
    %get3A_13 = vector.shape_cast %get3A_12 : vector<1x256x128xf32> to vector<256x128xf32>
    %get3A_14 = arith.constant 1 : index
    %get3A_15 = arith.constant 0 : index
    %get3A_16 = vector.load %arg3[%get3A_14, %get3A_15] : memref<2x128xf32, #tpu.memory_space<vmem>>, vector<1x128xf32>
    %get3A_17 = vector.shape_cast %get3A_16 : vector<1x128xf32> to vector<128xf32>
    %broadcast_in_dim3A_18 = vector.shape_cast %get3A_17 : vector<128xf32> to vector<1x128xf32>
    %mul3A_19 = vector.broadcast %broadcast_in_dim3A_18 : vector<1x128xf32> to vector<256x128xf32>
    %mul3A_20 = arith.mulf %get3A_13, %mul3A_19 : vector<256x128xf32>
    %add3A = arith.addf %mul3A_8, %mul3A_20 : vector<256x128xf32>
    %get3A_21 = arith.constant 0 : index
    %get3A_22 = arith.constant 0 : index
    %get3A_23 = vector.load %arg4[%get3A_21, %get3A_22] : memref<128x128xf32, #tpu.memory_space<vmem>>, vector<128x128xf32>
    %dot_general3A = arith.constant dense<0.000000e+00> : vector<256x128xf32>
    %dot_general3A_24 = tpu.matmul %add3A, %get3A_23, %dot_general3A {dimension_numbers = #tpu.dot_dimension_numbers<[1], [0], [0], [1], [0, 0, 1, 1], [], []>, transpose_lhs_hint = false} : vector<256x128xf32>, vector<128x128xf32>, vector<256x128xf32> -> vector<256x128xf32>
    %get3A_25 = arith.constant 0 : index
    %get3A_26 = arith.constant 0 : index
    %get3A_27 = vector.load %arg2[%get3A_25, %get3A_26] : memref<256x128xf32, #tpu.memory_space<vmem>>, vector<256x128xf32>
    %mul3A_28 = arith.mulf %get3A_27, %dot_general3A_24 : vector<256x128xf32>
    %get3A_29 = arith.constant 0 : index
    %get3A_30 = arith.constant 0 : index
    %get3A_31 = vector.load %arg5[%get3A_29, %get3A_30] : memref<1x1xf32, #tpu.memory_space<vmem>>, vector<1x1xf32>
    %add3A_32 = vector.broadcast %get3A_31 : vector<1x1xf32> to vector<256x128xf32>
    %add3A_33 = arith.addf %mul3A_28, %add3A_32 : vector<256x128xf32>
    %swap3A = arith.constant 0 : index
    %swap3A_34 = arith.constant 0 : index
    %swap3A_35 = vector.load %arg6[%swap3A, %swap3A_34] : memref<256x128xf32, #tpu.memory_space<vmem>>, vector<256x128xf32>
    tpu.vector_store %arg6[%swap3A, %swap3A_34], %add3A_33 {strides = array<i32>} : memref<256x128xf32, #tpu.memory_space<vmem>>, vector<256x128xf32>,
    return
  }
  func.func @transform_0(%arg0: i32) -> (i32, i32, i32) {
    %c0_i32 = arith.constant 0 : i32
    %c0_i32_0 = arith.constant 0 : i32
    %c0_i32_1 = arith.constant 0 : i32
    return %c0_i32, %arg0, %c0_i32_0 : i32, i32, i32
  }
  func.func @transform_1(%arg0: i32) -> (i32, i32) {
    %c0_i32 = arith.constant 0 : i32
    %c0_i32_0 = arith.constant 0 : i32
    return %arg0, %c0_i32 : i32, i32
  }
  func.func @transform_2(%arg0: i32) -> (i32, i32) {
    %c0_i32 = arith.constant 0 : i32
    %c0_i32_0 = arith.constant 0 : i32
    %c0_i32_1 = arith.constant 0 : i32
    return %c0_i32, %c0_i32_0 : i32, i32
  }
  func.func @transform_3(%arg0: i32) -> (i32, i32) {
    %c0_i32 = arith.constant 0 : i32
    %c0_i32_0 = arith.constant 0 : i32
    %c0_i32_1 = arith.constant 0 : i32
    return %c0_i32, %c0_i32_0 : i32, i32
  }
  func.func @transform_4(%arg0: i32) -> (i32, i32) {
    %c0_i32 = arith.constant 0 : i32
    %c0_i32_0 = arith.constant 0 : i32
    %c0_i32_1 = arith.constant 0 : i32
    return %c0_i32, %c0_i32_0 : i32, i32
  }
  func.func @transform_5(%arg0: i32) -> (i32, i32) {
    %c0_i32 = arith.constant 0 : i32
    %c0_i32_0 = arith.constant 0 : i32
    return %arg0, %c0_i32 : i32, i32
  }
}

</mosaic_0001>

<sc_bundles>
// kernel: kernel.13.cloned.1.call-start
scs
__scs_entry_jumppad:
0x0: {  	(pc) =	sbr.rel $0x88, $3  }
0x1: {  	(tag) =	ssettag $0x0;
	lr =	simm.s32 $0x1  }
0x2: {  	[smem:$0x3F97] =	sst lr;
	_ =	strace $0xD0000000  }
0x3: {  	_ = 	snop  }
0x4: {  	_ = 	snop  }
0x5: {  	_ = 	snop  }
0x6: {  	_ = 	snop  }
0x7: {  	_ = 	snop  }
__scs_overlays_trampoline_lowered:
0x8: {  	[smem:$0x3FA6] =	sst s0  }
0x9: {  	[smem:$0x3FA7] =	sst s1  }
0xa: {  	[smem:$0x3FA8] =	sst s2  }
0xb: {  	[smem:$0x3FA9] =	sst s3  }
0xc: {  	[smem:$0x3FAA] =	sst s4  }
0xd: {  	[smem:$0x3FAB] =	sst s5  }
0xe: {  	[smem:$0x3FAC] =	sst s6  }
0xf: {  	[smem:$0x3FAD] =	sst s7  }
0x10: {  	[smem:$0x3FAE] =	sst s8  }
0x11: {  	[smem:$0x3FAF] =	sst s9;
	s0 =	simm.s32 @!p0 $0x0  }
0x12: {  	s1 =	sld [smem:$0x3F95];
	s0 =	simm.s32 @p0 $0x1  }
0x13: {  	[smem:$0x3FB0] =	sst s0;
	s0 =	simm.s32 @!p1 $0x0  }
0x14: {  	s2 =	sld [smem:$0x3F94];
	s0 =	simm.s32 @p1 $0x1  }
0x15: {  	[smem:$0x3FB1] =	sst s0;
	s0 =	simm.s32 @!p2 $0x0  }
0x16: {  	s3 =	sld [smem:$0x3FDB];
	s0 =	simm.s32 @p2 $0x1  }
0x17: {  	s4 =	simm.s32 $0x1BF5;
	[smem:$0x3FB3] =	sst s0  }
0x18: {  	s0 =	sld [smem:$0x3F96];
	_ =	swait.ge [sflag:s4], $0x0  }
0x19: {  	s7 =	sld [smem:$0x3F97]  }
0x1a: {  	s8 =	sadd.s32 $0xFFFFE003, lr  }
0x1b: {  	s9 =	sadd.s32 $0xFFFFFEF7, lr;
	s5 =	simm.s32 $0xFFFFFFFF;
	p2 =	slt.u32 s8, $0xFFFFF086  }
0x1c: {  	p1 =	slt.u32 s9, $0xF7A;
	s5 =	simm.s32 @!p2 $0x0  }
0x1d: {  	s5 =	simm.s32 @p1 $0x1;
	p0 =	seq.s32 s7, s2  }
0x1e: {  	s7 =	smul.u32 @!p0 $0xF7A, s2;
	p2 =	seq.s32 @!p0 s5, $0x0  }
0x1f: {  	s9 =	smul.u32 $0xF7A, s1;
	s8 =	simm.s32 @!p0 $0x1BF5;
	p2 =	por !p2, p0  }
0x20: {  	[sflag:s8] =	ssyncset.s32 @!p0 $0xFFFFF086;
	s6 =	sadd.s32 @!p0 s3, s7;
	s7 =	simm.s32 @!p0 $0x108  }
0x21: {  	s3 =	sadd.s32 s3, s9;
	s6 =	sadd.s32 @!p0 $0x88, s6;
	s7 =	simm.s32 @p2 $0x1082  }
0x22: {  	[simem:s7], [sflag:s8] =	dma.local @!p0 [hbm:s6], $0xF7A  }
0x23: {  	s9 =	sor.u32 $0xD0000000, s2;
	s6 =	simm.s32 $0x108;
	_ =	swait.ge @!p0 [sflag:s8], $0x0  }
0x24: {  	s3 =	sadd.s32 $0x88, s3;
	s6 =	simm.s32 @!p1 $0x1082;
	[sflag:s4] =	ssyncset.s32 $0xFFFFF086  }
0x25: {  	[simem:s6], [sflag:s4] =	dma.local [hbm:s3], $0xF7A  }
0x26: {  	[smem:$0x3F97] =	sst s1;
	(tag) =	ssettag s2;
	_ =	strace s9  }
0x27: {  	s1 =	sld [smem:$0x3FA7]  }
0x28: {  	s2 =	sld [smem:$0x3FA8]  }
0x29: {  	s4 =	sld [smem:$0x3FAA]  }
0x2a: {  	p0 =	seq.s32 s5, $0x0;
	s5 =	sld [smem:$0x3FAB]  }
0x2b: {  	s6 =	sld [smem:$0x3FAC]  }
0x2c: {  	s7 =	sld [smem:$0x3FAD]  }
0x2d: {  	s3 =	simm.s32 $0x108;
	s8 =	sld [smem:$0x3FAE]  }
0x2e: {  	s3 =	simm.s32 @!p0 $0x1082;
	s9 =	sld [smem:$0x3FAF]  }
0x2f: {  	lr =	sadd.s32 s0, s3;
	s0 =	sld [smem:$0x3FA6]  }
0x30: {  	s3 =	sld [smem:$0x3FA9]  }
0x31: {  	[smem:$0x3FB2] =	sst s10  }
0x32: {  	s10 =	sld [smem:$0x3FB0];
	_ =	sdelay $0x3  }
0x33: {  	p0 =	seq.s32 s10, $0x1;
	s10 =	sld [smem:$0x3FB2];
	_ =	sdelay $0x3  }
0x34: {  	[smem:$0x3FB2] =	sst s10  }
0x35: {  	s10 =	sld [smem:$0x3FB1];
	_ =	sdelay $0x3  }
0x36: {  	p1 =	seq.s32 s10, $0x1;
	s10 =	sld [smem:$0x3FB2];
	_ =	sdelay $0x3  }
0x37: {  	[smem:$0x3FB2] =	sst s10  }
0x38: {  	s10 =	sld [smem:$0x3FB3]  }
0x39: {  	_ = 	snop;
	(pc) =	sbr.ind lr, $3  }
0x3a: {  	_ = 	snop  }
0x3b: {  	_ = 	snop  }
0x3c: {  	p2 =	seq.s32 s10, $0x1;
	s10 =	sld [smem:$0x3FB2]  }
0x3d: {  	_ =	shalt  }
0x3e: {  	_ =	shalt  }
0x3f: {  	_ =	shalt  }
0x40: {  	_ =	shalt  }
0x41: {  	_ =	shalt  }
0x42: {  	_ =	shalt  }
0x43: {  	_ =	shalt  }
0x44: {  	_ =	shalt  }
0x45: {  	_ =	shalt  }
0x46: {  	_ =	shalt  }
0x47: {  	_ =	shalt  }
0x48: {  	_ =	shalt  }
0x49: {  	_ =	shalt  }
0x4a: {  	_ =	shalt  }
0x4b: {  	_ =	shalt  }
0x4c: {  	_ =	shalt  }
0x4d: {  	_ =	shalt  }
0x4e: {  	_ =	shalt  }
0x4f: {  	_ =	shalt  }
0x50: {  	_ =	shalt  }
0x51: {  	_ =	shalt  }
0x52: {  	_ =	shalt  }
0x53: {  	_ =	shalt  }
0x54: {  	_ =	shalt  }
0x55: {  	_ =	shalt  }
0x56: {  	_ =	shalt  }
0x57: {  	_ =	shalt  }
0x58: {  	_ =	shalt  }
0x59: {  	_ =	shalt  }
0x5a: {  	_ =	shalt  }
0x5b: {  	_ =	shalt  }
0x5c: {  	_ =	shalt  }
0x5d: {  	_ =	shalt  }
0x5e: {  	_ =	shalt  }
0x5f: {  	_ =	shalt  }
0x60: {  	_ =	shalt  }
0x61: {  	_ =	shalt  }
0x62: {  	_ =	shalt  }
0x63: {  	_ =	shalt  }
0x64: {  	_ =	shalt  }
0x65: {  	_ =	shalt  }
0x66: {  	_ =	shalt  }
0x67: {  	_ =	shalt  }
0x68: {  	_ =	shalt  }
0x69: {  	_ =	shalt  }
0x6a: {  	_ =	shalt  }
0x6b: {  	_ =	shalt  }
0x6c: {  	_ =	shalt  }
0x6d: {  	_ =	shalt  }
0x6e: {  	_ =	shalt  }
0x6f: {  	_ =	shalt  }
0x70: {  	_ =	shalt  }
0x71: {  	_ =	shalt  }
0x72: {  	_ =	shalt  }
0x73: {  	_ =	shalt  }
0x74: {  	_ =	shalt  }
0x75: {  	_ =	shalt  }
0x76: {  	_ =	shalt  }
0x77: {  	_ =	shalt  }
0x78: {  	_ =	shalt  }
0x79: {  	_ =	shalt  }
0x7a: {  	_ =	shalt  }
0x7b: {  	_ =	shalt  }
0x7c: {  	_ =	shalt  }
0x7d: {  	_ =	shalt  }
0x7e: {  	_ =	shalt  }
0x7f: {  	_ =	shalt  }
0x80: {  	_ =	shalt  }
0x81: {  	_ =	shalt  }
0x82: {  	_ =	shalt  }
0x83: {  	_ =	shalt  }
0x84: {  	_ =	shalt  }
0x85: {  	_ =	shalt  }
0x86: {  	_ =	shalt  }
0x87: {  	_ =	shalt  }
.Lfunc_end0:
.L_simem_size_0:
called_computation_lowered:
.L_overlay_start_0:
0x88: {  	s2 =	sld [smem:$0x3FD9]  }
0x89: {  	s3 =	sld [smem:$0x3FFE];
	_ =	sdelay $0x1  }
0x8a: {  	s1 =	srdreg.scid  }
0x8b: {  	s0 =	sand.u32 $0x1, s1  }
0x8c: {  	s17 =	sshll.u32 s0, $0xA;
	s2 =	sadd.s32 s3, s2  }
0x8d: {  	s2 =	sadd.s32 s2, s17  }
0x8e: {  	[smem:$0x3FBE] =	sst s2  }
0x8f: {  	_ = 	snop  }
0x90: {  	s2 =	sld [smem:$0x3FD0];
	(tm) =	ssettm $0x1  }
0x91: {  	s18 =	sld [smem:$0x3FFB];
	_ =	sdelay $0x3  }
0x92: {  	_ =	strace s18  }
0x93: {  	s3 =	sld [smem:$0x3FFC];
	_ =	sdelay $0x3  }
0x94: {  	_ =	strace s3  }
0x95: {  	s3 =	sld [smem:$0x3FFD];
	_ =	sdelay $0x3  }
0x96: {  	_ =	strace s3  }
0x97: {  	_ =	strace $0x8FFFFFFF  }
0x98: {  	s19 =	sld [smem:$0x3FDB];
	_ =	sdelay $0x1  }
0x99: {  	s4 =	simm.s32 $_scs_section_size  }
0x9a: {  	s5 =	simm.s32 $_size__tile_overlayer_lowered;
	s6 =	simm.s32 $_tile_overlayer_lowered  }
0x9b: {  	s22 =	simm.s32 $0x1BFF;
	s21 =	sshll.u32 s6, $0x1;
	s3 =	sadd.s32 s4, s19  }
0x9c: {  	s7 =	simm.s32 $0x0;
	s20 =	sshll.u32 s5, $0x1;
	s5 =	sadd.s32 s21, s3  }
0x9d: {  	[timem:s7], [sflag:s22] =	dma.local [hbm:s5], s20  }
0x9e: {  	_ =	swait.ge [sflag:s22], s20  }
0x9f: {  	s4 =	ssub.s32 $0x0, s20;
	[sflag:s22] =	ssyncset.done $0x0  }
0xa0: {  	[sflag:s22] =	ssyncadd.s32 s4;
	_ =	sdelay $0x1  }
0xa1: {  	s23 =	simm.s32 $0x1B8B  }
0xa2: {  	_ =	swait.ge [sflag:s23], $0x1  }
0xa3: {  	[sflag:s23] =	ssyncset.done $0x0  }
0xa4: {  	s25 =	simm.s32 $0x1B8E;
	s24 =	sld [smem:$0x3FFE];
	[sflag:s23] =	ssyncadd.s32 $0xFFFFFFFF  }
0xa5: {  	s26 =	simm.s32 $execute0_lowered;
	[smem:$0x3FD2] =	sst s25  }
0xa6: {  	s5 =	sshll.u32 s26, $0x1;
	_ =	strace $0x80000046;
	[dreg:$0x1] =	wrdreg $0xFFFFFFFF  }
0xa7: {  	s28 =	simm.s32 $_size_execute0_lowered;
	s3 =	sadd.s32 s3, s5;
	[dreg:$0x0] =	wrdreg $0x0  }
0xa8: {  	s5 =	sshll.u32 s28, $0x1;
	[dreg:$0x2] =	wrdreg s3  }
0xa9: {  	[dreg:$0x3] =	wrdreg s5  }
0xaa: {  	[dreg:$0x4] =	wrdreg $0xC0  }
0xab: {  	_ =	task [dreg:s7], $0x5FFFF  }
0xac: {  	[dreg:$0x1] =	wrdreg $0xFFFFFFFF  }
0xad: {  	[dreg:$0x0] =	wrdreg $0x60  }
0xae: {  	[dreg:$0x2] =	wrdreg s24  }
0xaf: {  	[dreg:$0x3] =	wrdreg s2  }
0xb0: {  	[dreg:$0x4] =	wrdreg $0x2800  }
0xb1: {  	[dreg:$0x5] =	wrdreg $0x9  }
0xb2: {  	_ =	task.clear_ibuf [dreg:s7], $0x6FFFF;
	_ =	strace $0x90000046  }
0xb3: {  	s29 =	simm.s32 $0x9;
	_ =	strace $0x80000048  }
0xb4: {  	_ =	swait.ge [sflag:s29], $0x1  }
0xb5: {  	[sflag:s29] =	ssyncadd.s32 $0xFFFFFFFF  }
0xb6: {  	_ =	strace $0x90000048  }
0xb7: {  	_ =	sfence  }
0xb8: {  	s30 =	sld [smem:$0x0];
	_ =	sdelay $0x2  }
0xb9: {  	s31 =	sshll.u32 s1, $0xD;
	s1 =	sshrl.u32 s1, $0x2  }
0xba: {  	s3 =	sand.u32 $0x4000, s31;
	s1 =	sadd.s32 s1, s30  }
0xbb: {  	s0 =	sor.u32 s3, s0;
	s1 =	sshll.u32 s1, $0x11  }
0xbc: {  	s0 =	sor.u32 s1, s0  }
0xbd: {  	s0 =	sadd.s32 $0x8F2B, s0  }
0xbe: {  	[sflag:s0] =	ssyncadd.remote.s32 $0x1  }
0xbf: {  	_ =	sfence.sel $0xFFFF  }
0xc0: {  	[dreg:$0x0] =	wrdreg $0xFFFFFFFF;
	(pc) =	sbr.abs _section_cstart, $3  }
0xc1: {  	[dreg:$0x1] =	wrdreg $0xFFFFFFFF  }
0xc2: {  	_ =	task.clear_ibuf [dreg:s7], $0x2FFFF;
	_ =	strace $0x9FFFFFFF  }
0xc3: {  	(tm) =	ssettm $0x7FFFFFFF  }
tec
execute0_lowered:
.L_overlay_start_1:
0x0: {  	(tag) =	ssettag $0x1  }
0x1: {  	s0 =	rddreg [dreg:$0x0];
	s1 =	srdreg.scid  }
0x2: {  	s8 =	stileid.u32;
	s3 =	rddreg [dreg:$0x2];
	s4 =	simm.s32 $0x0  }
0x3: {  	s18 =	simm.s32 $0x9;
	s19 =	simm.s32 $0x200;
	s20 =	simm.s32 $0x80  }
0x4: {  	s21 =	simm.s32 $0x100;
	s28 =	simm.s32 $0x5;
	s2 =	smul.u32 $0x1880, s8  }
0x5: {  	s29 =	simm.s32 $0x6;
	s1 =	sand.u32 $0x1, s1;
	s7 =	smul.u32 $0xC400, s8  }
0x6: {  	s30 =	simm.s32 $0x7;
	s31 =	simm.s32 $0x8;
	s5 =	smul.u32 $0x18800, s1  }
0x7: {  	[smem:$0x7FF] =	sst s4;
	s16 =	sadd.s32 $0x9200, s0;
	s6 =	smul.u32 $0xC4000, s1  }
0x8: {  	s24 =	sshll.u32 s8, $0x6;
	_ =	strace $0x80000047;
	s1 =	ssub.s32 $0x2, s1  }
0x9: {  	s22 =	sshrl.u32 s1, $0x1;
	s5 =	sadd.s32 s2, s5;
	s14 =	sadd.s32 s7, s6  }
0xa: {  	s1 =	ssub.s32 s1, s22;
	s2 =	sadd.s32 s2, s3;
	s7 =	sor.u32 $0x1C09, s24  }
0xb: {  	s22 =	simm.s32 $0x180;
	s24 =	simm.s32 $0x2;
	s5 =	sshrl.u32 s5, $0x3  }
0xc: {  	s6 =	sshrl.u32 s14, $0x3;
	s11 =	sor.u32 $0x380, s14;
	s12 =	smax.u32 s1, $0x1  }
0xd: {  	s25 =	sor.u32 $0x300, s14;
	s26 =	sor.u32 $0x280, s14;
	s14 =	sor.u32 $0x200, s14  }
0xe: {  	s0 =	sadd.s32 s5, s0;
	s6 =	sadd.s32 s16, s6;
	s13 =	sshrl.u32 s11, $0x3  }
0xf: {  	s1 =	sshrl.u32 s26, $0x3;
	s17 =	sshrl.u32 s14, $0x3;
	s26 =	simm.s32 $0x4  }
0x10: {  	s23 =	sadd.s32 $0x3000, s0;
	s8 =	sadd.s32 $0x10, s6;
	s9 =	sadd.s32 $0x20, s6  }
0x11: {  	s10 =	sadd.s32 $0x30, s6;
	s11 =	sadd.s32 $0x3A200, s0;
	s13 =	sadd.s32 s13, s16  }
0x12: {  	s0 =	sshrl.u32 s25, $0x3;
	s15 =	sadd.s32 s1, s16;
	s25 =	simm.s32 $0x3  }
0x13: {  	s1 =	simm.s32 $0x0;
	[dreg:$0x4] =	wrdreg s23;
	s14 =	sadd.s32 s0, s16  }
0x14: {  	s16 =	sadd.s32 s17, s16;
	s17 =	sshrl.u32 s2, $0x3;
	s23 =	simm.s32 $0x1  }
.LBB2_1:
0x15: {  	s0 =	rddreg [dreg:$0x4]  }
0x16: {  	[spmem:s17], [sflag:s7] =	dma.local [hbm:s0], $0x310  }
0x17: {  	_ =	swait.ge [sflag:s18], $0x310  }
0x18: {  	[sflag:s18] =	ssyncset.done $0x0  }
0x19: {  	[sflag:s18] =	ssyncadd.s32 $0xFFFFFCF0  }
0x1a: {  	s2 =	rddreg [dreg:$0x1]  }
0x1b: {  	[tilespmem:s19], [sflag:$0x9] =	stream.linear.gather [hbm4b:s2+s4], $0x80, $0x38;
	[tilespmem:$0x1B08] =	vst v63  }
0x1c: {  	_ =	swait.ge [sflag:s18], $0x80  }
0x1d: {  	[sflag:s18] =	ssyncset.done $0x0  }
0x1e: {  	[sflag:s18] =	ssyncadd.s32 $0xFFFFFF80  }
0x1f: {  	[bflag:$0x0] =	sbarrier.arrive $0xFFFF  }
0x20: {  	[tilespmem:s4], [sflag:$0x1] =	stream.linear.gather [hbm4b:s6+s4], $0x80, $0x38;
	[tilespmem:$0x1B08] =	vst v63  }
0x21: {  	_ = 	snop  }
0x22: {  	[tilespmem:s20], [sflag:$0x2] =	stream.linear.gather [hbm4b:s8+s4], $0x80, $0x38;
	[tilespmem:$0x1B08] =	vst v63  }
0x23: {  	_ = 	snop  }
0x24: {  	[tilespmem:s21], [sflag:$0x3] =	stream.linear.gather [hbm4b:s9+s4], $0x80, $0x38;
	[tilespmem:$0x1B08] =	vst v63  }
0x25: {  	_ = 	snop  }
0x26: {  	[tilespmem:s22], [sflag:$0x4] =	stream.linear.gather [hbm4b:s10+s4], $0x80, $0x38;
	[tilespmem:$0x1B08] =	vst v63  }
0x27: {  	_ =	swait.ge [sflag:s23], $0x80  }
0x28: {  	[sflag:s23] =	ssyncset.done $0x0  }
0x29: {  	[sflag:s23] =	ssyncadd.s32 $0xFFFFFF80  }
0x2a: {  	[spmem:s3] =	stream.indirect.scatter.add.f32 [tilespmem:s19], [sflag:$0x5], $0x1, s4, s20, $0xb8;
	[tilespmem:$0x1B08] =	vst v63  }
0x2b: {  	_ =	swait.ge [sflag:s24], $0x80  }
0x2c: {  	[sflag:s24] =	ssyncset.done $0x0  }
0x2d: {  	[sflag:s24] =	ssyncadd.s32 $0xFFFFFF80  }
0x2e: {  	[spmem:s3] =	stream.indirect.scatter.add.f32 [tilespmem:s19], [sflag:$0x6], $0x1, s20, s20, $0xb8;
	[tilespmem:$0x1B08] =	vst v63  }
0x2f: {  	_ =	swait.ge [sflag:s25], $0x80  }
0x30: {  	[sflag:s25] =	ssyncset.done $0x0  }
0x31: {  	[sflag:s25] =	ssyncadd.s32 $0xFFFFFF80  }
0x32: {  	[spmem:s3] =	stream.indirect.scatter.add.f32 [tilespmem:s19], [sflag:$0x7], $0x1, s21, s20, $0xb8;
	[tilespmem:$0x1B08] =	vst v63  }
0x33: {  	_ =	swait.ge [sflag:s26], $0x80  }
0x34: {  	[sflag:s26] =	ssyncset.done $0x0  }
0x35: {  	[sflag:s26] =	ssyncadd.s32 $0xFFFFFF80  }
0x36: {  	[spmem:s3] =	stream.indirect.scatter.add.f32 [tilespmem:s19], [sflag:$0x8], $0x1, s22, s20, $0xb8;
	[tilespmem:$0x1B08] =	vst v63  }
0x37: {  	_ =	swait.ge [sflag:s28], $0x80  }
0x38: {  	[sflag:s28] =	ssyncset.done $0x0  }
0x39: {  	s5 =	sadd.s32 $0x0, s16;
	[sflag:s28] =	ssyncadd.s32 $0xFFFFFF80  }
0x3a: {  	[tilespmem:s4], [sflag:$0x1] =	stream.linear.gather [hbm4b:s5+s4], $0x80, $0x38;
	[tilespmem:$0x1B08] =	vst v63  }
0x3b: {  	_ =	swait.ge [sflag:s29], $0x80  }
0x3c: {  	[sflag:s29] =	ssyncset.done $0x0  }
0x3d: {  	s2 =	sadd.s32 $0x0, s15;
	[sflag:s29] =	ssyncadd.s32 $0xFFFFFF80  }
0x3e: {  	[tilespmem:s20], [sflag:$0x2] =	stream.linear.gather [hbm4b:s2+s4], $0x80, $0x38;
	[tilespmem:$0x1B08] =	vst v63  }
0x3f: {  	_ =	swait.ge [sflag:s30], $0x80  }
0x40: {  	[sflag:s30] =	ssyncset.done $0x0  }
0x41: {  	s5 =	sadd.s32 $0x0, s14;
	[sflag:s30] =	ssyncadd.s32 $0xFFFFFF80  }
0x42: {  	[tilespmem:s21], [sflag:$0x3] =	stream.linear.gather [hbm4b:s5+s4], $0x80, $0x38;
	[tilespmem:$0x1B08] =	vst v63  }
0x43: {  	_ =	swait.ge [sflag:s31], $0x80  }
0x44: {  	[sflag:s31] =	ssyncset.done $0x0  }
0x45: {  	s0 =	simm.s32 $0x40;
	s2 =	sadd.s32 $0x0, s13;
	[sflag:s31] =	ssyncadd.s32 $0xFFFFFF80  }
.LBB2_2:
0x46: {  	[tilespmem:s22], [sflag:$0x4] =	stream.linear.gather [hbm4b:s2+s4], $0x80, $0x38;
	[tilespmem:$0x1B08] =	vst v63  }
0x47: {  	s2 =	smov.u32 s0  }
0x48: {  	p0 =	sne.s32 s0, $0x1800;
	s0 =	sadd.s32 $0x40, s0;
	_ =	swait.ge [sflag:s23], $0x80  }
0x49: {  	[sflag:s23] =	ssyncset.done $0x0  }
0x4a: {  	[sflag:s23] =	ssyncadd.s32 $0xFFFFFF80  }
0x4b: {  	[spmem:s3] =	stream.indirect.scatter.add.f32 [tilespmem:s19], [sflag:$0x5], $0x1, s4, s20, $0xb8;
	[tilespmem:$0x1B08] =	vst v63  }
0x4c: {  	_ =	swait.ge [sflag:s24], $0x80  }
0x4d: {  	[sflag:s24] =	ssyncset.done $0x0  }
0x4e: {  	[sflag:s24] =	ssyncadd.s32 $0xFFFFFF80  }
0x4f: {  	[spmem:s3] =	stream.indirect.scatter.add.f32 [tilespmem:s19], [sflag:$0x6], $0x1, s20, s20, $0xb8;
	[tilespmem:$0x1B08] =	vst v63  }
0x50: {  	_ =	swait.ge [sflag:s25], $0x80  }
0x51: {  	[sflag:s25] =	ssyncset.done $0x0  }
0x52: {  	[sflag:s25] =	ssyncadd.s32 $0xFFFFFF80  }
0x53: {  	[spmem:s3] =	stream.indirect.scatter.add.f32 [tilespmem:s19], [sflag:$0x7], $0x1, s21, s20, $0xb8;
	[tilespmem:$0x1B08] =	vst v63  }
0x54: {  	_ =	swait.ge [sflag:s26], $0x80  }
0x55: {  	[sflag:s26] =	ssyncset.done $0x0  }
0x56: {  	[sflag:s26] =	ssyncadd.s32 $0xFFFFFF80  }
0x57: {  	[spmem:s3] =	stream.indirect.scatter.add.f32 [tilespmem:s19], [sflag:$0x8], $0x1, s22, s20, $0xb8;
	[tilespmem:$0x1B08] =	vst v63  }
0x58: {  	_ =	swait.ge [sflag:s28], $0x80  }
0x59: {  	[sflag:s28] =	ssyncset.done $0x0  }
0x5a: {  	s5 =	sadd.s32 s2, s16;
	[sflag:s28] =	ssyncadd.s32 $0xFFFFFF80  }
0x5b: {  	[tilespmem:s4], [sflag:$0x1] =	stream.linear.gather [hbm4b:s5+s4], $0x80, $0x38;
	[tilespmem:$0x1B08] =	vst v63  }
0x5c: {  	_ =	swait.ge [sflag:s29], $0x80  }
0x5d: {  	[sflag:s29] =	ssyncset.done $0x0  }
0x5e: {  	s5 =	sadd.s32 s2, s15;
	[sflag:s29] =	ssyncadd.s32 $0xFFFFFF80  }
0x5f: {  	[tilespmem:s20], [sflag:$0x2] =	stream.linear.gather [hbm4b:s5+s4], $0x80, $0x38;
	[tilespmem:$0x1B08] =	vst v63  }
0x60: {  	_ =	swait.ge [sflag:s30], $0x80  }
0x61: {  	[sflag:s30] =	ssyncset.done $0x0  }
.Ltmp0:
0x62: {  	s5 =	sadd.s32 s2, s14;
	[sflag:s30] =	ssyncadd.s32 $0xFFFFFF80;
	(pc) =	sbr.rel @p0 .LBB2_2-.Ltmp0, $4  }
0x63: {  	[tilespmem:s21], [sflag:$0x3] =	stream.linear.gather [hbm4b:s5+s4], $0x80, $0x38;
	[tilespmem:$0x1B08] =	vst v63  }
0x64: {  	_ =	swait.ge [sflag:s31], $0x80  }
0x65: {  	[sflag:s31] =	ssyncset.done $0x0  }
0x66: {  	s2 =	sadd.s32 s2, s13;
	[sflag:s31] =	ssyncadd.s32 $0xFFFFFF80  }
0x67: {  	[tilespmem:s22], [sflag:$0x4] =	stream.linear.gather [hbm4b:s2+s4], $0x80, $0x38;
	[tilespmem:$0x1B08] =	vst v63  }
0x68: {  	_ =	swait.ge [sflag:s23], $0x80  }
0x69: {  	[sflag:s23] =	ssyncset.done $0x0  }
0x6a: {  	[sflag:s23] =	ssyncadd.s32 $0xFFFFFF80  }
0x6b: {  	[spmem:s3] =	stream.indirect.scatter.add.f32 [tilespmem:s19], [sflag:$0x5], $0x1, s4, s20, $0xb8;
	[tilespmem:$0x1B08] =	vst v63  }
0x6c: {  	_ =	swait.ge [sflag:s24], $0x80  }
0x6d: {  	[sflag:s24] =	ssyncset.done $0x0  }
0x6e: {  	[sflag:s24] =	ssyncadd.s32 $0xFFFFFF80  }
0x6f: {  	[spmem:s3] =	stream.indirect.scatter.add.f32 [tilespmem:s19], [sflag:$0x6], $0x1, s20, s20, $0xb8;
	[tilespmem:$0x1B08] =	vst v63  }
0x70: {  	_ =	swait.ge [sflag:s25], $0x80  }
0x71: {  	[sflag:s25] =	ssyncset.done $0x0  }
0x72: {  	[sflag:s25] =	ssyncadd.s32 $0xFFFFFF80  }
0x73: {  	[spmem:s3] =	stream.indirect.scatter.add.f32 [tilespmem:s19], [sflag:$0x7], $0x1, s21, s20, $0xb8;
	[tilespmem:$0x1B08] =	vst v63  }
0x74: {  	_ =	swait.ge [sflag:s26], $0x80  }
0x75: {  	[sflag:s26] =	ssyncset.done $0x0  }
0x76: {  	[sflag:s26] =	ssyncadd.s32 $0xFFFFFF80  }
0x77: {  	[spmem:s3] =	stream.indirect.scatter.add.f32 [tilespmem:s19], [sflag:$0x8], $0x1, s22, s20, $0xb8;
	[tilespmem:$0x1B08] =	vst v63  }
0x78: {  	_ =	swait.ge [sflag:s28], $0x80  }
0x79: {  	[sflag:s28] =	ssyncset.done $0x0  }
0x7a: {  	[sflag:s28] =	ssyncadd.s32 $0xFFFFFF80  }
0x7b: {  	_ =	swait.ge [sflag:s29], $0x80  }
0x7c: {  	[sflag:s29] =	ssyncset.done $0x0  }
0x7d: {  	[sflag:s29] =	ssyncadd.s32 $0xFFFFFF80  }
0x7e: {  	_ =	swait.ge [sflag:s30], $0x80  }
0x7f: {  	[sflag:s30] =	ssyncset.done $0x0  }
0x80: {  	[sflag:s30] =	ssyncadd.s32 $0xFFFFFF80  }
0x81: {  	_ =	swait.ge [sflag:s31], $0x80  }
0x82: {  	s1 =	sadd.s32 $0x1, s1;
	[sflag:s31] =	ssyncset.done $0x0  }
0x83: {  	p0 =	sne.s32 s1, s12;
	[sflag:s31] =	ssyncadd.s32 $0xFFFFFF80  }
.Ltmp1:
0x84: {  	[bflag:$0x0] =	sbarrier.arrive $0xFFFF;
	(pc) =	sbr.rel @p0 .LBB2_1-.Ltmp1, $4  }
0x85: {  	[hbm:s11], [sflag:s7] =	dma.local [spmem:s17], $0x310  }
0x86: {  	_ =	swait.ge [sflag:s18], $0x310  }
0x87: {  	[sflag:s18] =	ssyncset.done $0x0  }
0x88: {  	[sflag:s18] =	ssyncadd.s32 $0xFFFFFCF0  }
0x89: {  	_ =	sfence.sel $0x180000  }
0x8a: {  	[bflag:$0x0] =	sbarrier.arrive $0xFFFF  }
0x8b: {  	_ =	strace $0x90000047  }
0x8c: {  	s0 =	stileid.u32;
	[bflag:$0x2] =	sbarrier.arrive $0xFFFF  }
0x8d: {  	p0 =	sne.s32 s0, $0x0;
	s0 =	rddreg [dreg:$0x3]  }
0x8e: {  	s0 =	sadd.s32 @!p0 $0x100000, s0  }
0x8f: {  	[sflag:s0] =	ssyncadd.tile.s32 @!p0 $0x1;
	_ =	shalt  }
.Lfunc_end2:
_tile_overlayer_lowered:
.L_overlay_start_2:
0x90: {  	(tag) =	ssettag $0x2  }
0x91: {  	s0 =	rddreg [dreg:$0x0];
	s2 =	stileid.u32  }
0x92: {  	s1 =	rddreg [dreg:$0x1];
	p0 =	sne.s32 s2, $0x0  }
0x93: {  	s3 =	rddreg [dreg:$0x2];
	[bflag:$0x3] =	sbarrier.arrive $0xFFFF;
	s2 =	simm.s32 @!p0 $0x1C09  }
0x94: {  	[timem:s3], [sflag:s2] =	dma.local @!p0 [hbm:s0], s1  }
0x95: {  	s0 =	simm.s32 @!p0 $0x9  }
0x96: {  	_ =	swait.ge @!p0 [sflag:s0], s1  }
0x97: {  	s1 =	ssub.s32 @!p0 $0x0, s1;
	[sflag:s0] =	ssyncset.done @!p0 $0x0  }
0x98: {  	[sflag:s0] =	ssyncadd.s32 @!p0 s1  }
0x99: {  	[bflag:$0x3] =	sbarrier.arrive $0xFFFF  }
0x9a: {  	_ =	shalt  }

// kernel: kernel.16.cloned.1.call-start
scs
__scs_entry_jumppad:
0x0: {  	(pc) =	sbr.rel $0x88, $3  }
0x1: {  	(tag) =	ssettag $0x0;
	lr =	simm.s32 $0x1  }
0x2: {  	[smem:$0x3F97] =	sst lr;
	_ =	strace $0xD0000000  }
0x3: {  	_ = 	snop  }
0x4: {  	_ = 	snop  }
0x5: {  	_ = 	snop  }
0x6: {  	_ = 	snop  }
0x7: {  	_ = 	snop  }
__scs_overlays_trampoline_lowered:
0x8: {  	[smem:$0x3FA6] =	sst s0  }
0x9: {  	[smem:$0x3FA7] =	sst s1  }
0xa: {  	[smem:$0x3FA8] =	sst s2  }
0xb: {  	[smem:$0x3FA9] =	sst s3  }
0xc: {  	[smem:$0x3FAA] =	sst s4  }
0xd: {  	[smem:$0x3FAB] =	sst s5  }
0xe: {  	[smem:$0x3FAC] =	sst s6  }
0xf: {  	[smem:$0x3FAD] =	sst s7  }
0x10: {  	[smem:$0x3FAE] =	sst s8  }
0x11: {  	[smem:$0x3FAF] =	sst s9;
	s0 =	simm.s32 @!p0 $0x0  }
0x12: {  	s1 =	sld [smem:$0x3F95];
	s0 =	simm.s32 @p0 $0x1  }
0x13: {  	[smem:$0x3FB0] =	sst s0;
	s0 =	simm.s32 @!p1 $0x0  }
0x14: {  	s2 =	sld [smem:$0x3F94];
	s0 =	simm.s32 @p1 $0x1  }
0x15: {  	[smem:$0x3FB1] =	sst s0;
	s0 =	simm.s32 @!p2 $0x0  }
0x16: {  	s3 =	sld [smem:$0x3FDB];
	s0 =	simm.s32 @p2 $0x1  }
0x17: {  	s4 =	simm.s32 $0x1BF5;
	[smem:$0x3FB3] =	sst s0  }
0x18: {  	s0 =	sld [smem:$0x3F96];
	_ =	swait.ge [sflag:s4], $0x0  }
0x19: {  	s7 =	sld [smem:$0x3F97]  }
0x1a: {  	s8 =	sadd.s32 $0xFFFFE003, lr  }
0x1b: {  	s9 =	sadd.s32 $0xFFFFFEF7, lr;
	s5 =	simm.s32 $0xFFFFFFFF;
	p2 =	slt.u32 s8, $0xFFFFF086  }
0x1c: {  	p1 =	slt.u32 s9, $0xF7A;
	s5 =	simm.s32 @!p2 $0x0  }
0x1d: {  	s5 =	simm.s32 @p1 $0x1;
	p0 =	seq.s32 s7, s2  }
0x1e: {  	s7 =	smul.u32 @!p0 $0xF7A, s2;
	p2 =	seq.s32 @!p0 s5, $0x0  }
0x1f: {  	s9 =	smul.u32 $0xF7A, s1;
	s8 =	simm.s32 @!p0 $0x1BF5;
	p2 =	por !p2, p0  }
0x20: {  	[sflag:s8] =	ssyncset.s32 @!p0 $0xFFFFF086;
	s6 =	sadd.s32 @!p0 s3, s7;
	s7 =	simm.s32 @!p0 $0x108  }
0x21: {  	s3 =	sadd.s32 s3, s9;
	s6 =	sadd.s32 @!p0 $0x88, s6;
	s7 =	simm.s32 @p2 $0x1082  }
0x22: {  	[simem:s7], [sflag:s8] =	dma.local @!p0 [hbm:s6], $0xF7A  }
0x23: {  	s9 =	sor.u32 $0xD0000000, s2;
	s6 =	simm.s32 $0x108;
	_ =	swait.ge @!p0 [sflag:s8], $0x0  }
0x24: {  	s3 =	sadd.s32 $0x88, s3;
	s6 =	simm.s32 @!p1 $0x1082;
	[sflag:s4] =	ssyncset.s32 $0xFFFFF086  }
0x25: {  	[simem:s6], [sflag:s4] =	dma.local [hbm:s3], $0xF7A  }
0x26: {  	[smem:$0x3F97] =	sst s1;
	(tag) =	ssettag s2;
	_ =	strace s9  }
0x27: {  	s1 =	sld [smem:$0x3FA7]  }
0x28: {  	s2 =	sld [smem:$0x3FA8]  }
0x29: {  	s4 =	sld [smem:$0x3FAA]  }
0x2a: {  	p0 =	seq.s32 s5, $0x0;
	s5 =	sld [smem:$0x3FAB]  }
0x2b: {  	s6 =	sld [smem:$0x3FAC]  }
0x2c: {  	s7 =	sld [smem:$0x3FAD]  }
0x2d: {  	s3 =	simm.s32 $0x108;
	s8 =	sld [smem:$0x3FAE]  }
0x2e: {  	s3 =	simm.s32 @!p0 $0x1082;
	s9 =	sld [smem:$0x3FAF]  }
0x2f: {  	lr =	sadd.s32 s0, s3;
	s0 =	sld [smem:$0x3FA6]  }
0x30: {  	s3 =	sld [smem:$0x3FA9]  }
0x31: {  	[smem:$0x3FB2] =	sst s10  }
0x32: {  	s10 =	sld [smem:$0x3FB0];
	_ =	sdelay $0x3  }
0x33: {  	p0 =	seq.s32 s10, $0x1;
	s10 =	sld [smem:$0x3FB2];
	_ =	sdelay $0x3  }
0x34: {  	[smem:$0x3FB2] =	sst s10  }
0x35: {  	s10 =	sld [smem:$0x3FB1];
	_ =	sdelay $0x3  }
0x36: {  	p1 =	seq.s32 s10, $0x1;
	s10 =	sld [smem:$0x3FB2];
	_ =	sdelay $0x3  }
0x37: {  	[smem:$0x3FB2] =	sst s10  }
0x38: {  	s10 =	sld [smem:$0x3FB3]  }
0x39: {  	_ = 	snop;
	(pc) =	sbr.ind lr, $3  }
0x3a: {  	_ = 	snop  }
0x3b: {  	_ = 	snop  }
0x3c: {  	p2 =	seq.s32 s10, $0x1;
	s10 =	sld [smem:$0x3FB2]  }
0x3d: {  	_ =	shalt  }
0x3e: {  	_ =	shalt  }
0x3f: {  	_ =	shalt  }
0x40: {  	_ =	shalt  }
0x41: {  	_ =	shalt  }
0x42: {  	_ =	shalt  }
0x43: {  	_ =	shalt  }
0x44: {  	_ =	shalt  }
0x45: {  	_ =	shalt  }
0x46: {  	_ =	shalt  }
0x47: {  	_ =	shalt  }
0x48: {  	_ =	shalt  }
0x49: {  	_ =	shalt  }
0x4a: {  	_ =	shalt  }
0x4b: {  	_ =	shalt  }
0x4c: {  	_ =	shalt  }
0x4d: {  	_ =	shalt  }
0x4e: {  	_ =	shalt  }
0x4f: {  	_ =	shalt  }
0x50: {  	_ =	shalt  }
0x51: {  	_ =	shalt  }
0x52: {  	_ =	shalt  }
0x53: {  	_ =	shalt  }
0x54: {  	_ =	shalt  }
0x55: {  	_ =	shalt  }
0x56: {  	_ =	shalt  }
0x57: {  	_ =	shalt  }
0x58: {  	_ =	shalt  }
0x59: {  	_ =	shalt  }
0x5a: {  	_ =	shalt  }
0x5b: {  	_ =	shalt  }
0x5c: {  	_ =	shalt  }
0x5d: {  	_ =	shalt  }
0x5e: {  	_ =	shalt  }
0x5f: {  	_ =	shalt  }
0x60: {  	_ =	shalt  }
0x61: {  	_ =	shalt  }
0x62: {  	_ =	shalt  }
0x63: {  	_ =	shalt  }
0x64: {  	_ =	shalt  }
0x65: {  	_ =	shalt  }
0x66: {  	_ =	shalt  }
0x67: {  	_ =	shalt  }
0x68: {  	_ =	shalt  }
0x69: {  	_ =	shalt  }
0x6a: {  	_ =	shalt  }
0x6b: {  	_ =	shalt  }
0x6c: {  	_ =	shalt  }
0x6d: {  	_ =	shalt  }
0x6e: {  	_ =	shalt  }
0x6f: {  	_ =	shalt  }
0x70: {  	_ =	shalt  }
0x71: {  	_ =	shalt  }
0x72: {  	_ =	shalt  }
0x73: {  	_ =	shalt  }
0x74: {  	_ =	shalt  }
0x75: {  	_ =	shalt  }
0x76: {  	_ =	shalt  }
0x77: {  	_ =	shalt  }
0x78: {  	_ =	shalt  }
0x79: {  	_ =	shalt  }
0x7a: {  	_ =	shalt  }
0x7b: {  	_ =	shalt  }
0x7c: {  	_ =	shalt  }
0x7d: {  	_ =	shalt  }
0x7e: {  	_ =	shalt  }
0x7f: {  	_ =	shalt  }
0x80: {  	_ =	shalt  }
0x81: {  	_ =	shalt  }
0x82: {  	_ =	shalt  }
0x83: {  	_ =	shalt  }
0x84: {  	_ =	shalt  }
0x85: {  	_ =	shalt  }
0x86: {  	_ =	shalt  }
0x87: {  	_ =	shalt  }
.Lfunc_end0:
.L_simem_size_0:
called_computation.1_lowered:
.L_overlay_start_0:
0x88: {  	s2 =	sld [smem:$0x3FD9]  }
0x89: {  	s3 =	sld [smem:$0x3FFE];
	_ =	sdelay $0x1  }
0x8a: {  	s1 =	srdreg.scid  }
0x8b: {  	s0 =	sand.u32 $0x1, s1  }
0x8c: {  	s16 =	sshll.u32 s0, $0xA;
	s2 =	sadd.s32 s3, s2  }
0x8d: {  	s2 =	sadd.s32 s2, s16  }
0x8e: {  	[smem:$0x3FBE] =	sst s2  }
0x8f: {  	_ = 	snop  }
0x90: {  	(tm) =	ssettm $0x1  }
0x91: {  	s17 =	sld [smem:$0x3FFB];
	_ =	sdelay $0x3  }
0x92: {  	_ =	strace s17  }
0x93: {  	s2 =	sld [smem:$0x3FFC];
	_ =	sdelay $0x3  }
0x94: {  	_ =	strace s2  }
0x95: {  	s2 =	sld [smem:$0x3FFD];
	_ =	sdelay $0x3  }
0x96: {  	_ =	strace s2  }
0x97: {  	_ =	strace $0x8FFFFFFF  }
0x98: {  	s18 =	sld [smem:$0x3FDB];
	_ =	sdelay $0x1  }
0x99: {  	s19 =	simm.s32 $_scs_section_size  }
0x9a: {  	s4 =	simm.s32 $_size__tile_overlayer_lowered;
	s5 =	simm.s32 $_tile_overlayer_lowered  }
0x9b: {  	s22 =	simm.s32 $0x1BFF;
	s21 =	sshll.u32 s5, $0x1;
	s2 =	sadd.s32 s19, s18  }
0x9c: {  	s6 =	simm.s32 $0x0;
	s20 =	sshll.u32 s4, $0x1;
	s4 =	sadd.s32 s21, s2  }
0x9d: {  	[timem:s6], [sflag:s22] =	dma.local [hbm:s4], s20  }
0x9e: {  	_ =	swait.ge [sflag:s22], s20  }
0x9f: {  	s3 =	ssub.s32 $0x0, s20;
	[sflag:s22] =	ssyncset.done $0x0  }
0xa0: {  	[sflag:s22] =	ssyncadd.s32 s3;
	_ =	sdelay $0x1  }
0xa1: {  	s23 =	simm.s32 $0x1B8B  }
0xa2: {  	_ =	swait.ge [sflag:s23], $0x1  }
0xa3: {  	[sflag:s23] =	ssyncset.done $0x0  }
0xa4: {  	s25 =	simm.s32 $0x1B8E;
	s24 =	sld [smem:$0x3FFE];
	[sflag:s23] =	ssyncadd.s32 $0xFFFFFFFF  }
0xa5: {  	s26 =	simm.s32 $execute0_lowered;
	[smem:$0x3FD2] =	sst s25  }
0xa6: {  	s4 =	sshll.u32 s26, $0x1;
	_ =	strace $0x80000049;
	[dreg:$0x1] =	wrdreg $0xFFFFFFFF  }
0xa7: {  	s28 =	simm.s32 $_size_execute0_lowered;
	s2 =	sadd.s32 s2, s4;
	[dreg:$0x0] =	wrdreg $0x0  }
0xa8: {  	s4 =	sshll.u32 s28, $0x1;
	[dreg:$0x2] =	wrdreg s2  }
0xa9: {  	[dreg:$0x3] =	wrdreg s4  }
0xaa: {  	[dreg:$0x4] =	wrdreg $0xC0  }
0xab: {  	_ =	task [dreg:s6], $0x5FFFF  }
0xac: {  	[dreg:$0x1] =	wrdreg $0xFFFFFFFF  }
0xad: {  	[dreg:$0x0] =	wrdreg $0x60  }
0xae: {  	[dreg:$0x2] =	wrdreg s24  }
0xaf: {  	[dreg:$0x3] =	wrdreg $0x48000  }
0xb0: {  	[dreg:$0x4] =	wrdreg $0x9  }
0xb1: {  	_ =	task.clear_ibuf [dreg:s6], $0x5FFFF;
	_ =	strace $0x90000049  }
0xb2: {  	s29 =	simm.s32 $0x9;
	_ =	strace $0x8000004B  }
0xb3: {  	_ =	swait.ge [sflag:s29], $0x1  }
0xb4: {  	[sflag:s29] =	ssyncadd.s32 $0xFFFFFFFF  }
0xb5: {  	_ =	strace $0x9000004B  }
0xb6: {  	_ =	sfence  }
0xb7: {  	s30 =	sld [smem:$0x0];
	_ =	sdelay $0x2  }
0xb8: {  	s31 =	sshll.u32 s1, $0xD;
	s1 =	sshrl.u32 s1, $0x2  }
0xb9: {  	s3 =	sand.u32 $0x4000, s31;
	s1 =	sadd.s32 s1, s30  }
0xba: {  	s0 =	sor.u32 s3, s0;
	s1 =	sshll.u32 s1, $0x11  }
0xbb: {  	s0 =	sor.u32 s1, s0  }
0xbc: {  	s0 =	sadd.s32 $0x8F2B, s0  }
0xbd: {  	[sflag:s0] =	ssyncadd.remote.s32 $0x1  }
0xbe: {  	_ =	sfence.sel $0xFFFF  }
0xbf: {  	[dreg:$0x0] =	wrdreg $0xFFFFFFFF;
	(pc) =	sbr.abs _section_cstart, $3  }
0xc0: {  	[dreg:$0x1] =	wrdreg $0xFFFFFFFF  }
0xc1: {  	_ =	task.clear_ibuf [dreg:s6], $0x2FFFF;
	_ =	strace $0x9FFFFFFF  }
0xc2: {  	(tm) =	ssettm $0x7FFFFFFF  }
0xc3: {  	_ =	shalt  }
tec
execute0_lowered:
.L_overlay_start_1:
0x0: {  	(tag) =	ssettag $0x1  }
0x1: {  	s0 =	rddreg [dreg:$0x0]  }
0x2: {  	s1 =	rddreg [dreg:$0x1];
	s2 =	srdreg.scid;
	s3 =	simm.s32 $0x0  }
0x3: {  	s9 =	stileid.u32;
	s15 =	simm.s32 $0x100;
	s16 =	simm.s32 $0x188000  }
0x4: {  	s17 =	simm.s32 $0x200;
	s18 =	simm.s32 $0x400;
	s19 =	simm.s32 $0x600  }
0x5: {  	s20 =	simm.s32 $0x1;
	s28 =	simm.s32 $0x3800;
	s29 =	simm.s32 $0x5  }
0x6: {  	s30 =	simm.s32 $0x6;
	s31 =	simm.s32 $0x300;
	s11 =	simm.s32 $0xB  }
0x7: {  	s12 =	simm.s32 $0xC;
	s2 =	sand.u32 $0x1, s2;
	s5 =	smul.u32 $0x18800, s9  }
0x8: {  	[smem:$0x7FF] =	sst s3;
	s22 =	sshll.u32 s9, $0x6;
	s9 =	smul.u32 $0x3100, s9  }
0x9: {  	s8 =	sadd.s32 $0x40400, s0;
	s4 =	smul.u32 $0x188000, s2;
	_ =	strace $0x8000004A  }
0xa: {  	s2 =	ssub.s32 $0x2, s2;
	s13 =	sor.u32 $0x1C0D, s22;
	s22 =	simm.s32 $0x2  }
0xb: {  	s7 =	sshrl.u32 s2, $0x1;
	s21 =	sadd.s32 s5, s1;
	s26 =	sadd.s32 s9, s8  }
0xc: {  	s9 =	simm.s32 $0x9;
	[dreg:$0x6] =	wrdreg s13;
	s6 =	sshrl.u32 s4, $0x3  }
0xd: {  	s4 =	sadd.s32 s5, s4;
	s2 =	ssub.s32 s2, s7;
	s5 =	sshrl.u32 s5, $0x3  }
0xe: {  	[dreg:$0x3] =	wrdreg s26;
	s14 =	sshrl.u32 s21, $0x3;
	s21 =	simm.s32 $0x800  }
0xf: {  	s26 =	simm.s32 $0x4;
	s7 =	simm.s32 $0x0;
	s6 =	sadd.s32 s6, s0  }
0x10: {  	s4 =	sshrl.u32 s4, $0x3;
	s10 =	sadd.s32 s8, s5;
	[dreg:$0xd] =	wrdreg s7  }
0x11: {  	s8 =	simm.s32 $0x700;
	[dreg:$0xc] =	wrdreg s14;
	s0 =	sadd.s32 s4, s0  }
0x12: {  	s4 =	sadd.s32 $0xA2400, s6;
	s23 =	sadd.s32 $0x20, s10;
	[dreg:$0x4] =	wrdreg s10  }
0x13: {  	s24 =	sadd.s32 $0x40, s10;
	s25 =	sadd.s32 $0x60, s10;
	[dreg:$0x7] =	wrdreg s23  }
0x14: {  	s6 =	smax.u32 s2, $0x1;
	s2 =	simm.s32 $0x500;
	[dreg:$0x8] =	wrdreg s24  }
0x15: {  	s10 =	simm.s32 $0xA;
	s5 =	sadd.s32 s5, s4;
	[dreg:$0x9] =	wrdreg s25  }
0x16: {  	s0 =	sadd.s32 $0x104400, s0;
	[dreg:$0xb] =	wrdreg s6;
	s23 =	simm.s32 $0x1800  }
0x17: {  	s24 =	simm.s32 $0x3;
	s25 =	simm.s32 $0x2800;
	[dreg:$0x5] =	wrdreg s5  }
0x18: {  	s6 =	simm.s32 $0x8;
	[dreg:$0xa] =	wrdreg s0;
	s0 =	simm.s32 $0x7  }
.LBB2_1:
0x19: {  	s5 =	simm.s32 $0xD;
	s7 =	rddreg [dreg:$0x5]  }
0x1a: {  	[spmem:s14], [sflag:s13] =	dma.local [hbm:s7], $0x3100  }
0x1b: {  	_ =	swait.ge [sflag:s5], $0x3100  }
0x1c: {  	[sflag:s5] =	ssyncset.done $0x0  }
0x1d: {  	[sflag:s5] =	ssyncadd.s32 $0xFFFFCF00  }
0x1e: {  	[bflag:$0x0] =	sbarrier.arrive $0xFFFF  }
0x1f: {  	s13 =	rddreg [dreg:$0x4]  }
0x20: {  	[tilespmem:s3], [sflag:$0x1] =	stream.strided.gather [hbm4b:s13+s15], $0x200, s16, s15, $0x38;
	[tilespmem:$0x1D080] =	vst v63  }
0x21: {  	s14 =	rddreg [dreg:$0x7]  }
0x22: {  	[tilespmem:s17], [sflag:$0x2] =	stream.strided.gather [hbm4b:s14+s15], $0x200, s16, s15, $0x38;
	[tilespmem:$0x1D080] =	vst v63  }
0x23: {  	s5 =	rddreg [dreg:$0x8]  }
0x24: {  	[tilespmem:s18], [sflag:$0x3] =	stream.strided.gather [hbm4b:s5+s15], $0x200, s16, s15, $0x38;
	[tilespmem:$0x1D080] =	vst v63  }
0x25: {  	s13 =	rddreg [dreg:$0x9]  }
0x26: {  	[tilespmem:s19], [sflag:$0x4] =	stream.strided.gather [hbm4b:s13+s15], $0x200, s16, s15, $0x38;
	[tilespmem:$0x1D080] =	vst v63  }
0x27: {  	_ =	swait.ge [sflag:s20], $0x200  }
0x28: {  	[sflag:s20] =	ssyncset.done $0x0  }
0x29: {  	[sflag:s20] =	ssyncadd.s32 $0xFFFFFE00  }
0x2a: {  	[tilespmem:s21], [sflag:$0x5] =	stream.indirect.gather [hbm4b:s4+s15], $0x10, s3, s15, $0xb8;
	[tilespmem:$0x1D080] =	vst v63  }
0x2b: {  	_ =	swait.ge [sflag:s22], $0x200  }
0x2c: {  	[sflag:s22] =	ssyncset.done $0x0  }
0x2d: {  	[sflag:s22] =	ssyncadd.s32 $0xFFFFFE00  }
0x2e: {  	[tilespmem:s23], [sflag:$0x6] =	stream.indirect.gather [hbm4b:s4+s15], $0x10, s17, s15, $0xb8;
	[tilespmem:$0x1D080] =	vst v63  }
0x2f: {  	_ =	swait.ge [sflag:s24], $0x200  }
0x30: {  	[sflag:s24] =	ssyncset.done $0x0  }
0x31: {  	[sflag:s24] =	ssyncadd.s32 $0xFFFFFE00  }
0x32: {  	[tilespmem:s25], [sflag:$0x7] =	stream.indirect.gather [hbm4b:s4+s15], $0x10, s18, s15, $0xb8;
	[tilespmem:$0x1D080] =	vst v63  }
0x33: {  	_ =	swait.ge [sflag:s26], $0x200  }
0x34: {  	[sflag:s26] =	ssyncset.done $0x0  }
0x35: {  	[sflag:s26] =	ssyncadd.s32 $0xFFFFFE00  }
0x36: {  	[tilespmem:s28], [sflag:$0x8] =	stream.indirect.gather [hbm4b:s4+s15], $0x10, s19, s15, $0xb8;
	[tilespmem:$0x1D080] =	vst v63  }
0x37: {  	_ =	swait.ge [sflag:s29], $0x1000  }
0x38: {  	[sflag:s29] =	ssyncset.done $0x0  }
0x39: {  	[sflag:s29] =	ssyncadd.s32 $0xFFFFF000  }
0x3a: {  	[spmem:s1] =	stream.indirect.scatter.add.f32 [tilespmem:s21], [sflag:$0x9], $0x10, s15, s15, $0xb8;
	[tilespmem:$0x1D080] =	vst v63  }
0x3b: {  	_ =	swait.ge [sflag:s30], $0x1000  }
0x3c: {  	[sflag:s30] =	ssyncset.done $0x0  }
0x3d: {  	[sflag:s30] =	ssyncadd.s32 $0xFFFFF000  }
0x3e: {  	[spmem:s1] =	stream.indirect.scatter.add.f32 [tilespmem:s23], [sflag:$0xA], $0x10, s31, s15, $0xb8;
	[tilespmem:$0x1D080] =	vst v63  }
0x3f: {  	_ =	swait.ge [sflag:s0], $0x1000  }
0x40: {  	[sflag:s0] =	ssyncset.done $0x0  }
0x41: {  	[sflag:s0] =	ssyncadd.s32 $0xFFFFF000  }
0x42: {  	[spmem:s1] =	stream.indirect.scatter.add.f32 [tilespmem:s25], [sflag:$0xB], $0x10, s2, s15, $0xb8;
	[tilespmem:$0x1D080] =	vst v63  }
0x43: {  	_ =	swait.ge [sflag:s6], $0x1000  }
0x44: {  	[sflag:s6] =	ssyncset.done $0x0  }
0x45: {  	[sflag:s6] =	ssyncadd.s32 $0xFFFFF000  }
0x46: {  	[spmem:s1] =	stream.indirect.scatter.add.f32 [tilespmem:s28], [sflag:$0xC], $0x10, s8, s15, $0xb8;
	[tilespmem:$0x1D080] =	vst v63  }
0x47: {  	_ =	swait.ge [sflag:s9], $0x1000  }
0x48: {  	s14 =	rddreg [dreg:$0x3]  }
0x49: {  	[sflag:s9] =	ssyncset.done $0x0;
	s13 =	sadd.s32 $0xFFFFCF80, s14  }
0x4a: {  	[sflag:s9] =	ssyncadd.s32 $0xFFFFF000;
	s7 =	sadd.s32 $0x3100, s13  }
0x4b: {  	[tilespmem:s3], [sflag:$0x1] =	stream.strided.gather [hbm4b:s7+s15], $0x200, s16, s15, $0x38;
	[tilespmem:$0x1D080] =	vst v63  }
0x4c: {  	_ =	swait.ge [sflag:s10], $0x1000  }
0x4d: {  	[sflag:s10] =	ssyncset.done $0x0  }
0x4e: {  	s5 =	sadd.s32 $0x3120, s13;
	[sflag:s10] =	ssyncadd.s32 $0xFFFFF000  }
0x4f: {  	[tilespmem:s17], [sflag:$0x2] =	stream.strided.gather [hbm4b:s5+s15], $0x200, s16, s15, $0x38;
	[tilespmem:$0x1D080] =	vst v63  }
0x50: {  	_ =	swait.ge [sflag:s11], $0x1000  }
0x51: {  	[sflag:s11] =	ssyncset.done $0x0  }
0x52: {  	s14 =	sadd.s32 $0x3140, s13;
	[sflag:s11] =	ssyncadd.s32 $0xFFFFF000  }
0x53: {  	[tilespmem:s18], [sflag:$0x3] =	stream.strided.gather [hbm4b:s14+s15], $0x200, s16, s15, $0x38;
	[tilespmem:$0x1D080] =	vst v63  }
0x54: {  	_ =	swait.ge [sflag:s12], $0x1000  }
0x55: {  	[sflag:s12] =	ssyncset.done $0x0  }
0x56: {  	s13 =	sadd.s32 $0x3160, s13;
	s7 =	simm.s32 $0xFFFFD000;
	[sflag:s12] =	ssyncadd.s32 $0xFFFFF000  }
.LBB2_2:
0x57: {  	[tilespmem:s19], [sflag:$0x4] =	stream.strided.gather [hbm4b:s13+s15], $0x200, s16, s15, $0x38;
	[tilespmem:$0x1D080] =	vst v63  }
0x58: {  	_ =	swait.ge [sflag:s20], $0x200  }
0x59: {  	[sflag:s20] =	ssyncset.done $0x0  }
0x5a: {  	[sflag:s20] =	ssyncadd.s32 $0xFFFFFE00  }
0x5b: {  	[tilespmem:s21], [sflag:$0x5] =	stream.indirect.gather [hbm4b:s4+s15], $0x10, s3, s15, $0xb8;
	[tilespmem:$0x1D080] =	vst v63  }
0x5c: {  	_ =	swait.ge [sflag:s22], $0x200  }
0x5d: {  	[sflag:s22] =	ssyncset.done $0x0  }
0x5e: {  	[sflag:s22] =	ssyncadd.s32 $0xFFFFFE00  }
0x5f: {  	[tilespmem:s23], [sflag:$0x6] =	stream.indirect.gather [hbm4b:s4+s15], $0x10, s17, s15, $0xb8;
	[tilespmem:$0x1D080] =	vst v63  }
0x60: {  	_ =	swait.ge [sflag:s24], $0x200  }
0x61: {  	[sflag:s24] =	ssyncset.done $0x0  }
0x62: {  	[sflag:s24] =	ssyncadd.s32 $0xFFFFFE00  }
0x63: {  	[tilespmem:s25], [sflag:$0x7] =	stream.indirect.gather [hbm4b:s4+s15], $0x10, s18, s15, $0xb8;
	[tilespmem:$0x1D080] =	vst v63  }
0x64: {  	_ =	swait.ge [sflag:s26], $0x200  }
0x65: {  	[sflag:s26] =	ssyncset.done $0x0  }
0x66: {  	[sflag:s26] =	ssyncadd.s32 $0xFFFFFE00  }
0x67: {  	[tilespmem:s28], [sflag:$0x8] =	stream.indirect.gather [hbm4b:s4+s15], $0x10, s19, s15, $0xb8;
	[tilespmem:$0x1D080] =	vst v63  }
0x68: {  	_ =	swait.ge [sflag:s29], $0x1000  }
0x69: {  	[sflag:s29] =	ssyncset.done $0x0  }
0x6a: {  	[sflag:s29] =	ssyncadd.s32 $0xFFFFF000  }
0x6b: {  	[spmem:s1] =	stream.indirect.scatter.add.f32 [tilespmem:s21], [sflag:$0x9], $0x10, s15, s15, $0xb8;
	[tilespmem:$0x1D080] =	vst v63  }
0x6c: {  	_ =	swait.ge [sflag:s30], $0x1000  }
0x6d: {  	[sflag:s30] =	ssyncset.done $0x0  }
0x6e: {  	[sflag:s30] =	ssyncadd.s32 $0xFFFFF000  }
0x6f: {  	[spmem:s1] =	stream.indirect.scatter.add.f32 [tilespmem:s23], [sflag:$0xA], $0x10, s31, s15, $0xb8;
	[tilespmem:$0x1D080] =	vst v63  }
0x70: {  	_ =	swait.ge [sflag:s0], $0x1000  }
0x71: {  	[sflag:s0] =	ssyncset.done $0x0  }
0x72: {  	[sflag:s0] =	ssyncadd.s32 $0xFFFFF000  }
0x73: {  	[spmem:s1] =	stream.indirect.scatter.add.f32 [tilespmem:s25], [sflag:$0xB], $0x10, s2, s15, $0xb8;
	[tilespmem:$0x1D080] =	vst v63  }
0x74: {  	_ =	swait.ge [sflag:s6], $0x1000  }
0x75: {  	[sflag:s6] =	ssyncset.done $0x0  }
0x76: {  	[sflag:s6] =	ssyncadd.s32 $0xFFFFF000  }
0x77: {  	[spmem:s1] =	stream.indirect.scatter.add.f32 [tilespmem:s28], [sflag:$0xC], $0x10, s8, s15, $0xb8;
	[tilespmem:$0x1D080] =	vst v63  }
0x78: {  	_ =	swait.ge [sflag:s9], $0x1000  }
0x79: {  	s5 =	smov.u32 s7;
	s14 =	rddreg [dreg:$0x3]  }
0x7a: {  	[sflag:s9] =	ssyncset.done $0x0;
	s13 =	sadd.s32 s5, s14  }
0x7b: {  	[sflag:s9] =	ssyncadd.s32 $0xFFFFF000;
	s14 =	sadd.s32 $0x3100, s13  }
0x7c: {  	[tilespmem:s3], [sflag:$0x1] =	stream.strided.gather [hbm4b:s14+s15], $0x200, s16, s15, $0x38;
	[tilespmem:$0x1D080] =	vst v63  }
0x7d: {  	_ =	swait.ge [sflag:s10], $0x1000  }
0x7e: {  	[sflag:s10] =	ssyncset.done $0x0  }
0x7f: {  	s5 =	sadd.s32 $0x3120, s13;
	[sflag:s10] =	ssyncadd.s32 $0xFFFFF000  }
0x80: {  	[tilespmem:s17], [sflag:$0x2] =	stream.strided.gather [hbm4b:s5+s15], $0x200, s16, s15, $0x38;
	[tilespmem:$0x1D080] =	vst v63  }
0x81: {  	_ =	swait.ge [sflag:s11], $0x1000  }
0x82: {  	p0 =	sne.s32 s7, $0xFFFFFF80;
	[sflag:s11] =	ssyncset.done $0x0  }
.Ltmp0:
0x83: {  	s5 =	sadd.s32 $0x3140, s13;
	[sflag:s11] =	ssyncadd.s32 $0xFFFFF000;
	(pc) =	sbr.rel @p0 .LBB2_2-.Ltmp0, $4  }
0x84: {  	[tilespmem:s18], [sflag:$0x3] =	stream.strided.gather [hbm4b:s5+s15], $0x200, s16, s15, $0x38;
	[tilespmem:$0x1D080] =	vst v63  }
0x85: {  	_ =	swait.ge [sflag:s12], $0x1000  }
0x86: {  	[sflag:s12] =	ssyncset.done $0x0  }
0x87: {  	s7 =	sadd.s32 $0x80, s7;
	s13 =	sadd.s32 $0x3160, s13;
	[sflag:s12] =	ssyncadd.s32 $0xFFFFF000  }
0x88: {  	[tilespmem:s19], [sflag:$0x4] =	stream.strided.gather [hbm4b:s13+s15], $0x200, s16, s15, $0x38;
	[tilespmem:$0x1D080] =	vst v63  }
0x89: {  	_ =	swait.ge [sflag:s20], $0x200  }
0x8a: {  	[sflag:s20] =	ssyncset.done $0x0  }
0x8b: {  	[sflag:s20] =	ssyncadd.s32 $0xFFFFFE00  }
0x8c: {  	[tilespmem:s21], [sflag:$0x5] =	stream.indirect.gather [hbm4b:s4+s15], $0x10, s3, s15, $0xb8;
	[tilespmem:$0x1D080] =	vst v63  }
0x8d: {  	_ =	swait.ge [sflag:s22], $0x200  }
0x8e: {  	[sflag:s22] =	ssyncset.done $0x0  }
0x8f: {  	[sflag:s22] =	ssyncadd.s32 $0xFFFFFE00  }
0x90: {  	[tilespmem:s23], [sflag:$0x6] =	stream.indirect.gather [hbm4b:s4+s15], $0x10, s17, s15, $0xb8;
	[tilespmem:$0x1D080] =	vst v63  }
0x91: {  	_ =	swait.ge [sflag:s24], $0x200  }
0x92: {  	[sflag:s24] =	ssyncset.done $0x0  }
0x93: {  	[sflag:s24] =	ssyncadd.s32 $0xFFFFFE00  }
0x94: {  	[tilespmem:s25], [sflag:$0x7] =	stream.indirect.gather [hbm4b:s4+s15], $0x10, s18, s15, $0xb8;
	[tilespmem:$0x1D080] =	vst v63  }
0x95: {  	_ =	swait.ge [sflag:s26], $0x200  }
0x96: {  	[sflag:s26] =	ssyncset.done $0x0  }
0x97: {  	[sflag:s26] =	ssyncadd.s32 $0xFFFFFE00  }
0x98: {  	[tilespmem:s28], [sflag:$0x8] =	stream.indirect.gather [hbm4b:s4+s15], $0x10, s19, s15, $0xb8;
	[tilespmem:$0x1D080] =	vst v63  }
0x99: {  	_ =	swait.ge [sflag:s29], $0x1000  }
0x9a: {  	[sflag:s29] =	ssyncset.done $0x0  }
0x9b: {  	[sflag:s29] =	ssyncadd.s32 $0xFFFFF000  }
0x9c: {  	[spmem:s1] =	stream.indirect.scatter.add.f32 [tilespmem:s21], [sflag:$0x9], $0x10, s15, s15, $0xb8;
	[tilespmem:$0x1D080] =	vst v63  }
0x9d: {  	_ =	swait.ge [sflag:s30], $0x1000  }
0x9e: {  	[sflag:s30] =	ssyncset.done $0x0  }
0x9f: {  	[sflag:s30] =	ssyncadd.s32 $0xFFFFF000  }
0xa0: {  	[spmem:s1] =	stream.indirect.scatter.add.f32 [tilespmem:s23], [sflag:$0xA], $0x10, s31, s15, $0xb8;
	[tilespmem:$0x1D080] =	vst v63  }
0xa1: {  	_ =	swait.ge [sflag:s0], $0x1000  }
0xa2: {  	[sflag:s0] =	ssyncset.done $0x0  }
0xa3: {  	[sflag:s0] =	ssyncadd.s32 $0xFFFFF000  }
0xa4: {  	[spmem:s1] =	stream.indirect.scatter.add.f32 [tilespmem:s25], [sflag:$0xB], $0x10, s2, s15, $0xb8;
	[tilespmem:$0x1D080] =	vst v63  }
0xa5: {  	_ =	swait.ge [sflag:s6], $0x1000  }
0xa6: {  	[sflag:s6] =	ssyncset.done $0x0  }
0xa7: {  	[sflag:s6] =	ssyncadd.s32 $0xFFFFF000  }
0xa8: {  	[spmem:s1] =	stream.indirect.scatter.add.f32 [tilespmem:s28], [sflag:$0xC], $0x10, s8, s15, $0xb8;
	[tilespmem:$0x1D080] =	vst v63  }
0xa9: {  	_ =	swait.ge [sflag:s9], $0x1000  }
0xaa: {  	[sflag:s9] =	ssyncset.done $0x0  }
0xab: {  	[sflag:s9] =	ssyncadd.s32 $0xFFFFF000  }
0xac: {  	_ =	swait.ge [sflag:s10], $0x1000  }
0xad: {  	[sflag:s10] =	ssyncset.done $0x0  }
0xae: {  	[sflag:s10] =	ssyncadd.s32 $0xFFFFF000  }
0xaf: {  	_ =	swait.ge [sflag:s11], $0x1000  }
0xb0: {  	[sflag:s11] =	ssyncset.done $0x0  }
0xb1: {  	[sflag:s11] =	ssyncadd.s32 $0xFFFFF000  }
0xb2: {  	_ =	swait.ge [sflag:s12], $0x1000  }
0xb3: {  	[sflag:s12] =	ssyncset.done $0x0  }
0xb4: {  	[sflag:s12] =	ssyncadd.s32 $0xFFFFF000  }
0xb5: {  	[bflag:$0x0] =	sbarrier.arrive $0xFFFF  }
0xb6: {  	s13 =	rddreg [dreg:$0x6]  }
0xb7: {  	s7 =	rddreg [dreg:$0xa]  }
0xb8: {  	s14 =	rddreg [dreg:$0xc]  }
0xb9: {  	[hbm:s7], [sflag:s13] =	dma.local [spmem:s14], $0x3100  }
0xba: {  	s7 =	simm.s32 $0xD  }
0xbb: {  	_ =	swait.ge [sflag:s7], $0x3100  }
0xbc: {  	s5 =	rddreg [dreg:$0xd]  }
0xbd: {  	[sflag:s7] =	ssyncset.done $0x0;
	s7 =	rddreg [dreg:$0xb];
	s5 =	sadd.s32 $0x1, s5  }
0xbe: {  	p0 =	sne.s32 s5, s7  }
.Ltmp1:
0xbf: {  	_ = 	snop;
	(pc) =	sbr.rel @p0 .LBB2_1-.Ltmp1, $3  }
0xc0: {  	_ =	sdelay $0x1  }
0xc1: {  	s7 =	simm.s32 $0xD  }
0xc2: {  	[dreg:$0xd] =	wrdreg s5;
	[sflag:s7] =	ssyncadd.s32 $0xFFFFCF00  }
0xc3: {  	_ =	sfence.sel $0x180000  }
0xc4: {  	[bflag:$0x0] =	sbarrier.arrive $0xFFFF  }
0xc5: {  	_ =	strace $0x9000004A  }
0xc6: {  	s0 =	stileid.u32;
	[bflag:$0x2] =	sbarrier.arrive $0xFFFF  }
0xc7: {  	p0 =	sne.s32 s0, $0x0;
	s0 =	rddreg [dreg:$0x2]  }
0xc8: {  	s0 =	sadd.s32 @!p0 $0x100000, s0  }
0xc9: {  	[sflag:s0] =	ssyncadd.tile.s32 @!p0 $0x1;
	_ =	shalt  }
.Lfunc_end2:
_tile_overlayer_lowered:
.L_overlay_start_2:
0xca: {  	(tag) =	ssettag $0x2  }
0xcb: {  	s0 =	rddreg [dreg:$0x0];
	s2 =	stileid.u32  }
0xcc: {  	s1 =	rddreg [dreg:$0x1];
	p0 =	sne.s32 s2, $0x0  }
0xcd: {  	s3 =	rddreg [dreg:$0x2];
	[bflag:$0x3] =	sbarrier.arrive $0xFFFF;
	s2 =	simm.s32 @!p0 $0x1C0D  }
0xce: {  	[timem:s3], [sflag:s2] =	dma.local @!p0 [hbm:s0], s1  }
0xcf: {  	s0 =	simm.s32 @!p0 $0xD  }
0xd0: {  	_ =	swait.ge @!p0 [sflag:s0], s1  }
0xd1: {  	s1 =	ssub.s32 @!p0 $0x0, s1;
	[sflag:s0] =	ssyncset.done @!p0 $0x0  }
0xd2: {  	[sflag:s0] =	ssyncadd.s32 @!p0 s1  }
0xd3: {  	[bflag:$0x3] =	sbarrier.arrive $0xFFFF  }
0xd4: {  	_ =	shalt  }

// kernel: kernel.19.cloned.1.call-start
scs
__scs_entry_jumppad:
0x0: {  	(pc) =	sbr.rel $0x88, $3  }
0x1: {  	(tag) =	ssettag $0x0;
	lr =	simm.s32 $0x1  }
0x2: {  	[smem:$0x3F97] =	sst lr;
	_ =	strace $0xD0000000  }
0x3: {  	_ = 	snop  }
0x4: {  	_ = 	snop  }
0x5: {  	_ = 	snop  }
0x6: {  	_ = 	snop  }
0x7: {  	_ = 	snop  }
__scs_overlays_trampoline_lowered:
0x8: {  	[smem:$0x3FA6] =	sst s0  }
0x9: {  	[smem:$0x3FA7] =	sst s1  }
0xa: {  	[smem:$0x3FA8] =	sst s2  }
0xb: {  	[smem:$0x3FA9] =	sst s3  }
0xc: {  	[smem:$0x3FAA] =	sst s4  }
0xd: {  	[smem:$0x3FAB] =	sst s5  }
0xe: {  	[smem:$0x3FAC] =	sst s6  }
0xf: {  	[smem:$0x3FAD] =	sst s7  }
0x10: {  	[smem:$0x3FAE] =	sst s8  }
0x11: {  	[smem:$0x3FAF] =	sst s9;
	s0 =	simm.s32 @!p0 $0x0  }
0x12: {  	s1 =	sld [smem:$0x3F95];
	s0 =	simm.s32 @p0 $0x1  }
0x13: {  	[smem:$0x3FB0] =	sst s0;
	s0 =	simm.s32 @!p1 $0x0  }
0x14: {  	s2 =	sld [smem:$0x3F94];
	s0 =	simm.s32 @p1 $0x1  }
0x15: {  	[smem:$0x3FB1] =	sst s0;
	s0 =	simm.s32 @!p2 $0x0  }
0x16: {  	s3 =	sld [smem:$0x3FDB];
	s0 =	simm.s32 @p2 $0x1  }
0x17: {  	s4 =	simm.s32 $0x1BF5;
	[smem:$0x3FB3] =	sst s0  }
0x18: {  	s0 =	sld [smem:$0x3F96];
	_ =	swait.ge [sflag:s4], $0x0  }
0x19: {  	s7 =	sld [smem:$0x3F97]  }
0x1a: {  	s8 =	sadd.s32 $0xFFFFE003, lr  }
0x1b: {  	s9 =	sadd.s32 $0xFFFFFEF7, lr;
	s5 =	simm.s32 $0xFFFFFFFF;
	p2 =	slt.u32 s8, $0xFFFFF086  }
0x1c: {  	p1 =	slt.u32 s9, $0xF7A;
	s5 =	simm.s32 @!p2 $0x0  }
0x1d: {  	s5 =	simm.s32 @p1 $0x1;
	p0 =	seq.s32 s7, s2  }
0x1e: {  	s7 =	smul.u32 @!p0 $0xF7A, s2;
	p2 =	seq.s32 @!p0 s5, $0x0  }
0x1f: {  	s9 =	smul.u32 $0xF7A, s1;
	s8 =	simm.s32 @!p0 $0x1BF5;
	p2 =	por !p2, p0  }
0x20: {  	[sflag:s8] =	ssyncset.s32 @!p0 $0xFFFFF086;
	s6 =	sadd.s32 @!p0 s3, s7;
	s7 =	simm.s32 @!p0 $0x108  }
0x21: {  	s3 =	sadd.s32 s3, s9;
	s6 =	sadd.s32 @!p0 $0x88, s6;
	s7 =	simm.s32 @p2 $0x1082  }
0x22: {  	[simem:s7], [sflag:s8] =	dma.local @!p0 [hbm:s6], $0xF7A  }
0x23: {  	s9 =	sor.u32 $0xD0000000, s2;
	s6 =	simm.s32 $0x108;
	_ =	swait.ge @!p0 [sflag:s8], $0x0  }
0x24: {  	s3 =	sadd.s32 $0x88, s3;
	s6 =	simm.s32 @!p1 $0x1082;
	[sflag:s4] =	ssyncset.s32 $0xFFFFF086  }
0x25: {  	[simem:s6], [sflag:s4] =	dma.local [hbm:s3], $0xF7A  }
0x26: {  	[smem:$0x3F97] =	sst s1;
	(tag) =	ssettag s2;
	_ =	strace s9  }
0x27: {  	s1 =	sld [smem:$0x3FA7]  }
0x28: {  	s2 =	sld [smem:$0x3FA8]  }
0x29: {  	s4 =	sld [smem:$0x3FAA]  }
0x2a: {  	p0 =	seq.s32 s5, $0x0;
	s5 =	sld [smem:$0x3FAB]  }
0x2b: {  	s6 =	sld [smem:$0x3FAC]  }
0x2c: {  	s7 =	sld [smem:$0x3FAD]  }
0x2d: {  	s3 =	simm.s32 $0x108;
	s8 =	sld [smem:$0x3FAE]  }
0x2e: {  	s3 =	simm.s32 @!p0 $0x1082;
	s9 =	sld [smem:$0x3FAF]  }
0x2f: {  	lr =	sadd.s32 s0, s3;
	s0 =	sld [smem:$0x3FA6]  }
0x30: {  	s3 =	sld [smem:$0x3FA9]  }
0x31: {  	[smem:$0x3FB2] =	sst s10  }
0x32: {  	s10 =	sld [smem:$0x3FB0];
	_ =	sdelay $0x3  }
0x33: {  	p0 =	seq.s32 s10, $0x1;
	s10 =	sld [smem:$0x3FB2];
	_ =	sdelay $0x3  }
0x34: {  	[smem:$0x3FB2] =	sst s10  }
0x35: {  	s10 =	sld [smem:$0x3FB1];
	_ =	sdelay $0x3  }
0x36: {  	p1 =	seq.s32 s10, $0x1;
	s10 =	sld [smem:$0x3FB2];
	_ =	sdelay $0x3  }
0x37: {  	[smem:$0x3FB2] =	sst s10  }
0x38: {  	s10 =	sld [smem:$0x3FB3]  }
0x39: {  	_ = 	snop;
	(pc) =	sbr.ind lr, $3  }
0x3a: {  	_ = 	snop  }
0x3b: {  	_ = 	snop  }
0x3c: {  	p2 =	seq.s32 s10, $0x1;
	s10 =	sld [smem:$0x3FB2]  }
0x3d: {  	_ =	shalt  }
0x3e: {  	_ =	shalt  }
0x3f: {  	_ =	shalt  }
0x40: {  	_ =	shalt  }
0x41: {  	_ =	shalt  }
0x42: {  	_ =	shalt  }
0x43: {  	_ =	shalt  }
0x44: {  	_ =	shalt  }
0x45: {  	_ =	shalt  }
0x46: {  	_ =	shalt  }
0x47: {  	_ =	shalt  }
0x48: {  	_ =	shalt  }
0x49: {  	_ =	shalt  }
0x4a: {  	_ =	shalt  }
0x4b: {  	_ =	shalt  }
0x4c: {  	_ =	shalt  }
0x4d: {  	_ =	shalt  }
0x4e: {  	_ =	shalt  }
0x4f: {  	_ =	shalt  }
0x50: {  	_ =	shalt  }
0x51: {  	_ =	shalt  }
0x52: {  	_ =	shalt  }
0x53: {  	_ =	shalt  }
0x54: {  	_ =	shalt  }
0x55: {  	_ =	shalt  }
0x56: {  	_ =	shalt  }
0x57: {  	_ =	shalt  }
0x58: {  	_ =	shalt  }
0x59: {  	_ =	shalt  }
0x5a: {  	_ =	shalt  }
0x5b: {  	_ =	shalt  }
0x5c: {  	_ =	shalt  }
0x5d: {  	_ =	shalt  }
0x5e: {  	_ =	shalt  }
0x5f: {  	_ =	shalt  }
0x60: {  	_ =	shalt  }
0x61: {  	_ =	shalt  }
0x62: {  	_ =	shalt  }
0x63: {  	_ =	shalt  }
0x64: {  	_ =	shalt  }
0x65: {  	_ =	shalt  }
0x66: {  	_ =	shalt  }
0x67: {  	_ =	shalt  }
0x68: {  	_ =	shalt  }
0x69: {  	_ =	shalt  }
0x6a: {  	_ =	shalt  }
0x6b: {  	_ =	shalt  }
0x6c: {  	_ =	shalt  }
0x6d: {  	_ =	shalt  }
0x6e: {  	_ =	shalt  }
0x6f: {  	_ =	shalt  }
0x70: {  	_ =	shalt  }
0x71: {  	_ =	shalt  }
0x72: {  	_ =	shalt  }
0x73: {  	_ =	shalt  }
0x74: {  	_ =	shalt  }
0x75: {  	_ =	shalt  }
0x76: {  	_ =	shalt  }
0x77: {  	_ =	shalt  }
0x78: {  	_ =	shalt  }
0x79: {  	_ =	shalt  }
0x7a: {  	_ =	shalt  }
0x7b: {  	_ =	shalt  }
0x7c: {  	_ =	shalt  }
0x7d: {  	_ =	shalt  }
0x7e: {  	_ =	shalt  }
0x7f: {  	_ =	shalt  }
0x80: {  	_ =	shalt  }
0x81: {  	_ =	shalt  }
0x82: {  	_ =	shalt  }
0x83: {  	_ =	shalt  }
0x84: {  	_ =	shalt  }
0x85: {  	_ =	shalt  }
0x86: {  	_ =	shalt  }
0x87: {  	_ =	shalt  }
.Lfunc_end0:
.L_simem_size_0:
called_computation.2_lowered:
.L_overlay_start_0:
0x88: {  	s2 =	sld [smem:$0x3FD9]  }
0x89: {  	s3 =	sld [smem:$0x3FFE];
	_ =	sdelay $0x1  }
0x8a: {  	s1 =	srdreg.scid  }
0x8b: {  	s0 =	sand.u32 $0x1, s1  }
0x8c: {  	s16 =	sshll.u32 s0, $0xA;
	s2 =	sadd.s32 s3, s2  }
0x8d: {  	s2 =	sadd.s32 s2, s16  }
0x8e: {  	[smem:$0x3FBE] =	sst s2  }
0x8f: {  	_ = 	snop  }
0x90: {  	(tm) =	ssettm $0x1  }
0x91: {  	s17 =	sld [smem:$0x3FFB];
	_ =	sdelay $0x3  }
0x92: {  	_ =	strace s17  }
0x93: {  	s2 =	sld [smem:$0x3FFC];
	_ =	sdelay $0x3  }
0x94: {  	_ =	strace s2  }
0x95: {  	s2 =	sld [smem:$0x3FFD];
	_ =	sdelay $0x3  }
0x96: {  	_ =	strace s2  }
0x97: {  	_ =	strace $0x8FFFFFFF  }
0x98: {  	s18 =	sld [smem:$0x3FDB];
	_ =	sdelay $0x1  }
0x99: {  	s19 =	simm.s32 $_scs_section_size  }
0x9a: {  	s4 =	simm.s32 $_size__tile_overlayer_lowered;
	s5 =	simm.s32 $_tile_overlayer_lowered  }
0x9b: {  	s22 =	simm.s32 $0x1BFF;
	s21 =	sshll.u32 s5, $0x1;
	s2 =	sadd.s32 s19, s18  }
0x9c: {  	s6 =	simm.s32 $0x0;
	s20 =	sshll.u32 s4, $0x1;
	s4 =	sadd.s32 s21, s2  }
0x9d: {  	[timem:s6], [sflag:s22] =	dma.local [hbm:s4], s20  }
0x9e: {  	_ =	swait.ge [sflag:s22], s20  }
0x9f: {  	s3 =	ssub.s32 $0x0, s20;
	[sflag:s22] =	ssyncset.done $0x0  }
0xa0: {  	[sflag:s22] =	ssyncadd.s32 s3;
	_ =	sdelay $0x1  }
0xa1: {  	s23 =	simm.s32 $0x1B8B  }
0xa2: {  	_ =	swait.ge [sflag:s23], $0x1  }
0xa3: {  	[sflag:s23] =	ssyncset.done $0x0  }
0xa4: {  	s25 =	simm.s32 $0x1B8E;
	s24 =	sld [smem:$0x3FFE];
	[sflag:s23] =	ssyncadd.s32 $0xFFFFFFFF  }
0xa5: {  	s26 =	simm.s32 $execute0_lowered;
	[smem:$0x3FD2] =	sst s25  }
0xa6: {  	s4 =	sshll.u32 s26, $0x1;
	_ =	strace $0x8000004C;
	[dreg:$0x1] =	wrdreg $0xFFFFFFFF  }
0xa7: {  	s28 =	simm.s32 $_size_execute0_lowered;
	s2 =	sadd.s32 s2, s4;
	[dreg:$0x0] =	wrdreg $0x0  }
0xa8: {  	s4 =	sshll.u32 s28, $0x1;
	[dreg:$0x2] =	wrdreg s2  }
0xa9: {  	[dreg:$0x3] =	wrdreg s4  }
0xaa: {  	[dreg:$0x4] =	wrdreg $0xC0  }
0xab: {  	_ =	task [dreg:s6], $0x5FFFF  }
0xac: {  	[dreg:$0x1] =	wrdreg $0xFFFFFFFF  }
0xad: {  	[dreg:$0x0] =	wrdreg $0x60  }
0xae: {  	[dreg:$0x2] =	wrdreg s24  }
0xaf: {  	[dreg:$0x3] =	wrdreg $0x48000  }
0xb0: {  	[dreg:$0x4] =	wrdreg $0x9  }
0xb1: {  	_ =	task.clear_ibuf [dreg:s6], $0x5FFFF;
	_ =	strace $0x9000004C  }
0xb2: {  	s29 =	simm.s32 $0x9;
	_ =	strace $0x8000004E  }
0xb3: {  	_ =	swait.ge [sflag:s29], $0x1  }
0xb4: {  	[sflag:s29] =	ssyncadd.s32 $0xFFFFFFFF  }
0xb5: {  	_ =	strace $0x9000004E  }
0xb6: {  	_ =	sfence  }
0xb7: {  	s30 =	sld [smem:$0x0];
	_ =	sdelay $0x2  }
0xb8: {  	s31 =	sshll.u32 s1, $0xD;
	s1 =	sshrl.u32 s1, $0x2  }
0xb9: {  	s3 =	sand.u32 $0x4000, s31;
	s1 =	sadd.s32 s1, s30  }
0xba: {  	s0 =	sor.u32 s3, s0;
	s1 =	sshll.u32 s1, $0x11  }
0xbb: {  	s0 =	sor.u32 s1, s0  }
0xbc: {  	s0 =	sadd.s32 $0x8F2B, s0  }
0xbd: {  	[sflag:s0] =	ssyncadd.remote.s32 $0x1  }
0xbe: {  	_ =	sfence.sel $0xFFFF  }
0xbf: {  	[dreg:$0x0] =	wrdreg $0xFFFFFFFF;
	(pc) =	sbr.abs _section_cstart, $3  }
0xc0: {  	[dreg:$0x1] =	wrdreg $0xFFFFFFFF  }
0xc1: {  	_ =	task.clear_ibuf [dreg:s6], $0x2FFFF;
	_ =	strace $0x9FFFFFFF  }
0xc2: {  	(tm) =	ssettm $0x7FFFFFFF  }
0xc3: {  	_ =	shalt  }
tec
execute0_lowered:
.L_overlay_start_1:
0x0: {  	(tag) =	ssettag $0x1  }
0x1: {  	s0 =	rddreg [dreg:$0x0]  }
0x2: {  	s1 =	rddreg [dreg:$0x1];
	s2 =	srdreg.scid;
	s3 =	simm.s32 $0x0  }
0x3: {  	s9 =	stileid.u32;
	s15 =	simm.s32 $0x100;
	s16 =	simm.s32 $0x188000  }
0x4: {  	s17 =	simm.s32 $0x200;
	s18 =	simm.s32 $0x400;
	s19 =	simm.s32 $0x600  }
0x5: {  	s20 =	simm.s32 $0x1;
	s28 =	simm.s32 $0x3800;
	s29 =	simm.s32 $0x5  }
0x6: {  	s30 =	simm.s32 $0x6;
	s31 =	simm.s32 $0x300;
	s11 =	simm.s32 $0xB  }
0x7: {  	s12 =	simm.s32 $0xC;
	s2 =	sand.u32 $0x1, s2;
	s5 =	smul.u32 $0x18800, s9  }
0x8: {  	[smem:$0x7FF] =	sst s3;
	s22 =	sshll.u32 s9, $0x6;
	s9 =	smul.u32 $0x3100, s9  }
0x9: {  	s8 =	sadd.s32 $0x40400, s0;
	s4 =	smul.u32 $0x188000, s2;
	_ =	strace $0x8000004D  }
0xa: {  	s2 =	ssub.s32 $0x2, s2;
	s13 =	sor.u32 $0x1C0D, s22;
	s22 =	simm.s32 $0x2  }
0xb: {  	s7 =	sshrl.u32 s2, $0x1;
	s21 =	sadd.s32 s5, s1;
	s26 =	sadd.s32 s9, s8  }
0xc: {  	s9 =	simm.s32 $0x9;
	[dreg:$0x6] =	wrdreg s13;
	s6 =	sshrl.u32 s4, $0x3  }
0xd: {  	s4 =	sadd.s32 s5, s4;
	s2 =	ssub.s32 s2, s7;
	s5 =	sshrl.u32 s5, $0x3  }
0xe: {  	[dreg:$0x3] =	wrdreg s26;
	s14 =	sshrl.u32 s21, $0x3;
	s21 =	simm.s32 $0x800  }
0xf: {  	s26 =	simm.s32 $0x4;
	s7 =	simm.s32 $0x0;
	s6 =	sadd.s32 s6, s0  }
0x10: {  	s4 =	sshrl.u32 s4, $0x3;
	s10 =	sadd.s32 s8, s5;
	[dreg:$0xd] =	wrdreg s7  }
0x11: {  	s8 =	simm.s32 $0x700;
	[dreg:$0xc] =	wrdreg s14;
	s0 =	sadd.s32 s4, s0  }
0x12: {  	s4 =	sadd.s32 $0xA2400, s6;
	s23 =	sadd.s32 $0x20, s10;
	[dreg:$0x4] =	wrdreg s10  }
0x13: {  	s24 =	sadd.s32 $0x40, s10;
	s25 =	sadd.s32 $0x60, s10;
	[dreg:$0x7] =	wrdreg s23  }
0x14: {  	s6 =	smax.u32 s2, $0x1;
	s2 =	simm.s32 $0x500;
	[dreg:$0x8] =	wrdreg s24  }
0x15: {  	s10 =	simm.s32 $0xA;
	s5 =	sadd.s32 s5, s4;
	[dreg:$0x9] =	wrdreg s25  }
0x16: {  	s0 =	sadd.s32 $0x104400, s0;
	[dreg:$0xb] =	wrdreg s6;
	s23 =	simm.s32 $0x1800  }
0x17: {  	s24 =	simm.s32 $0x3;
	s25 =	simm.s32 $0x2800;
	[dreg:$0x5] =	wrdreg s5  }
0x18: {  	s6 =	simm.s32 $0x8;
	[dreg:$0xa] =	wrdreg s0;
	s0 =	simm.s32 $0x7  }
.LBB2_1:
0x19: {  	s5 =	simm.s32 $0xD;
	s7 =	rddreg [dreg:$0x5]  }
0x1a: {  	[spmem:s14], [sflag:s13] =	dma.local [hbm:s7], $0x3100  }
0x1b: {  	_ =	swait.ge [sflag:s5], $0x3100  }
0x1c: {  	[sflag:s5] =	ssyncset.done $0x0  }
0x1d: {  	[sflag:s5] =	ssyncadd.s32 $0xFFFFCF00  }
0x1e: {  	[bflag:$0x0] =	sbarrier.arrive $0xFFFF  }
0x1f: {  	s13 =	rddreg [dreg:$0x4]  }
0x20: {  	[tilespmem:s3], [sflag:$0x1] =	stream.strided.gather [hbm4b:s13+s15], $0x200, s16, s15, $0x38;
	[tilespmem:$0x1D080] =	vst v63  }
0x21: {  	s14 =	rddreg [dreg:$0x7]  }
0x22: {  	[tilespmem:s17], [sflag:$0x2] =	stream.strided.gather [hbm4b:s14+s15], $0x200, s16, s15, $0x38;
	[tilespmem:$0x1D080] =	vst v63  }
0x23: {  	s5 =	rddreg [dreg:$0x8]  }
0x24: {  	[tilespmem:s18], [sflag:$0x3] =	stream.strided.gather [hbm4b:s5+s15], $0x200, s16, s15, $0x38;
	[tilespmem:$0x1D080] =	vst v63  }
0x25: {  	s13 =	rddreg [dreg:$0x9]  }
0x26: {  	[tilespmem:s19], [sflag:$0x4] =	stream.strided.gather [hbm4b:s13+s15], $0x200, s16, s15, $0x38;
	[tilespmem:$0x1D080] =	vst v63  }
0x27: {  	_ =	swait.ge [sflag:s20], $0x200  }
0x28: {  	[sflag:s20] =	ssyncset.done $0x0  }
0x29: {  	[sflag:s20] =	ssyncadd.s32 $0xFFFFFE00  }
0x2a: {  	[tilespmem:s21], [sflag:$0x5] =	stream.indirect.gather [hbm4b:s4+s15], $0x10, s3, s15, $0xb8;
	[tilespmem:$0x1D080] =	vst v63  }
0x2b: {  	_ =	swait.ge [sflag:s22], $0x200  }
0x2c: {  	[sflag:s22] =	ssyncset.done $0x0  }
0x2d: {  	[sflag:s22] =	ssyncadd.s32 $0xFFFFFE00  }
0x2e: {  	[tilespmem:s23], [sflag:$0x6] =	stream.indirect.gather [hbm4b:s4+s15], $0x10, s17, s15, $0xb8;
	[tilespmem:$0x1D080] =	vst v63  }
0x2f: {  	_ =	swait.ge [sflag:s24], $0x200  }
0x30: {  	[sflag:s24] =	ssyncset.done $0x0  }
0x31: {  	[sflag:s24] =	ssyncadd.s32 $0xFFFFFE00  }
0x32: {  	[tilespmem:s25], [sflag:$0x7] =	stream.indirect.gather [hbm4b:s4+s15], $0x10, s18, s15, $0xb8;
	[tilespmem:$0x1D080] =	vst v63  }
0x33: {  	_ =	swait.ge [sflag:s26], $0x200  }
0x34: {  	[sflag:s26] =	ssyncset.done $0x0  }
0x35: {  	[sflag:s26] =	ssyncadd.s32 $0xFFFFFE00  }
0x36: {  	[tilespmem:s28], [sflag:$0x8] =	stream.indirect.gather [hbm4b:s4+s15], $0x10, s19, s15, $0xb8;
	[tilespmem:$0x1D080] =	vst v63  }
0x37: {  	_ =	swait.ge [sflag:s29], $0x1000  }
0x38: {  	[sflag:s29] =	ssyncset.done $0x0  }
0x39: {  	[sflag:s29] =	ssyncadd.s32 $0xFFFFF000  }
0x3a: {  	[spmem:s1] =	stream.indirect.scatter.add.f32 [tilespmem:s21], [sflag:$0x9], $0x10, s15, s15, $0xb8;
	[tilespmem:$0x1D080] =	vst v63  }
0x3b: {  	_ =	swait.ge [sflag:s30], $0x1000  }
0x3c: {  	[sflag:s30] =	ssyncset.done $0x0  }
0x3d: {  	[sflag:s30] =	ssyncadd.s32 $0xFFFFF000  }
0x3e: {  	[spmem:s1] =	stream.indirect.scatter.add.f32 [tilespmem:s23], [sflag:$0xA], $0x10, s31, s15, $0xb8;
	[tilespmem:$0x1D080] =	vst v63  }
0x3f: {  	_ =	swait.ge [sflag:s0], $0x1000  }
0x40: {  	[sflag:s0] =	ssyncset.done $0x0  }
0x41: {  	[sflag:s0] =	ssyncadd.s32 $0xFFFFF000  }
0x42: {  	[spmem:s1] =	stream.indirect.scatter.add.f32 [tilespmem:s25], [sflag:$0xB], $0x10, s2, s15, $0xb8;
	[tilespmem:$0x1D080] =	vst v63  }
0x43: {  	_ =	swait.ge [sflag:s6], $0x1000  }
0x44: {  	[sflag:s6] =	ssyncset.done $0x0  }
0x45: {  	[sflag:s6] =	ssyncadd.s32 $0xFFFFF000  }
0x46: {  	[spmem:s1] =	stream.indirect.scatter.add.f32 [tilespmem:s28], [sflag:$0xC], $0x10, s8, s15, $0xb8;
	[tilespmem:$0x1D080] =	vst v63  }
0x47: {  	_ =	swait.ge [sflag:s9], $0x1000  }
0x48: {  	s14 =	rddreg [dreg:$0x3]  }
0x49: {  	[sflag:s9] =	ssyncset.done $0x0;
	s13 =	sadd.s32 $0xFFFFCF80, s14  }
0x4a: {  	[sflag:s9] =	ssyncadd.s32 $0xFFFFF000;
	s7 =	sadd.s32 $0x3100, s13  }
0x4b: {  	[tilespmem:s3], [sflag:$0x1] =	stream.strided.gather [hbm4b:s7+s15], $0x200, s16, s15, $0x38;
	[tilespmem:$0x1D080] =	vst v63  }
0x4c: {  	_ =	swait.ge [sflag:s10], $0x1000  }
0x4d: {  	[sflag:s10] =	ssyncset.done $0x0  }
0x4e: {  	s5 =	sadd.s32 $0x3120, s13;
	[sflag:s10] =	ssyncadd.s32 $0xFFFFF000  }
0x4f: {  	[tilespmem:s17], [sflag:$0x2] =	stream.strided.gather [hbm4b:s5+s15], $0x200, s16, s15, $0x38;
	[tilespmem:$0x1D080] =	vst v63  }
0x50: {  	_ =	swait.ge [sflag:s11], $0x1000  }
0x51: {  	[sflag:s11] =	ssyncset.done $0x0  }
0x52: {  	s14 =	sadd.s32 $0x3140, s13;
	[sflag:s11] =	ssyncadd.s32 $0xFFFFF000  }
0x53: {  	[tilespmem:s18], [sflag:$0x3] =	stream.strided.gather [hbm4b:s14+s15], $0x200, s16, s15, $0x38;
	[tilespmem:$0x1D080] =	vst v63  }
0x54: {  	_ =	swait.ge [sflag:s12], $0x1000  }
0x55: {  	[sflag:s12] =	ssyncset.done $0x0  }
0x56: {  	s13 =	sadd.s32 $0x3160, s13;
	s7 =	simm.s32 $0xFFFFD000;
	[sflag:s12] =	ssyncadd.s32 $0xFFFFF000  }
.LBB2_2:
0x57: {  	[tilespmem:s19], [sflag:$0x4] =	stream.strided.gather [hbm4b:s13+s15], $0x200, s16, s15, $0x38;
	[tilespmem:$0x1D080] =	vst v63  }
0x58: {  	_ =	swait.ge [sflag:s20], $0x200  }
0x59: {  	[sflag:s20] =	ssyncset.done $0x0  }
0x5a: {  	[sflag:s20] =	ssyncadd.s32 $0xFFFFFE00  }
0x5b: {  	[tilespmem:s21], [sflag:$0x5] =	stream.indirect.gather [hbm4b:s4+s15], $0x10, s3, s15, $0xb8;
	[tilespmem:$0x1D080] =	vst v63  }
0x5c: {  	_ =	swait.ge [sflag:s22], $0x200  }
0x5d: {  	[sflag:s22] =	ssyncset.done $0x0  }
0x5e: {  	[sflag:s22] =	ssyncadd.s32 $0xFFFFFE00  }
0x5f: {  	[tilespmem:s23], [sflag:$0x6] =	stream.indirect.gather [hbm4b:s4+s15], $0x10, s17, s15, $0xb8;
	[tilespmem:$0x1D080] =	vst v63  }
0x60: {  	_ =	swait.ge [sflag:s24], $0x200  }
0x61: {  	[sflag:s24] =	ssyncset.done $0x0  }
0x62: {  	[sflag:s24] =	ssyncadd.s32 $0xFFFFFE00  }
0x63: {  	[tilespmem:s25], [sflag:$0x7] =	stream.indirect.gather [hbm4b:s4+s15], $0x10, s18, s15, $0xb8;
	[tilespmem:$0x1D080] =	vst v63  }
0x64: {  	_ =	swait.ge [sflag:s26], $0x200  }
0x65: {  	[sflag:s26] =	ssyncset.done $0x0  }
0x66: {  	[sflag:s26] =	ssyncadd.s32 $0xFFFFFE00  }
0x67: {  	[tilespmem:s28], [sflag:$0x8] =	stream.indirect.gather [hbm4b:s4+s15], $0x10, s19, s15, $0xb8;
	[tilespmem:$0x1D080] =	vst v63  }
0x68: {  	_ =	swait.ge [sflag:s29], $0x1000  }
0x69: {  	[sflag:s29] =	ssyncset.done $0x0  }
0x6a: {  	[sflag:s29] =	ssyncadd.s32 $0xFFFFF000  }
0x6b: {  	[spmem:s1] =	stream.indirect.scatter.add.f32 [tilespmem:s21], [sflag:$0x9], $0x10, s15, s15, $0xb8;
	[tilespmem:$0x1D080] =	vst v63  }
0x6c: {  	_ =	swait.ge [sflag:s30], $0x1000  }
0x6d: {  	[sflag:s30] =	ssyncset.done $0x0  }
0x6e: {  	[sflag:s30] =	ssyncadd.s32 $0xFFFFF000  }
0x6f: {  	[spmem:s1] =	stream.indirect.scatter.add.f32 [tilespmem:s23], [sflag:$0xA], $0x10, s31, s15, $0xb8;
	[tilespmem:$0x1D080] =	vst v63  }
0x70: {  	_ =	swait.ge [sflag:s0], $0x1000  }
0x71: {  	[sflag:s0] =	ssyncset.done $0x0  }
0x72: {  	[sflag:s0] =	ssyncadd.s32 $0xFFFFF000  }
0x73: {  	[spmem:s1] =	stream.indirect.scatter.add.f32 [tilespmem:s25], [sflag:$0xB], $0x10, s2, s15, $0xb8;
	[tilespmem:$0x1D080] =	vst v63  }
0x74: {  	_ =	swait.ge [sflag:s6], $0x1000  }
0x75: {  	[sflag:s6] =	ssyncset.done $0x0  }
0x76: {  	[sflag:s6] =	ssyncadd.s32 $0xFFFFF000  }
0x77: {  	[spmem:s1] =	stream.indirect.scatter.add.f32 [tilespmem:s28], [sflag:$0xC], $0x10, s8, s15, $0xb8;
	[tilespmem:$0x1D080] =	vst v63  }
0x78: {  	_ =	swait.ge [sflag:s9], $0x1000  }
0x79: {  	s5 =	smov.u32 s7;
	s14 =	rddreg [dreg:$0x3]  }
0x7a: {  	[sflag:s9] =	ssyncset.done $0x0;
	s13 =	sadd.s32 s5, s14  }
0x7b: {  	[sflag:s9] =	ssyncadd.s32 $0xFFFFF000;
	s14 =	sadd.s32 $0x3100, s13  }
0x7c: {  	[tilespmem:s3], [sflag:$0x1] =	stream.strided.gather [hbm4b:s14+s15], $0x200, s16, s15, $0x38;
	[tilespmem:$0x1D080] =	vst v63  }
0x7d: {  	_ =	swait.ge [sflag:s10], $0x1000  }
0x7e: {  	[sflag:s10] =	ssyncset.done $0x0  }
0x7f: {  	s5 =	sadd.s32 $0x3120, s13;
	[sflag:s10] =	ssyncadd.s32 $0xFFFFF000  }
0x80: {  	[tilespmem:s17], [sflag:$0x2] =	stream.strided.gather [hbm4b:s5+s15], $0x200, s16, s15, $0x38;
	[tilespmem:$0x1D080] =	vst v63  }
0x81: {  	_ =	swait.ge [sflag:s11], $0x1000  }
0x82: {  	p0 =	sne.s32 s7, $0xFFFFFF80;
	[sflag:s11] =	ssyncset.done $0x0  }
.Ltmp0:
0x83: {  	s5 =	sadd.s32 $0x3140, s13;
	[sflag:s11] =	ssyncadd.s32 $0xFFFFF000;
	(pc) =	sbr.rel @p0 .LBB2_2-.Ltmp0, $4  }
0x84: {  	[tilespmem:s18], [sflag:$0x3] =	stream.strided.gather [hbm4b:s5+s15], $0x200, s16, s15, $0x38;
	[tilespmem:$0x1D080] =	vst v63  }
0x85: {  	_ =	swait.ge [sflag:s12], $0x1000  }
0x86: {  	[sflag:s12] =	ssyncset.done $0x0  }
0x87: {  	s7 =	sadd.s32 $0x80, s7;
	s13 =	sadd.s32 $0x3160, s13;
	[sflag:s12] =	ssyncadd.s32 $0xFFFFF000  }
0x88: {  	[tilespmem:s19], [sflag:$0x4] =	stream.strided.gather [hbm4b:s13+s15], $0x200, s16, s15, $0x38;
	[tilespmem:$0x1D080] =	vst v63  }
0x89: {  	_ =	swait.ge [sflag:s20], $0x200  }
0x8a: {  	[sflag:s20] =	ssyncset.done $0x0  }
0x8b: {  	[sflag:s20] =	ssyncadd.s32 $0xFFFFFE00  }
0x8c: {  	[tilespmem:s21], [sflag:$0x5] =	stream.indirect.gather [hbm4b:s4+s15], $0x10, s3, s15, $0xb8;
	[tilespmem:$0x1D080] =	vst v63  }
0x8d: {  	_ =	swait.ge [sflag:s22], $0x200  }
0x8e: {  	[sflag:s22] =	ssyncset.done $0x0  }
0x8f: {  	[sflag:s22] =	ssyncadd.s32 $0xFFFFFE00  }
0x90: {  	[tilespmem:s23], [sflag:$0x6] =	stream.indirect.gather [hbm4b:s4+s15], $0x10, s17, s15, $0xb8;
	[tilespmem:$0x1D080] =	vst v63  }
0x91: {  	_ =	swait.ge [sflag:s24], $0x200  }
0x92: {  	[sflag:s24] =	ssyncset.done $0x0  }
0x93: {  	[sflag:s24] =	ssyncadd.s32 $0xFFFFFE00  }
0x94: {  	[tilespmem:s25], [sflag:$0x7] =	stream.indirect.gather [hbm4b:s4+s15], $0x10, s18, s15, $0xb8;
	[tilespmem:$0x1D080] =	vst v63  }
0x95: {  	_ =	swait.ge [sflag:s26], $0x200  }
0x96: {  	[sflag:s26] =	ssyncset.done $0x0  }
0x97: {  	[sflag:s26] =	ssyncadd.s32 $0xFFFFFE00  }
0x98: {  	[tilespmem:s28], [sflag:$0x8] =	stream.indirect.gather [hbm4b:s4+s15], $0x10, s19, s15, $0xb8;
	[tilespmem:$0x1D080] =	vst v63  }
0x99: {  	_ =	swait.ge [sflag:s29], $0x1000  }
0x9a: {  	[sflag:s29] =	ssyncset.done $0x0  }
0x9b: {  	[sflag:s29] =	ssyncadd.s32 $0xFFFFF000  }
0x9c: {  	[spmem:s1] =	stream.indirect.scatter.add.f32 [tilespmem:s21], [sflag:$0x9], $0x10, s15, s15, $0xb8;
	[tilespmem:$0x1D080] =	vst v63  }
0x9d: {  	_ =	swait.ge [sflag:s30], $0x1000  }
0x9e: {  	[sflag:s30] =	ssyncset.done $0x0  }
0x9f: {  	[sflag:s30] =	ssyncadd.s32 $0xFFFFF000  }
0xa0: {  	[spmem:s1] =	stream.indirect.scatter.add.f32 [tilespmem:s23], [sflag:$0xA], $0x10, s31, s15, $0xb8;
	[tilespmem:$0x1D080] =	vst v63  }
0xa1: {  	_ =	swait.ge [sflag:s0], $0x1000  }
0xa2: {  	[sflag:s0] =	ssyncset.done $0x0  }
0xa3: {  	[sflag:s0] =	ssyncadd.s32 $0xFFFFF000  }
0xa4: {  	[spmem:s1] =	stream.indirect.scatter.add.f32 [tilespmem:s25], [sflag:$0xB], $0x10, s2, s15, $0xb8;
	[tilespmem:$0x1D080] =	vst v63  }
0xa5: {  	_ =	swait.ge [sflag:s6], $0x1000  }
0xa6: {  	[sflag:s6] =	ssyncset.done $0x0  }
0xa7: {  	[sflag:s6] =	ssyncadd.s32 $0xFFFFF000  }
0xa8: {  	[spmem:s1] =	stream.indirect.scatter.add.f32 [tilespmem:s28], [sflag:$0xC], $0x10, s8, s15, $0xb8;
	[tilespmem:$0x1D080] =	vst v63  }
0xa9: {  	_ =	swait.ge [sflag:s9], $0x1000  }
0xaa: {  	[sflag:s9] =	ssyncset.done $0x0  }
0xab: {  	[sflag:s9] =	ssyncadd.s32 $0xFFFFF000  }
0xac: {  	_ =	swait.ge [sflag:s10], $0x1000  }
0xad: {  	[sflag:s10] =	ssyncset.done $0x0  }
0xae: {  	[sflag:s10] =	ssyncadd.s32 $0xFFFFF000  }
0xaf: {  	_ =	swait.ge [sflag:s11], $0x1000  }
0xb0: {  	[sflag:s11] =	ssyncset.done $0x0  }
0xb1: {  	[sflag:s11] =	ssyncadd.s32 $0xFFFFF000  }
0xb2: {  	_ =	swait.ge [sflag:s12], $0x1000  }
0xb3: {  	[sflag:s12] =	ssyncset.done $0x0  }
0xb4: {  	[sflag:s12] =	ssyncadd.s32 $0xFFFFF000  }
0xb5: {  	[bflag:$0x0] =	sbarrier.arrive $0xFFFF  }
0xb6: {  	s13 =	rddreg [dreg:$0x6]  }
0xb7: {  	s7 =	rddreg [dreg:$0xa]  }
0xb8: {  	s14 =	rddreg [dreg:$0xc]  }
0xb9: {  	[hbm:s7], [sflag:s13] =	dma.local [spmem:s14], $0x3100  }
0xba: {  	s7 =	simm.s32 $0xD  }
0xbb: {  	_ =	swait.ge [sflag:s7], $0x3100  }
0xbc: {  	s5 =	rddreg [dreg:$0xd]  }
0xbd: {  	[sflag:s7] =	ssyncset.done $0x0;
	s7 =	rddreg [dreg:$0xb];
	s5 =	sadd.s32 $0x1, s5  }
0xbe: {  	p0 =	sne.s32 s5, s7  }
.Ltmp1:
0xbf: {  	_ = 	snop;
	(pc) =	sbr.rel @p0 .LBB2_1-.Ltmp1, $3  }
0xc0: {  	_ =	sdelay $0x1  }
0xc1: {  	s7 =	simm.s32 $0xD  }
0xc2: {  	[dreg:$0xd] =	wrdreg s5;
	[sflag:s7] =	ssyncadd.s32 $0xFFFFCF00  }
0xc3: {  	_ =	sfence.sel $0x180000  }
0xc4: {  	[bflag:$0x0] =	sbarrier.arrive $0xFFFF  }
0xc5: {  	_ =	strace $0x9000004D  }
0xc6: {  	s0 =	stileid.u32;
	[bflag:$0x2] =	sbarrier.arrive $0xFFFF  }
0xc7: {  	p0 =	sne.s32 s0, $0x0;
	s0 =	rddreg [dreg:$0x2]  }
0xc8: {  	s0 =	sadd.s32 @!p0 $0x100000, s0  }
0xc9: {  	[sflag:s0] =	ssyncadd.tile.s32 @!p0 $0x1;
	_ =	shalt  }
.Lfunc_end2:
_tile_overlayer_lowered:
.L_overlay_start_2:
0xca: {  	(tag) =	ssettag $0x2  }
0xcb: {  	s0 =	rddreg [dreg:$0x0];
	s2 =	stileid.u32  }
0xcc: {  	s1 =	rddreg [dreg:$0x1];
	p0 =	sne.s32 s2, $0x0  }
0xcd: {  	s3 =	rddreg [dreg:$0x2];
	[bflag:$0x3] =	sbarrier.arrive $0xFFFF;
	s2 =	simm.s32 @!p0 $0x1C0D  }
0xce: {  	[timem:s3], [sflag:s2] =	dma.local @!p0 [hbm:s0], s1  }
0xcf: {  	s0 =	simm.s32 @!p0 $0xD  }
0xd0: {  	_ =	swait.ge @!p0 [sflag:s0], s1  }
0xd1: {  	s1 =	ssub.s32 @!p0 $0x0, s1;
	[sflag:s0] =	ssyncset.done @!p0 $0x0  }
0xd2: {  	[sflag:s0] =	ssyncadd.s32 @!p0 s1  }
0xd3: {  	[bflag:$0x3] =	sbarrier.arrive $0xFFFF  }
0xd4: {  	_ =	shalt  }

// kernel: kernel.22.cloned.1.call-start
scs
__scs_entry_jumppad:
0x0: {  	(pc) =	sbr.rel $0x88, $3  }
0x1: {  	(tag) =	ssettag $0x0;
	lr =	simm.s32 $0x1  }
0x2: {  	[smem:$0x3F97] =	sst lr;
	_ =	strace $0xD0000000  }
0x3: {  	_ = 	snop  }
0x4: {  	_ = 	snop  }
0x5: {  	_ = 	snop  }
0x6: {  	_ = 	snop  }
0x7: {  	_ = 	snop  }
__scs_overlays_trampoline_lowered:
0x8: {  	[smem:$0x3FA6] =	sst s0  }
0x9: {  	[smem:$0x3FA7] =	sst s1  }
0xa: {  	[smem:$0x3FA8] =	sst s2  }
0xb: {  	[smem:$0x3FA9] =	sst s3  }
0xc: {  	[smem:$0x3FAA] =	sst s4  }
0xd: {  	[smem:$0x3FAB] =	sst s5  }
0xe: {  	[smem:$0x3FAC] =	sst s6  }
0xf: {  	[smem:$0x3FAD] =	sst s7  }
0x10: {  	[smem:$0x3FAE] =	sst s8  }
0x11: {  	[smem:$0x3FAF] =	sst s9;
	s0 =	simm.s32 @!p0 $0x0  }
0x12: {  	s1 =	sld [smem:$0x3F95];
	s0 =	simm.s32 @p0 $0x1  }
0x13: {  	[smem:$0x3FB0] =	sst s0;
	s0 =	simm.s32 @!p1 $0x0  }
0x14: {  	s2 =	sld [smem:$0x3F94];
	s0 =	simm.s32 @p1 $0x1  }
0x15: {  	[smem:$0x3FB1] =	sst s0;
	s0 =	simm.s32 @!p2 $0x0  }
0x16: {  	s3 =	sld [smem:$0x3FDB];
	s0 =	simm.s32 @p2 $0x1  }
0x17: {  	s4 =	simm.s32 $0x1BF5;
	[smem:$0x3FB3] =	sst s0  }
0x18: {  	s0 =	sld [smem:$0x3F96];
	_ =	swait.ge [sflag:s4], $0x0  }
0x19: {  	s7 =	sld [smem:$0x3F97]  }
0x1a: {  	s8 =	sadd.s32 $0xFFFFE003, lr  }
0x1b: {  	s9 =	sadd.s32 $0xFFFFFEF7, lr;
	s5 =	simm.s32 $0xFFFFFFFF;
	p2 =	slt.u32 s8, $0xFFFFF086  }
0x1c: {  	p1 =	slt.u32 s9, $0xF7A;
	s5 =	simm.s32 @!p2 $0x0  }
0x1d: {  	s5 =	simm.s32 @p1 $0x1;
	p0 =	seq.s32 s7, s2  }
0x1e: {  	s7 =	smul.u32 @!p0 $0xF7A, s2;
	p2 =	seq.s32 @!p0 s5, $0x0  }
0x1f: {  	s9 =	smul.u32 $0xF7A, s1;
	s8 =	simm.s32 @!p0 $0x1BF5;
	p2 =	por !p2, p0  }
0x20: {  	[sflag:s8] =	ssyncset.s32 @!p0 $0xFFFFF086;
	s6 =	sadd.s32 @!p0 s3, s7;
	s7 =	simm.s32 @!p0 $0x108  }
0x21: {  	s3 =	sadd.s32 s3, s9;
	s6 =	sadd.s32 @!p0 $0x88, s6;
	s7 =	simm.s32 @p2 $0x1082  }
0x22: {  	[simem:s7], [sflag:s8] =	dma.local @!p0 [hbm:s6], $0xF7A  }
0x23: {  	s9 =	sor.u32 $0xD0000000, s2;
	s6 =	simm.s32 $0x108;
	_ =	swait.ge @!p0 [sflag:s8], $0x0  }
0x24: {  	s3 =	sadd.s32 $0x88, s3;
	s6 =	simm.s32 @!p1 $0x1082;
	[sflag:s4] =	ssyncset.s32 $0xFFFFF086  }
0x25: {  	[simem:s6], [sflag:s4] =	dma.local [hbm:s3], $0xF7A  }
0x26: {  	[smem:$0x3F97] =	sst s1;
	(tag) =	ssettag s2;
	_ =	strace s9  }
0x27: {  	s1 =	sld [smem:$0x3FA7]  }
0x28: {  	s2 =	sld [smem:$0x3FA8]  }
0x29: {  	s4 =	sld [smem:$0x3FAA]  }
0x2a: {  	p0 =	seq.s32 s5, $0x0;
	s5 =	sld [smem:$0x3FAB]  }
0x2b: {  	s6 =	sld [smem:$0x3FAC]  }
0x2c: {  	s7 =	sld [smem:$0x3FAD]  }
0x2d: {  	s3 =	simm.s32 $0x108;
	s8 =	sld [smem:$0x3FAE]  }
0x2e: {  	s3 =	simm.s32 @!p0 $0x1082;
	s9 =	sld [smem:$0x3FAF]  }
0x2f: {  	lr =	sadd.s32 s0, s3;
	s0 =	sld [smem:$0x3FA6]  }
0x30: {  	s3 =	sld [smem:$0x3FA9]  }
0x31: {  	[smem:$0x3FB2] =	sst s10  }
0x32: {  	s10 =	sld [smem:$0x3FB0];
	_ =	sdelay $0x3  }
0x33: {  	p0 =	seq.s32 s10, $0x1;
	s10 =	sld [smem:$0x3FB2];
	_ =	sdelay $0x3  }
0x34: {  	[smem:$0x3FB2] =	sst s10  }
0x35: {  	s10 =	sld [smem:$0x3FB1];
	_ =	sdelay $0x3  }
0x36: {  	p1 =	seq.s32 s10, $0x1;
	s10 =	sld [smem:$0x3FB2];
	_ =	sdelay $0x3  }
0x37: {  	[smem:$0x3FB2] =	sst s10  }
0x38: {  	s10 =	sld [smem:$0x3FB3]  }
0x39: {  	_ = 	snop;
	(pc) =	sbr.ind lr, $3  }
0x3a: {  	_ = 	snop  }
0x3b: {  	_ = 	snop  }
0x3c: {  	p2 =	seq.s32 s10, $0x1;
	s10 =	sld [smem:$0x3FB2]  }
0x3d: {  	_ =	shalt  }
0x3e: {  	_ =	shalt  }
0x3f: {  	_ =	shalt  }
0x40: {  	_ =	shalt  }
0x41: {  	_ =	shalt  }
0x42: {  	_ =	shalt  }
0x43: {  	_ =	shalt  }
0x44: {  	_ =	shalt  }
0x45: {  	_ =	shalt  }
0x46: {  	_ =	shalt  }
0x47: {  	_ =	shalt  }
0x48: {  	_ =	shalt  }
0x49: {  	_ =	shalt  }
0x4a: {  	_ =	shalt  }
0x4b: {  	_ =	shalt  }
0x4c: {  	_ =	shalt  }
0x4d: {  	_ =	shalt  }
0x4e: {  	_ =	shalt  }
0x4f: {  	_ =	shalt  }
0x50: {  	_ =	shalt  }
0x51: {  	_ =	shalt  }
0x52: {  	_ =	shalt  }
0x53: {  	_ =	shalt  }
0x54: {  	_ =	shalt  }
0x55: {  	_ =	shalt  }
0x56: {  	_ =	shalt  }
0x57: {  	_ =	shalt  }
0x58: {  	_ =	shalt  }
0x59: {  	_ =	shalt  }
0x5a: {  	_ =	shalt  }
0x5b: {  	_ =	shalt  }
0x5c: {  	_ =	shalt  }
0x5d: {  	_ =	shalt  }
0x5e: {  	_ =	shalt  }
0x5f: {  	_ =	shalt  }
0x60: {  	_ =	shalt  }
0x61: {  	_ =	shalt  }
0x62: {  	_ =	shalt  }
0x63: {  	_ =	shalt  }
0x64: {  	_ =	shalt  }
0x65: {  	_ =	shalt  }
0x66: {  	_ =	shalt  }
0x67: {  	_ =	shalt  }
0x68: {  	_ =	shalt  }
0x69: {  	_ =	shalt  }
0x6a: {  	_ =	shalt  }
0x6b: {  	_ =	shalt  }
0x6c: {  	_ =	shalt  }
0x6d: {  	_ =	shalt  }
0x6e: {  	_ =	shalt  }
0x6f: {  	_ =	shalt  }
0x70: {  	_ =	shalt  }
0x71: {  	_ =	shalt  }
0x72: {  	_ =	shalt  }
0x73: {  	_ =	shalt  }
0x74: {  	_ =	shalt  }
0x75: {  	_ =	shalt  }
0x76: {  	_ =	shalt  }
0x77: {  	_ =	shalt  }
0x78: {  	_ =	shalt  }
0x79: {  	_ =	shalt  }
0x7a: {  	_ =	shalt  }
0x7b: {  	_ =	shalt  }
0x7c: {  	_ =	shalt  }
0x7d: {  	_ =	shalt  }
0x7e: {  	_ =	shalt  }
0x7f: {  	_ =	shalt  }
0x80: {  	_ =	shalt  }
0x81: {  	_ =	shalt  }
0x82: {  	_ =	shalt  }
0x83: {  	_ =	shalt  }
0x84: {  	_ =	shalt  }
0x85: {  	_ =	shalt  }
0x86: {  	_ =	shalt  }
0x87: {  	_ =	shalt  }
.Lfunc_end0:
.L_simem_size_0:
called_computation.3_lowered:
.L_overlay_start_0:
0x88: {  	s2 =	sld [smem:$0x3FD9]  }
0x89: {  	s3 =	sld [smem:$0x3FFE];
	_ =	sdelay $0x1  }
0x8a: {  	s1 =	srdreg.scid  }
0x8b: {  	s0 =	sand.u32 $0x1, s1  }
0x8c: {  	s16 =	sshll.u32 s0, $0xA;
	s2 =	sadd.s32 s3, s2  }
0x8d: {  	s2 =	sadd.s32 s2, s16  }
0x8e: {  	[smem:$0x3FBE] =	sst s2  }
0x8f: {  	_ = 	snop  }
0x90: {  	(tm) =	ssettm $0x1  }
0x91: {  	s17 =	sld [smem:$0x3FFB];
	_ =	sdelay $0x3  }
0x92: {  	_ =	strace s17  }
0x93: {  	s2 =	sld [smem:$0x3FFC];
	_ =	sdelay $0x3  }
0x94: {  	_ =	strace s2  }
0x95: {  	s2 =	sld [smem:$0x3FFD];
	_ =	sdelay $0x3  }
0x96: {  	_ =	strace s2  }
0x97: {  	_ =	strace $0x8FFFFFFF  }
0x98: {  	s18 =	sld [smem:$0x3FDB];
	_ =	sdelay $0x1  }
0x99: {  	s19 =	simm.s32 $_scs_section_size  }
0x9a: {  	s4 =	simm.s32 $_size__tile_overlayer_lowered;
	s5 =	simm.s32 $_tile_overlayer_lowered  }
0x9b: {  	s22 =	simm.s32 $0x1BFF;
	s21 =	sshll.u32 s5, $0x1;
	s2 =	sadd.s32 s19, s18  }
0x9c: {  	s6 =	simm.s32 $0x0;
	s20 =	sshll.u32 s4, $0x1;
	s4 =	sadd.s32 s21, s2  }
0x9d: {  	[timem:s6], [sflag:s22] =	dma.local [hbm:s4], s20  }
0x9e: {  	_ =	swait.ge [sflag:s22], s20  }
0x9f: {  	s3 =	ssub.s32 $0x0, s20;
	[sflag:s22] =	ssyncset.done $0x0  }
0xa0: {  	[sflag:s22] =	ssyncadd.s32 s3;
	_ =	sdelay $0x1  }
0xa1: {  	s23 =	simm.s32 $0x1B8B  }
0xa2: {  	_ =	swait.ge [sflag:s23], $0x1  }
0xa3: {  	[sflag:s23] =	ssyncset.done $0x0  }
0xa4: {  	s25 =	simm.s32 $0x1B8E;
	s24 =	sld [smem:$0x3FFE];
	[sflag:s23] =	ssyncadd.s32 $0xFFFFFFFF  }
0xa5: {  	s26 =	simm.s32 $execute0_lowered;
	[smem:$0x3FD2] =	sst s25  }
0xa6: {  	s4 =	sshll.u32 s26, $0x1;
	_ =	strace $0x8000004F;
	[dreg:$0x1] =	wrdreg $0xFFFFFFFF  }
0xa7: {  	s28 =	simm.s32 $_size_execute0_lowered;
	s2 =	sadd.s32 s2, s4;
	[dreg:$0x0] =	wrdreg $0x0  }
0xa8: {  	s4 =	sshll.u32 s28, $0x1;
	[dreg:$0x2] =	wrdreg s2  }
0xa9: {  	[dreg:$0x3] =	wrdreg s4  }
0xaa: {  	[dreg:$0x4] =	wrdreg $0xC0  }
0xab: {  	_ =	task [dreg:s6], $0x5FFFF  }
0xac: {  	[dreg:$0x1] =	wrdreg $0xFFFFFFFF  }
0xad: {  	[dreg:$0x0] =	wrdreg $0x60  }
0xae: {  	[dreg:$0x2] =	wrdreg s24  }
0xaf: {  	[dreg:$0x3] =	wrdreg $0x48000  }
0xb0: {  	[dreg:$0x4] =	wrdreg $0x9  }
0xb1: {  	_ =	task.clear_ibuf [dreg:s6], $0x5FFFF;
	_ =	strace $0x9000004F  }
0xb2: {  	s29 =	simm.s32 $0x9;
	_ =	strace $0x80000051  }
0xb3: {  	_ =	swait.ge [sflag:s29], $0x1  }
0xb4: {  	[sflag:s29] =	ssyncadd.s32 $0xFFFFFFFF  }
0xb5: {  	_ =	strace $0x90000051  }
0xb6: {  	_ =	sfence  }
0xb7: {  	s30 =	sld [smem:$0x0];
	_ =	sdelay $0x2  }
0xb8: {  	s31 =	sshll.u32 s1, $0xD;
	s1 =	sshrl.u32 s1, $0x2  }
0xb9: {  	s3 =	sand.u32 $0x4000, s31;
	s1 =	sadd.s32 s1, s30  }
0xba: {  	s0 =	sor.u32 s3, s0;
	s1 =	sshll.u32 s1, $0x11  }
0xbb: {  	s0 =	sor.u32 s1, s0  }
0xbc: {  	s0 =	sadd.s32 $0x8F2B, s0  }
0xbd: {  	[sflag:s0] =	ssyncadd.remote.s32 $0x1  }
0xbe: {  	_ =	sfence.sel $0xFFFF  }
0xbf: {  	[dreg:$0x0] =	wrdreg $0xFFFFFFFF;
	(pc) =	sbr.abs _section_cstart, $3  }
0xc0: {  	[dreg:$0x1] =	wrdreg $0xFFFFFFFF  }
0xc1: {  	_ =	task.clear_ibuf [dreg:s6], $0x2FFFF;
	_ =	strace $0x9FFFFFFF  }
0xc2: {  	(tm) =	ssettm $0x7FFFFFFF  }
0xc3: {  	_ =	shalt  }
tec
execute0_lowered:
.L_overlay_start_1:
0x0: {  	(tag) =	ssettag $0x1  }
0x1: {  	s0 =	rddreg [dreg:$0x0]  }
0x2: {  	s1 =	rddreg [dreg:$0x1];
	s2 =	srdreg.scid;
	s3 =	simm.s32 $0x0  }
0x3: {  	s9 =	stileid.u32;
	s15 =	simm.s32 $0x100;
	s16 =	simm.s32 $0x188000  }
0x4: {  	s17 =	simm.s32 $0x200;
	s18 =	simm.s32 $0x400;
	s19 =	simm.s32 $0x600  }
0x5: {  	s20 =	simm.s32 $0x1;
	s28 =	simm.s32 $0x3800;
	s29 =	simm.s32 $0x5  }
0x6: {  	s30 =	simm.s32 $0x6;
	s31 =	simm.s32 $0x300;
	s11 =	simm.s32 $0xB  }
0x7: {  	s12 =	simm.s32 $0xC;
	s2 =	sand.u32 $0x1, s2;
	s5 =	smul.u32 $0x18800, s9  }
0x8: {  	[smem:$0x7FF] =	sst s3;
	s22 =	sshll.u32 s9, $0x6;
	s9 =	smul.u32 $0x3100, s9  }
0x9: {  	s8 =	sadd.s32 $0x40400, s0;
	s4 =	smul.u32 $0x188000, s2;
	_ =	strace $0x80000050  }
0xa: {  	s2 =	ssub.s32 $0x2, s2;
	s13 =	sor.u32 $0x1C0D, s22;
	s22 =	simm.s32 $0x2  }
0xb: {  	s7 =	sshrl.u32 s2, $0x1;
	s21 =	sadd.s32 s5, s1;
	s26 =	sadd.s32 s9, s8  }
0xc: {  	s9 =	simm.s32 $0x9;
	[dreg:$0x6] =	wrdreg s13;
	s6 =	sshrl.u32 s4, $0x3  }
0xd: {  	s4 =	sadd.s32 s5, s4;
	s2 =	ssub.s32 s2, s7;
	s5 =	sshrl.u32 s5, $0x3  }
0xe: {  	[dreg:$0x3] =	wrdreg s26;
	s14 =	sshrl.u32 s21, $0x3;
	s21 =	simm.s32 $0x800  }
0xf: {  	s26 =	simm.s32 $0x4;
	s7 =	simm.s32 $0x0;
	s6 =	sadd.s32 s6, s0  }
0x10: {  	s4 =	sshrl.u32 s4, $0x3;
	s10 =	sadd.s32 s8, s5;
	[dreg:$0xd] =	wrdreg s7  }
0x11: {  	s8 =	simm.s32 $0x700;
	[dreg:$0xc] =	wrdreg s14;
	s0 =	sadd.s32 s4, s0  }
0x12: {  	s4 =	sadd.s32 $0xA2400, s6;
	s23 =	sadd.s32 $0x20, s10;
	[dreg:$0x4] =	wrdreg s10  }
0x13: {  	s24 =	sadd.s32 $0x40, s10;
	s25 =	sadd.s32 $0x60, s10;
	[dreg:$0x7] =	wrdreg s23  }
0x14: {  	s6 =	smax.u32 s2, $0x1;
	s2 =	simm.s32 $0x500;
	[dreg:$0x8] =	wrdreg s24  }
0x15: {  	s10 =	simm.s32 $0xA;
	s5 =	sadd.s32 s5, s4;
	[dreg:$0x9] =	wrdreg s25  }
0x16: {  	s0 =	sadd.s32 $0x104400, s0;
	[dreg:$0xb] =	wrdreg s6;
	s23 =	simm.s32 $0x1800  }
0x17: {  	s24 =	simm.s32 $0x3;
	s25 =	simm.s32 $0x2800;
	[dreg:$0x5] =	wrdreg s5  }
0x18: {  	s6 =	simm.s32 $0x8;
	[dreg:$0xa] =	wrdreg s0;
	s0 =	simm.s32 $0x7  }
.LBB2_1:
0x19: {  	s5 =	simm.s32 $0xD;
	s7 =	rddreg [dreg:$0x5]  }
0x1a: {  	[spmem:s14], [sflag:s13] =	dma.local [hbm:s7], $0x3100  }
0x1b: {  	_ =	swait.ge [sflag:s5], $0x3100  }
0x1c: {  	[sflag:s5] =	ssyncset.done $0x0  }
0x1d: {  	[sflag:s5] =	ssyncadd.s32 $0xFFFFCF00  }
0x1e: {  	[bflag:$0x0] =	sbarrier.arrive $0xFFFF  }
0x1f: {  	s13 =	rddreg [dreg:$0x4]  }
0x20: {  	[tilespmem:s3], [sflag:$0x1] =	stream.strided.gather [hbm4b:s13+s15], $0x200, s16, s15, $0x38;
	[tilespmem:$0x1D080] =	vst v63  }
0x21: {  	s14 =	rddreg [dreg:$0x7]  }
0x22: {  	[tilespmem:s17], [sflag:$0x2] =	stream.strided.gather [hbm4b:s14+s15], $0x200, s16, s15, $0x38;
	[tilespmem:$0x1D080] =	vst v63  }
0x23: {  	s5 =	rddreg [dreg:$0x8]  }
0x24: {  	[tilespmem:s18], [sflag:$0x3] =	stream.strided.gather [hbm4b:s5+s15], $0x200, s16, s15, $0x38;
	[tilespmem:$0x1D080] =	vst v63  }
0x25: {  	s13 =	rddreg [dreg:$0x9]  }
0x26: {  	[tilespmem:s19], [sflag:$0x4] =	stream.strided.gather [hbm4b:s13+s15], $0x200, s16, s15, $0x38;
	[tilespmem:$0x1D080] =	vst v63  }
0x27: {  	_ =	swait.ge [sflag:s20], $0x200  }
0x28: {  	[sflag:s20] =	ssyncset.done $0x0  }
0x29: {  	[sflag:s20] =	ssyncadd.s32 $0xFFFFFE00  }
0x2a: {  	[tilespmem:s21], [sflag:$0x5] =	stream.indirect.gather [hbm4b:s4+s15], $0x10, s3, s15, $0xb8;
	[tilespmem:$0x1D080] =	vst v63  }
0x2b: {  	_ =	swait.ge [sflag:s22], $0x200  }
0x2c: {  	[sflag:s22] =	ssyncset.done $0x0  }
0x2d: {  	[sflag:s22] =	ssyncadd.s32 $0xFFFFFE00  }
0x2e: {  	[tilespmem:s23], [sflag:$0x6] =	stream.indirect.gather [hbm4b:s4+s15], $0x10, s17, s15, $0xb8;
	[tilespmem:$0x1D080] =	vst v63  }
0x2f: {  	_ =	swait.ge [sflag:s24], $0x200  }
0x30: {  	[sflag:s24] =	ssyncset.done $0x0  }
0x31: {  	[sflag:s24] =	ssyncadd.s32 $0xFFFFFE00  }
0x32: {  	[tilespmem:s25], [sflag:$0x7] =	stream.indirect.gather [hbm4b:s4+s15], $0x10, s18, s15, $0xb8;
	[tilespmem:$0x1D080] =	vst v63  }
0x33: {  	_ =	swait.ge [sflag:s26], $0x200  }
0x34: {  	[sflag:s26] =	ssyncset.done $0x0  }
0x35: {  	[sflag:s26] =	ssyncadd.s32 $0xFFFFFE00  }
0x36: {  	[tilespmem:s28], [sflag:$0x8] =	stream.indirect.gather [hbm4b:s4+s15], $0x10, s19, s15, $0xb8;
	[tilespmem:$0x1D080] =	vst v63  }
0x37: {  	_ =	swait.ge [sflag:s29], $0x1000  }
0x38: {  	[sflag:s29] =	ssyncset.done $0x0  }
0x39: {  	[sflag:s29] =	ssyncadd.s32 $0xFFFFF000  }
0x3a: {  	[spmem:s1] =	stream.indirect.scatter.add.f32 [tilespmem:s21], [sflag:$0x9], $0x10, s15, s15, $0xb8;
	[tilespmem:$0x1D080] =	vst v63  }
0x3b: {  	_ =	swait.ge [sflag:s30], $0x1000  }
0x3c: {  	[sflag:s30] =	ssyncset.done $0x0  }
0x3d: {  	[sflag:s30] =	ssyncadd.s32 $0xFFFFF000  }
0x3e: {  	[spmem:s1] =	stream.indirect.scatter.add.f32 [tilespmem:s23], [sflag:$0xA], $0x10, s31, s15, $0xb8;
	[tilespmem:$0x1D080] =	vst v63  }
0x3f: {  	_ =	swait.ge [sflag:s0], $0x1000  }
0x40: {  	[sflag:s0] =	ssyncset.done $0x0  }
0x41: {  	[sflag:s0] =	ssyncadd.s32 $0xFFFFF000  }
0x42: {  	[spmem:s1] =	stream.indirect.scatter.add.f32 [tilespmem:s25], [sflag:$0xB], $0x10, s2, s15, $0xb8;
	[tilespmem:$0x1D080] =	vst v63  }
0x43: {  	_ =	swait.ge [sflag:s6], $0x1000  }
0x44: {  	[sflag:s6] =	ssyncset.done $0x0  }
0x45: {  	[sflag:s6] =	ssyncadd.s32 $0xFFFFF000  }
0x46: {  	[spmem:s1] =	stream.indirect.scatter.add.f32 [tilespmem:s28], [sflag:$0xC], $0x10, s8, s15, $0xb8;
	[tilespmem:$0x1D080] =	vst v63  }
0x47: {  	_ =	swait.ge [sflag:s9], $0x1000  }
0x48: {  	s14 =	rddreg [dreg:$0x3]  }
0x49: {  	[sflag:s9] =	ssyncset.done $0x0;
	s13 =	sadd.s32 $0xFFFFCF80, s14  }
0x4a: {  	[sflag:s9] =	ssyncadd.s32 $0xFFFFF000;
	s7 =	sadd.s32 $0x3100, s13  }
0x4b: {  	[tilespmem:s3], [sflag:$0x1] =	stream.strided.gather [hbm4b:s7+s15], $0x200, s16, s15, $0x38;
	[tilespmem:$0x1D080] =	vst v63  }
0x4c: {  	_ =	swait.ge [sflag:s10], $0x1000  }
0x4d: {  	[sflag:s10] =	ssyncset.done $0x0  }
0x4e: {  	s5 =	sadd.s32 $0x3120, s13;
	[sflag:s10] =	ssyncadd.s32 $0xFFFFF000  }
0x4f: {  	[tilespmem:s17], [sflag:$0x2] =	stream.strided.gather [hbm4b:s5+s15], $0x200, s16, s15, $0x38;
	[tilespmem:$0x1D080] =	vst v63  }
0x50: {  	_ =	swait.ge [sflag:s11], $0x1000  }
0x51: {  	[sflag:s11] =	ssyncset.done $0x0  }
0x52: {  	s14 =	sadd.s32 $0x3140, s13;
	[sflag:s11] =	ssyncadd.s32 $0xFFFFF000  }
0x53: {  	[tilespmem:s18], [sflag:$0x3] =	stream.strided.gather [hbm4b:s14+s15], $0x200, s16, s15, $0x38;
	[tilespmem:$0x1D080] =	vst v63  }
0x54: {  	_ =	swait.ge [sflag:s12], $0x1000  }
0x55: {  	[sflag:s12] =	ssyncset.done $0x0  }
0x56: {  	s13 =	sadd.s32 $0x3160, s13;
	s7 =	simm.s32 $0xFFFFD000;
	[sflag:s12] =	ssyncadd.s32 $0xFFFFF000  }
.LBB2_2:
0x57: {  	[tilespmem:s19], [sflag:$0x4] =	stream.strided.gather [hbm4b:s13+s15], $0x200, s16, s15, $0x38;
	[tilespmem:$0x1D080] =	vst v63  }
0x58: {  	_ =	swait.ge [sflag:s20], $0x200  }
0x59: {  	[sflag:s20] =	ssyncset.done $0x0  }
0x5a: {  	[sflag:s20] =	ssyncadd.s32 $0xFFFFFE00  }
0x5b: {  	[tilespmem:s21], [sflag:$0x5] =	stream.indirect.gather [hbm4b:s4+s15], $0x10, s3, s15, $0xb8;
	[tilespmem:$0x1D080] =	vst v63  }
0x5c: {  	_ =	swait.ge [sflag:s22], $0x200  }
0x5d: {  	[sflag:s22] =	ssyncset.done $0x0  }
0x5e: {  	[sflag:s22] =	ssyncadd.s32 $0xFFFFFE00  }
0x5f: {  	[tilespmem:s23], [sflag:$0x6] =	stream.indirect.gather [hbm4b:s4+s15], $0x10, s17, s15, $0xb8;
	[tilespmem:$0x1D080] =	vst v63  }
0x60: {  	_ =	swait.ge [sflag:s24], $0x200  }
0x61: {  	[sflag:s24] =	ssyncset.done $0x0  }
0x62: {  	[sflag:s24] =	ssyncadd.s32 $0xFFFFFE00  }
0x63: {  	[tilespmem:s25], [sflag:$0x7] =	stream.indirect.gather [hbm4b:s4+s15], $0x10, s18, s15, $0xb8;
	[tilespmem:$0x1D080] =	vst v63  }
0x64: {  	_ =	swait.ge [sflag:s26], $0x200  }
0x65: {  	[sflag:s26] =	ssyncset.done $0x0  }
0x66: {  	[sflag:s26] =	ssyncadd.s32 $0xFFFFFE00  }
0x67: {  	[tilespmem:s28], [sflag:$0x8] =	stream.indirect.gather [hbm4b:s4+s15], $0x10, s19, s15, $0xb8;
	[tilespmem:$0x1D080] =	vst v63  }
0x68: {  	_ =	swait.ge [sflag:s29], $0x1000  }
0x69: {  	[sflag:s29] =	ssyncset.done $0x0  }
0x6a: {  	[sflag:s29] =	ssyncadd.s32 $0xFFFFF000  }
0x6b: {  	[spmem:s1] =	stream.indirect.scatter.add.f32 [tilespmem:s21], [sflag:$0x9], $0x10, s15, s15, $0xb8;
	[tilespmem:$0x1D080] =	vst v63  }
0x6c: {  	_ =	swait.ge [sflag:s30], $0x1000  }
0x6d: {  	[sflag:s30] =	ssyncset.done $0x0  }
0x6e: {  	[sflag:s30] =	ssyncadd.s32 $0xFFFFF000  }
0x6f: {  	[spmem:s1] =	stream.indirect.scatter.add.f32 [tilespmem:s23], [sflag:$0xA], $0x10, s31, s15, $0xb8;
	[tilespmem:$0x1D080] =	vst v63  }
0x70: {  	_ =	swait.ge [sflag:s0], $0x1000  }
0x71: {  	[sflag:s0] =	ssyncset.done $0x0  }
0x72: {  	[sflag:s0] =	ssyncadd.s32 $0xFFFFF000  }
0x73: {  	[spmem:s1] =	stream.indirect.scatter.add.f32 [tilespmem:s25], [sflag:$0xB], $0x10, s2, s15, $0xb8;
	[tilespmem:$0x1D080] =	vst v63  }
0x74: {  	_ =	swait.ge [sflag:s6], $0x1000  }
0x75: {  	[sflag:s6] =	ssyncset.done $0x0  }
0x76: {  	[sflag:s6] =	ssyncadd.s32 $0xFFFFF000  }
0x77: {  	[spmem:s1] =	stream.indirect.scatter.add.f32 [tilespmem:s28], [sflag:$0xC], $0x10, s8, s15, $0xb8;
	[tilespmem:$0x1D080] =	vst v63  }
0x78: {  	_ =	swait.ge [sflag:s9], $0x1000  }
0x79: {  	s5 =	smov.u32 s7;
	s14 =	rddreg [dreg:$0x3]  }
0x7a: {  	[sflag:s9] =	ssyncset.done $0x0;
	s13 =	sadd.s32 s5, s14  }
0x7b: {  	[sflag:s9] =	ssyncadd.s32 $0xFFFFF000;
	s14 =	sadd.s32 $0x3100, s13  }
0x7c: {  	[tilespmem:s3], [sflag:$0x1] =	stream.strided.gather [hbm4b:s14+s15], $0x200, s16, s15, $0x38;
	[tilespmem:$0x1D080] =	vst v63  }
0x7d: {  	_ =	swait.ge [sflag:s10], $0x1000  }
0x7e: {  	[sflag:s10] =	ssyncset.done $0x0  }
0x7f: {  	s5 =	sadd.s32 $0x3120, s13;
	[sflag:s10] =	ssyncadd.s32 $0xFFFFF000  }
0x80: {  	[tilespmem:s17], [sflag:$0x2] =	stream.strided.gather [hbm4b:s5+s15], $0x200, s16, s15, $0x38;
	[tilespmem:$0x1D080] =	vst v63  }
0x81: {  	_ =	swait.ge [sflag:s11], $0x1000  }
0x82: {  	p0 =	sne.s32 s7, $0xFFFFFF80;
	[sflag:s11] =	ssyncset.done $0x0  }
.Ltmp0:
0x83: {  	s5 =	sadd.s32 $0x3140, s13;
	[sflag:s11] =	ssyncadd.s32 $0xFFFFF000;
	(pc) =	sbr.rel @p0 .LBB2_2-.Ltmp0, $4  }
0x84: {  	[tilespmem:s18], [sflag:$0x3] =	stream.strided.gather [hbm4b:s5+s15], $0x200, s16, s15, $0x38;
	[tilespmem:$0x1D080] =	vst v63  }
0x85: {  	_ =	swait.ge [sflag:s12], $0x1000  }
0x86: {  	[sflag:s12] =	ssyncset.done $0x0  }
0x87: {  	s7 =	sadd.s32 $0x80, s7;
	s13 =	sadd.s32 $0x3160, s13;
	[sflag:s12] =	ssyncadd.s32 $0xFFFFF000  }
0x88: {  	[tilespmem:s19], [sflag:$0x4] =	stream.strided.gather [hbm4b:s13+s15], $0x200, s16, s15, $0x38;
	[tilespmem:$0x1D080] =	vst v63  }
0x89: {  	_ =	swait.ge [sflag:s20], $0x200  }
0x8a: {  	[sflag:s20] =	ssyncset.done $0x0  }
0x8b: {  	[sflag:s20] =	ssyncadd.s32 $0xFFFFFE00  }
0x8c: {  	[tilespmem:s21], [sflag:$0x5] =	stream.indirect.gather [hbm4b:s4+s15], $0x10, s3, s15, $0xb8;
	[tilespmem:$0x1D080] =	vst v63  }
0x8d: {  	_ =	swait.ge [sflag:s22], $0x200  }
0x8e: {  	[sflag:s22] =	ssyncset.done $0x0  }
0x8f: {  	[sflag:s22] =	ssyncadd.s32 $0xFFFFFE00  }
0x90: {  	[tilespmem:s23], [sflag:$0x6] =	stream.indirect.gather [hbm4b:s4+s15], $0x10, s17, s15, $0xb8;
	[tilespmem:$0x1D080] =	vst v63  }
0x91: {  	_ =	swait.ge [sflag:s24], $0x200  }
0x92: {  	[sflag:s24] =	ssyncset.done $0x0  }
0x93: {  	[sflag:s24] =	ssyncadd.s32 $0xFFFFFE00  }
0x94: {  	[tilespmem:s25], [sflag:$0x7] =	stream.indirect.gather [hbm4b:s4+s15], $0x10, s18, s15, $0xb8;
	[tilespmem:$0x1D080] =	vst v63  }
0x95: {  	_ =	swait.ge [sflag:s26], $0x200  }
0x96: {  	[sflag:s26] =	ssyncset.done $0x0  }
0x97: {  	[sflag:s26] =	ssyncadd.s32 $0xFFFFFE00  }
0x98: {  	[tilespmem:s28], [sflag:$0x8] =	stream.indirect.gather [hbm4b:s4+s15], $0x10, s19, s15, $0xb8;
	[tilespmem:$0x1D080] =	vst v63  }
0x99: {  	_ =	swait.ge [sflag:s29], $0x1000  }
0x9a: {  	[sflag:s29] =	ssyncset.done $0x0  }
0x9b: {  	[sflag:s29] =	ssyncadd.s32 $0xFFFFF000  }
0x9c: {  	[spmem:s1] =	stream.indirect.scatter.add.f32 [tilespmem:s21], [sflag:$0x9], $0x10, s15, s15, $0xb8;
	[tilespmem:$0x1D080] =	vst v63  }
0x9d: {  	_ =	swait.ge [sflag:s30], $0x1000  }
0x9e: {  	[sflag:s30] =	ssyncset.done $0x0  }
0x9f: {  	[sflag:s30] =	ssyncadd.s32 $0xFFFFF000  }
0xa0: {  	[spmem:s1] =	stream.indirect.scatter.add.f32 [tilespmem:s23], [sflag:$0xA], $0x10, s31, s15, $0xb8;
	[tilespmem:$0x1D080] =	vst v63  }
0xa1: {  	_ =	swait.ge [sflag:s0], $0x1000  }
0xa2: {  	[sflag:s0] =	ssyncset.done $0x0  }
0xa3: {  	[sflag:s0] =	ssyncadd.s32 $0xFFFFF000  }
0xa4: {  	[spmem:s1] =	stream.indirect.scatter.add.f32 [tilespmem:s25], [sflag:$0xB], $0x10, s2, s15, $0xb8;
	[tilespmem:$0x1D080] =	vst v63  }
0xa5: {  	_ =	swait.ge [sflag:s6], $0x1000  }
0xa6: {  	[sflag:s6] =	ssyncset.done $0x0  }
0xa7: {  	[sflag:s6] =	ssyncadd.s32 $0xFFFFF000  }
0xa8: {  	[spmem:s1] =	stream.indirect.scatter.add.f32 [tilespmem:s28], [sflag:$0xC], $0x10, s8, s15, $0xb8;
	[tilespmem:$0x1D080] =	vst v63  }
0xa9: {  	_ =	swait.ge [sflag:s9], $0x1000  }
0xaa: {  	[sflag:s9] =	ssyncset.done $0x0  }
0xab: {  	[sflag:s9] =	ssyncadd.s32 $0xFFFFF000  }
0xac: {  	_ =	swait.ge [sflag:s10], $0x1000  }
0xad: {  	[sflag:s10] =	ssyncset.done $0x0  }
0xae: {  	[sflag:s10] =	ssyncadd.s32 $0xFFFFF000  }
0xaf: {  	_ =	swait.ge [sflag:s11], $0x1000  }
0xb0: {  	[sflag:s11] =	ssyncset.done $0x0  }
0xb1: {  	[sflag:s11] =	ssyncadd.s32 $0xFFFFF000  }
0xb2: {  	_ =	swait.ge [sflag:s12], $0x1000  }
0xb3: {  	[sflag:s12] =	ssyncset.done $0x0  }
0xb4: {  	[sflag:s12] =	ssyncadd.s32 $0xFFFFF000  }
0xb5: {  	[bflag:$0x0] =	sbarrier.arrive $0xFFFF  }
0xb6: {  	s13 =	rddreg [dreg:$0x6]  }
0xb7: {  	s7 =	rddreg [dreg:$0xa]  }
0xb8: {  	s14 =	rddreg [dreg:$0xc]  }
0xb9: {  	[hbm:s7], [sflag:s13] =	dma.local [spmem:s14], $0x3100  }
0xba: {  	s7 =	simm.s32 $0xD  }
0xbb: {  	_ =	swait.ge [sflag:s7], $0x3100  }
0xbc: {  	s5 =	rddreg [dreg:$0xd]  }
0xbd: {  	[sflag:s7] =	ssyncset.done $0x0;
	s7 =	rddreg [dreg:$0xb];
	s5 =	sadd.s32 $0x1, s5  }
0xbe: {  	p0 =	sne.s32 s5, s7  }
.Ltmp1:
0xbf: {  	_ = 	snop;
	(pc) =	sbr.rel @p0 .LBB2_1-.Ltmp1, $3  }
0xc0: {  	_ =	sdelay $0x1  }
0xc1: {  	s7 =	simm.s32 $0xD  }
0xc2: {  	[dreg:$0xd] =	wrdreg s5;
	[sflag:s7] =	ssyncadd.s32 $0xFFFFCF00  }
0xc3: {  	_ =	sfence.sel $0x180000  }
0xc4: {  	[bflag:$0x0] =	sbarrier.arrive $0xFFFF  }
0xc5: {  	_ =	strace $0x90000050  }
0xc6: {  	s0 =	stileid.u32;
	[bflag:$0x2] =	sbarrier.arrive $0xFFFF  }
0xc7: {  	p0 =	sne.s32 s0, $0x0;
	s0 =	rddreg [dreg:$0x2]  }
0xc8: {  	s0 =	sadd.s32 @!p0 $0x100000, s0  }
0xc9: {  	[sflag:s0] =	ssyncadd.tile.s32 @!p0 $0x1;
	_ =	shalt  }
.Lfunc_end2:
_tile_overlayer_lowered:
.L_overlay_start_2:
0xca: {  	(tag) =	ssettag $0x2  }
0xcb: {  	s0 =	rddreg [dreg:$0x0];
	s2 =	stileid.u32  }
0xcc: {  	s1 =	rddreg [dreg:$0x1];
	p0 =	sne.s32 s2, $0x0  }
0xcd: {  	s3 =	rddreg [dreg:$0x2];
	[bflag:$0x3] =	sbarrier.arrive $0xFFFF;
	s2 =	simm.s32 @!p0 $0x1C0D  }
0xce: {  	[timem:s3], [sflag:s2] =	dma.local @!p0 [hbm:s0], s1  }
0xcf: {  	s0 =	simm.s32 @!p0 $0xD  }
0xd0: {  	_ =	swait.ge @!p0 [sflag:s0], s1  }
0xd1: {  	s1 =	ssub.s32 @!p0 $0x0, s1;
	[sflag:s0] =	ssyncset.done @!p0 $0x0  }
0xd2: {  	[sflag:s0] =	ssyncadd.s32 @!p0 s1  }
0xd3: {  	[bflag:$0x3] =	sbarrier.arrive $0xFFFF  }
0xd4: {  	_ =	shalt  }

// kernel: kernel.25.cloned.1.call-start
scs
__scs_entry_jumppad:
0x0: {  	(pc) =	sbr.rel $0x88, $3  }
0x1: {  	(tag) =	ssettag $0x0;
	lr =	simm.s32 $0x1  }
0x2: {  	[smem:$0x3F97] =	sst lr;
	_ =	strace $0xD0000000  }
0x3: {  	_ = 	snop  }
0x4: {  	_ = 	snop  }
0x5: {  	_ = 	snop  }
0x6: {  	_ = 	snop  }
0x7: {  	_ = 	snop  }
__scs_overlays_trampoline_lowered:
0x8: {  	[smem:$0x3FA6] =	sst s0  }
0x9: {  	[smem:$0x3FA7] =	sst s1  }
0xa: {  	[smem:$0x3FA8] =	sst s2  }
0xb: {  	[smem:$0x3FA9] =	sst s3  }
0xc: {  	[smem:$0x3FAA] =	sst s4  }
0xd: {  	[smem:$0x3FAB] =	sst s5  }
0xe: {  	[smem:$0x3FAC] =	sst s6  }
0xf: {  	[smem:$0x3FAD] =	sst s7  }
0x10: {  	[smem:$0x3FAE] =	sst s8  }
0x11: {  	[smem:$0x3FAF] =	sst s9;
	s0 =	simm.s32 @!p0 $0x0  }
0x12: {  	s1 =	sld [smem:$0x3F95];
	s0 =	simm.s32 @p0 $0x1  }
0x13: {  	[smem:$0x3FB0] =	sst s0;
	s0 =	simm.s32 @!p1 $0x0  }
0x14: {  	s2 =	sld [smem:$0x3F94];
	s0 =	simm.s32 @p1 $0x1  }
0x15: {  	[smem:$0x3FB1] =	sst s0;
	s0 =	simm.s32 @!p2 $0x0  }
0x16: {  	s3 =	sld [smem:$0x3FDB];
	s0 =	simm.s32 @p2 $0x1  }
0x17: {  	s4 =	simm.s32 $0x1BF5;
	[smem:$0x3FB3] =	sst s0  }
0x18: {  	s0 =	sld [smem:$0x3F96];
	_ =	swait.ge [sflag:s4], $0x0  }
0x19: {  	s7 =	sld [smem:$0x3F97]  }
0x1a: {  	s8 =	sadd.s32 $0xFFFFE003, lr  }
0x1b: {  	s9 =	sadd.s32 $0xFFFFFEF7, lr;
	s5 =	simm.s32 $0xFFFFFFFF;
	p2 =	slt.u32 s8, $0xFFFFF086  }
0x1c: {  	p1 =	slt.u32 s9, $0xF7A;
	s5 =	simm.s32 @!p2 $0x0  }
0x1d: {  	s5 =	simm.s32 @p1 $0x1;
	p0 =	seq.s32 s7, s2  }
0x1e: {  	s7 =	smul.u32 @!p0 $0xF7A, s2;
	p2 =	seq.s32 @!p0 s5, $0x0  }
0x1f: {  	s9 =	smul.u32 $0xF7A, s1;
	s8 =	simm.s32 @!p0 $0x1BF5;
	p2 =	por !p2, p0  }
0x20: {  	[sflag:s8] =	ssyncset.s32 @!p0 $0xFFFFF086;
	s6 =	sadd.s32 @!p0 s3, s7;
	s7 =	simm.s32 @!p0 $0x108  }
0x21: {  	s3 =	sadd.s32 s3, s9;
	s6 =	sadd.s32 @!p0 $0x88, s6;
	s7 =	simm.s32 @p2 $0x1082  }
0x22: {  	[simem:s7], [sflag:s8] =	dma.local @!p0 [hbm:s6], $0xF7A  }
0x23: {  	s9 =	sor.u32 $0xD0000000, s2;
	s6 =	simm.s32 $0x108;
	_ =	swait.ge @!p0 [sflag:s8], $0x0  }
0x24: {  	s3 =	sadd.s32 $0x88, s3;
	s6 =	simm.s32 @!p1 $0x1082;
	[sflag:s4] =	ssyncset.s32 $0xFFFFF086  }
0x25: {  	[simem:s6], [sflag:s4] =	dma.local [hbm:s3], $0xF7A  }
0x26: {  	[smem:$0x3F97] =	sst s1;
	(tag) =	ssettag s2;
	_ =	strace s9  }
0x27: {  	s1 =	sld [smem:$0x3FA7]  }
0x28: {  	s2 =	sld [smem:$0x3FA8]  }
0x29: {  	s4 =	sld [smem:$0x3FAA]  }
0x2a: {  	p0 =	seq.s32 s5, $0x0;
	s5 =	sld [smem:$0x3FAB]  }
0x2b: {  	s6 =	sld [smem:$0x3FAC]  }
0x2c: {  	s7 =	sld [smem:$0x3FAD]  }
0x2d: {  	s3 =	simm.s32 $0x108;
	s8 =	sld [smem:$0x3FAE]  }
0x2e: {  	s3 =	simm.s32 @!p0 $0x1082;
	s9 =	sld [smem:$0x3FAF]  }
0x2f: {  	lr =	sadd.s32 s0, s3;
	s0 =	sld [smem:$0x3FA6]  }
0x30: {  	s3 =	sld [smem:$0x3FA9]  }
0x31: {  	[smem:$0x3FB2] =	sst s10  }
0x32: {  	s10 =	sld [smem:$0x3FB0];
	_ =	sdelay $0x3  }
0x33: {  	p0 =	seq.s32 s10, $0x1;
	s10 =	sld [smem:$0x3FB2];
	_ =	sdelay $0x3  }
0x34: {  	[smem:$0x3FB2] =	sst s10  }
0x35: {  	s10 =	sld [smem:$0x3FB1];
	_ =	sdelay $0x3  }
0x36: {  	p1 =	seq.s32 s10, $0x1;
	s10 =	sld [smem:$0x3FB2];
	_ =	sdelay $0x3  }
0x37: {  	[smem:$0x3FB2] =	sst s10  }
0x38: {  	s10 =	sld [smem:$0x3FB3]  }
0x39: {  	_ = 	snop;
	(pc) =	sbr.ind lr, $3  }
0x3a: {  	_ = 	snop  }
0x3b: {  	_ = 	snop  }
0x3c: {  	p2 =	seq.s32 s10, $0x1;
	s10 =	sld [smem:$0x3FB2]  }
0x3d: {  	_ =	shalt  }
0x3e: {  	_ =	shalt  }
0x3f: {  	_ =	shalt  }
0x40: {  	_ =	shalt  }
0x41: {  	_ =	shalt  }
0x42: {  	_ =	shalt  }
0x43: {  	_ =	shalt  }
0x44: {  	_ =	shalt  }
0x45: {  	_ =	shalt  }
0x46: {  	_ =	shalt  }
0x47: {  	_ =	shalt  }
0x48: {  	_ =	shalt  }
0x49: {  	_ =	shalt  }
0x4a: {  	_ =	shalt  }
0x4b: {  	_ =	shalt  }
0x4c: {  	_ =	shalt  }
0x4d: {  	_ =	shalt  }
0x4e: {  	_ =	shalt  }
0x4f: {  	_ =	shalt  }
0x50: {  	_ =	shalt  }
0x51: {  	_ =	shalt  }
0x52: {  	_ =	shalt  }
0x53: {  	_ =	shalt  }
0x54: {  	_ =	shalt  }
0x55: {  	_ =	shalt  }
0x56: {  	_ =	shalt  }
0x57: {  	_ =	shalt  }
0x58: {  	_ =	shalt  }
0x59: {  	_ =	shalt  }
0x5a: {  	_ =	shalt  }
0x5b: {  	_ =	shalt  }
0x5c: {  	_ =	shalt  }
0x5d: {  	_ =	shalt  }
0x5e: {  	_ =	shalt  }
0x5f: {  	_ =	shalt  }
0x60: {  	_ =	shalt  }
0x61: {  	_ =	shalt  }
0x62: {  	_ =	shalt  }
0x63: {  	_ =	shalt  }
0x64: {  	_ =	shalt  }
0x65: {  	_ =	shalt  }
0x66: {  	_ =	shalt  }
0x67: {  	_ =	shalt  }
0x68: {  	_ =	shalt  }
0x69: {  	_ =	shalt  }
0x6a: {  	_ =	shalt  }
0x6b: {  	_ =	shalt  }
0x6c: {  	_ =	shalt  }
0x6d: {  	_ =	shalt  }
0x6e: {  	_ =	shalt  }
0x6f: {  	_ =	shalt  }
0x70: {  	_ =	shalt  }
0x71: {  	_ =	shalt  }
0x72: {  	_ =	shalt  }
0x73: {  	_ =	shalt  }
0x74: {  	_ =	shalt  }
0x75: {  	_ =	shalt  }
0x76: {  	_ =	shalt  }
0x77: {  	_ =	shalt  }
0x78: {  	_ =	shalt  }
0x79: {  	_ =	shalt  }
0x7a: {  	_ =	shalt  }
0x7b: {  	_ =	shalt  }
0x7c: {  	_ =	shalt  }
0x7d: {  	_ =	shalt  }
0x7e: {  	_ =	shalt  }
0x7f: {  	_ =	shalt  }
0x80: {  	_ =	shalt  }
0x81: {  	_ =	shalt  }
0x82: {  	_ =	shalt  }
0x83: {  	_ =	shalt  }
0x84: {  	_ =	shalt  }
0x85: {  	_ =	shalt  }
0x86: {  	_ =	shalt  }
0x87: {  	_ =	shalt  }
.Lfunc_end0:
.L_simem_size_0:
called_computation.4_lowered:
.L_overlay_start_0:
0x88: {  	s2 =	sld [smem:$0x3FD9]  }
0x89: {  	s3 =	sld [smem:$0x3FFE];
	_ =	sdelay $0x1  }
0x8a: {  	s1 =	srdreg.scid  }
0x8b: {  	s0 =	sand.u32 $0x1, s1  }
0x8c: {  	s16 =	sshll.u32 s0, $0xA;
	s2 =	sadd.s32 s3, s2  }
0x8d: {  	s2 =	sadd.s32 s2, s16  }
0x8e: {  	[smem:$0x3FBE] =	sst s2  }
0x8f: {  	_ = 	snop  }
0x90: {  	(tm) =	ssettm $0x1  }
0x91: {  	s17 =	sld [smem:$0x3FFB];
	_ =	sdelay $0x3  }
0x92: {  	_ =	strace s17  }
0x93: {  	s2 =	sld [smem:$0x3FFC];
	_ =	sdelay $0x3  }
0x94: {  	_ =	strace s2  }
0x95: {  	s2 =	sld [smem:$0x3FFD];
	_ =	sdelay $0x3  }
0x96: {  	_ =	strace s2  }
0x97: {  	_ =	strace $0x8FFFFFFF  }
0x98: {  	s18 =	sld [smem:$0x3FDB];
	_ =	sdelay $0x1  }
0x99: {  	s19 =	simm.s32 $_scs_section_size  }
0x9a: {  	s4 =	simm.s32 $_size__tile_overlayer_lowered;
	s5 =	simm.s32 $_tile_overlayer_lowered  }
0x9b: {  	s22 =	simm.s32 $0x1BFF;
	s21 =	sshll.u32 s5, $0x1;
	s2 =	sadd.s32 s19, s18  }
0x9c: {  	s6 =	simm.s32 $0x0;
	s20 =	sshll.u32 s4, $0x1;
	s4 =	sadd.s32 s21, s2  }
0x9d: {  	[timem:s6], [sflag:s22] =	dma.local [hbm:s4], s20  }
0x9e: {  	_ =	swait.ge [sflag:s22], s20  }
0x9f: {  	s3 =	ssub.s32 $0x0, s20;
	[sflag:s22] =	ssyncset.done $0x0  }
0xa0: {  	[sflag:s22] =	ssyncadd.s32 s3;
	_ =	sdelay $0x1  }
0xa1: {  	s23 =	simm.s32 $0x1B8B  }
0xa2: {  	_ =	swait.ge [sflag:s23], $0x1  }
0xa3: {  	[sflag:s23] =	ssyncset.done $0x0  }
0xa4: {  	s25 =	simm.s32 $0x1B8E;
	s24 =	sld [smem:$0x3FFE];
	[sflag:s23] =	ssyncadd.s32 $0xFFFFFFFF  }
0xa5: {  	s26 =	simm.s32 $execute0_lowered;
	[smem:$0x3FD2] =	sst s25  }
0xa6: {  	s4 =	sshll.u32 s26, $0x1;
	_ =	strace $0x80000052;
	[dreg:$0x1] =	wrdreg $0xFFFFFFFF  }
0xa7: {  	s28 =	simm.s32 $_size_execute0_lowered;
	s2 =	sadd.s32 s2, s4;
	[dreg:$0x0] =	wrdreg $0x0  }
0xa8: {  	s4 =	sshll.u32 s28, $0x1;
	[dreg:$0x2] =	wrdreg s2  }
0xa9: {  	[dreg:$0x3] =	wrdreg s4  }
0xaa: {  	[dreg:$0x4] =	wrdreg $0xC0  }
0xab: {  	_ =	task [dreg:s6], $0x5FFFF  }
0xac: {  	[dreg:$0x1] =	wrdreg $0xFFFFFFFF  }
0xad: {  	[dreg:$0x0] =	wrdreg $0x60  }
0xae: {  	[dreg:$0x2] =	wrdreg s24  }
0xaf: {  	[dreg:$0x3] =	wrdreg $0x48000  }
0xb0: {  	[dreg:$0x4] =	wrdreg $0x9  }
0xb1: {  	_ =	task.clear_ibuf [dreg:s6], $0x5FFFF;
	_ =	strace $0x90000052  }
0xb2: {  	s29 =	simm.s32 $0x9;
	_ =	strace $0x80000054  }
0xb3: {  	_ =	swait.ge [sflag:s29], $0x1  }
0xb4: {  	[sflag:s29] =	ssyncadd.s32 $0xFFFFFFFF  }
0xb5: {  	_ =	strace $0x90000054  }
0xb6: {  	_ =	sfence  }
0xb7: {  	s30 =	sld [smem:$0x0];
	_ =	sdelay $0x2  }
0xb8: {  	s31 =	sshll.u32 s1, $0xD;
	s1 =	sshrl.u32 s1, $0x2  }
0xb9: {  	s3 =	sand.u32 $0x4000, s31;
	s1 =	sadd.s32 s1, s30  }
0xba: {  	s0 =	sor.u32 s3, s0;
	s1 =	sshll.u32 s1, $0x11  }
0xbb: {  	s0 =	sor.u32 s1, s0  }
0xbc: {  	s0 =	sadd.s32 $0x8F2B, s0  }
0xbd: {  	[sflag:s0] =	ssyncadd.remote.s32 $0x1  }
0xbe: {  	_ =	sfence.sel $0xFFFF  }
0xbf: {  	[dreg:$0x0] =	wrdreg $0xFFFFFFFF;
	(pc) =	sbr.abs _section_cstart, $3  }
0xc0: {  	[dreg:$0x1] =	wrdreg $0xFFFFFFFF  }
0xc1: {  	_ =	task.clear_ibuf [dreg:s6], $0x2FFFF;
	_ =	strace $0x9FFFFFFF  }
0xc2: {  	(tm) =	ssettm $0x7FFFFFFF  }
0xc3: {  	_ =	shalt  }
tec
execute0_lowered:
.L_overlay_start_1:
0x0: {  	(tag) =	ssettag $0x1  }
0x1: {  	s0 =	rddreg [dreg:$0x0]  }
0x2: {  	s1 =	rddreg [dreg:$0x1];
	s2 =	srdreg.scid;
	s3 =	simm.s32 $0x0  }
0x3: {  	s9 =	stileid.u32;
	s15 =	simm.s32 $0x100;
	s16 =	simm.s32 $0x188000  }
0x4: {  	s17 =	simm.s32 $0x200;
	s18 =	simm.s32 $0x400;
	s19 =	simm.s32 $0x600  }
0x5: {  	s20 =	simm.s32 $0x1;
	s28 =	simm.s32 $0x3800;
	s29 =	simm.s32 $0x5  }
0x6: {  	s30 =	simm.s32 $0x6;
	s31 =	simm.s32 $0x300;
	s11 =	simm.s32 $0xB  }
0x7: {  	s12 =	simm.s32 $0xC;
	s2 =	sand.u32 $0x1, s2;
	s5 =	smul.u32 $0x18800, s9  }
0x8: {  	[smem:$0x7FF] =	sst s3;
	s22 =	sshll.u32 s9, $0x6;
	s9 =	smul.u32 $0x3100, s9  }
0x9: {  	s8 =	sadd.s32 $0x40400, s0;
	s4 =	smul.u32 $0x188000, s2;
	_ =	strace $0x80000053  }
0xa: {  	s2 =	ssub.s32 $0x2, s2;
	s13 =	sor.u32 $0x1C0D, s22;
	s22 =	simm.s32 $0x2  }
0xb: {  	s7 =	sshrl.u32 s2, $0x1;
	s21 =	sadd.s32 s5, s1;
	s26 =	sadd.s32 s9, s8  }
0xc: {  	s9 =	simm.s32 $0x9;
	[dreg:$0x6] =	wrdreg s13;
	s6 =	sshrl.u32 s4, $0x3  }
0xd: {  	s4 =	sadd.s32 s5, s4;
	s2 =	ssub.s32 s2, s7;
	s5 =	sshrl.u32 s5, $0x3  }
0xe: {  	[dreg:$0x3] =	wrdreg s26;
	s14 =	sshrl.u32 s21, $0x3;
	s21 =	simm.s32 $0x800  }
0xf: {  	s26 =	simm.s32 $0x4;
	s7 =	simm.s32 $0x0;
	s6 =	sadd.s32 s6, s0  }
0x10: {  	s4 =	sshrl.u32 s4, $0x3;
	s10 =	sadd.s32 s8, s5;
	[dreg:$0xd] =	wrdreg s7  }
0x11: {  	s8 =	simm.s32 $0x700;
	[dreg:$0xc] =	wrdreg s14;
	s0 =	sadd.s32 s4, s0  }
0x12: {  	s4 =	sadd.s32 $0xA2400, s6;
	s23 =	sadd.s32 $0x20, s10;
	[dreg:$0x4] =	wrdreg s10  }
0x13: {  	s24 =	sadd.s32 $0x40, s10;
	s25 =	sadd.s32 $0x60, s10;
	[dreg:$0x7] =	wrdreg s23  }
0x14: {  	s6 =	smax.u32 s2, $0x1;
	s2 =	simm.s32 $0x500;
	[dreg:$0x8] =	wrdreg s24  }
0x15: {  	s10 =	simm.s32 $0xA;
	s5 =	sadd.s32 s5, s4;
	[dreg:$0x9] =	wrdreg s25  }
0x16: {  	s0 =	sadd.s32 $0x104400, s0;
	[dreg:$0xb] =	wrdreg s6;
	s23 =	simm.s32 $0x1800  }
0x17: {  	s24 =	simm.s32 $0x3;
	s25 =	simm.s32 $0x2800;
	[dreg:$0x5] =	wrdreg s5  }
0x18: {  	s6 =	simm.s32 $0x8;
	[dreg:$0xa] =	wrdreg s0;
	s0 =	simm.s32 $0x7  }
.LBB2_1:
0x19: {  	s5 =	simm.s32 $0xD;
	s7 =	rddreg [dreg:$0x5]  }
0x1a: {  	[spmem:s14], [sflag:s13] =	dma.local [hbm:s7], $0x3100  }
0x1b: {  	_ =	swait.ge [sflag:s5], $0x3100  }
0x1c: {  	[sflag:s5] =	ssyncset.done $0x0  }
0x1d: {  	[sflag:s5] =	ssyncadd.s32 $0xFFFFCF00  }
0x1e: {  	[bflag:$0x0] =	sbarrier.arrive $0xFFFF  }
0x1f: {  	s13 =	rddreg [dreg:$0x4]  }
0x20: {  	[tilespmem:s3], [sflag:$0x1] =	stream.strided.gather [hbm4b:s13+s15], $0x200, s16, s15, $0x38;
	[tilespmem:$0x1D080] =	vst v63  }
0x21: {  	s14 =	rddreg [dreg:$0x7]  }
0x22: {  	[tilespmem:s17], [sflag:$0x2] =	stream.strided.gather [hbm4b:s14+s15], $0x200, s16, s15, $0x38;
	[tilespmem:$0x1D080] =	vst v63  }
0x23: {  	s5 =	rddreg [dreg:$0x8]  }
0x24: {  	[tilespmem:s18], [sflag:$0x3] =	stream.strided.gather [hbm4b:s5+s15], $0x200, s16, s15, $0x38;
	[tilespmem:$0x1D080] =	vst v63  }
0x25: {  	s13 =	rddreg [dreg:$0x9]  }
0x26: {  	[tilespmem:s19], [sflag:$0x4] =	stream.strided.gather [hbm4b:s13+s15], $0x200, s16, s15, $0x38;
	[tilespmem:$0x1D080] =	vst v63  }
0x27: {  	_ =	swait.ge [sflag:s20], $0x200  }
0x28: {  	[sflag:s20] =	ssyncset.done $0x0  }
0x29: {  	[sflag:s20] =	ssyncadd.s32 $0xFFFFFE00  }
0x2a: {  	[tilespmem:s21], [sflag:$0x5] =	stream.indirect.gather [hbm4b:s4+s15], $0x10, s3, s15, $0xb8;
	[tilespmem:$0x1D080] =	vst v63  }
0x2b: {  	_ =	swait.ge [sflag:s22], $0x200  }
0x2c: {  	[sflag:s22] =	ssyncset.done $0x0  }
0x2d: {  	[sflag:s22] =	ssyncadd.s32 $0xFFFFFE00  }
0x2e: {  	[tilespmem:s23], [sflag:$0x6] =	stream.indirect.gather [hbm4b:s4+s15], $0x10, s17, s15, $0xb8;
	[tilespmem:$0x1D080] =	vst v63  }
0x2f: {  	_ =	swait.ge [sflag:s24], $0x200  }
0x30: {  	[sflag:s24] =	ssyncset.done $0x0  }
0x31: {  	[sflag:s24] =	ssyncadd.s32 $0xFFFFFE00  }
0x32: {  	[tilespmem:s25], [sflag:$0x7] =	stream.indirect.gather [hbm4b:s4+s15], $0x10, s18, s15, $0xb8;
	[tilespmem:$0x1D080] =	vst v63  }
0x33: {  	_ =	swait.ge [sflag:s26], $0x200  }
0x34: {  	[sflag:s26] =	ssyncset.done $0x0  }
0x35: {  	[sflag:s26] =	ssyncadd.s32 $0xFFFFFE00  }
0x36: {  	[tilespmem:s28], [sflag:$0x8] =	stream.indirect.gather [hbm4b:s4+s15], $0x10, s19, s15, $0xb8;
	[tilespmem:$0x1D080] =	vst v63  }
0x37: {  	_ =	swait.ge [sflag:s29], $0x1000  }
0x38: {  	[sflag:s29] =	ssyncset.done $0x0  }
0x39: {  	[sflag:s29] =	ssyncadd.s32 $0xFFFFF000  }
0x3a: {  	[spmem:s1] =	stream.indirect.scatter.add.f32 [tilespmem:s21], [sflag:$0x9], $0x10, s15, s15, $0xb8;
	[tilespmem:$0x1D080] =	vst v63  }
0x3b: {  	_ =	swait.ge [sflag:s30], $0x1000  }
0x3c: {  	[sflag:s30] =	ssyncset.done $0x0  }
0x3d: {  	[sflag:s30] =	ssyncadd.s32 $0xFFFFF000  }
0x3e: {  	[spmem:s1] =	stream.indirect.scatter.add.f32 [tilespmem:s23], [sflag:$0xA], $0x10, s31, s15, $0xb8;
	[tilespmem:$0x1D080] =	vst v63  }
0x3f: {  	_ =	swait.ge [sflag:s0], $0x1000  }
0x40: {  	[sflag:s0] =	ssyncset.done $0x0  }
0x41: {  	[sflag:s0] =	ssyncadd.s32 $0xFFFFF000  }
0x42: {  	[spmem:s1] =	stream.indirect.scatter.add.f32 [tilespmem:s25], [sflag:$0xB], $0x10, s2, s15, $0xb8;
	[tilespmem:$0x1D080] =	vst v63  }
0x43: {  	_ =	swait.ge [sflag:s6], $0x1000  }
0x44: {  	[sflag:s6] =	ssyncset.done $0x0  }
0x45: {  	[sflag:s6] =	ssyncadd.s32 $0xFFFFF000  }
0x46: {  	[spmem:s1] =	stream.indirect.scatter.add.f32 [tilespmem:s28], [sflag:$0xC], $0x10, s8, s15, $0xb8;
	[tilespmem:$0x1D080] =	vst v63  }
0x47: {  	_ =	swait.ge [sflag:s9], $0x1000  }
0x48: {  	s14 =	rddreg [dreg:$0x3]  }
0x49: {  	[sflag:s9] =	ssyncset.done $0x0;
	s13 =	sadd.s32 $0xFFFFCF80, s14  }
0x4a: {  	[sflag:s9] =	ssyncadd.s32 $0xFFFFF000;
	s7 =	sadd.s32 $0x3100, s13  }
0x4b: {  	[tilespmem:s3], [sflag:$0x1] =	stream.strided.gather [hbm4b:s7+s15], $0x200, s16, s15, $0x38;
	[tilespmem:$0x1D080] =	vst v63  }
0x4c: {  	_ =	swait.ge [sflag:s10], $0x1000  }
0x4d: {  	[sflag:s10] =	ssyncset.done $0x0  }
0x4e: {  	s5 =	sadd.s32 $0x3120, s13;
	[sflag:s10] =	ssyncadd.s32 $0xFFFFF000  }
0x4f: {  	[tilespmem:s17], [sflag:$0x2] =	stream.strided.gather [hbm4b:s5+s15], $0x200, s16, s15, $0x38;
	[tilespmem:$0x1D080] =	vst v63  }
0x50: {  	_ =	swait.ge [sflag:s11], $0x1000  }
0x51: {  	[sflag:s11] =	ssyncset.done $0x0  }
0x52: {  	s14 =	sadd.s32 $0x3140, s13;
	[sflag:s11] =	ssyncadd.s32 $0xFFFFF000  }
0x53: {  	[tilespmem:s18], [sflag:$0x3] =	stream.strided.gather [hbm4b:s14+s15], $0x200, s16, s15, $0x38;
	[tilespmem:$0x1D080] =	vst v63  }
0x54: {  	_ =	swait.ge [sflag:s12], $0x1000  }
0x55: {  	[sflag:s12] =	ssyncset.done $0x0  }
0x56: {  	s13 =	sadd.s32 $0x3160, s13;
	s7 =	simm.s32 $0xFFFFD000;
	[sflag:s12] =	ssyncadd.s32 $0xFFFFF000  }
.LBB2_2:
0x57: {  	[tilespmem:s19], [sflag:$0x4] =	stream.strided.gather [hbm4b:s13+s15], $0x200, s16, s15, $0x38;
	[tilespmem:$0x1D080] =	vst v63  }
0x58: {  	_ =	swait.ge [sflag:s20], $0x200  }
0x59: {  	[sflag:s20] =	ssyncset.done $0x0  }
0x5a: {  	[sflag:s20] =	ssyncadd.s32 $0xFFFFFE00  }
0x5b: {  	[tilespmem:s21], [sflag:$0x5] =	stream.indirect.gather [hbm4b:s4+s15], $0x10, s3, s15, $0xb8;
	[tilespmem:$0x1D080] =	vst v63  }
0x5c: {  	_ =	swait.ge [sflag:s22], $0x200  }
0x5d: {  	[sflag:s22] =	ssyncset.done $0x0  }
0x5e: {  	[sflag:s22] =	ssyncadd.s32 $0xFFFFFE00  }
0x5f: {  	[tilespmem:s23], [sflag:$0x6] =	stream.indirect.gather [hbm4b:s4+s15], $0x10, s17, s15, $0xb8;
	[tilespmem:$0x1D080] =	vst v63  }
0x60: {  	_ =	swait.ge [sflag:s24], $0x200  }
0x61: {  	[sflag:s24] =	ssyncset.done $0x0  }
0x62: {  	[sflag:s24] =	ssyncadd.s32 $0xFFFFFE00  }
0x63: {  	[tilespmem:s25], [sflag:$0x7] =	stream.indirect.gather [hbm4b:s4+s15], $0x10, s18, s15, $0xb8;
	[tilespmem:$0x1D080] =	vst v63  }
0x64: {  	_ =	swait.ge [sflag:s26], $0x200  }
0x65: {  	[sflag:s26] =	ssyncset.done $0x0  }
0x66: {  	[sflag:s26] =	ssyncadd.s32 $0xFFFFFE00  }
0x67: {  	[tilespmem:s28], [sflag:$0x8] =	stream.indirect.gather [hbm4b:s4+s15], $0x10, s19, s15, $0xb8;
	[tilespmem:$0x1D080] =	vst v63  }
0x68: {  	_ =	swait.ge [sflag:s29], $0x1000  }
0x69: {  	[sflag:s29] =	ssyncset.done $0x0  }
0x6a: {  	[sflag:s29] =	ssyncadd.s32 $0xFFFFF000  }
0x6b: {  	[spmem:s1] =	stream.indirect.scatter.add.f32 [tilespmem:s21], [sflag:$0x9], $0x10, s15, s15, $0xb8;
	[tilespmem:$0x1D080] =	vst v63  }
0x6c: {  	_ =	swait.ge [sflag:s30], $0x1000  }
0x6d: {  	[sflag:s30] =	ssyncset.done $0x0  }
0x6e: {  	[sflag:s30] =	ssyncadd.s32 $0xFFFFF000  }
0x6f: {  	[spmem:s1] =	stream.indirect.scatter.add.f32 [tilespmem:s23], [sflag:$0xA], $0x10, s31, s15, $0xb8;
	[tilespmem:$0x1D080] =	vst v63  }
0x70: {  	_ =	swait.ge [sflag:s0], $0x1000  }
0x71: {  	[sflag:s0] =	ssyncset.done $0x0  }
0x72: {  	[sflag:s0] =	ssyncadd.s32 $0xFFFFF000  }
0x73: {  	[spmem:s1] =	stream.indirect.scatter.add.f32 [tilespmem:s25], [sflag:$0xB], $0x10, s2, s15, $0xb8;
	[tilespmem:$0x1D080] =	vst v63  }
0x74: {  	_ =	swait.ge [sflag:s6], $0x1000  }
0x75: {  	[sflag:s6] =	ssyncset.done $0x0  }
0x76: {  	[sflag:s6] =	ssyncadd.s32 $0xFFFFF000  }
0x77: {  	[spmem:s1] =	stream.indirect.scatter.add.f32 [tilespmem:s28], [sflag:$0xC], $0x10, s8, s15, $0xb8;
	[tilespmem:$0x1D080] =	vst v63  }
0x78: {  	_ =	swait.ge [sflag:s9], $0x1000  }
0x79: {  	s5 =	smov.u32 s7;
	s14 =	rddreg [dreg:$0x3]  }
0x7a: {  	[sflag:s9] =	ssyncset.done $0x0;
	s13 =	sadd.s32 s5, s14  }
0x7b: {  	[sflag:s9] =	ssyncadd.s32 $0xFFFFF000;
	s14 =	sadd.s32 $0x3100, s13  }
0x7c: {  	[tilespmem:s3], [sflag:$0x1] =	stream.strided.gather [hbm4b:s14+s15], $0x200, s16, s15, $0x38;
	[tilespmem:$0x1D080] =	vst v63  }
0x7d: {  	_ =	swait.ge [sflag:s10], $0x1000  }
0x7e: {  	[sflag:s10] =	ssyncset.done $0x0  }
0x7f: {  	s5 =	sadd.s32 $0x3120, s13;
	[sflag:s10] =	ssyncadd.s32 $0xFFFFF000  }
0x80: {  	[tilespmem:s17], [sflag:$0x2] =	stream.strided.gather [hbm4b:s5+s15], $0x200, s16, s15, $0x38;
	[tilespmem:$0x1D080] =	vst v63  }
0x81: {  	_ =	swait.ge [sflag:s11], $0x1000  }
0x82: {  	p0 =	sne.s32 s7, $0xFFFFFF80;
	[sflag:s11] =	ssyncset.done $0x0  }
.Ltmp0:
0x83: {  	s5 =	sadd.s32 $0x3140, s13;
	[sflag:s11] =	ssyncadd.s32 $0xFFFFF000;
	(pc) =	sbr.rel @p0 .LBB2_2-.Ltmp0, $4  }
0x84: {  	[tilespmem:s18], [sflag:$0x3] =	stream.strided.gather [hbm4b:s5+s15], $0x200, s16, s15, $0x38;
	[tilespmem:$0x1D080] =	vst v63  }
0x85: {  	_ =	swait.ge [sflag:s12], $0x1000  }
0x86: {  	[sflag:s12] =	ssyncset.done $0x0  }
0x87: {  	s7 =	sadd.s32 $0x80, s7;
	s13 =	sadd.s32 $0x3160, s13;
	[sflag:s12] =	ssyncadd.s32 $0xFFFFF000  }
0x88: {  	[tilespmem:s19], [sflag:$0x4] =	stream.strided.gather [hbm4b:s13+s15], $0x200, s16, s15, $0x38;
	[tilespmem:$0x1D080] =	vst v63  }
0x89: {  	_ =	swait.ge [sflag:s20], $0x200  }
0x8a: {  	[sflag:s20] =	ssyncset.done $0x0  }
0x8b: {  	[sflag:s20] =	ssyncadd.s32 $0xFFFFFE00  }
0x8c: {  	[tilespmem:s21], [sflag:$0x5] =	stream.indirect.gather [hbm4b:s4+s15], $0x10, s3, s15, $0xb8;
	[tilespmem:$0x1D080] =	vst v63  }
0x8d: {  	_ =	swait.ge [sflag:s22], $0x200  }
0x8e: {  	[sflag:s22] =	ssyncset.done $0x0  }
0x8f: {  	[sflag:s22] =	ssyncadd.s32 $0xFFFFFE00  }
0x90: {  	[tilespmem:s23], [sflag:$0x6] =	stream.indirect.gather [hbm4b:s4+s15], $0x10, s17, s15, $0xb8;
	[tilespmem:$0x1D080] =	vst v63  }
0x91: {  	_ =	swait.ge [sflag:s24], $0x200  }
0x92: {  	[sflag:s24] =	ssyncset.done $0x0  }
0x93: {  	[sflag:s24] =	ssyncadd.s32 $0xFFFFFE00  }
0x94: {  	[tilespmem:s25], [sflag:$0x7] =	stream.indirect.gather [hbm4b:s4+s15], $0x10, s18, s15, $0xb8;
	[tilespmem:$0x1D080] =	vst v63  }
0x95: {  	_ =	swait.ge [sflag:s26], $0x200  }
0x96: {  	[sflag:s26] =	ssyncset.done $0x0  }
0x97: {  	[sflag:s26] =	ssyncadd.s32 $0xFFFFFE00  }
0x98: {  	[tilespmem:s28], [sflag:$0x8] =	stream.indirect.gather [hbm4b:s4+s15], $0x10, s19, s15, $0xb8;
	[tilespmem:$0x1D080] =	vst v63  }
0x99: {  	_ =	swait.ge [sflag:s29], $0x1000  }
0x9a: {  	[sflag:s29] =	ssyncset.done $0x0  }
0x9b: {  	[sflag:s29] =	ssyncadd.s32 $0xFFFFF000  }
0x9c: {  	[spmem:s1] =	stream.indirect.scatter.add.f32 [tilespmem:s21], [sflag:$0x9], $0x10, s15, s15, $0xb8;
	[tilespmem:$0x1D080] =	vst v63  }
0x9d: {  	_ =	swait.ge [sflag:s30], $0x1000  }
0x9e: {  	[sflag:s30] =	ssyncset.done $0x0  }
0x9f: {  	[sflag:s30] =	ssyncadd.s32 $0xFFFFF000  }
0xa0: {  	[spmem:s1] =	stream.indirect.scatter.add.f32 [tilespmem:s23], [sflag:$0xA], $0x10, s31, s15, $0xb8;
	[tilespmem:$0x1D080] =	vst v63  }
0xa1: {  	_ =	swait.ge [sflag:s0], $0x1000  }
0xa2: {  	[sflag:s0] =	ssyncset.done $0x0  }
0xa3: {  	[sflag:s0] =	ssyncadd.s32 $0xFFFFF000  }
0xa4: {  	[spmem:s1] =	stream.indirect.scatter.add.f32 [tilespmem:s25], [sflag:$0xB], $0x10, s2, s15, $0xb8;
	[tilespmem:$0x1D080] =	vst v63  }
0xa5: {  	_ =	swait.ge [sflag:s6], $0x1000  }
0xa6: {  	[sflag:s6] =	ssyncset.done $0x0  }
0xa7: {  	[sflag:s6] =	ssyncadd.s32 $0xFFFFF000  }
0xa8: {  	[spmem:s1] =	stream.indirect.scatter.add.f32 [tilespmem:s28], [sflag:$0xC], $0x10, s8, s15, $0xb8;
	[tilespmem:$0x1D080] =	vst v63  }
0xa9: {  	_ =	swait.ge [sflag:s9], $0x1000  }
0xaa: {  	[sflag:s9] =	ssyncset.done $0x0  }
0xab: {  	[sflag:s9] =	ssyncadd.s32 $0xFFFFF000  }
0xac: {  	_ =	swait.ge [sflag:s10], $0x1000  }
0xad: {  	[sflag:s10] =	ssyncset.done $0x0  }
0xae: {  	[sflag:s10] =	ssyncadd.s32 $0xFFFFF000  }
0xaf: {  	_ =	swait.ge [sflag:s11], $0x1000  }
0xb0: {  	[sflag:s11] =	ssyncset.done $0x0  }
0xb1: {  	[sflag:s11] =	ssyncadd.s32 $0xFFFFF000  }
0xb2: {  	_ =	swait.ge [sflag:s12], $0x1000  }
0xb3: {  	[sflag:s12] =	ssyncset.done $0x0  }
0xb4: {  	[sflag:s12] =	ssyncadd.s32 $0xFFFFF000  }
0xb5: {  	[bflag:$0x0] =	sbarrier.arrive $0xFFFF  }
0xb6: {  	s13 =	rddreg [dreg:$0x6]  }
0xb7: {  	s7 =	rddreg [dreg:$0xa]  }
0xb8: {  	s14 =	rddreg [dreg:$0xc]  }
0xb9: {  	[hbm:s7], [sflag:s13] =	dma.local [spmem:s14], $0x3100  }
0xba: {  	s7 =	simm.s32 $0xD  }
0xbb: {  	_ =	swait.ge [sflag:s7], $0x3100  }
0xbc: {  	s5 =	rddreg [dreg:$0xd]  }
0xbd: {  	[sflag:s7] =	ssyncset.done $0x0;
	s7 =	rddreg [dreg:$0xb];
	s5 =	sadd.s32 $0x1, s5  }
0xbe: {  	p0 =	sne.s32 s5, s7  }
.Ltmp1:
0xbf: {  	_ = 	snop;
	(pc) =	sbr.rel @p0 .LBB2_1-.Ltmp1, $3  }
0xc0: {  	_ =	sdelay $0x1  }
0xc1: {  	s7 =	simm.s32 $0xD  }
0xc2: {  	[dreg:$0xd] =	wrdreg s5;
	[sflag:s7] =	ssyncadd.s32 $0xFFFFCF00  }
0xc3: {  	_ =	sfence.sel $0x180000  }
0xc4: {  	[bflag:$0x0] =	sbarrier.arrive $0xFFFF  }
0xc5: {  	_ =	strace $0x90000053  }
0xc6: {  	s0 =	stileid.u32;
	[bflag:$0x2] =	sbarrier.arrive $0xFFFF  }
0xc7: {  	p0 =	sne.s32 s0, $0x0;
	s0 =	rddreg [dreg:$0x2]  }
0xc8: {  	s0 =	sadd.s32 @!p0 $0x100000, s0  }
0xc9: {  	[sflag:s0] =	ssyncadd.tile.s32 @!p0 $0x1;
	_ =	shalt  }
.Lfunc_end2:
_tile_overlayer_lowered:
.L_overlay_start_2:
0xca: {  	(tag) =	ssettag $0x2  }
0xcb: {  	s0 =	rddreg [dreg:$0x0];
	s2 =	stileid.u32  }
0xcc: {  	s1 =	rddreg [dreg:$0x1];
	p0 =	sne.s32 s2, $0x0  }
0xcd: {  	s3 =	rddreg [dreg:$0x2];
	[bflag:$0x3] =	sbarrier.arrive $0xFFFF;
	s2 =	simm.s32 @!p0 $0x1C0D  }
0xce: {  	[timem:s3], [sflag:s2] =	dma.local @!p0 [hbm:s0], s1  }
0xcf: {  	s0 =	simm.s32 @!p0 $0xD  }
0xd0: {  	_ =	swait.ge @!p0 [sflag:s0], s1  }
0xd1: {  	s1 =	ssub.s32 @!p0 $0x0, s1;
	[sflag:s0] =	ssyncset.done @!p0 $0x0  }
0xd2: {  	[sflag:s0] =	ssyncadd.s32 @!p0 s1  }
0xd3: {  	[bflag:$0x3] =	sbarrier.arrive $0xFFFF  }
0xd4: {  	_ =	shalt  }

</sc_bundles>
